<compile_context>
chip_gen: v7x
topology: tpu7x:2x2x1
jax: 0.10.2.dev20260603
libtpu: 0.0.44.dev20260713+nightly
codegen_flags: <defaults>
</compile_context>

<pallas_src>
import functools

import jax
import jax.numpy as jnp
from jax import lax
from jax.experimental import pallas as pl
from jax.experimental.pallas import tpu as pltpu
from jax.experimental.pallas import tpu_sc as plsc

NR = 10000
NG = 2048
D = 128
HEADS = 4
ER = 160000
EG = 32768

NC, NS = 2, 16
NW = NC * NS

NRP = 10240
NGA = 2176
ERP = 163840
CW = 64
NCH_R = ERP // (NW * CW)
NCH_G = EG // (NW * CW)
RB = 1024

_MESH = dict(core_axis_name="c", subcore_axis_name="s")



def _sc_degree(dst_r, dst_g, ones64, zr, zg):

    @functools.partial(
        pl.kernel,
        mesh=plsc.VectorSubcoreMesh(**_MESH),
        out_type=(jax.ShapeDtypeStruct((NC, NRP, D), jnp.float32),
                  jax.ShapeDtypeStruct((NC, NGA, D), jnp.float32)),
        scratch_types=[
            pltpu.VMEM((NCH_R, CW), jnp.int32),
            pltpu.VMEM((NCH_G, CW), jnp.int32),
            pltpu.VMEM((CW, D), jnp.float32),
            pltpu.VMEM_SHARED((NRP, D), jnp.float32),
            pltpu.VMEM_SHARED((NGA, D), jnp.float32),
            pltpu.SemaphoreType.DMA,
        ],
    )
    def k(dst_r_hbm, dst_g_hbm, ones_hbm, zr_hbm, zg_hbm, outr_hbm, outg_hbm,
          idxr_v, idxg_v, ones_v, accr_sh, accg_sh, sem):
        c = lax.axis_index("c")
        s = lax.axis_index("s")
        wid = c * NS + s
        pltpu.sync_copy(zr_hbm.at[pl.ds(s * (NRP // NS), NRP // NS)],
                        accr_sh.at[pl.ds(s * (NRP // NS), NRP // NS)])
        pltpu.sync_copy(zg_hbm.at[pl.ds(s * (NGA // NS), NGA // NS)],
                        accg_sh.at[pl.ds(s * (NGA // NS), NGA // NS)])
        pltpu.sync_copy(ones_hbm, ones_v)
        pltpu.sync_copy(dst_r_hbm.at[pl.ds(wid * NCH_R, NCH_R)], idxr_v)
        pltpu.sync_copy(dst_g_hbm.at[pl.ds(wid * NCH_G, NCH_G)], idxg_v)
        plsc.subcore_barrier()

        @pl.loop(0, NCH_R // 4)
        def _(i):
            j = 4 * i
            ds_ = [pltpu.async_copy(ones_v, accr_sh.at[idxr_v.at[j + t]],
                                    sem, add=True) for t in range(4)]
            for d in ds_:
                d.wait()

        @pl.loop(0, NCH_G // 4)
        def _(i):
            j = 4 * i
            ds_ = [pltpu.async_copy(ones_v, accg_sh.at[idxg_v.at[j + t]],
                                    sem, add=True) for t in range(4)]
            for d in ds_:
                d.wait()

        plsc.subcore_barrier()
        pltpu.sync_copy(accr_sh.at[pl.ds(s * (NRP // NS), NRP // NS)],
                        outr_hbm.at[c, pl.ds(s * (NRP // NS), NRP // NS)])
        pltpu.sync_copy(accg_sh.at[pl.ds(s * (NGA // NS), NGA // NS)],
                        outg_hbm.at[c, pl.ds(s * (NGA // NS), NGA // NS)])

    return k(dst_r, dst_g, ones64, zr, zg)


def _sc_messages(hs, src, dst, zeros, nacc, nch, w):

    rpt = nacc // NS

    @functools.partial(
        pl.kernel,
        mesh=plsc.VectorSubcoreMesh(**_MESH),
        out_type=jax.ShapeDtypeStruct((NC, nacc, D), jnp.float32),
        scratch_types=[
            pltpu.VMEM((nch, CW), jnp.int32),
            pltpu.VMEM((nch, CW), jnp.int32),
        ] + [pltpu.VMEM((CW, D), jnp.float32) for _ in range(w)] + [
            pltpu.VMEM_SHARED((nacc, D), jnp.float32),
            pltpu.SemaphoreType.DMA,
        ],
    )
    def k(hs_hbm, src_hbm, dst_hbm, z_hbm, out_hbm, src_v, dst_v, *rest):
        rows = rest[:w]
        acc_sh, sem = rest[w], rest[w + 1]
        c = lax.axis_index("c")
        s = lax.axis_index("s")
        wid = c * NS + s
        pltpu.sync_copy(z_hbm.at[pl.ds(s * rpt, rpt)],
                        acc_sh.at[pl.ds(s * rpt, rpt)])
        pltpu.sync_copy(src_hbm.at[pl.ds(wid * nch, nch)], src_v)
        pltpu.sync_copy(dst_hbm.at[pl.ds(wid * nch, nch)], dst_v)
        plsc.subcore_barrier()

        @pl.loop(0, nch // w)
        def _(i):
            j = w * i
            ds_ = [pltpu.async_copy(hs_hbm.at[src_v.at[j + t]], rows[t], sem)
                   for t in range(w)]
            for t in range(w):
                ds_[t].wait()
                pltpu.sync_copy(rows[t], acc_sh.at[dst_v.at[j + t]], add=True)

        full = (nch // w) * w
        for t in range(nch - full):
            d = pltpu.async_copy(hs_hbm.at[src_v.at[full + t]], rows[t], sem)
            d.wait()
            pltpu.sync_copy(rows[t], acc_sh.at[dst_v.at[full + t]], add=True)

        plsc.subcore_barrier()
        pltpu.sync_copy(acc_sh.at[pl.ds(s * rpt, rpt)],
                        out_hbm.at[c, pl.ds(s * rpt, rpt)])

    return k(hs, src, dst, zeros)



XGW = D + 8


def _tc_pre(x, w, degp):
    n = x.shape[0]

    def body(x_ref, w_ref, degp_ref, hs_ref, h_ref, dis_ref):
        h = jnp.dot(x_ref[...], w_ref[...], preferred_element_type=jnp.float32)
        deg = degp_ref[0, :, 0:1] + degp_ref[1, :, 0:1] + 1.0
        dis = lax.rsqrt(deg)
        h_ref[...] = h
        hs_ref[...] = h * dis
        dis_ref[...] = jnp.broadcast_to(dis, (RB, 8))

    return pl.pallas_call(
        body,
        grid=(pl.cdiv(n, RB),),
        in_specs=[
            pl.BlockSpec((RB, D), lambda i: (i, 0)),
            pl.BlockSpec((D, D), lambda i: (0, 0)),
            pl.BlockSpec((2, RB, D), lambda i: (0, i, 0)),
        ],
        out_specs=[
            pl.BlockSpec((RB, D), lambda i: (i, 0)),
            pl.BlockSpec((RB, D), lambda i: (i, 0)),
            pl.BlockSpec((RB, 8), lambda i: (i, 0)),
        ],
        out_shape=[jax.ShapeDtypeStruct((n, D), jnp.float32),
                   jax.ShapeDtypeStruct((n, D), jnp.float32),
                   jax.ShapeDtypeStruct((n, 8), jnp.float32)],
    )(x, w, degp)


def _tc_mid(accp, h1, dis8, b0, w1):
    n = h1.shape[0]

    def body(accp_ref, h1_ref, dis_ref, b0_ref, w1_ref, hs2_ref, h2_ref):
        dis = dis_ref[:, 0:1]
        x1 = jnp.maximum(
            dis * (accp_ref[0] + accp_ref[1]) + h1_ref[...] * (dis * dis)
            + b0_ref[...], 0.0)
        h2 = jnp.dot(x1, w1_ref[...], preferred_element_type=jnp.float32)
        h2_ref[...] = h2
        hs2_ref[...] = h2 * dis

    return pl.pallas_call(
        body,
        grid=(pl.cdiv(n, RB),),
        in_specs=[
            pl.BlockSpec((2, RB, D), lambda i: (0, i, 0)),
            pl.BlockSpec((RB, D), lambda i: (i, 0)),
            pl.BlockSpec((RB, 8), lambda i: (i, 0)),
            pl.BlockSpec((1, D), lambda i: (0, 0)),
            pl.BlockSpec((D, D), lambda i: (0, 0)),
        ],
        out_specs=[
            pl.BlockSpec((RB, D), lambda i: (i, 0)),
            pl.BlockSpec((RB, D), lambda i: (i, 0)),
        ],
        out_shape=[jax.ShapeDtypeStruct((n, D), jnp.float32),
                   jax.ShapeDtypeStruct((n, D), jnp.float32)],
    )(accp, h1, dis8, b0, w1)


def _tc_rigid_final(accp, h2, dis8, b1, wm, bm):

    def body(accp_ref, h2_ref, dis_ref, b1_ref, wm_ref, bm_ref,
             xg16_ref, qg_ref):
        dis = dis_ref[:, 0:1]
        xg = jnp.maximum(
            dis * (accp_ref[0] + accp_ref[1]) + h2_ref[...] * (dis * dis)
            + b1_ref[...], 0.0)
        xg16_ref[...] = xg.astype(jnp.bfloat16)
        for i in range(HEADS):
            qg_ref[i] = (jnp.dot(xg, wm_ref[i],
                                 preferred_element_type=jnp.float32)
                         + bm_ref[i]).astype(jnp.bfloat16)

    return pl.pallas_call(
        body,
        grid=(1,),
        in_specs=[
            pl.BlockSpec((2, NG, D), lambda i: (0, 0, 0)),
            pl.BlockSpec((NG, D), lambda i: (0, 0)),
            pl.BlockSpec((NG, 8), lambda i: (0, 0)),
            pl.BlockSpec((1, D), lambda i: (0, 0)),
            pl.BlockSpec((HEADS, D, D), lambda i: (0, 0, 0)),
            pl.BlockSpec((HEADS, 1, D), lambda i: (0, 0, 0)),
        ],
        out_specs=[
            pl.BlockSpec((NG, D), lambda i: (0, 0)),
            pl.BlockSpec((HEADS, NG, D), lambda i: (0, 0, 0)),
        ],
        out_shape=[jax.ShapeDtypeStruct((NG, D), jnp.bfloat16),
                   jax.ShapeDtypeStruct((HEADS, NG, D), jnp.bfloat16)],
    )(accp, h2, dis8, b1, wm, bm)


def _tc_attn_decode(accp, h2, dis8, b1, wm, bm, qg, xga,
                    wd0, bd0, wd1, bd1, wdf, bdf, pos):
    n = pos.shape[0]

    def body(accp_ref, h2_ref, dis_ref, b1_ref, wm_ref, bm_ref, qg_ref,
             xga_ref, wd0_ref, bd0_ref, wd1_ref, bd1_ref, wdf_ref, bdf_ref,
             pos_ref, out_ref):
        dis = dis_ref[:, 0:1]
        xr = jnp.maximum(
            dis * (accp_ref[0] + accp_ref[1]) + h2_ref[...] * (dis * dis)
            + b1_ref[...], 0.0)
        xgv = xga_ref[...]
        acc = jnp.dot(xr, wd0_ref[0:D], preferred_element_type=jnp.float32)
        for i in range(HEADS):
            qr = (jnp.dot(xr, wm_ref[i], preferred_element_type=jnp.float32)
                  + bm_ref[i]).astype(jnp.bfloat16)
            s = lax.dot_general(qr, qg_ref[i], (((1,), (1,)), ((), ())),
                                preferred_element_type=jnp.float32)
            p = jnp.exp(s)
            denom = jnp.sum(p, axis=1, keepdims=True)
            o = jnp.dot(p.astype(jnp.bfloat16), xgv,
                        preferred_element_type=jnp.float32) / denom
            acc = acc + jnp.dot(o, wd0_ref[D * (i + 1):D * (i + 2)],
                                preferred_element_type=jnp.float32)
        hd = jnp.maximum(acc + bd0_ref[...], 0.0)
        hd = jnp.maximum(
            jnp.dot(hd, wd1_ref[...], preferred_element_type=jnp.float32)
            + bd1_ref[...], 0.0)
        out_ref[...] = (jnp.dot(hd, wdf_ref[...],
                                preferred_element_type=jnp.float32)
                        + bdf_ref[...] + pos_ref[...])

    return pl.pallas_call(
        body,
        grid=(pl.cdiv(n, RB),),
        in_specs=[
            pl.BlockSpec((2, RB, D), lambda i: (0, i, 0)),
            pl.BlockSpec((RB, D), lambda i: (i, 0)),
            pl.BlockSpec((RB, 8), lambda i: (i, 0)),
            pl.BlockSpec((1, D), lambda i: (0, 0)),
            pl.BlockSpec((HEADS, D, D), lambda i: (0, 0, 0)),
            pl.BlockSpec((HEADS, 1, D), lambda i: (0, 0, 0)),
            pl.BlockSpec((HEADS, NG, D), lambda i: (0, 0, 0)),
            pl.BlockSpec((NG, D), lambda i: (0, 0)),
            pl.BlockSpec((D * (HEADS + 1), D), lambda i: (0, 0)),
            pl.BlockSpec((1, D), lambda i: (0, 0)),
            pl.BlockSpec((D, D), lambda i: (0, 0)),
            pl.BlockSpec((1, D), lambda i: (0, 0)),
            pl.BlockSpec((D, 4), lambda i: (0, 0)),
            pl.BlockSpec((1, 4), lambda i: (0, 0)),
            pl.BlockSpec((RB, 4), lambda i: (i, 0)),
        ],
        out_specs=pl.BlockSpec((RB, 4), lambda i: (i, 0)),
        out_shape=jax.ShapeDtypeStruct((n, 4), jnp.float32),
    )(accp, h2, dis8, b1, wm, bm, qg, xga, wd0, bd0, wd1, bd1, wdf, bdf, pos)



def kernel(x_resting, edge_index_resting, pos_resting, x_rigid,
           edge_index_rigid, Wr0, br0, Wr1, br1, Wg0, bg0, Wg1, bg1, Wm, bm,
           Wd0, bd0, Wd1, bd1, Wdf, bdf):
    f32 = jnp.float32

    src_r, dst_r = edge_index_resting[0], edge_index_resting[1]
    npad = ERP - ER
    pad_ar = jnp.arange(npad, dtype=jnp.int32)
    src_r64 = jnp.concatenate([src_r, pad_ar % NR]).reshape(ERP // CW, CW)
    dst_r64 = jnp.concatenate([dst_r, NR + pad_ar % (NRP - NR)]
                              ).reshape(ERP // CW, CW)
    src_g64 = edge_index_rigid[0].reshape(EG // CW, CW)
    dst_g64 = edge_index_rigid[1].reshape(EG // CW, CW)

    ones64 = jnp.ones((CW, D), f32)
    zr = jnp.zeros((NRP, D), f32)
    zg = jnp.zeros((NGA, D), f32)

    degp_r, degp_g = _sc_degree(dst_r64, dst_g64, ones64, zr, zg)

    hs1_r, h1_r, dis_r = _tc_pre(x_resting, Wr0, degp_r)
    hs1_g, h1_g, dis_g = _tc_pre(x_rigid, Wg0, degp_g)
    acc1_g = _sc_messages(hs1_g, src_g64, dst_g64, zg, NGA, NCH_G, 4)
    acc1_r = _sc_messages(hs1_r, src_r64, dst_r64, zr, NRP, NCH_R, 3)
    hs2_r, h2_r = _tc_mid(acc1_r, h1_r, dis_r, br0.reshape(1, D), Wr1)
    hs2_g, h2_g = _tc_mid(acc1_g, h1_g, dis_g, bg0.reshape(1, D), Wg1)
    acc2_g = _sc_messages(hs2_g, src_g64, dst_g64, zg, NGA, NCH_G, 4)
    acc2_r = _sc_messages(hs2_r, src_r64, dst_r64, zr, NRP, NCH_R, 3)

    xga, qg = _tc_rigid_final(acc2_g, h2_g, dis_g,
                              bg1.reshape(1, D), Wm, bm.reshape(HEADS, 1, D))

    wdf_p = jnp.pad(Wdf, ((0, 0), (0, 4 - Wdf.shape[1])))
    bdf_p = jnp.pad(bdf, (0, 4 - bdf.shape[0])).reshape(1, 4)
    pos_p = jnp.pad(pos_resting, ((0, 0), (0, 4 - pos_resting.shape[1])))
    out = _tc_attn_decode(acc2_r, h2_r, dis_r, br1.reshape(1, D), Wm,
                          bm.reshape(HEADS, 1, D), qg, xga, Wd0,
                          bd0.reshape(1, D), Wd1, bd1.reshape(1, D),
                          wdf_p, bdf_p, pos_p)
    return out[:, :3]

# --- scband reference (transcript-rebuilt; emitter-appended) ---
"""Pipeline reference for scband-graph-net-73478300500044 (READ-ONLY COPY).

The authoritative reference and input builder live on the scoring server;
editing this copy changes nothing except your own understanding.
"""

import jax, jax.numpy as jnp
import numpy as np

N_REST = 10000
N_RIGID = 2048
D = 128
HID = 128
OUT = 3
HEADS = 4
E_REST = 160000
E_RIGID = 32768


def setup_inputs(seed: int = 0) -> dict:
    key = jax.random.key(seed)
    ks = jax.random.split(key, 32)
    inp = {}
    inp['x_resting'] = jax.random.normal(ks[0], (N_REST, D), dtype=jnp.float32)
    inp['edge_index_resting'] = jax.random.randint(ks[1], (2, E_REST), 0, N_REST, dtype=jnp.int32)
    inp['pos_resting'] = jax.random.normal(ks[2], (N_REST, 3), dtype=jnp.float32)
    inp['x_rigid'] = jax.random.normal(ks[3], (N_RIGID, D), dtype=jnp.float32)
    inp['edge_index_rigid'] = jax.random.randint(ks[4], (2, E_RIGID), 0, N_RIGID, dtype=jnp.int32)
    s = 0.05
    inp['Wr0'] = jax.random.normal(ks[5], (D, HID), dtype=jnp.float32) * s
    inp['br0'] = jnp.zeros((HID,), dtype=jnp.float32)
    inp['Wr1'] = jax.random.normal(ks[6], (HID, HID), dtype=jnp.float32) * s
    inp['br1'] = jnp.zeros((HID,), dtype=jnp.float32)
    inp['Wg0'] = jax.random.normal(ks[7], (D, HID), dtype=jnp.float32) * s
    inp['bg0'] = jnp.zeros((HID,), dtype=jnp.float32)
    inp['Wg1'] = jax.random.normal(ks[8], (HID, HID), dtype=jnp.float32) * s
    inp['bg1'] = jnp.zeros((HID,), dtype=jnp.float32)
    inp['Wm'] = jax.random.normal(ks[9], (HEADS, HID, HID), dtype=jnp.float32) * s
    inp['bm'] = jnp.zeros((HEADS, HID), dtype=jnp.float32)
    inp['Wd0'] = jax.random.normal(ks[10], (HID * (HEADS + 1), HID), dtype=jnp.float32) * s
    inp['bd0'] = jnp.zeros((HID,), dtype=jnp.float32)
    inp['Wd1'] = jax.random.normal(ks[11], (HID, HID), dtype=jnp.float32) * s
    inp['bd1'] = jnp.zeros((HID,), dtype=jnp.float32)
    inp['Wdf'] = jax.random.normal(ks[12], (HID, OUT), dtype=jnp.float32) * s
    inp['bdf'] = jnp.zeros((OUT,), dtype=jnp.float32)
    return inp


def _gcn_conv(x, edge_index, W, b, n):
    loop = jnp.arange(n, dtype=edge_index.dtype)
    src = jnp.concatenate([edge_index[0], loop])
    dst = jnp.concatenate([edge_index[1], loop])
    h = x @ W
    deg = jax.ops.segment_sum(jnp.ones_like(src, dtype=jnp.float32), dst, num_segments=n)
    dis = jnp.where(deg > 0, jax.lax.rsqrt(jnp.maximum(deg, 1e-12)), 0.0)
    norm = dis[src] * dis[dst]
    msg = h[src] * norm[:, None]
    out = jax.ops.segment_sum(msg, dst, num_segments=n)
    return out + b


def _mha(xr, xg, Wm, bm):
    outs = []
    for i in range(HEADS):
        qr = xr @ Wm[i] + bm[i]
        qg = xg @ Wm[i] + bm[i]
        scores = qr @ qg.T
        attn = jax.nn.softmax(scores, axis=-1)
        outs.append(attn @ xg)
    return jnp.concatenate(outs, axis=-1)


def reference(x_resting, edge_index_resting, pos_resting, x_rigid, edge_index_rigid,
              Wr0, br0, Wr1, br1, Wg0, bg0, Wg1, bg1, Wm, bm,
              Wd0, bd0, Wd1, bd1, Wdf, bdf):
    xr = jax.nn.relu(_gcn_conv(x_resting, edge_index_resting, Wr0, br0, N_REST))
    xr = jax.nn.relu(_gcn_conv(xr, edge_index_resting, Wr1, br1, N_REST))
    xg = jax.nn.relu(_gcn_conv(x_rigid, edge_index_rigid, Wg0, bg0, N_RIGID))
    xg = jax.nn.relu(_gcn_conv(xg, edge_index_rigid, Wg1, bg1, N_RIGID))
    pooled = _mha(xr, xg, Wm, bm)
    xc = jnp.concatenate([xr, pooled], axis=-1)
    h = jax.nn.relu(xc @ Wd0 + bd0)
    h = jax.nn.relu(h @ Wd1 + bd1)
    x_out = h @ Wdf + bdf
    return pos_resting + x_out

if __name__ == "__main__":
    import jax
    _d = setup_inputs()
    print(jax.jit(kernel)(*tuple(_d.values())))

</pallas_src>

<mosaic_0001>
#map = affine_map<(d0, d1) -> (0, 0)>
#map1 = affine_map<(d0, d1) -> (0, 0, 0)>
module attributes {stable_mosaic.version = 14 : i64} {
  func.func @k(%arg0: i32, %arg1: i32, %arg2: memref<2048x128xf32, #tpu.memory_space<hbm>>, %arg3: memref<512x64xi32, #tpu.memory_space<hbm>>, %arg4: memref<512x64xi32, #tpu.memory_space<hbm>>, %arg5: memref<2176x128xf32, #tpu.memory_space<hbm>>, %arg6: memref<2x2176x128xf32, #tpu.memory_space<hbm>>, %arg7: memref<16x64xi32, #tpu.memory_space<vmem>>, %arg8: memref<16x64xi32, #tpu.memory_space<vmem>>, %arg9: memref<64x128xf32, #tpu.memory_space<vmem>>, %arg10: memref<64x128xf32, #tpu.memory_space<vmem>>, %arg11: memref<64x128xf32, #tpu.memory_space<vmem>>, %arg12: memref<64x128xf32, #tpu.memory_space<vmem>>, %arg13: memref<2176x128xf32, #tpu.memory_space<vmem_shared>>, %arg14: memref<!tpu.dma_semaphore, #tpu.memory_space<semaphore_mem>>) attributes {dimension_semantics = [#tpu.dimension_semantics<core_parallel>, #tpu.dimension_semantics<subcore_parallel>], iteration_bounds = array<i64: 2, 16>, scalar_prefetch = 0 : i64, scratch_operands = 8 : i64, tpu.core_type = #tpu.core_type<sc_vector_subcore>, window_params = [{transform_indices = #map}, {transform_indices = #map}, {transform_indices = #map}, {transform_indices = #map}, {transform_indices = #map1}]} {
    %mul3A = arith.constant 16 : i32
    %mul3A_0 = arith.muli %arg0, %mul3A : i32
    %add3A = arith.addi %mul3A_0, %arg1 : i32
    %mul3A_1 = arith.constant 136 : i32
    %mul3A_2 = arith.muli %arg1, %mul3A_1 : i32
    %mul3A_3 = arith.constant 136 : i32
    %mul3A_4 = arith.muli %arg1, %mul3A_3 : i32
    "tpu.region"() ({
      %run_scoped3A = tpu.sem_alloc : memref<!tpu.dma_semaphore, #tpu.memory_space<semaphore_mem>>
      %dma_start3A = arith.constant 0 : i32
      %dma_start3A_18 = tpu.memref_slice %arg13[%mul3A_4, %dma_start3A] : memref<2176x128xf32, #tpu.memory_space<vmem_shared>> -> memref<136x128xf32, #tpu.memory_space<vmem_shared>>
      %dma_start3A_19 = arith.constant 0 : i32
      %dma_start3A_20 = tpu.memref_slice %arg5[%mul3A_2, %dma_start3A_19] : memref<2176x128xf32, #tpu.memory_space<hbm>> -> memref<136x128xf32, #tpu.memory_space<hbm>>
      tpu.enqueue_dma source(%dma_start3A_20 : memref<136x128xf32, #tpu.memory_space<hbm>>) target(%dma_start3A_18 : memref<136x128xf32, #tpu.memory_space<vmem_shared>>) target_semaphore(%run_scoped3A : memref<!tpu.dma_semaphore, #tpu.memory_space<semaphore_mem>>)
      %dma_wait3A = arith.constant 0 : i32
      %dma_wait3A_21 = tpu.memref_slice %arg13[%mul3A_4, %dma_wait3A] : memref<2176x128xf32, #tpu.memory_space<vmem_shared>> -> memref<136x128xf32, #tpu.memory_space<vmem_shared>>
      %dma_wait3A_22 = arith.constant 0 : i32
      %dma_wait3A_23 = tpu.memref_slice %arg5[%mul3A_2, %dma_wait3A_22] : memref<2176x128xf32, #tpu.memory_space<hbm>> -> memref<136x128xf32, #tpu.memory_space<hbm>>
      tpu.wait_dma2 semaphore(%run_scoped3A : memref<!tpu.dma_semaphore, #tpu.memory_space<semaphore_mem>>) src(%dma_wait3A_23 : memref<136x128xf32, #tpu.memory_space<hbm>>) dst(%dma_wait3A_21 : memref<136x128xf32, #tpu.memory_space<vmem_shared>>)
      tpu.yield
    }) : () -> ()
    %mul3A_5 = arith.constant 16 : i32
    %mul3A_6 = arith.muli %add3A, %mul3A_5 : i32
    "tpu.region"() ({
      %run_scoped3A = tpu.sem_alloc : memref<!tpu.dma_semaphore, #tpu.memory_space<semaphore_mem>>
      %dma_start3A = arith.constant 0 : i32
      %dma_start3A_18 = tpu.memref_slice %arg3[%mul3A_6, %dma_start3A] : memref<512x64xi32, #tpu.memory_space<hbm>> -> memref<16x64xi32, #tpu.memory_space<hbm>>
      %dma_start3A_19 = arith.constant 0 : i32
      %dma_start3A_20 = tpu.memref_slice %arg3[%mul3A_6, %dma_start3A_19] : memref<512x64xi32, #tpu.memory_space<hbm>> -> memref<16x64xi32, #tpu.memory_space<hbm>>
      tpu.enqueue_dma source(%dma_start3A_20 : memref<16x64xi32, #tpu.memory_space<hbm>>) target(%arg7 : memref<16x64xi32, #tpu.memory_space<vmem>>) target_semaphore(%run_scoped3A : memref<!tpu.dma_semaphore, #tpu.memory_space<semaphore_mem>>)
      %dma_wait3A = arith.constant 0 : i32
      %dma_wait3A_21 = tpu.memref_slice %arg3[%mul3A_6, %dma_wait3A] : memref<512x64xi32, #tpu.memory_space<hbm>> -> memref<16x64xi32, #tpu.memory_space<hbm>>
      %dma_wait3A_22 = arith.constant 0 : i32
      %dma_wait3A_23 = tpu.memref_slice %arg3[%mul3A_6, %dma_wait3A_22] : memref<512x64xi32, #tpu.memory_space<hbm>> -> memref<16x64xi32, #tpu.memory_space<hbm>>
      tpu.wait_dma2 semaphore(%run_scoped3A : memref<!tpu.dma_semaphore, #tpu.memory_space<semaphore_mem>>) src(%dma_wait3A_23 : memref<16x64xi32, #tpu.memory_space<hbm>>) dst(%arg7 : memref<16x64xi32, #tpu.memory_space<vmem>>)
      tpu.yield
    }) : () -> ()
    %mul3A_7 = arith.constant 16 : i32
    %mul3A_8 = arith.muli %add3A, %mul3A_7 : i32
    "tpu.region"() ({
      %run_scoped3A = tpu.sem_alloc : memref<!tpu.dma_semaphore, #tpu.memory_space<semaphore_mem>>
      %dma_start3A = arith.constant 0 : i32
      %dma_start3A_18 = tpu.memref_slice %arg4[%mul3A_8, %dma_start3A] : memref<512x64xi32, #tpu.memory_space<hbm>> -> memref<16x64xi32, #tpu.memory_space<hbm>>
      %dma_start3A_19 = arith.constant 0 : i32
      %dma_start3A_20 = tpu.memref_slice %arg4[%mul3A_8, %dma_start3A_19] : memref<512x64xi32, #tpu.memory_space<hbm>> -> memref<16x64xi32, #tpu.memory_space<hbm>>
      tpu.enqueue_dma source(%dma_start3A_20 : memref<16x64xi32, #tpu.memory_space<hbm>>) target(%arg8 : memref<16x64xi32, #tpu.memory_space<vmem>>) target_semaphore(%run_scoped3A : memref<!tpu.dma_semaphore, #tpu.memory_space<semaphore_mem>>)
      %dma_wait3A = arith.constant 0 : i32
      %dma_wait3A_21 = tpu.memref_slice %arg4[%mul3A_8, %dma_wait3A] : memref<512x64xi32, #tpu.memory_space<hbm>> -> memref<16x64xi32, #tpu.memory_space<hbm>>
      %dma_wait3A_22 = arith.constant 0 : i32
      %dma_wait3A_23 = tpu.memref_slice %arg4[%mul3A_8, %dma_wait3A_22] : memref<512x64xi32, #tpu.memory_space<hbm>> -> memref<16x64xi32, #tpu.memory_space<hbm>>
      tpu.wait_dma2 semaphore(%run_scoped3A : memref<!tpu.dma_semaphore, #tpu.memory_space<semaphore_mem>>) src(%dma_wait3A_23 : memref<16x64xi32, #tpu.memory_space<hbm>>) dst(%arg8 : memref<16x64xi32, #tpu.memory_space<vmem>>)
      tpu.yield
    }) : () -> ()
    %barrier3A = arith.constant 0 : index
    tpu.barrier barrier_id(%barrier3A)
    %scan3A = arith.constant 0 : i32
    %scan3A_9 = arith.constant 4 : i32
    %scan3A_10 = arith.addi %scan3A, %scan3A_9 : i32
    %scan3A_11 = arith.constant 1 : i32
    scf.for %scan3A_18 = %scan3A to %scan3A_10 step %scan3A_11  : i32 {
      %mul3A_19 = arith.constant 1 : i32
      %mul3A_20 = arith.muli %scan3A_18, %mul3A_19 : i32
      %add3A_21 = arith.constant 0 : i32
      %add3A_22 = arith.addi %add3A_21, %mul3A_20 : i32
      %mul3A_23 = arith.constant 4 : i32
      %mul3A_24 = arith.muli %mul3A_23, %add3A_22 : i32
      %add3A_25 = arith.constant 0 : i32
      %add3A_26 = arith.addi %mul3A_24, %add3A_25 : i32
      %dma_start3A = arith.constant 0 : i32
      %dma_start3A_27 = tpu.memref_slice %arg7[%add3A_26, %dma_start3A] : memref<16x64xi32, #tpu.memory_space<vmem>> -> memref<1x64xi32, #tpu.memory_space<vmem>>
      %dma_start3A_28 = tpu.memref_squeeze %dma_start3A_27 : memref<1x64xi32, #tpu.memory_space<vmem>> -> memref<64xi32, #tpu.memory_space<vmem>>
      %dma_start3A_29 = arith.constant 0 : i32
      %dma_start3A_30 = arith.constant 0 : i32
      %dma_start3A_31 = tpu.memref_slice %arg2[%dma_start3A_29, %dma_start3A_30] : memref<2048x128xf32, #tpu.memory_space<hbm>> -> memref<2048x128xf32, #tpu.memory_space<hbm>>
      tpu.enqueue_indirect_dma source(%dma_start3A_31 : memref<2048x128xf32, #tpu.memory_space<hbm>>) target(%arg9 : memref<64x128xf32, #tpu.memory_space<vmem>>) offsets(%dma_start3A_28 : memref<64xi32, #tpu.memory_space<vmem>>) semaphore(%arg14 : memref<!tpu.dma_semaphore, #tpu.memory_space<semaphore_mem>>)
      %add3A_32 = arith.constant 1 : i32
      %add3A_33 = arith.addi %mul3A_24, %add3A_32 : i32
      %dma_start3A_34 = arith.constant 0 : i32
      %dma_start3A_35 = tpu.memref_slice %arg7[%add3A_33, %dma_start3A_34] : memref<16x64xi32, #tpu.memory_space<vmem>> -> memref<1x64xi32, #tpu.memory_space<vmem>>
      %dma_start3A_36 = tpu.memref_squeeze %dma_start3A_35 : memref<1x64xi32, #tpu.memory_space<vmem>> -> memref<64xi32, #tpu.memory_space<vmem>>
      %dma_start3A_37 = arith.constant 0 : i32
      %dma_start3A_38 = arith.constant 0 : i32
      %dma_start3A_39 = tpu.memref_slice %arg2[%dma_start3A_37, %dma_start3A_38] : memref<2048x128xf32, #tpu.memory_space<hbm>> -> memref<2048x128xf32, #tpu.memory_space<hbm>>
      tpu.enqueue_indirect_dma source(%dma_start3A_39 : memref<2048x128xf32, #tpu.memory_space<hbm>>) target(%arg10 : memref<64x128xf32, #tpu.memory_space<vmem>>) offsets(%dma_start3A_36 : memref<64xi32, #tpu.memory_space<vmem>>) semaphore(%arg14 : memref<!tpu.dma_semaphore, #tpu.memory_space<semaphore_mem>>)
      %add3A_40 = arith.constant 2 : i32
      %add3A_41 = arith.addi %mul3A_24, %add3A_40 : i32
      %dma_start3A_42 = arith.constant 0 : i32
      %dma_start3A_43 = tpu.memref_slice %arg7[%add3A_41, %dma_start3A_42] : memref<16x64xi32, #tpu.memory_space<vmem>> -> memref<1x64xi32, #tpu.memory_space<vmem>>
      %dma_start3A_44 = tpu.memref_squeeze %dma_start3A_43 : memref<1x64xi32, #tpu.memory_space<vmem>> -> memref<64xi32, #tpu.memory_space<vmem>>
      %dma_start3A_45 = arith.constant 0 : i32
      %dma_start3A_46 = arith.constant 0 : i32
      %dma_start3A_47 = tpu.memref_slice %arg2[%dma_start3A_45, %dma_start3A_46] : memref<2048x128xf32, #tpu.memory_space<hbm>> -> memref<2048x128xf32, #tpu.memory_space<hbm>>
      tpu.enqueue_indirect_dma source(%dma_start3A_47 : memref<2048x128xf32, #tpu.memory_space<hbm>>) target(%arg11 : memref<64x128xf32, #tpu.memory_space<vmem>>) offsets(%dma_start3A_44 : memref<64xi32, #tpu.memory_space<vmem>>) semaphore(%arg14 : memref<!tpu.dma_semaphore, #tpu.memory_space<semaphore_mem>>)
      %add3A_48 = arith.constant 3 : i32
      %add3A_49 = arith.addi %mul3A_24, %add3A_48 : i32
      %dma_start3A_50 = arith.constant 0 : i32
      %dma_start3A_51 = tpu.memref_slice %arg7[%add3A_49, %dma_start3A_50] : memref<16x64xi32, #tpu.memory_space<vmem>> -> memref<1x64xi32, #tpu.memory_space<vmem>>
      %dma_start3A_52 = tpu.memref_squeeze %dma_start3A_51 : memref<1x64xi32, #tpu.memory_space<vmem>> -> memref<64xi32, #tpu.memory_space<vmem>>
      %dma_start3A_53 = arith.constant 0 : i32
      %dma_start3A_54 = arith.constant 0 : i32
      %dma_start3A_55 = tpu.memref_slice %arg2[%dma_start3A_53, %dma_start3A_54] : memref<2048x128xf32, #tpu.memory_space<hbm>> -> memref<2048x128xf32, #tpu.memory_space<hbm>>
      tpu.enqueue_indirect_dma source(%dma_start3A_55 : memref<2048x128xf32, #tpu.memory_space<hbm>>) target(%arg12 : memref<64x128xf32, #tpu.memory_space<vmem>>) offsets(%dma_start3A_52 : memref<64xi32, #tpu.memory_space<vmem>>) semaphore(%arg14 : memref<!tpu.dma_semaphore, #tpu.memory_space<semaphore_mem>>)
      %dma_wait3A = arith.constant 0 : i32
      %dma_wait3A_56 = tpu.memref_slice %arg7[%add3A_26, %dma_wait3A] : memref<16x64xi32, #tpu.memory_space<vmem>> -> memref<1x64xi32, #tpu.memory_space<vmem>>
      %dma_wait3A_57 = tpu.memref_squeeze %dma_wait3A_56 : memref<1x64xi32, #tpu.memory_space<vmem>> -> memref<64xi32, #tpu.memory_space<vmem>>
      %dma_wait3A_58 = arith.constant 0 : i32
      %dma_wait3A_59 = arith.constant 0 : i32
      %dma_wait3A_60 = tpu.memref_slice %arg2[%dma_wait3A_58, %dma_wait3A_59] : memref<2048x128xf32, #tpu.memory_space<hbm>> -> memref<2048x128xf32, #tpu.memory_space<hbm>>
      tpu.wait_indirect_dma semaphore(%arg14 : memref<!tpu.dma_semaphore, #tpu.memory_space<semaphore_mem>>) src(%dma_wait3A_60 : memref<2048x128xf32, #tpu.memory_space<hbm>>) dst(%arg9 : memref<64x128xf32, #tpu.memory_space<vmem>>)
      %add3A_61 = arith.constant 0 : i32
      %add3A_62 = arith.addi %mul3A_24, %add3A_61 : i32
      "tpu.region"() ({
        %run_scoped3A = tpu.sem_alloc : memref<!tpu.dma_semaphore, #tpu.memory_space<semaphore_mem>>
        %dma_start3A_87 = arith.constant 0 : i32
        %dma_start3A_88 = tpu.memref_slice %arg8[%add3A_62, %dma_start3A_87] : memref<16x64xi32, #tpu.memory_space<vmem>> -> memref<1x64xi32, #tpu.memory_space<vmem>>
        %dma_start3A_89 = tpu.memref_squeeze %dma_start3A_88 : memref<1x64xi32, #tpu.memory_space<vmem>> -> memref<64xi32, #tpu.memory_space<vmem>>
        %dma_start3A_90 = arith.constant 0 : i32
        %dma_start3A_91 = arith.constant 0 : i32
        %dma_start3A_92 = tpu.memref_slice %arg13[%dma_start3A_90, %dma_start3A_91] : memref<2176x128xf32, #tpu.memory_space<vmem_shared>> -> memref<2176x128xf32, #tpu.memory_space<vmem_shared>>
        tpu.enqueue_indirect_dma source(%arg9 : memref<64x128xf32, #tpu.memory_space<vmem>>) target(%dma_start3A_92 : memref<2176x128xf32, #tpu.memory_space<vmem_shared>>) offsets(%dma_start3A_89 : memref<64xi32, #tpu.memory_space<vmem>>) semaphore(%run_scoped3A : memref<!tpu.dma_semaphore, #tpu.memory_space<semaphore_mem>>) {add = true}
        %dma_wait3A_93 = arith.constant 0 : i32
        %dma_wait3A_94 = tpu.memref_slice %arg8[%add3A_62, %dma_wait3A_93] : memref<16x64xi32, #tpu.memory_space<vmem>> -> memref<1x64xi32, #tpu.memory_space<vmem>>
        %dma_wait3A_95 = tpu.memref_squeeze %dma_wait3A_94 : memref<1x64xi32, #tpu.memory_space<vmem>> -> memref<64xi32, #tpu.memory_space<vmem>>
        %dma_wait3A_96 = arith.constant 0 : i32
        %dma_wait3A_97 = arith.constant 0 : i32
        %dma_wait3A_98 = tpu.memref_slice %arg13[%dma_wait3A_96, %dma_wait3A_97] : memref<2176x128xf32, #tpu.memory_space<vmem_shared>> -> memref<2176x128xf32, #tpu.memory_space<vmem_shared>>
        tpu.wait_indirect_dma semaphore(%run_scoped3A : memref<!tpu.dma_semaphore, #tpu.memory_space<semaphore_mem>>) src(%arg9 : memref<64x128xf32, #tpu.memory_space<vmem>>) dst(%dma_wait3A_98 : memref<2176x128xf32, #tpu.memory_space<vmem_shared>>)
        tpu.yield
      }) : () -> ()
      %dma_wait3A_63 = arith.constant 0 : i32
      %dma_wait3A_64 = tpu.memref_slice %arg7[%add3A_33, %dma_wait3A_63] : memref<16x64xi32, #tpu.memory_space<vmem>> -> memref<1x64xi32, #tpu.memory_space<vmem>>
      %dma_wait3A_65 = tpu.memref_squeeze %dma_wait3A_64 : memref<1x64xi32, #tpu.memory_space<vmem>> -> memref<64xi32, #tpu.memory_space<vmem>>
      %dma_wait3A_66 = arith.constant 0 : i32
      %dma_wait3A_67 = arith.constant 0 : i32
      %dma_wait3A_68 = tpu.memref_slice %arg2[%dma_wait3A_66, %dma_wait3A_67] : memref<2048x128xf32, #tpu.memory_space<hbm>> -> memref<2048x128xf32, #tpu.memory_space<hbm>>
      tpu.wait_indirect_dma semaphore(%arg14 : memref<!tpu.dma_semaphore, #tpu.memory_space<semaphore_mem>>) src(%dma_wait3A_68 : memref<2048x128xf32, #tpu.memory_space<hbm>>) dst(%arg10 : memref<64x128xf32, #tpu.memory_space<vmem>>)
      %add3A_69 = arith.constant 1 : i32
      %add3A_70 = arith.addi %mul3A_24, %add3A_69 : i32
      "tpu.region"() ({
        %run_scoped3A = tpu.sem_alloc : memref<!tpu.dma_semaphore, #tpu.memory_space<semaphore_mem>>
        %dma_start3A_87 = arith.constant 0 : i32
        %dma_start3A_88 = tpu.memref_slice %arg8[%add3A_70, %dma_start3A_87] : memref<16x64xi32, #tpu.memory_space<vmem>> -> memref<1x64xi32, #tpu.memory_space<vmem>>
        %dma_start3A_89 = tpu.memref_squeeze %dma_start3A_88 : memref<1x64xi32, #tpu.memory_space<vmem>> -> memref<64xi32, #tpu.memory_space<vmem>>
        %dma_start3A_90 = arith.constant 0 : i32
        %dma_start3A_91 = arith.constant 0 : i32
        %dma_start3A_92 = tpu.memref_slice %arg13[%dma_start3A_90, %dma_start3A_91] : memref<2176x128xf32, #tpu.memory_space<vmem_shared>> -> memref<2176x128xf32, #tpu.memory_space<vmem_shared>>
        tpu.enqueue_indirect_dma source(%arg10 : memref<64x128xf32, #tpu.memory_space<vmem>>) target(%dma_start3A_92 : memref<2176x128xf32, #tpu.memory_space<vmem_shared>>) offsets(%dma_start3A_89 : memref<64xi32, #tpu.memory_space<vmem>>) semaphore(%run_scoped3A : memref<!tpu.dma_semaphore, #tpu.memory_space<semaphore_mem>>) {add = true}
        %dma_wait3A_93 = arith.constant 0 : i32
        %dma_wait3A_94 = tpu.memref_slice %arg8[%add3A_70, %dma_wait3A_93] : memref<16x64xi32, #tpu.memory_space<vmem>> -> memref<1x64xi32, #tpu.memory_space<vmem>>
        %dma_wait3A_95 = tpu.memref_squeeze %dma_wait3A_94 : memref<1x64xi32, #tpu.memory_space<vmem>> -> memref<64xi32, #tpu.memory_space<vmem>>
        %dma_wait3A_96 = arith.constant 0 : i32
        %dma_wait3A_97 = arith.constant 0 : i32
        %dma_wait3A_98 = tpu.memref_slice %arg13[%dma_wait3A_96, %dma_wait3A_97] : memref<2176x128xf32, #tpu.memory_space<vmem_shared>> -> memref<2176x128xf32, #tpu.memory_space<vmem_shared>>
        tpu.wait_indirect_dma semaphore(%run_scoped3A : memref<!tpu.dma_semaphore, #tpu.memory_space<semaphore_mem>>) src(%arg10 : memref<64x128xf32, #tpu.memory_space<vmem>>) dst(%dma_wait3A_98 : memref<2176x128xf32, #tpu.memory_space<vmem_shared>>)
        tpu.yield
      }) : () -> ()
      %dma_wait3A_71 = arith.constant 0 : i32
      %dma_wait3A_72 = tpu.memref_slice %arg7[%add3A_41, %dma_wait3A_71] : memref<16x64xi32, #tpu.memory_space<vmem>> -> memref<1x64xi32, #tpu.memory_space<vmem>>
      %dma_wait3A_73 = tpu.memref_squeeze %dma_wait3A_72 : memref<1x64xi32, #tpu.memory_space<vmem>> -> memref<64xi32, #tpu.memory_space<vmem>>
      %dma_wait3A_74 = arith.constant 0 : i32
      %dma_wait3A_75 = arith.constant 0 : i32
      %dma_wait3A_76 = tpu.memref_slice %arg2[%dma_wait3A_74, %dma_wait3A_75] : memref<2048x128xf32, #tpu.memory_space<hbm>> -> memref<2048x128xf32, #tpu.memory_space<hbm>>
      tpu.wait_indirect_dma semaphore(%arg14 : memref<!tpu.dma_semaphore, #tpu.memory_space<semaphore_mem>>) src(%dma_wait3A_76 : memref<2048x128xf32, #tpu.memory_space<hbm>>) dst(%arg11 : memref<64x128xf32, #tpu.memory_space<vmem>>)
      %add3A_77 = arith.constant 2 : i32
      %add3A_78 = arith.addi %mul3A_24, %add3A_77 : i32
      "tpu.region"() ({
        %run_scoped3A = tpu.sem_alloc : memref<!tpu.dma_semaphore, #tpu.memory_space<semaphore_mem>>
        %dma_start3A_87 = arith.constant 0 : i32
        %dma_start3A_88 = tpu.memref_slice %arg8[%add3A_78, %dma_start3A_87] : memref<16x64xi32, #tpu.memory_space<vmem>> -> memref<1x64xi32, #tpu.memory_space<vmem>>
        %dma_start3A_89 = tpu.memref_squeeze %dma_start3A_88 : memref<1x64xi32, #tpu.memory_space<vmem>> -> memref<64xi32, #tpu.memory_space<vmem>>
        %dma_start3A_90 = arith.constant 0 : i32
        %dma_start3A_91 = arith.constant 0 : i32
        %dma_start3A_92 = tpu.memref_slice %arg13[%dma_start3A_90, %dma_start3A_91] : memref<2176x128xf32, #tpu.memory_space<vmem_shared>> -> memref<2176x128xf32, #tpu.memory_space<vmem_shared>>
        tpu.enqueue_indirect_dma source(%arg11 : memref<64x128xf32, #tpu.memory_space<vmem>>) target(%dma_start3A_92 : memref<2176x128xf32, #tpu.memory_space<vmem_shared>>) offsets(%dma_start3A_89 : memref<64xi32, #tpu.memory_space<vmem>>) semaphore(%run_scoped3A : memref<!tpu.dma_semaphore, #tpu.memory_space<semaphore_mem>>) {add = true}
        %dma_wait3A_93 = arith.constant 0 : i32
        %dma_wait3A_94 = tpu.memref_slice %arg8[%add3A_78, %dma_wait3A_93] : memref<16x64xi32, #tpu.memory_space<vmem>> -> memref<1x64xi32, #tpu.memory_space<vmem>>
        %dma_wait3A_95 = tpu.memref_squeeze %dma_wait3A_94 : memref<1x64xi32, #tpu.memory_space<vmem>> -> memref<64xi32, #tpu.memory_space<vmem>>
        %dma_wait3A_96 = arith.constant 0 : i32
        %dma_wait3A_97 = arith.constant 0 : i32
        %dma_wait3A_98 = tpu.memref_slice %arg13[%dma_wait3A_96, %dma_wait3A_97] : memref<2176x128xf32, #tpu.memory_space<vmem_shared>> -> memref<2176x128xf32, #tpu.memory_space<vmem_shared>>
        tpu.wait_indirect_dma semaphore(%run_scoped3A : memref<!tpu.dma_semaphore, #tpu.memory_space<semaphore_mem>>) src(%arg11 : memref<64x128xf32, #tpu.memory_space<vmem>>) dst(%dma_wait3A_98 : memref<2176x128xf32, #tpu.memory_space<vmem_shared>>)
        tpu.yield
      }) : () -> ()
      %dma_wait3A_79 = arith.constant 0 : i32
      %dma_wait3A_80 = tpu.memref_slice %arg7[%add3A_49, %dma_wait3A_79] : memref<16x64xi32, #tpu.memory_space<vmem>> -> memref<1x64xi32, #tpu.memory_space<vmem>>
      %dma_wait3A_81 = tpu.memref_squeeze %dma_wait3A_80 : memref<1x64xi32, #tpu.memory_space<vmem>> -> memref<64xi32, #tpu.memory_space<vmem>>
      %dma_wait3A_82 = arith.constant 0 : i32
      %dma_wait3A_83 = arith.constant 0 : i32
      %dma_wait3A_84 = tpu.memref_slice %arg2[%dma_wait3A_82, %dma_wait3A_83] : memref<2048x128xf32, #tpu.memory_space<hbm>> -> memref<2048x128xf32, #tpu.memory_space<hbm>>
      tpu.wait_indirect_dma semaphore(%arg14 : memref<!tpu.dma_semaphore, #tpu.memory_space<semaphore_mem>>) src(%dma_wait3A_84 : memref<2048x128xf32, #tpu.memory_space<hbm>>) dst(%arg12 : memref<64x128xf32, #tpu.memory_space<vmem>>)
      %add3A_85 = arith.constant 3 : i32
      %add3A_86 = arith.addi %mul3A_24, %add3A_85 : i32
      "tpu.region"() ({
        %run_scoped3A = tpu.sem_alloc : memref<!tpu.dma_semaphore, #tpu.memory_space<semaphore_mem>>
        %dma_start3A_87 = arith.constant 0 : i32
        %dma_start3A_88 = tpu.memref_slice %arg8[%add3A_86, %dma_start3A_87] : memref<16x64xi32, #tpu.memory_space<vmem>> -> memref<1x64xi32, #tpu.memory_space<vmem>>
        %dma_start3A_89 = tpu.memref_squeeze %dma_start3A_88 : memref<1x64xi32, #tpu.memory_space<vmem>> -> memref<64xi32, #tpu.memory_space<vmem>>
        %dma_start3A_90 = arith.constant 0 : i32
        %dma_start3A_91 = arith.constant 0 : i32
        %dma_start3A_92 = tpu.memref_slice %arg13[%dma_start3A_90, %dma_start3A_91] : memref<2176x128xf32, #tpu.memory_space<vmem_shared>> -> memref<2176x128xf32, #tpu.memory_space<vmem_shared>>
        tpu.enqueue_indirect_dma source(%arg12 : memref<64x128xf32, #tpu.memory_space<vmem>>) target(%dma_start3A_92 : memref<2176x128xf32, #tpu.memory_space<vmem_shared>>) offsets(%dma_start3A_89 : memref<64xi32, #tpu.memory_space<vmem>>) semaphore(%run_scoped3A : memref<!tpu.dma_semaphore, #tpu.memory_space<semaphore_mem>>) {add = true}
        %dma_wait3A_93 = arith.constant 0 : i32
        %dma_wait3A_94 = tpu.memref_slice %arg8[%add3A_86, %dma_wait3A_93] : memref<16x64xi32, #tpu.memory_space<vmem>> -> memref<1x64xi32, #tpu.memory_space<vmem>>
        %dma_wait3A_95 = tpu.memref_squeeze %dma_wait3A_94 : memref<1x64xi32, #tpu.memory_space<vmem>> -> memref<64xi32, #tpu.memory_space<vmem>>
        %dma_wait3A_96 = arith.constant 0 : i32
        %dma_wait3A_97 = arith.constant 0 : i32
        %dma_wait3A_98 = tpu.memref_slice %arg13[%dma_wait3A_96, %dma_wait3A_97] : memref<2176x128xf32, #tpu.memory_space<vmem_shared>> -> memref<2176x128xf32, #tpu.memory_space<vmem_shared>>
        tpu.wait_indirect_dma semaphore(%run_scoped3A : memref<!tpu.dma_semaphore, #tpu.memory_space<semaphore_mem>>) src(%arg12 : memref<64x128xf32, #tpu.memory_space<vmem>>) dst(%dma_wait3A_98 : memref<2176x128xf32, #tpu.memory_space<vmem_shared>>)
        tpu.yield
      }) : () -> ()
    }
    %scan3A_12 = arith.constant 4 : i32
    %barrier3A_13 = arith.constant 0 : index
    tpu.barrier barrier_id(%barrier3A_13)
    %mul3A_14 = arith.constant 136 : i32
    %mul3A_15 = arith.muli %arg1, %mul3A_14 : i32
    %mul3A_16 = arith.constant 136 : i32
    %mul3A_17 = arith.muli %arg1, %mul3A_16 : i32
    "tpu.region"() ({
      %run_scoped3A = tpu.sem_alloc : memref<!tpu.dma_semaphore, #tpu.memory_space<semaphore_mem>>
      %dma_start3A = arith.constant 0 : i32
      %dma_start3A_18 = tpu.memref_slice %arg6[%arg0, %mul3A_17, %dma_start3A] : memref<2x2176x128xf32, #tpu.memory_space<hbm>> -> memref<1x136x128xf32, #tpu.memory_space<hbm>>
      %dma_start3A_19 = tpu.memref_squeeze %dma_start3A_18 : memref<1x136x128xf32, #tpu.memory_space<hbm>> -> memref<136x128xf32, #tpu.memory_space<hbm>>
      %dma_start3A_20 = arith.constant 0 : i32
      %dma_start3A_21 = tpu.memref_slice %arg13[%mul3A_15, %dma_start3A_20] : memref<2176x128xf32, #tpu.memory_space<vmem_shared>> -> memref<136x128xf32, #tpu.memory_space<vmem_shared>>
      tpu.enqueue_dma source(%dma_start3A_21 : memref<136x128xf32, #tpu.memory_space<vmem_shared>>) target(%dma_start3A_19 : memref<136x128xf32, #tpu.memory_space<hbm>>) target_semaphore(%run_scoped3A : memref<!tpu.dma_semaphore, #tpu.memory_space<semaphore_mem>>)
      %dma_wait3A = arith.constant 0 : i32
      %dma_wait3A_22 = tpu.memref_slice %arg6[%arg0, %mul3A_17, %dma_wait3A] : memref<2x2176x128xf32, #tpu.memory_space<hbm>> -> memref<1x136x128xf32, #tpu.memory_space<hbm>>
      %dma_wait3A_23 = tpu.memref_squeeze %dma_wait3A_22 : memref<1x136x128xf32, #tpu.memory_space<hbm>> -> memref<136x128xf32, #tpu.memory_space<hbm>>
      %dma_wait3A_24 = arith.constant 0 : i32
      %dma_wait3A_25 = tpu.memref_slice %arg13[%mul3A_15, %dma_wait3A_24] : memref<2176x128xf32, #tpu.memory_space<vmem_shared>> -> memref<136x128xf32, #tpu.memory_space<vmem_shared>>
      tpu.wait_dma2 semaphore(%run_scoped3A : memref<!tpu.dma_semaphore, #tpu.memory_space<semaphore_mem>>) src(%dma_wait3A_25 : memref<136x128xf32, #tpu.memory_space<vmem_shared>>) dst(%dma_wait3A_23 : memref<136x128xf32, #tpu.memory_space<hbm>>)
      tpu.yield
    }) : () -> ()
    return
  }
}

#map = affine_map<(d0, d1) -> (0, 0)>
#map1 = affine_map<(d0, d1) -> (0, 0, 0)>
module attributes {stable_mosaic.version = 14 : i64} {
  func.func @k(%arg0: i32, %arg1: i32, %arg2: memref<10000x128xf32, #tpu.memory_space<hbm>>, %arg3: memref<2560x64xi32, #tpu.memory_space<hbm>>, %arg4: memref<2560x64xi32, #tpu.memory_space<hbm>>, %arg5: memref<10240x128xf32, #tpu.memory_space<hbm>>, %arg6: memref<2x10240x128xf32, #tpu.memory_space<hbm>>, %arg7: memref<80x64xi32, #tpu.memory_space<vmem>>, %arg8: memref<80x64xi32, #tpu.memory_space<vmem>>, %arg9: memref<64x128xf32, #tpu.memory_space<vmem>>, %arg10: memref<64x128xf32, #tpu.memory_space<vmem>>, %arg11: memref<64x128xf32, #tpu.memory_space<vmem>>, %arg12: memref<10240x128xf32, #tpu.memory_space<vmem_shared>>, %arg13: memref<!tpu.dma_semaphore, #tpu.memory_space<semaphore_mem>>) attributes {dimension_semantics = [#tpu.dimension_semantics<core_parallel>, #tpu.dimension_semantics<subcore_parallel>], iteration_bounds = array<i64: 2, 16>, scalar_prefetch = 0 : i64, scratch_operands = 7 : i64, tpu.core_type = #tpu.core_type<sc_vector_subcore>, window_params = [{transform_indices = #map}, {transform_indices = #map}, {transform_indices = #map}, {transform_indices = #map}, {transform_indices = #map1}]} {
    %mul3A = arith.constant 16 : i32
    %mul3A_0 = arith.muli %arg0, %mul3A : i32
    %add3A = arith.addi %mul3A_0, %arg1 : i32
    %mul3A_1 = arith.constant 640 : i32
    %mul3A_2 = arith.muli %arg1, %mul3A_1 : i32
    %mul3A_3 = arith.constant 640 : i32
    %mul3A_4 = arith.muli %arg1, %mul3A_3 : i32
    "tpu.region"() ({
      %run_scoped3A_45 = tpu.sem_alloc : memref<!tpu.dma_semaphore, #tpu.memory_space<semaphore_mem>>
      %dma_start3A_46 = arith.constant 0 : i32
      %dma_start3A_47 = tpu.memref_slice %arg12[%mul3A_4, %dma_start3A_46] : memref<10240x128xf32, #tpu.memory_space<vmem_shared>> -> memref<640x128xf32, #tpu.memory_space<vmem_shared>>
      %dma_start3A_48 = arith.constant 0 : i32
      %dma_start3A_49 = tpu.memref_slice %arg5[%mul3A_2, %dma_start3A_48] : memref<10240x128xf32, #tpu.memory_space<hbm>> -> memref<640x128xf32, #tpu.memory_space<hbm>>
      tpu.enqueue_dma source(%dma_start3A_49 : memref<640x128xf32, #tpu.memory_space<hbm>>) target(%dma_start3A_47 : memref<640x128xf32, #tpu.memory_space<vmem_shared>>) target_semaphore(%run_scoped3A_45 : memref<!tpu.dma_semaphore, #tpu.memory_space<semaphore_mem>>)
      %dma_wait3A_50 = arith.constant 0 : i32
      %dma_wait3A_51 = tpu.memref_slice %arg12[%mul3A_4, %dma_wait3A_50] : memref<10240x128xf32, #tpu.memory_space<vmem_shared>> -> memref<640x128xf32, #tpu.memory_space<vmem_shared>>
      %dma_wait3A_52 = arith.constant 0 : i32
      %dma_wait3A_53 = tpu.memref_slice %arg5[%mul3A_2, %dma_wait3A_52] : memref<10240x128xf32, #tpu.memory_space<hbm>> -> memref<640x128xf32, #tpu.memory_space<hbm>>
      tpu.wait_dma2 semaphore(%run_scoped3A_45 : memref<!tpu.dma_semaphore, #tpu.memory_space<semaphore_mem>>) src(%dma_wait3A_53 : memref<640x128xf32, #tpu.memory_space<hbm>>) dst(%dma_wait3A_51 : memref<640x128xf32, #tpu.memory_space<vmem_shared>>)
      tpu.yield
    }) : () -> ()
    %mul3A_5 = arith.constant 80 : i32
    %mul3A_6 = arith.muli %add3A, %mul3A_5 : i32
    "tpu.region"() ({
      %run_scoped3A_45 = tpu.sem_alloc : memref<!tpu.dma_semaphore, #tpu.memory_space<semaphore_mem>>
      %dma_start3A_46 = arith.constant 0 : i32
      %dma_start3A_47 = tpu.memref_slice %arg3[%mul3A_6, %dma_start3A_46] : memref<2560x64xi32, #tpu.memory_space<hbm>> -> memref<80x64xi32, #tpu.memory_space<hbm>>
      %dma_start3A_48 = arith.constant 0 : i32
      %dma_start3A_49 = tpu.memref_slice %arg3[%mul3A_6, %dma_start3A_48] : memref<2560x64xi32, #tpu.memory_space<hbm>> -> memref<80x64xi32, #tpu.memory_space<hbm>>
      tpu.enqueue_dma source(%dma_start3A_49 : memref<80x64xi32, #tpu.memory_space<hbm>>) target(%arg7 : memref<80x64xi32, #tpu.memory_space<vmem>>) target_semaphore(%run_scoped3A_45 : memref<!tpu.dma_semaphore, #tpu.memory_space<semaphore_mem>>)
      %dma_wait3A_50 = arith.constant 0 : i32
      %dma_wait3A_51 = tpu.memref_slice %arg3[%mul3A_6, %dma_wait3A_50] : memref<2560x64xi32, #tpu.memory_space<hbm>> -> memref<80x64xi32, #tpu.memory_space<hbm>>
      %dma_wait3A_52 = arith.constant 0 : i32
      %dma_wait3A_53 = tpu.memref_slice %arg3[%mul3A_6, %dma_wait3A_52] : memref<2560x64xi32, #tpu.memory_space<hbm>> -> memref<80x64xi32, #tpu.memory_space<hbm>>
      tpu.wait_dma2 semaphore(%run_scoped3A_45 : memref<!tpu.dma_semaphore, #tpu.memory_space<semaphore_mem>>) src(%dma_wait3A_53 : memref<80x64xi32, #tpu.memory_space<hbm>>) dst(%arg7 : memref<80x64xi32, #tpu.memory_space<vmem>>)
      tpu.yield
    }) : () -> ()
    %mul3A_7 = arith.constant 80 : i32
    %mul3A_8 = arith.muli %add3A, %mul3A_7 : i32
    "tpu.region"() ({
      %run_scoped3A_45 = tpu.sem_alloc : memref<!tpu.dma_semaphore, #tpu.memory_space<semaphore_mem>>
      %dma_start3A_46 = arith.constant 0 : i32
      %dma_start3A_47 = tpu.memref_slice %arg4[%mul3A_8, %dma_start3A_46] : memref<2560x64xi32, #tpu.memory_space<hbm>> -> memref<80x64xi32, #tpu.memory_space<hbm>>
      %dma_start3A_48 = arith.constant 0 : i32
      %dma_start3A_49 = tpu.memref_slice %arg4[%mul3A_8, %dma_start3A_48] : memref<2560x64xi32, #tpu.memory_space<hbm>> -> memref<80x64xi32, #tpu.memory_space<hbm>>
      tpu.enqueue_dma source(%dma_start3A_49 : memref<80x64xi32, #tpu.memory_space<hbm>>) target(%arg8 : memref<80x64xi32, #tpu.memory_space<vmem>>) target_semaphore(%run_scoped3A_45 : memref<!tpu.dma_semaphore, #tpu.memory_space<semaphore_mem>>)
      %dma_wait3A_50 = arith.constant 0 : i32
      %dma_wait3A_51 = tpu.memref_slice %arg4[%mul3A_8, %dma_wait3A_50] : memref<2560x64xi32, #tpu.memory_space<hbm>> -> memref<80x64xi32, #tpu.memory_space<hbm>>
      %dma_wait3A_52 = arith.constant 0 : i32
      %dma_wait3A_53 = tpu.memref_slice %arg4[%mul3A_8, %dma_wait3A_52] : memref<2560x64xi32, #tpu.memory_space<hbm>> -> memref<80x64xi32, #tpu.memory_space<hbm>>
      tpu.wait_dma2 semaphore(%run_scoped3A_45 : memref<!tpu.dma_semaphore, #tpu.memory_space<semaphore_mem>>) src(%dma_wait3A_53 : memref<80x64xi32, #tpu.memory_space<hbm>>) dst(%arg8 : memref<80x64xi32, #tpu.memory_space<vmem>>)
      tpu.yield
    }) : () -> ()
    %barrier3A = arith.constant 0 : index
    tpu.barrier barrier_id(%barrier3A)
    %scan3A = arith.constant 0 : i32
    %scan3A_9 = arith.constant 26 : i32
    %scan3A_10 = arith.addi %scan3A, %scan3A_9 : i32
    %scan3A_11 = arith.constant 1 : i32
    scf.for %scan3A_45 = %scan3A to %scan3A_10 step %scan3A_11  : i32 {
      %mul3A_46 = arith.constant 1 : i32
      %mul3A_47 = arith.muli %scan3A_45, %mul3A_46 : i32
      %add3A_48 = arith.constant 0 : i32
      %add3A_49 = arith.addi %add3A_48, %mul3A_47 : i32
      %mul3A_50 = arith.constant 3 : i32
      %mul3A_51 = arith.muli %mul3A_50, %add3A_49 : i32
      %add3A_52 = arith.constant 0 : i32
      %add3A_53 = arith.addi %mul3A_51, %add3A_52 : i32
      %dma_start3A_54 = arith.constant 0 : i32
      %dma_start3A_55 = tpu.memref_slice %arg7[%add3A_53, %dma_start3A_54] : memref<80x64xi32, #tpu.memory_space<vmem>> -> memref<1x64xi32, #tpu.memory_space<vmem>>
      %dma_start3A_56 = tpu.memref_squeeze %dma_start3A_55 : memref<1x64xi32, #tpu.memory_space<vmem>> -> memref<64xi32, #tpu.memory_space<vmem>>
      %dma_start3A_57 = arith.constant 0 : i32
      %dma_start3A_58 = arith.constant 0 : i32
      %dma_start3A_59 = tpu.memref_slice %arg2[%dma_start3A_57, %dma_start3A_58] : memref<10000x128xf32, #tpu.memory_space<hbm>> -> memref<10000x128xf32, #tpu.memory_space<hbm>>
      tpu.enqueue_indirect_dma source(%dma_start3A_59 : memref<10000x128xf32, #tpu.memory_space<hbm>>) target(%arg9 : memref<64x128xf32, #tpu.memory_space<vmem>>) offsets(%dma_start3A_56 : memref<64xi32, #tpu.memory_space<vmem>>) semaphore(%arg13 : memref<!tpu.dma_semaphore, #tpu.memory_space<semaphore_mem>>)
      %add3A_60 = arith.constant 1 : i32
      %add3A_61 = arith.addi %mul3A_51, %add3A_60 : i32
      %dma_start3A_62 = arith.constant 0 : i32
      %dma_start3A_63 = tpu.memref_slice %arg7[%add3A_61, %dma_start3A_62] : memref<80x64xi32, #tpu.memory_space<vmem>> -> memref<1x64xi32, #tpu.memory_space<vmem>>
      %dma_start3A_64 = tpu.memref_squeeze %dma_start3A_63 : memref<1x64xi32, #tpu.memory_space<vmem>> -> memref<64xi32, #tpu.memory_space<vmem>>
      %dma_start3A_65 = arith.constant 0 : i32
      %dma_start3A_66 = arith.constant 0 : i32
      %dma_start3A_67 = tpu.memref_slice %arg2[%dma_start3A_65, %dma_start3A_66] : memref<10000x128xf32, #tpu.memory_space<hbm>> -> memref<10000x128xf32, #tpu.memory_space<hbm>>
      tpu.enqueue_indirect_dma source(%dma_start3A_67 : memref<10000x128xf32, #tpu.memory_space<hbm>>) target(%arg10 : memref<64x128xf32, #tpu.memory_space<vmem>>) offsets(%dma_start3A_64 : memref<64xi32, #tpu.memory_space<vmem>>) semaphore(%arg13 : memref<!tpu.dma_semaphore, #tpu.memory_space<semaphore_mem>>)
      %add3A_68 = arith.constant 2 : i32
      %add3A_69 = arith.addi %mul3A_51, %add3A_68 : i32
      %dma_start3A_70 = arith.constant 0 : i32
      %dma_start3A_71 = tpu.memref_slice %arg7[%add3A_69, %dma_start3A_70] : memref<80x64xi32, #tpu.memory_space<vmem>> -> memref<1x64xi32, #tpu.memory_space<vmem>>
      %dma_start3A_72 = tpu.memref_squeeze %dma_start3A_71 : memref<1x64xi32, #tpu.memory_space<vmem>> -> memref<64xi32, #tpu.memory_space<vmem>>
      %dma_start3A_73 = arith.constant 0 : i32
      %dma_start3A_74 = arith.constant 0 : i32
      %dma_start3A_75 = tpu.memref_slice %arg2[%dma_start3A_73, %dma_start3A_74] : memref<10000x128xf32, #tpu.memory_space<hbm>> -> memref<10000x128xf32, #tpu.memory_space<hbm>>
      tpu.enqueue_indirect_dma source(%dma_start3A_75 : memref<10000x128xf32, #tpu.memory_space<hbm>>) target(%arg11 : memref<64x128xf32, #tpu.memory_space<vmem>>) offsets(%dma_start3A_72 : memref<64xi32, #tpu.memory_space<vmem>>) semaphore(%arg13 : memref<!tpu.dma_semaphore, #tpu.memory_space<semaphore_mem>>)
      %dma_wait3A_76 = arith.constant 0 : i32
      %dma_wait3A_77 = tpu.memref_slice %arg7[%add3A_53, %dma_wait3A_76] : memref<80x64xi32, #tpu.memory_space<vmem>> -> memref<1x64xi32, #tpu.memory_space<vmem>>
      %dma_wait3A_78 = tpu.memref_squeeze %dma_wait3A_77 : memref<1x64xi32, #tpu.memory_space<vmem>> -> memref<64xi32, #tpu.memory_space<vmem>>
      %dma_wait3A_79 = arith.constant 0 : i32
      %dma_wait3A_80 = arith.constant 0 : i32
      %dma_wait3A_81 = tpu.memref_slice %arg2[%dma_wait3A_79, %dma_wait3A_80] : memref<10000x128xf32, #tpu.memory_space<hbm>> -> memref<10000x128xf32, #tpu.memory_space<hbm>>
      tpu.wait_indirect_dma semaphore(%arg13 : memref<!tpu.dma_semaphore, #tpu.memory_space<semaphore_mem>>) src(%dma_wait3A_81 : memref<10000x128xf32, #tpu.memory_space<hbm>>) dst(%arg9 : memref<64x128xf32, #tpu.memory_space<vmem>>)
      %add3A_82 = arith.constant 0 : i32
      %add3A_83 = arith.addi %mul3A_51, %add3A_82 : i32
      "tpu.region"() ({
        %run_scoped3A_100 = tpu.sem_alloc : memref<!tpu.dma_semaphore, #tpu.memory_space<semaphore_mem>>
        %dma_start3A_101 = arith.constant 0 : i32
        %dma_start3A_102 = tpu.memref_slice %arg8[%add3A_83, %dma_start3A_101] : memref<80x64xi32, #tpu.memory_space<vmem>> -> memref<1x64xi32, #tpu.memory_space<vmem>>
        %dma_start3A_103 = tpu.memref_squeeze %dma_start3A_102 : memref<1x64xi32, #tpu.memory_space<vmem>> -> memref<64xi32, #tpu.memory_space<vmem>>
        %dma_start3A_104 = arith.constant 0 : i32
        %dma_start3A_105 = arith.constant 0 : i32
        %dma_start3A_106 = tpu.memref_slice %arg12[%dma_start3A_104, %dma_start3A_105] : memref<10240x128xf32, #tpu.memory_space<vmem_shared>> -> memref<10240x128xf32, #tpu.memory_space<vmem_shared>>
        tpu.enqueue_indirect_dma source(%arg9 : memref<64x128xf32, #tpu.memory_space<vmem>>) target(%dma_start3A_106 : memref<10240x128xf32, #tpu.memory_space<vmem_shared>>) offsets(%dma_start3A_103 : memref<64xi32, #tpu.memory_space<vmem>>) semaphore(%run_scoped3A_100 : memref<!tpu.dma_semaphore, #tpu.memory_space<semaphore_mem>>) {add = true}
        %dma_wait3A_107 = arith.constant 0 : i32
        %dma_wait3A_108 = tpu.memref_slice %arg8[%add3A_83, %dma_wait3A_107] : memref<80x64xi32, #tpu.memory_space<vmem>> -> memref<1x64xi32, #tpu.memory_space<vmem>>
        %dma_wait3A_109 = tpu.memref_squeeze %dma_wait3A_108 : memref<1x64xi32, #tpu.memory_space<vmem>> -> memref<64xi32, #tpu.memory_space<vmem>>
        %dma_wait3A_110 = arith.constant 0 : i32
        %dma_wait3A_111 = arith.constant 0 : i32
        %dma_wait3A_112 = tpu.memref_slice %arg12[%dma_wait3A_110, %dma_wait3A_111] : memref<10240x128xf32, #tpu.memory_space<vmem_shared>> -> memref<10240x128xf32, #tpu.memory_space<vmem_shared>>
        tpu.wait_indirect_dma semaphore(%run_scoped3A_100 : memref<!tpu.dma_semaphore, #tpu.memory_space<semaphore_mem>>) src(%arg9 : memref<64x128xf32, #tpu.memory_space<vmem>>) dst(%dma_wait3A_112 : memref<10240x128xf32, #tpu.memory_space<vmem_shared>>)
        tpu.yield
      }) : () -> ()
      %dma_wait3A_84 = arith.constant 0 : i32
      %dma_wait3A_85 = tpu.memref_slice %arg7[%add3A_61, %dma_wait3A_84] : memref<80x64xi32, #tpu.memory_space<vmem>> -> memref<1x64xi32, #tpu.memory_space<vmem>>
      %dma_wait3A_86 = tpu.memref_squeeze %dma_wait3A_85 : memref<1x64xi32, #tpu.memory_space<vmem>> -> memref<64xi32, #tpu.memory_space<vmem>>
      %dma_wait3A_87 = arith.constant 0 : i32
      %dma_wait3A_88 = arith.constant 0 : i32
      %dma_wait3A_89 = tpu.memref_slice %arg2[%dma_wait3A_87, %dma_wait3A_88] : memref<10000x128xf32, #tpu.memory_space<hbm>> -> memref<10000x128xf32, #tpu.memory_space<hbm>>
      tpu.wait_indirect_dma semaphore(%arg13 : memref<!tpu.dma_semaphore, #tpu.memory_space<semaphore_mem>>) src(%dma_wait3A_89 : memref<10000x128xf32, #tpu.memory_space<hbm>>) dst(%arg10 : memref<64x128xf32, #tpu.memory_space<vmem>>)
      %add3A_90 = arith.constant 1 : i32
      %add3A_91 = arith.addi %mul3A_51, %add3A_90 : i32
      "tpu.region"() ({
        %run_scoped3A_100 = tpu.sem_alloc : memref<!tpu.dma_semaphore, #tpu.memory_space<semaphore_mem>>
        %dma_start3A_101 = arith.constant 0 : i32
        %dma_start3A_102 = tpu.memref_slice %arg8[%add3A_91, %dma_start3A_101] : memref<80x64xi32, #tpu.memory_space<vmem>> -> memref<1x64xi32, #tpu.memory_space<vmem>>
        %dma_start3A_103 = tpu.memref_squeeze %dma_start3A_102 : memref<1x64xi32, #tpu.memory_space<vmem>> -> memref<64xi32, #tpu.memory_space<vmem>>
        %dma_start3A_104 = arith.constant 0 : i32
        %dma_start3A_105 = arith.constant 0 : i32
        %dma_start3A_106 = tpu.memref_slice %arg12[%dma_start3A_104, %dma_start3A_105] : memref<10240x128xf32, #tpu.memory_space<vmem_shared>> -> memref<10240x128xf32, #tpu.memory_space<vmem_shared>>
        tpu.enqueue_indirect_dma source(%arg10 : memref<64x128xf32, #tpu.memory_space<vmem>>) target(%dma_start3A_106 : memref<10240x128xf32, #tpu.memory_space<vmem_shared>>) offsets(%dma_start3A_103 : memref<64xi32, #tpu.memory_space<vmem>>) semaphore(%run_scoped3A_100 : memref<!tpu.dma_semaphore, #tpu.memory_space<semaphore_mem>>) {add = true}
        %dma_wait3A_107 = arith.constant 0 : i32
        %dma_wait3A_108 = tpu.memref_slice %arg8[%add3A_91, %dma_wait3A_107] : memref<80x64xi32, #tpu.memory_space<vmem>> -> memref<1x64xi32, #tpu.memory_space<vmem>>
        %dma_wait3A_109 = tpu.memref_squeeze %dma_wait3A_108 : memref<1x64xi32, #tpu.memory_space<vmem>> -> memref<64xi32, #tpu.memory_space<vmem>>
        %dma_wait3A_110 = arith.constant 0 : i32
        %dma_wait3A_111 = arith.constant 0 : i32
        %dma_wait3A_112 = tpu.memref_slice %arg12[%dma_wait3A_110, %dma_wait3A_111] : memref<10240x128xf32, #tpu.memory_space<vmem_shared>> -> memref<10240x128xf32, #tpu.memory_space<vmem_shared>>
        tpu.wait_indirect_dma semaphore(%run_scoped3A_100 : memref<!tpu.dma_semaphore, #tpu.memory_space<semaphore_mem>>) src(%arg10 : memref<64x128xf32, #tpu.memory_space<vmem>>) dst(%dma_wait3A_112 : memref<10240x128xf32, #tpu.memory_space<vmem_shared>>)
        tpu.yield
      }) : () -> ()
      %dma_wait3A_92 = arith.constant 0 : i32
      %dma_wait3A_93 = tpu.memref_slice %arg7[%add3A_69, %dma_wait3A_92] : memref<80x64xi32, #tpu.memory_space<vmem>> -> memref<1x64xi32, #tpu.memory_space<vmem>>
      %dma_wait3A_94 = tpu.memref_squeeze %dma_wait3A_93 : memref<1x64xi32, #tpu.memory_space<vmem>> -> memref<64xi32, #tpu.memory_space<vmem>>
      %dma_wait3A_95 = arith.constant 0 : i32
      %dma_wait3A_96 = arith.constant 0 : i32
      %dma_wait3A_97 = tpu.memref_slice %arg2[%dma_wait3A_95, %dma_wait3A_96] : memref<10000x128xf32, #tpu.memory_space<hbm>> -> memref<10000x128xf32, #tpu.memory_space<hbm>>
      tpu.wait_indirect_dma semaphore(%arg13 : memref<!tpu.dma_semaphore, #tpu.memory_space<semaphore_mem>>) src(%dma_wait3A_97 : memref<10000x128xf32, #tpu.memory_space<hbm>>) dst(%arg11 : memref<64x128xf32, #tpu.memory_space<vmem>>)
      %add3A_98 = arith.constant 2 : i32
      %add3A_99 = arith.addi %mul3A_51, %add3A_98 : i32
      "tpu.region"() ({
        %run_scoped3A_100 = tpu.sem_alloc : memref<!tpu.dma_semaphore, #tpu.memory_space<semaphore_mem>>
        %dma_start3A_101 = arith.constant 0 : i32
        %dma_start3A_102 = tpu.memref_slice %arg8[%add3A_99, %dma_start3A_101] : memref<80x64xi32, #tpu.memory_space<vmem>> -> memref<1x64xi32, #tpu.memory_space<vmem>>
        %dma_start3A_103 = tpu.memref_squeeze %dma_start3A_102 : memref<1x64xi32, #tpu.memory_space<vmem>> -> memref<64xi32, #tpu.memory_space<vmem>>
        %dma_start3A_104 = arith.constant 0 : i32
        %dma_start3A_105 = arith.constant 0 : i32
        %dma_start3A_106 = tpu.memref_slice %arg12[%dma_start3A_104, %dma_start3A_105] : memref<10240x128xf32, #tpu.memory_space<vmem_shared>> -> memref<10240x128xf32, #tpu.memory_space<vmem_shared>>
        tpu.enqueue_indirect_dma source(%arg11 : memref<64x128xf32, #tpu.memory_space<vmem>>) target(%dma_start3A_106 : memref<10240x128xf32, #tpu.memory_space<vmem_shared>>) offsets(%dma_start3A_103 : memref<64xi32, #tpu.memory_space<vmem>>) semaphore(%run_scoped3A_100 : memref<!tpu.dma_semaphore, #tpu.memory_space<semaphore_mem>>) {add = true}
        %dma_wait3A_107 = arith.constant 0 : i32
        %dma_wait3A_108 = tpu.memref_slice %arg8[%add3A_99, %dma_wait3A_107] : memref<80x64xi32, #tpu.memory_space<vmem>> -> memref<1x64xi32, #tpu.memory_space<vmem>>
        %dma_wait3A_109 = tpu.memref_squeeze %dma_wait3A_108 : memref<1x64xi32, #tpu.memory_space<vmem>> -> memref<64xi32, #tpu.memory_space<vmem>>
        %dma_wait3A_110 = arith.constant 0 : i32
        %dma_wait3A_111 = arith.constant 0 : i32
        %dma_wait3A_112 = tpu.memref_slice %arg12[%dma_wait3A_110, %dma_wait3A_111] : memref<10240x128xf32, #tpu.memory_space<vmem_shared>> -> memref<10240x128xf32, #tpu.memory_space<vmem_shared>>
        tpu.wait_indirect_dma semaphore(%run_scoped3A_100 : memref<!tpu.dma_semaphore, #tpu.memory_space<semaphore_mem>>) src(%arg11 : memref<64x128xf32, #tpu.memory_space<vmem>>) dst(%dma_wait3A_112 : memref<10240x128xf32, #tpu.memory_space<vmem_shared>>)
        tpu.yield
      }) : () -> ()
    }
    %scan3A_12 = arith.constant 26 : i32
    %dma_start3A = arith.constant 78 : i32
    %dma_start3A_13 = arith.constant 0 : i32
    %dma_start3A_14 = tpu.memref_slice %arg7[%dma_start3A, %dma_start3A_13] : memref<80x64xi32, #tpu.memory_space<vmem>> -> memref<1x64xi32, #tpu.memory_space<vmem>>
    %dma_start3A_15 = tpu.memref_squeeze %dma_start3A_14 : memref<1x64xi32, #tpu.memory_space<vmem>> -> memref<64xi32, #tpu.memory_space<vmem>>
    %dma_start3A_16 = arith.constant 0 : i32
    %dma_start3A_17 = arith.constant 0 : i32
    %dma_start3A_18 = tpu.memref_slice %arg2[%dma_start3A_16, %dma_start3A_17] : memref<10000x128xf32, #tpu.memory_space<hbm>> -> memref<10000x128xf32, #tpu.memory_space<hbm>>
    tpu.enqueue_indirect_dma source(%dma_start3A_18 : memref<10000x128xf32, #tpu.memory_space<hbm>>) target(%arg9 : memref<64x128xf32, #tpu.memory_space<vmem>>) offsets(%dma_start3A_15 : memref<64xi32, #tpu.memory_space<vmem>>) semaphore(%arg13 : memref<!tpu.dma_semaphore, #tpu.memory_space<semaphore_mem>>)
    %dma_wait3A = arith.constant 78 : i32
    %dma_wait3A_19 = arith.constant 0 : i32
    %dma_wait3A_20 = tpu.memref_slice %arg7[%dma_wait3A, %dma_wait3A_19] : memref<80x64xi32, #tpu.memory_space<vmem>> -> memref<1x64xi32, #tpu.memory_space<vmem>>
    %dma_wait3A_21 = tpu.memref_squeeze %dma_wait3A_20 : memref<1x64xi32, #tpu.memory_space<vmem>> -> memref<64xi32, #tpu.memory_space<vmem>>
    %dma_wait3A_22 = arith.constant 0 : i32
    %dma_wait3A_23 = arith.constant 0 : i32
    %dma_wait3A_24 = tpu.memref_slice %arg2[%dma_wait3A_22, %dma_wait3A_23] : memref<10000x128xf32, #tpu.memory_space<hbm>> -> memref<10000x128xf32, #tpu.memory_space<hbm>>
    tpu.wait_indirect_dma semaphore(%arg13 : memref<!tpu.dma_semaphore, #tpu.memory_space<semaphore_mem>>) src(%dma_wait3A_24 : memref<10000x128xf32, #tpu.memory_space<hbm>>) dst(%arg9 : memref<64x128xf32, #tpu.memory_space<vmem>>)
    %run_scoped3A = arith.constant 78 : i32
    "tpu.region"() ({
      %run_scoped3A_45 = tpu.sem_alloc : memref<!tpu.dma_semaphore, #tpu.memory_space<semaphore_mem>>
      %dma_start3A_46 = arith.constant 0 : i32
      %dma_start3A_47 = tpu.memref_slice %arg8[%run_scoped3A, %dma_start3A_46] : memref<80x64xi32, #tpu.memory_space<vmem>> -> memref<1x64xi32, #tpu.memory_space<vmem>>
      %dma_start3A_48 = tpu.memref_squeeze %dma_start3A_47 : memref<1x64xi32, #tpu.memory_space<vmem>> -> memref<64xi32, #tpu.memory_space<vmem>>
      %dma_start3A_49 = arith.constant 0 : i32
      %dma_start3A_50 = arith.constant 0 : i32
      %dma_start3A_51 = tpu.memref_slice %arg12[%dma_start3A_49, %dma_start3A_50] : memref<10240x128xf32, #tpu.memory_space<vmem_shared>> -> memref<10240x128xf32, #tpu.memory_space<vmem_shared>>
      tpu.enqueue_indirect_dma source(%arg9 : memref<64x128xf32, #tpu.memory_space<vmem>>) target(%dma_start3A_51 : memref<10240x128xf32, #tpu.memory_space<vmem_shared>>) offsets(%dma_start3A_48 : memref<64xi32, #tpu.memory_space<vmem>>) semaphore(%run_scoped3A_45 : memref<!tpu.dma_semaphore, #tpu.memory_space<semaphore_mem>>) {add = true}
      %dma_wait3A_52 = arith.constant 0 : i32
      %dma_wait3A_53 = tpu.memref_slice %arg8[%run_scoped3A, %dma_wait3A_52] : memref<80x64xi32, #tpu.memory_space<vmem>> -> memref<1x64xi32, #tpu.memory_space<vmem>>
      %dma_wait3A_54 = tpu.memref_squeeze %dma_wait3A_53 : memref<1x64xi32, #tpu.memory_space<vmem>> -> memref<64xi32, #tpu.memory_space<vmem>>
      %dma_wait3A_55 = arith.constant 0 : i32
      %dma_wait3A_56 = arith.constant 0 : i32
      %dma_wait3A_57 = tpu.memref_slice %arg12[%dma_wait3A_55, %dma_wait3A_56] : memref<10240x128xf32, #tpu.memory_space<vmem_shared>> -> memref<10240x128xf32, #tpu.memory_space<vmem_shared>>
      tpu.wait_indirect_dma semaphore(%run_scoped3A_45 : memref<!tpu.dma_semaphore, #tpu.memory_space<semaphore_mem>>) src(%arg9 : memref<64x128xf32, #tpu.memory_space<vmem>>) dst(%dma_wait3A_57 : memref<10240x128xf32, #tpu.memory_space<vmem_shared>>)
      tpu.yield
    }) : () -> ()
    %dma_start3A_25 = arith.constant 79 : i32
    %dma_start3A_26 = arith.constant 0 : i32
    %dma_start3A_27 = tpu.memref_slice %arg7[%dma_start3A_25, %dma_start3A_26] : memref<80x64xi32, #tpu.memory_space<vmem>> -> memref<1x64xi32, #tpu.memory_space<vmem>>
    %dma_start3A_28 = tpu.memref_squeeze %dma_start3A_27 : memref<1x64xi32, #tpu.memory_space<vmem>> -> memref<64xi32, #tpu.memory_space<vmem>>
    %dma_start3A_29 = arith.constant 0 : i32
    %dma_start3A_30 = arith.constant 0 : i32
    %dma_start3A_31 = tpu.memref_slice %arg2[%dma_start3A_29, %dma_start3A_30] : memref<10000x128xf32, #tpu.memory_space<hbm>> -> memref<10000x128xf32, #tpu.memory_space<hbm>>
    tpu.enqueue_indirect_dma source(%dma_start3A_31 : memref<10000x128xf32, #tpu.memory_space<hbm>>) target(%arg10 : memref<64x128xf32, #tpu.memory_space<vmem>>) offsets(%dma_start3A_28 : memref<64xi32, #tpu.memory_space<vmem>>) semaphore(%arg13 : memref<!tpu.dma_semaphore, #tpu.memory_space<semaphore_mem>>)
    %dma_wait3A_32 = arith.constant 79 : i32
    %dma_wait3A_33 = arith.constant 0 : i32
    %dma_wait3A_34 = tpu.memref_slice %arg7[%dma_wait3A_32, %dma_wait3A_33] : memref<80x64xi32, #tpu.memory_space<vmem>> -> memref<1x64xi32, #tpu.memory_space<vmem>>
    %dma_wait3A_35 = tpu.memref_squeeze %dma_wait3A_34 : memref<1x64xi32, #tpu.memory_space<vmem>> -> memref<64xi32, #tpu.memory_space<vmem>>
    %dma_wait3A_36 = arith.constant 0 : i32
    %dma_wait3A_37 = arith.constant 0 : i32
    %dma_wait3A_38 = tpu.memref_slice %arg2[%dma_wait3A_36, %dma_wait3A_37] : memref<10000x128xf32, #tpu.memory_space<hbm>> -> memref<10000x128xf32, #tpu.memory_space<hbm>>
    tpu.wait_indirect_dma semaphore(%arg13 : memref<!tpu.dma_semaphore, #tpu.memory_space<semaphore_mem>>) src(%dma_wait3A_38 : memref<10000x128xf32, #tpu.memory_space<hbm>>) dst(%arg10 : memref<64x128xf32, #tpu.memory_space<vmem>>)
    %run_scoped3A_39 = arith.constant 79 : i32
    "tpu.region"() ({
      %run_scoped3A_45 = tpu.sem_alloc : memref<!tpu.dma_semaphore, #tpu.memory_space<semaphore_mem>>
      %dma_start3A_46 = arith.constant 0 : i32
      %dma_start3A_47 = tpu.memref_slice %arg8[%run_scoped3A_39, %dma_start3A_46] : memref<80x64xi32, #tpu.memory_space<vmem>> -> memref<1x64xi32, #tpu.memory_space<vmem>>
      %dma_start3A_48 = tpu.memref_squeeze %dma_start3A_47 : memref<1x64xi32, #tpu.memory_space<vmem>> -> memref<64xi32, #tpu.memory_space<vmem>>
      %dma_start3A_49 = arith.constant 0 : i32
      %dma_start3A_50 = arith.constant 0 : i32
      %dma_start3A_51 = tpu.memref_slice %arg12[%dma_start3A_49, %dma_start3A_50] : memref<10240x128xf32, #tpu.memory_space<vmem_shared>> -> memref<10240x128xf32, #tpu.memory_space<vmem_shared>>
      tpu.enqueue_indirect_dma source(%arg10 : memref<64x128xf32, #tpu.memory_space<vmem>>) target(%dma_start3A_51 : memref<10240x128xf32, #tpu.memory_space<vmem_shared>>) offsets(%dma_start3A_48 : memref<64xi32, #tpu.memory_space<vmem>>) semaphore(%run_scoped3A_45 : memref<!tpu.dma_semaphore, #tpu.memory_space<semaphore_mem>>) {add = true}
      %dma_wait3A_52 = arith.constant 0 : i32
      %dma_wait3A_53 = tpu.memref_slice %arg8[%run_scoped3A_39, %dma_wait3A_52] : memref<80x64xi32, #tpu.memory_space<vmem>> -> memref<1x64xi32, #tpu.memory_space<vmem>>
      %dma_wait3A_54 = tpu.memref_squeeze %dma_wait3A_53 : memref<1x64xi32, #tpu.memory_space<vmem>> -> memref<64xi32, #tpu.memory_space<vmem>>
      %dma_wait3A_55 = arith.constant 0 : i32
      %dma_wait3A_56 = arith.constant 0 : i32
      %dma_wait3A_57 = tpu.memref_slice %arg12[%dma_wait3A_55, %dma_wait3A_56] : memref<10240x128xf32, #tpu.memory_space<vmem_shared>> -> memref<10240x128xf32, #tpu.memory_space<vmem_shared>>
      tpu.wait_indirect_dma semaphore(%run_scoped3A_45 : memref<!tpu.dma_semaphore, #tpu.memory_space<semaphore_mem>>) src(%arg10 : memref<64x128xf32, #tpu.memory_space<vmem>>) dst(%dma_wait3A_57 : memref<10240x128xf32, #tpu.memory_space<vmem_shared>>)
      tpu.yield
    }) : () -> ()
    %barrier3A_40 = arith.constant 0 : index
    tpu.barrier barrier_id(%barrier3A_40)
    %mul3A_41 = arith.constant 640 : i32
    %mul3A_42 = arith.muli %arg1, %mul3A_41 : i32
    %mul3A_43 = arith.constant 640 : i32
    %mul3A_44 = arith.muli %arg1, %mul3A_43 : i32
    "tpu.region"() ({
      %run_scoped3A_45 = tpu.sem_alloc : memref<!tpu.dma_semaphore, #tpu.memory_space<semaphore_mem>>
      %dma_start3A_46 = arith.constant 0 : i32
      %dma_start3A_47 = tpu.memref_slice %arg6[%arg0, %mul3A_44, %dma_start3A_46] : memref<2x10240x128xf32, #tpu.memory_space<hbm>> -> memref<1x640x128xf32, #tpu.memory_space<hbm>>
      %dma_start3A_48 = tpu.memref_squeeze %dma_start3A_47 : memref<1x640x128xf32, #tpu.memory_space<hbm>> -> memref<640x128xf32, #tpu.memory_space<hbm>>
      %dma_start3A_49 = arith.constant 0 : i32
      %dma_start3A_50 = tpu.memref_slice %arg12[%mul3A_42, %dma_start3A_49] : memref<10240x128xf32, #tpu.memory_space<vmem_shared>> -> memref<640x128xf32, #tpu.memory_space<vmem_shared>>
      tpu.enqueue_dma source(%dma_start3A_50 : memref<640x128xf32, #tpu.memory_space<vmem_shared>>) target(%dma_start3A_48 : memref<640x128xf32, #tpu.memory_space<hbm>>) target_semaphore(%run_scoped3A_45 : memref<!tpu.dma_semaphore, #tpu.memory_space<semaphore_mem>>)
      %dma_wait3A_51 = arith.constant 0 : i32
      %dma_wait3A_52 = tpu.memref_slice %arg6[%arg0, %mul3A_44, %dma_wait3A_51] : memref<2x10240x128xf32, #tpu.memory_space<hbm>> -> memref<1x640x128xf32, #tpu.memory_space<hbm>>
      %dma_wait3A_53 = tpu.memref_squeeze %dma_wait3A_52 : memref<1x640x128xf32, #tpu.memory_space<hbm>> -> memref<640x128xf32, #tpu.memory_space<hbm>>
      %dma_wait3A_54 = arith.constant 0 : i32
      %dma_wait3A_55 = tpu.memref_slice %arg12[%mul3A_42, %dma_wait3A_54] : memref<10240x128xf32, #tpu.memory_space<vmem_shared>> -> memref<640x128xf32, #tpu.memory_space<vmem_shared>>
      tpu.wait_dma2 semaphore(%run_scoped3A_45 : memref<!tpu.dma_semaphore, #tpu.memory_space<semaphore_mem>>) src(%dma_wait3A_55 : memref<640x128xf32, #tpu.memory_space<vmem_shared>>) dst(%dma_wait3A_53 : memref<640x128xf32, #tpu.memory_space<hbm>>)
      tpu.yield
    }) : () -> ()
    return
  }
}

#map = affine_map<(d0, d1) -> (0, 0)>
#map1 = affine_map<(d0, d1) -> (0, 0, 0)>
module attributes {stable_mosaic.version = 14 : i64} {
  func.func @k(%arg0: i32, %arg1: i32, %arg2: memref<2560x64xi32, #tpu.memory_space<hbm>>, %arg3: memref<512x64xi32, #tpu.memory_space<hbm>>, %arg4: memref<64x128xf32, #tpu.memory_space<hbm>>, %arg5: memref<10240x128xf32, #tpu.memory_space<hbm>>, %arg6: memref<2176x128xf32, #tpu.memory_space<hbm>>, %arg7: memref<2x10240x128xf32, #tpu.memory_space<hbm>>, %arg8: memref<2x2176x128xf32, #tpu.memory_space<hbm>>, %arg9: memref<80x64xi32, #tpu.memory_space<vmem>>, %arg10: memref<16x64xi32, #tpu.memory_space<vmem>>, %arg11: memref<64x128xf32, #tpu.memory_space<vmem>>, %arg12: memref<10240x128xf32, #tpu.memory_space<vmem_shared>>, %arg13: memref<2176x128xf32, #tpu.memory_space<vmem_shared>>, %arg14: memref<!tpu.dma_semaphore, #tpu.memory_space<semaphore_mem>>) attributes {dimension_semantics = [#tpu.dimension_semantics<core_parallel>, #tpu.dimension_semantics<subcore_parallel>], iteration_bounds = array<i64: 2, 16>, scalar_prefetch = 0 : i64, scratch_operands = 6 : i64, tpu.core_type = #tpu.core_type<sc_vector_subcore>, window_params = [{transform_indices = #map}, {transform_indices = #map}, {transform_indices = #map}, {transform_indices = #map}, {transform_indices = #map}, {transform_indices = #map1}, {transform_indices = #map1}]} {
    %mul3A = arith.constant 16 : i32
    %mul3A_0 = arith.muli %arg0, %mul3A : i32
    %add3A = arith.addi %mul3A_0, %arg1 : i32
    %mul3A_1 = arith.constant 640 : i32
    %mul3A_2 = arith.muli %arg1, %mul3A_1 : i32
    %mul3A_3 = arith.constant 640 : i32
    %mul3A_4 = arith.muli %arg1, %mul3A_3 : i32
    "tpu.region"() ({
      %run_scoped3A = tpu.sem_alloc : memref<!tpu.dma_semaphore, #tpu.memory_space<semaphore_mem>>
      %dma_start3A = arith.constant 0 : i32
      %dma_start3A_31 = tpu.memref_slice %arg12[%mul3A_4, %dma_start3A] : memref<10240x128xf32, #tpu.memory_space<vmem_shared>> -> memref<640x128xf32, #tpu.memory_space<vmem_shared>>
      %dma_start3A_32 = arith.constant 0 : i32
      %dma_start3A_33 = tpu.memref_slice %arg5[%mul3A_2, %dma_start3A_32] : memref<10240x128xf32, #tpu.memory_space<hbm>> -> memref<640x128xf32, #tpu.memory_space<hbm>>
      tpu.enqueue_dma source(%dma_start3A_33 : memref<640x128xf32, #tpu.memory_space<hbm>>) target(%dma_start3A_31 : memref<640x128xf32, #tpu.memory_space<vmem_shared>>) target_semaphore(%run_scoped3A : memref<!tpu.dma_semaphore, #tpu.memory_space<semaphore_mem>>)
      %dma_wait3A = arith.constant 0 : i32
      %dma_wait3A_34 = tpu.memref_slice %arg12[%mul3A_4, %dma_wait3A] : memref<10240x128xf32, #tpu.memory_space<vmem_shared>> -> memref<640x128xf32, #tpu.memory_space<vmem_shared>>
      %dma_wait3A_35 = arith.constant 0 : i32
      %dma_wait3A_36 = tpu.memref_slice %arg5[%mul3A_2, %dma_wait3A_35] : memref<10240x128xf32, #tpu.memory_space<hbm>> -> memref<640x128xf32, #tpu.memory_space<hbm>>
      tpu.wait_dma2 semaphore(%run_scoped3A : memref<!tpu.dma_semaphore, #tpu.memory_space<semaphore_mem>>) src(%dma_wait3A_36 : memref<640x128xf32, #tpu.memory_space<hbm>>) dst(%dma_wait3A_34 : memref<640x128xf32, #tpu.memory_space<vmem_shared>>)
      tpu.yield
    }) : () -> ()
    %mul3A_5 = arith.constant 136 : i32
    %mul3A_6 = arith.muli %arg1, %mul3A_5 : i32
    %mul3A_7 = arith.constant 136 : i32
    %mul3A_8 = arith.muli %arg1, %mul3A_7 : i32
    "tpu.region"() ({
      %run_scoped3A = tpu.sem_alloc : memref<!tpu.dma_semaphore, #tpu.memory_space<semaphore_mem>>
      %dma_start3A = arith.constant 0 : i32
      %dma_start3A_31 = tpu.memref_slice %arg13[%mul3A_8, %dma_start3A] : memref<2176x128xf32, #tpu.memory_space<vmem_shared>> -> memref<136x128xf32, #tpu.memory_space<vmem_shared>>
      %dma_start3A_32 = arith.constant 0 : i32
      %dma_start3A_33 = tpu.memref_slice %arg6[%mul3A_6, %dma_start3A_32] : memref<2176x128xf32, #tpu.memory_space<hbm>> -> memref<136x128xf32, #tpu.memory_space<hbm>>
      tpu.enqueue_dma source(%dma_start3A_33 : memref<136x128xf32, #tpu.memory_space<hbm>>) target(%dma_start3A_31 : memref<136x128xf32, #tpu.memory_space<vmem_shared>>) target_semaphore(%run_scoped3A : memref<!tpu.dma_semaphore, #tpu.memory_space<semaphore_mem>>)
      %dma_wait3A = arith.constant 0 : i32
      %dma_wait3A_34 = tpu.memref_slice %arg13[%mul3A_8, %dma_wait3A] : memref<2176x128xf32, #tpu.memory_space<vmem_shared>> -> memref<136x128xf32, #tpu.memory_space<vmem_shared>>
      %dma_wait3A_35 = arith.constant 0 : i32
      %dma_wait3A_36 = tpu.memref_slice %arg6[%mul3A_6, %dma_wait3A_35] : memref<2176x128xf32, #tpu.memory_space<hbm>> -> memref<136x128xf32, #tpu.memory_space<hbm>>
      tpu.wait_dma2 semaphore(%run_scoped3A : memref<!tpu.dma_semaphore, #tpu.memory_space<semaphore_mem>>) src(%dma_wait3A_36 : memref<136x128xf32, #tpu.memory_space<hbm>>) dst(%dma_wait3A_34 : memref<136x128xf32, #tpu.memory_space<vmem_shared>>)
      tpu.yield
    }) : () -> ()
    "tpu.region"() ({
      %run_scoped3A = tpu.sem_alloc : memref<!tpu.dma_semaphore, #tpu.memory_space<semaphore_mem>>
      tpu.enqueue_dma source(%arg4 : memref<64x128xf32, #tpu.memory_space<hbm>>) target(%arg11 : memref<64x128xf32, #tpu.memory_space<vmem>>) target_semaphore(%run_scoped3A : memref<!tpu.dma_semaphore, #tpu.memory_space<semaphore_mem>>)
      tpu.wait_dma2 semaphore(%run_scoped3A : memref<!tpu.dma_semaphore, #tpu.memory_space<semaphore_mem>>) src(%arg4 : memref<64x128xf32, #tpu.memory_space<hbm>>) dst(%arg11 : memref<64x128xf32, #tpu.memory_space<vmem>>)
      tpu.yield
    }) : () -> ()
    %mul3A_9 = arith.constant 80 : i32
    %mul3A_10 = arith.muli %add3A, %mul3A_9 : i32
    "tpu.region"() ({
      %run_scoped3A = tpu.sem_alloc : memref<!tpu.dma_semaphore, #tpu.memory_space<semaphore_mem>>
      %dma_start3A = arith.constant 0 : i32
      %dma_start3A_31 = tpu.memref_slice %arg2[%mul3A_10, %dma_start3A] : memref<2560x64xi32, #tpu.memory_space<hbm>> -> memref<80x64xi32, #tpu.memory_space<hbm>>
      %dma_start3A_32 = arith.constant 0 : i32
      %dma_start3A_33 = tpu.memref_slice %arg2[%mul3A_10, %dma_start3A_32] : memref<2560x64xi32, #tpu.memory_space<hbm>> -> memref<80x64xi32, #tpu.memory_space<hbm>>
      tpu.enqueue_dma source(%dma_start3A_33 : memref<80x64xi32, #tpu.memory_space<hbm>>) target(%arg9 : memref<80x64xi32, #tpu.memory_space<vmem>>) target_semaphore(%run_scoped3A : memref<!tpu.dma_semaphore, #tpu.memory_space<semaphore_mem>>)
      %dma_wait3A = arith.constant 0 : i32
      %dma_wait3A_34 = tpu.memref_slice %arg2[%mul3A_10, %dma_wait3A] : memref<2560x64xi32, #tpu.memory_space<hbm>> -> memref<80x64xi32, #tpu.memory_space<hbm>>
      %dma_wait3A_35 = arith.constant 0 : i32
      %dma_wait3A_36 = tpu.memref_slice %arg2[%mul3A_10, %dma_wait3A_35] : memref<2560x64xi32, #tpu.memory_space<hbm>> -> memref<80x64xi32, #tpu.memory_space<hbm>>
      tpu.wait_dma2 semaphore(%run_scoped3A : memref<!tpu.dma_semaphore, #tpu.memory_space<semaphore_mem>>) src(%dma_wait3A_36 : memref<80x64xi32, #tpu.memory_space<hbm>>) dst(%arg9 : memref<80x64xi32, #tpu.memory_space<vmem>>)
      tpu.yield
    }) : () -> ()
    %mul3A_11 = arith.constant 16 : i32
    %mul3A_12 = arith.muli %add3A, %mul3A_11 : i32
    "tpu.region"() ({
      %run_scoped3A = tpu.sem_alloc : memref<!tpu.dma_semaphore, #tpu.memory_space<semaphore_mem>>
      %dma_start3A = arith.constant 0 : i32
      %dma_start3A_31 = tpu.memref_slice %arg3[%mul3A_12, %dma_start3A] : memref<512x64xi32, #tpu.memory_space<hbm>> -> memref<16x64xi32, #tpu.memory_space<hbm>>
      %dma_start3A_32 = arith.constant 0 : i32
      %dma_start3A_33 = tpu.memref_slice %arg3[%mul3A_12, %dma_start3A_32] : memref<512x64xi32, #tpu.memory_space<hbm>> -> memref<16x64xi32, #tpu.memory_space<hbm>>
      tpu.enqueue_dma source(%dma_start3A_33 : memref<16x64xi32, #tpu.memory_space<hbm>>) target(%arg10 : memref<16x64xi32, #tpu.memory_space<vmem>>) target_semaphore(%run_scoped3A : memref<!tpu.dma_semaphore, #tpu.memory_space<semaphore_mem>>)
      %dma_wait3A = arith.constant 0 : i32
      %dma_wait3A_34 = tpu.memref_slice %arg3[%mul3A_12, %dma_wait3A] : memref<512x64xi32, #tpu.memory_space<hbm>> -> memref<16x64xi32, #tpu.memory_space<hbm>>
      %dma_wait3A_35 = arith.constant 0 : i32
      %dma_wait3A_36 = tpu.memref_slice %arg3[%mul3A_12, %dma_wait3A_35] : memref<512x64xi32, #tpu.memory_space<hbm>> -> memref<16x64xi32, #tpu.memory_space<hbm>>
      tpu.wait_dma2 semaphore(%run_scoped3A : memref<!tpu.dma_semaphore, #tpu.memory_space<semaphore_mem>>) src(%dma_wait3A_36 : memref<16x64xi32, #tpu.memory_space<hbm>>) dst(%arg10 : memref<16x64xi32, #tpu.memory_space<vmem>>)
      tpu.yield
    }) : () -> ()
    %barrier3A = arith.constant 0 : index
    tpu.barrier barrier_id(%barrier3A)
    %scan3A = arith.constant 0 : i32
    %scan3A_13 = arith.constant 20 : i32
    %scan3A_14 = arith.addi %scan3A, %scan3A_13 : i32
    %scan3A_15 = arith.constant 1 : i32
    scf.for %scan3A_31 = %scan3A to %scan3A_14 step %scan3A_15  : i32 {
      %mul3A_32 = arith.constant 1 : i32
      %mul3A_33 = arith.muli %scan3A_31, %mul3A_32 : i32
      %add3A_34 = arith.constant 0 : i32
      %add3A_35 = arith.addi %add3A_34, %mul3A_33 : i32
      %mul3A_36 = arith.constant 4 : i32
      %mul3A_37 = arith.muli %mul3A_36, %add3A_35 : i32
      %add3A_38 = arith.constant 0 : i32
      %add3A_39 = arith.addi %mul3A_37, %add3A_38 : i32
      %dma_start3A = arith.constant 0 : i32
      %dma_start3A_40 = tpu.memref_slice %arg9[%add3A_39, %dma_start3A] : memref<80x64xi32, #tpu.memory_space<vmem>> -> memref<1x64xi32, #tpu.memory_space<vmem>>
      %dma_start3A_41 = tpu.memref_squeeze %dma_start3A_40 : memref<1x64xi32, #tpu.memory_space<vmem>> -> memref<64xi32, #tpu.memory_space<vmem>>
      %dma_start3A_42 = arith.constant 0 : i32
      %dma_start3A_43 = arith.constant 0 : i32
      %dma_start3A_44 = tpu.memref_slice %arg12[%dma_start3A_42, %dma_start3A_43] : memref<10240x128xf32, #tpu.memory_space<vmem_shared>> -> memref<10240x128xf32, #tpu.memory_space<vmem_shared>>
      tpu.enqueue_indirect_dma source(%arg11 : memref<64x128xf32, #tpu.memory_space<vmem>>) target(%dma_start3A_44 : memref<10240x128xf32, #tpu.memory_space<vmem_shared>>) offsets(%dma_start3A_41 : memref<64xi32, #tpu.memory_space<vmem>>) semaphore(%arg14 : memref<!tpu.dma_semaphore, #tpu.memory_space<semaphore_mem>>) {add = true}
      %add3A_45 = arith.constant 1 : i32
      %add3A_46 = arith.addi %mul3A_37, %add3A_45 : i32
      %dma_start3A_47 = arith.constant 0 : i32
      %dma_start3A_48 = tpu.memref_slice %arg9[%add3A_46, %dma_start3A_47] : memref<80x64xi32, #tpu.memory_space<vmem>> -> memref<1x64xi32, #tpu.memory_space<vmem>>
      %dma_start3A_49 = tpu.memref_squeeze %dma_start3A_48 : memref<1x64xi32, #tpu.memory_space<vmem>> -> memref<64xi32, #tpu.memory_space<vmem>>
      %dma_start3A_50 = arith.constant 0 : i32
      %dma_start3A_51 = arith.constant 0 : i32
      %dma_start3A_52 = tpu.memref_slice %arg12[%dma_start3A_50, %dma_start3A_51] : memref<10240x128xf32, #tpu.memory_space<vmem_shared>> -> memref<10240x128xf32, #tpu.memory_space<vmem_shared>>
      tpu.enqueue_indirect_dma source(%arg11 : memref<64x128xf32, #tpu.memory_space<vmem>>) target(%dma_start3A_52 : memref<10240x128xf32, #tpu.memory_space<vmem_shared>>) offsets(%dma_start3A_49 : memref<64xi32, #tpu.memory_space<vmem>>) semaphore(%arg14 : memref<!tpu.dma_semaphore, #tpu.memory_space<semaphore_mem>>) {add = true}
      %add3A_53 = arith.constant 2 : i32
      %add3A_54 = arith.addi %mul3A_37, %add3A_53 : i32
      %dma_start3A_55 = arith.constant 0 : i32
      %dma_start3A_56 = tpu.memref_slice %arg9[%add3A_54, %dma_start3A_55] : memref<80x64xi32, #tpu.memory_space<vmem>> -> memref<1x64xi32, #tpu.memory_space<vmem>>
      %dma_start3A_57 = tpu.memref_squeeze %dma_start3A_56 : memref<1x64xi32, #tpu.memory_space<vmem>> -> memref<64xi32, #tpu.memory_space<vmem>>
      %dma_start3A_58 = arith.constant 0 : i32
      %dma_start3A_59 = arith.constant 0 : i32
      %dma_start3A_60 = tpu.memref_slice %arg12[%dma_start3A_58, %dma_start3A_59] : memref<10240x128xf32, #tpu.memory_space<vmem_shared>> -> memref<10240x128xf32, #tpu.memory_space<vmem_shared>>
      tpu.enqueue_indirect_dma source(%arg11 : memref<64x128xf32, #tpu.memory_space<vmem>>) target(%dma_start3A_60 : memref<10240x128xf32, #tpu.memory_space<vmem_shared>>) offsets(%dma_start3A_57 : memref<64xi32, #tpu.memory_space<vmem>>) semaphore(%arg14 : memref<!tpu.dma_semaphore, #tpu.memory_space<semaphore_mem>>) {add = true}
      %add3A_61 = arith.constant 3 : i32
      %add3A_62 = arith.addi %mul3A_37, %add3A_61 : i32
      %dma_start3A_63 = arith.constant 0 : i32
      %dma_start3A_64 = tpu.memref_slice %arg9[%add3A_62, %dma_start3A_63] : memref<80x64xi32, #tpu.memory_space<vmem>> -> memref<1x64xi32, #tpu.memory_space<vmem>>
      %dma_start3A_65 = tpu.memref_squeeze %dma_start3A_64 : memref<1x64xi32, #tpu.memory_space<vmem>> -> memref<64xi32, #tpu.memory_space<vmem>>
      %dma_start3A_66 = arith.constant 0 : i32
      %dma_start3A_67 = arith.constant 0 : i32
      %dma_start3A_68 = tpu.memref_slice %arg12[%dma_start3A_66, %dma_start3A_67] : memref<10240x128xf32, #tpu.memory_space<vmem_shared>> -> memref<10240x128xf32, #tpu.memory_space<vmem_shared>>
      tpu.enqueue_indirect_dma source(%arg11 : memref<64x128xf32, #tpu.memory_space<vmem>>) target(%dma_start3A_68 : memref<10240x128xf32, #tpu.memory_space<vmem_shared>>) offsets(%dma_start3A_65 : memref<64xi32, #tpu.memory_space<vmem>>) semaphore(%arg14 : memref<!tpu.dma_semaphore, #tpu.memory_space<semaphore_mem>>) {add = true}
      %dma_wait3A = arith.constant 0 : i32
      %dma_wait3A_69 = tpu.memref_slice %arg9[%add3A_39, %dma_wait3A] : memref<80x64xi32, #tpu.memory_space<vmem>> -> memref<1x64xi32, #tpu.memory_space<vmem>>
      %dma_wait3A_70 = tpu.memref_squeeze %dma_wait3A_69 : memref<1x64xi32, #tpu.memory_space<vmem>> -> memref<64xi32, #tpu.memory_space<vmem>>
      %dma_wait3A_71 = arith.constant 0 : i32
      %dma_wait3A_72 = arith.constant 0 : i32
      %dma_wait3A_73 = tpu.memref_slice %arg12[%dma_wait3A_71, %dma_wait3A_72] : memref<10240x128xf32, #tpu.memory_space<vmem_shared>> -> memref<10240x128xf32, #tpu.memory_space<vmem_shared>>
      tpu.wait_indirect_dma semaphore(%arg14 : memref<!tpu.dma_semaphore, #tpu.memory_space<semaphore_mem>>) src(%arg11 : memref<64x128xf32, #tpu.memory_space<vmem>>) dst(%dma_wait3A_73 : memref<10240x128xf32, #tpu.memory_space<vmem_shared>>)
      %dma_wait3A_74 = arith.constant 0 : i32
      %dma_wait3A_75 = tpu.memref_slice %arg9[%add3A_46, %dma_wait3A_74] : memref<80x64xi32, #tpu.memory_space<vmem>> -> memref<1x64xi32, #tpu.memory_space<vmem>>
      %dma_wait3A_76 = tpu.memref_squeeze %dma_wait3A_75 : memref<1x64xi32, #tpu.memory_space<vmem>> -> memref<64xi32, #tpu.memory_space<vmem>>
      %dma_wait3A_77 = arith.constant 0 : i32
      %dma_wait3A_78 = arith.constant 0 : i32
      %dma_wait3A_79 = tpu.memref_slice %arg12[%dma_wait3A_77, %dma_wait3A_78] : memref<10240x128xf32, #tpu.memory_space<vmem_shared>> -> memref<10240x128xf32, #tpu.memory_space<vmem_shared>>
      tpu.wait_indirect_dma semaphore(%arg14 : memref<!tpu.dma_semaphore, #tpu.memory_space<semaphore_mem>>) src(%arg11 : memref<64x128xf32, #tpu.memory_space<vmem>>) dst(%dma_wait3A_79 : memref<10240x128xf32, #tpu.memory_space<vmem_shared>>)
      %dma_wait3A_80 = arith.constant 0 : i32
      %dma_wait3A_81 = tpu.memref_slice %arg9[%add3A_54, %dma_wait3A_80] : memref<80x64xi32, #tpu.memory_space<vmem>> -> memref<1x64xi32, #tpu.memory_space<vmem>>
      %dma_wait3A_82 = tpu.memref_squeeze %dma_wait3A_81 : memref<1x64xi32, #tpu.memory_space<vmem>> -> memref<64xi32, #tpu.memory_space<vmem>>
      %dma_wait3A_83 = arith.constant 0 : i32
      %dma_wait3A_84 = arith.constant 0 : i32
      %dma_wait3A_85 = tpu.memref_slice %arg12[%dma_wait3A_83, %dma_wait3A_84] : memref<10240x128xf32, #tpu.memory_space<vmem_shared>> -> memref<10240x128xf32, #tpu.memory_space<vmem_shared>>
      tpu.wait_indirect_dma semaphore(%arg14 : memref<!tpu.dma_semaphore, #tpu.memory_space<semaphore_mem>>) src(%arg11 : memref<64x128xf32, #tpu.memory_space<vmem>>) dst(%dma_wait3A_85 : memref<10240x128xf32, #tpu.memory_space<vmem_shared>>)
      %dma_wait3A_86 = arith.constant 0 : i32
      %dma_wait3A_87 = tpu.memref_slice %arg9[%add3A_62, %dma_wait3A_86] : memref<80x64xi32, #tpu.memory_space<vmem>> -> memref<1x64xi32, #tpu.memory_space<vmem>>
      %dma_wait3A_88 = tpu.memref_squeeze %dma_wait3A_87 : memref<1x64xi32, #tpu.memory_space<vmem>> -> memref<64xi32, #tpu.memory_space<vmem>>
      %dma_wait3A_89 = arith.constant 0 : i32
      %dma_wait3A_90 = arith.constant 0 : i32
      %dma_wait3A_91 = tpu.memref_slice %arg12[%dma_wait3A_89, %dma_wait3A_90] : memref<10240x128xf32, #tpu.memory_space<vmem_shared>> -> memref<10240x128xf32, #tpu.memory_space<vmem_shared>>
      tpu.wait_indirect_dma semaphore(%arg14 : memref<!tpu.dma_semaphore, #tpu.memory_space<semaphore_mem>>) src(%arg11 : memref<64x128xf32, #tpu.memory_space<vmem>>) dst(%dma_wait3A_91 : memref<10240x128xf32, #tpu.memory_space<vmem_shared>>)
    }
    %scan3A_16 = arith.constant 20 : i32
    %scan3A_17 = arith.constant 0 : i32
    %scan3A_18 = arith.constant 4 : i32
    %scan3A_19 = arith.addi %scan3A_17, %scan3A_18 : i32
    %scan3A_20 = arith.constant 1 : i32
    scf.for %scan3A_31 = %scan3A_17 to %scan3A_19 step %scan3A_20  : i32 {
      %mul3A_32 = arith.constant 1 : i32
      %mul3A_33 = arith.muli %scan3A_31, %mul3A_32 : i32
      %add3A_34 = arith.constant 0 : i32
      %add3A_35 = arith.addi %add3A_34, %mul3A_33 : i32
      %mul3A_36 = arith.constant 4 : i32
      %mul3A_37 = arith.muli %mul3A_36, %add3A_35 : i32
      %add3A_38 = arith.constant 0 : i32
      %add3A_39 = arith.addi %mul3A_37, %add3A_38 : i32
      %dma_start3A = arith.constant 0 : i32
      %dma_start3A_40 = tpu.memref_slice %arg10[%add3A_39, %dma_start3A] : memref<16x64xi32, #tpu.memory_space<vmem>> -> memref<1x64xi32, #tpu.memory_space<vmem>>
      %dma_start3A_41 = tpu.memref_squeeze %dma_start3A_40 : memref<1x64xi32, #tpu.memory_space<vmem>> -> memref<64xi32, #tpu.memory_space<vmem>>
      %dma_start3A_42 = arith.constant 0 : i32
      %dma_start3A_43 = arith.constant 0 : i32
      %dma_start3A_44 = tpu.memref_slice %arg13[%dma_start3A_42, %dma_start3A_43] : memref<2176x128xf32, #tpu.memory_space<vmem_shared>> -> memref<2176x128xf32, #tpu.memory_space<vmem_shared>>
      tpu.enqueue_indirect_dma source(%arg11 : memref<64x128xf32, #tpu.memory_space<vmem>>) target(%dma_start3A_44 : memref<2176x128xf32, #tpu.memory_space<vmem_shared>>) offsets(%dma_start3A_41 : memref<64xi32, #tpu.memory_space<vmem>>) semaphore(%arg14 : memref<!tpu.dma_semaphore, #tpu.memory_space<semaphore_mem>>) {add = true}
      %add3A_45 = arith.constant 1 : i32
      %add3A_46 = arith.addi %mul3A_37, %add3A_45 : i32
      %dma_start3A_47 = arith.constant 0 : i32
      %dma_start3A_48 = tpu.memref_slice %arg10[%add3A_46, %dma_start3A_47] : memref<16x64xi32, #tpu.memory_space<vmem>> -> memref<1x64xi32, #tpu.memory_space<vmem>>
      %dma_start3A_49 = tpu.memref_squeeze %dma_start3A_48 : memref<1x64xi32, #tpu.memory_space<vmem>> -> memref<64xi32, #tpu.memory_space<vmem>>
      %dma_start3A_50 = arith.constant 0 : i32
      %dma_start3A_51 = arith.constant 0 : i32
      %dma_start3A_52 = tpu.memref_slice %arg13[%dma_start3A_50, %dma_start3A_51] : memref<2176x128xf32, #tpu.memory_space<vmem_shared>> -> memref<2176x128xf32, #tpu.memory_space<vmem_shared>>
      tpu.enqueue_indirect_dma source(%arg11 : memref<64x128xf32, #tpu.memory_space<vmem>>) target(%dma_start3A_52 : memref<2176x128xf32, #tpu.memory_space<vmem_shared>>) offsets(%dma_start3A_49 : memref<64xi32, #tpu.memory_space<vmem>>) semaphore(%arg14 : memref<!tpu.dma_semaphore, #tpu.memory_space<semaphore_mem>>) {add = true}
      %add3A_53 = arith.constant 2 : i32
      %add3A_54 = arith.addi %mul3A_37, %add3A_53 : i32
      %dma_start3A_55 = arith.constant 0 : i32
      %dma_start3A_56 = tpu.memref_slice %arg10[%add3A_54, %dma_start3A_55] : memref<16x64xi32, #tpu.memory_space<vmem>> -> memref<1x64xi32, #tpu.memory_space<vmem>>
      %dma_start3A_57 = tpu.memref_squeeze %dma_start3A_56 : memref<1x64xi32, #tpu.memory_space<vmem>> -> memref<64xi32, #tpu.memory_space<vmem>>
      %dma_start3A_58 = arith.constant 0 : i32
      %dma_start3A_59 = arith.constant 0 : i32
      %dma_start3A_60 = tpu.memref_slice %arg13[%dma_start3A_58, %dma_start3A_59] : memref<2176x128xf32, #tpu.memory_space<vmem_shared>> -> memref<2176x128xf32, #tpu.memory_space<vmem_shared>>
      tpu.enqueue_indirect_dma source(%arg11 : memref<64x128xf32, #tpu.memory_space<vmem>>) target(%dma_start3A_60 : memref<2176x128xf32, #tpu.memory_space<vmem_shared>>) offsets(%dma_start3A_57 : memref<64xi32, #tpu.memory_space<vmem>>) semaphore(%arg14 : memref<!tpu.dma_semaphore, #tpu.memory_space<semaphore_mem>>) {add = true}
      %add3A_61 = arith.constant 3 : i32
      %add3A_62 = arith.addi %mul3A_37, %add3A_61 : i32
      %dma_start3A_63 = arith.constant 0 : i32
      %dma_start3A_64 = tpu.memref_slice %arg10[%add3A_62, %dma_start3A_63] : memref<16x64xi32, #tpu.memory_space<vmem>> -> memref<1x64xi32, #tpu.memory_space<vmem>>
      %dma_start3A_65 = tpu.memref_squeeze %dma_start3A_64 : memref<1x64xi32, #tpu.memory_space<vmem>> -> memref<64xi32, #tpu.memory_space<vmem>>
      %dma_start3A_66 = arith.constant 0 : i32
      %dma_start3A_67 = arith.constant 0 : i32
      %dma_start3A_68 = tpu.memref_slice %arg13[%dma_start3A_66, %dma_start3A_67] : memref<2176x128xf32, #tpu.memory_space<vmem_shared>> -> memref<2176x128xf32, #tpu.memory_space<vmem_shared>>
      tpu.enqueue_indirect_dma source(%arg11 : memref<64x128xf32, #tpu.memory_space<vmem>>) target(%dma_start3A_68 : memref<2176x128xf32, #tpu.memory_space<vmem_shared>>) offsets(%dma_start3A_65 : memref<64xi32, #tpu.memory_space<vmem>>) semaphore(%arg14 : memref<!tpu.dma_semaphore, #tpu.memory_space<semaphore_mem>>) {add = true}
      %dma_wait3A = arith.constant 0 : i32
      %dma_wait3A_69 = tpu.memref_slice %arg10[%add3A_39, %dma_wait3A] : memref<16x64xi32, #tpu.memory_space<vmem>> -> memref<1x64xi32, #tpu.memory_space<vmem>>
      %dma_wait3A_70 = tpu.memref_squeeze %dma_wait3A_69 : memref<1x64xi32, #tpu.memory_space<vmem>> -> memref<64xi32, #tpu.memory_space<vmem>>
      %dma_wait3A_71 = arith.constant 0 : i32
      %dma_wait3A_72 = arith.constant 0 : i32
      %dma_wait3A_73 = tpu.memref_slice %arg13[%dma_wait3A_71, %dma_wait3A_72] : memref<2176x128xf32, #tpu.memory_space<vmem_shared>> -> memref<2176x128xf32, #tpu.memory_space<vmem_shared>>
      tpu.wait_indirect_dma semaphore(%arg14 : memref<!tpu.dma_semaphore, #tpu.memory_space<semaphore_mem>>) src(%arg11 : memref<64x128xf32, #tpu.memory_space<vmem>>) dst(%dma_wait3A_73 : memref<2176x128xf32, #tpu.memory_space<vmem_shared>>)
      %dma_wait3A_74 = arith.constant 0 : i32
      %dma_wait3A_75 = tpu.memref_slice %arg10[%add3A_46, %dma_wait3A_74] : memref<16x64xi32, #tpu.memory_space<vmem>> -> memref<1x64xi32, #tpu.memory_space<vmem>>
      %dma_wait3A_76 = tpu.memref_squeeze %dma_wait3A_75 : memref<1x64xi32, #tpu.memory_space<vmem>> -> memref<64xi32, #tpu.memory_space<vmem>>
      %dma_wait3A_77 = arith.constant 0 : i32
      %dma_wait3A_78 = arith.constant 0 : i32
      %dma_wait3A_79 = tpu.memref_slice %arg13[%dma_wait3A_77, %dma_wait3A_78] : memref<2176x128xf32, #tpu.memory_space<vmem_shared>> -> memref<2176x128xf32, #tpu.memory_space<vmem_shared>>
      tpu.wait_indirect_dma semaphore(%arg14 : memref<!tpu.dma_semaphore, #tpu.memory_space<semaphore_mem>>) src(%arg11 : memref<64x128xf32, #tpu.memory_space<vmem>>) dst(%dma_wait3A_79 : memref<2176x128xf32, #tpu.memory_space<vmem_shared>>)
      %dma_wait3A_80 = arith.constant 0 : i32
      %dma_wait3A_81 = tpu.memref_slice %arg10[%add3A_54, %dma_wait3A_80] : memref<16x64xi32, #tpu.memory_space<vmem>> -> memref<1x64xi32, #tpu.memory_space<vmem>>
      %dma_wait3A_82 = tpu.memref_squeeze %dma_wait3A_81 : memref<1x64xi32, #tpu.memory_space<vmem>> -> memref<64xi32, #tpu.memory_space<vmem>>
      %dma_wait3A_83 = arith.constant 0 : i32
      %dma_wait3A_84 = arith.constant 0 : i32
      %dma_wait3A_85 = tpu.memref_slice %arg13[%dma_wait3A_83, %dma_wait3A_84] : memref<2176x128xf32, #tpu.memory_space<vmem_shared>> -> memref<2176x128xf32, #tpu.memory_space<vmem_shared>>
      tpu.wait_indirect_dma semaphore(%arg14 : memref<!tpu.dma_semaphore, #tpu.memory_space<semaphore_mem>>) src(%arg11 : memref<64x128xf32, #tpu.memory_space<vmem>>) dst(%dma_wait3A_85 : memref<2176x128xf32, #tpu.memory_space<vmem_shared>>)
      %dma_wait3A_86 = arith.constant 0 : i32
      %dma_wait3A_87 = tpu.memref_slice %arg10[%add3A_62, %dma_wait3A_86] : memref<16x64xi32, #tpu.memory_space<vmem>> -> memref<1x64xi32, #tpu.memory_space<vmem>>
      %dma_wait3A_88 = tpu.memref_squeeze %dma_wait3A_87 : memref<1x64xi32, #tpu.memory_space<vmem>> -> memref<64xi32, #tpu.memory_space<vmem>>
      %dma_wait3A_89 = arith.constant 0 : i32
      %dma_wait3A_90 = arith.constant 0 : i32
      %dma_wait3A_91 = tpu.memref_slice %arg13[%dma_wait3A_89, %dma_wait3A_90] : memref<2176x128xf32, #tpu.memory_space<vmem_shared>> -> memref<2176x128xf32, #tpu.memory_space<vmem_shared>>
      tpu.wait_indirect_dma semaphore(%arg14 : memref<!tpu.dma_semaphore, #tpu.memory_space<semaphore_mem>>) src(%arg11 : memref<64x128xf32, #tpu.memory_space<vmem>>) dst(%dma_wait3A_91 : memref<2176x128xf32, #tpu.memory_space<vmem_shared>>)
    }
    %scan3A_21 = arith.constant 4 : i32
    %barrier3A_22 = arith.constant 0 : index
    tpu.barrier barrier_id(%barrier3A_22)
    %mul3A_23 = arith.constant 640 : i32
    %mul3A_24 = arith.muli %arg1, %mul3A_23 : i32
    %mul3A_25 = arith.constant 640 : i32
    %mul3A_26 = arith.muli %arg1, %mul3A_25 : i32
    "tpu.region"() ({
      %run_scoped3A = tpu.sem_alloc : memref<!tpu.dma_semaphore, #tpu.memory_space<semaphore_mem>>
      %dma_start3A = arith.constant 0 : i32
      %dma_start3A_31 = tpu.memref_slice %arg7[%arg0, %mul3A_26, %dma_start3A] : memref<2x10240x128xf32, #tpu.memory_space<hbm>> -> memref<1x640x128xf32, #tpu.memory_space<hbm>>
      %dma_start3A_32 = tpu.memref_squeeze %dma_start3A_31 : memref<1x640x128xf32, #tpu.memory_space<hbm>> -> memref<640x128xf32, #tpu.memory_space<hbm>>
      %dma_start3A_33 = arith.constant 0 : i32
      %dma_start3A_34 = tpu.memref_slice %arg12[%mul3A_24, %dma_start3A_33] : memref<10240x128xf32, #tpu.memory_space<vmem_shared>> -> memref<640x128xf32, #tpu.memory_space<vmem_shared>>
      tpu.enqueue_dma source(%dma_start3A_34 : memref<640x128xf32, #tpu.memory_space<vmem_shared>>) target(%dma_start3A_32 : memref<640x128xf32, #tpu.memory_space<hbm>>) target_semaphore(%run_scoped3A : memref<!tpu.dma_semaphore, #tpu.memory_space<semaphore_mem>>)
      %dma_wait3A = arith.constant 0 : i32
      %dma_wait3A_35 = tpu.memref_slice %arg7[%arg0, %mul3A_26, %dma_wait3A] : memref<2x10240x128xf32, #tpu.memory_space<hbm>> -> memref<1x640x128xf32, #tpu.memory_space<hbm>>
      %dma_wait3A_36 = tpu.memref_squeeze %dma_wait3A_35 : memref<1x640x128xf32, #tpu.memory_space<hbm>> -> memref<640x128xf32, #tpu.memory_space<hbm>>
      %dma_wait3A_37 = arith.constant 0 : i32
      %dma_wait3A_38 = tpu.memref_slice %arg12[%mul3A_24, %dma_wait3A_37] : memref<10240x128xf32, #tpu.memory_space<vmem_shared>> -> memref<640x128xf32, #tpu.memory_space<vmem_shared>>
      tpu.wait_dma2 semaphore(%run_scoped3A : memref<!tpu.dma_semaphore, #tpu.memory_space<semaphore_mem>>) src(%dma_wait3A_38 : memref<640x128xf32, #tpu.memory_space<vmem_shared>>) dst(%dma_wait3A_36 : memref<640x128xf32, #tpu.memory_space<hbm>>)
      tpu.yield
    }) : () -> ()
    %mul3A_27 = arith.constant 136 : i32
    %mul3A_28 = arith.muli %arg1, %mul3A_27 : i32
    %mul3A_29 = arith.constant 136 : i32
    %mul3A_30 = arith.muli %arg1, %mul3A_29 : i32
    "tpu.region"() ({
      %run_scoped3A = tpu.sem_alloc : memref<!tpu.dma_semaphore, #tpu.memory_space<semaphore_mem>>
      %dma_start3A = arith.constant 0 : i32
      %dma_start3A_31 = tpu.memref_slice %arg8[%arg0, %mul3A_30, %dma_start3A] : memref<2x2176x128xf32, #tpu.memory_space<hbm>> -> memref<1x136x128xf32, #tpu.memory_space<hbm>>
      %dma_start3A_32 = tpu.memref_squeeze %dma_start3A_31 : memref<1x136x128xf32, #tpu.memory_space<hbm>> -> memref<136x128xf32, #tpu.memory_space<hbm>>
      %dma_start3A_33 = arith.constant 0 : i32
      %dma_start3A_34 = tpu.memref_slice %arg13[%mul3A_28, %dma_start3A_33] : memref<2176x128xf32, #tpu.memory_space<vmem_shared>> -> memref<136x128xf32, #tpu.memory_space<vmem_shared>>
      tpu.enqueue_dma source(%dma_start3A_34 : memref<136x128xf32, #tpu.memory_space<vmem_shared>>) target(%dma_start3A_32 : memref<136x128xf32, #tpu.memory_space<hbm>>) target_semaphore(%run_scoped3A : memref<!tpu.dma_semaphore, #tpu.memory_space<semaphore_mem>>)
      %dma_wait3A = arith.constant 0 : i32
      %dma_wait3A_35 = tpu.memref_slice %arg8[%arg0, %mul3A_30, %dma_wait3A] : memref<2x2176x128xf32, #tpu.memory_space<hbm>> -> memref<1x136x128xf32, #tpu.memory_space<hbm>>
      %dma_wait3A_36 = tpu.memref_squeeze %dma_wait3A_35 : memref<1x136x128xf32, #tpu.memory_space<hbm>> -> memref<136x128xf32, #tpu.memory_space<hbm>>
      %dma_wait3A_37 = arith.constant 0 : i32
      %dma_wait3A_38 = tpu.memref_slice %arg13[%mul3A_28, %dma_wait3A_37] : memref<2176x128xf32, #tpu.memory_space<vmem_shared>> -> memref<136x128xf32, #tpu.memory_space<vmem_shared>>
      tpu.wait_dma2 semaphore(%run_scoped3A : memref<!tpu.dma_semaphore, #tpu.memory_space<semaphore_mem>>) src(%dma_wait3A_38 : memref<136x128xf32, #tpu.memory_space<vmem_shared>>) dst(%dma_wait3A_36 : memref<136x128xf32, #tpu.memory_space<hbm>>)
      tpu.yield
    }) : () -> ()
    return
  }
}

#map = affine_map<(d0, d1) -> (0, 0)>
#map1 = affine_map<(d0, d1) -> (0, 0, 0)>
module attributes {stable_mosaic.version = 14 : i64} {
  func.func @k(%arg0: i32, %arg1: i32, %arg2: memref<2048x128xf32, #tpu.memory_space<hbm>>, %arg3: memref<512x64xi32, #tpu.memory_space<hbm>>, %arg4: memref<512x64xi32, #tpu.memory_space<hbm>>, %arg5: memref<2176x128xf32, #tpu.memory_space<hbm>>, %arg6: memref<2x2176x128xf32, #tpu.memory_space<hbm>>, %arg7: memref<16x64xi32, #tpu.memory_space<vmem>>, %arg8: memref<16x64xi32, #tpu.memory_space<vmem>>, %arg9: memref<64x128xf32, #tpu.memory_space<vmem>>, %arg10: memref<64x128xf32, #tpu.memory_space<vmem>>, %arg11: memref<64x128xf32, #tpu.memory_space<vmem>>, %arg12: memref<64x128xf32, #tpu.memory_space<vmem>>, %arg13: memref<2176x128xf32, #tpu.memory_space<vmem_shared>>, %arg14: memref<!tpu.dma_semaphore, #tpu.memory_space<semaphore_mem>>) attributes {dimension_semantics = [#tpu.dimension_semantics<core_parallel>, #tpu.dimension_semantics<subcore_parallel>], iteration_bounds = array<i64: 2, 16>, scalar_prefetch = 0 : i64, scratch_operands = 8 : i64, tpu.core_type = #tpu.core_type<sc_vector_subcore>, window_params = [{transform_indices = #map}, {transform_indices = #map}, {transform_indices = #map}, {transform_indices = #map}, {transform_indices = #map1}]} {
    %mul3A = arith.constant 16 : i32
    %mul3A_0 = arith.muli %arg0, %mul3A : i32
    %add3A = arith.addi %mul3A_0, %arg1 : i32
    %mul3A_1 = arith.constant 136 : i32
    %mul3A_2 = arith.muli %arg1, %mul3A_1 : i32
    %mul3A_3 = arith.constant 136 : i32
    %mul3A_4 = arith.muli %arg1, %mul3A_3 : i32
    "tpu.region"() ({
      %run_scoped3A = tpu.sem_alloc : memref<!tpu.dma_semaphore, #tpu.memory_space<semaphore_mem>>
      %dma_start3A = arith.constant 0 : i32
      %dma_start3A_18 = tpu.memref_slice %arg13[%mul3A_4, %dma_start3A] : memref<2176x128xf32, #tpu.memory_space<vmem_shared>> -> memref<136x128xf32, #tpu.memory_space<vmem_shared>>
      %dma_start3A_19 = arith.constant 0 : i32
      %dma_start3A_20 = tpu.memref_slice %arg5[%mul3A_2, %dma_start3A_19] : memref<2176x128xf32, #tpu.memory_space<hbm>> -> memref<136x128xf32, #tpu.memory_space<hbm>>
      tpu.enqueue_dma source(%dma_start3A_20 : memref<136x128xf32, #tpu.memory_space<hbm>>) target(%dma_start3A_18 : memref<136x128xf32, #tpu.memory_space<vmem_shared>>) target_semaphore(%run_scoped3A : memref<!tpu.dma_semaphore, #tpu.memory_space<semaphore_mem>>)
      %dma_wait3A = arith.constant 0 : i32
      %dma_wait3A_21 = tpu.memref_slice %arg13[%mul3A_4, %dma_wait3A] : memref<2176x128xf32, #tpu.memory_space<vmem_shared>> -> memref<136x128xf32, #tpu.memory_space<vmem_shared>>
      %dma_wait3A_22 = arith.constant 0 : i32
      %dma_wait3A_23 = tpu.memref_slice %arg5[%mul3A_2, %dma_wait3A_22] : memref<2176x128xf32, #tpu.memory_space<hbm>> -> memref<136x128xf32, #tpu.memory_space<hbm>>
      tpu.wait_dma2 semaphore(%run_scoped3A : memref<!tpu.dma_semaphore, #tpu.memory_space<semaphore_mem>>) src(%dma_wait3A_23 : memref<136x128xf32, #tpu.memory_space<hbm>>) dst(%dma_wait3A_21 : memref<136x128xf32, #tpu.memory_space<vmem_shared>>)
      tpu.yield
    }) : () -> ()
    %mul3A_5 = arith.constant 16 : i32
    %mul3A_6 = arith.muli %add3A, %mul3A_5 : i32
    "tpu.region"() ({
      %run_scoped3A = tpu.sem_alloc : memref<!tpu.dma_semaphore, #tpu.memory_space<semaphore_mem>>
      %dma_start3A = arith.constant 0 : i32
      %dma_start3A_18 = tpu.memref_slice %arg3[%mul3A_6, %dma_start3A] : memref<512x64xi32, #tpu.memory_space<hbm>> -> memref<16x64xi32, #tpu.memory_space<hbm>>
      %dma_start3A_19 = arith.constant 0 : i32
      %dma_start3A_20 = tpu.memref_slice %arg3[%mul3A_6, %dma_start3A_19] : memref<512x64xi32, #tpu.memory_space<hbm>> -> memref<16x64xi32, #tpu.memory_space<hbm>>
      tpu.enqueue_dma source(%dma_start3A_20 : memref<16x64xi32, #tpu.memory_space<hbm>>) target(%arg7 : memref<16x64xi32, #tpu.memory_space<vmem>>) target_semaphore(%run_scoped3A : memref<!tpu.dma_semaphore, #tpu.memory_space<semaphore_mem>>)
      %dma_wait3A = arith.constant 0 : i32
      %dma_wait3A_21 = tpu.memref_slice %arg3[%mul3A_6, %dma_wait3A] : memref<512x64xi32, #tpu.memory_space<hbm>> -> memref<16x64xi32, #tpu.memory_space<hbm>>
      %dma_wait3A_22 = arith.constant 0 : i32
      %dma_wait3A_23 = tpu.memref_slice %arg3[%mul3A_6, %dma_wait3A_22] : memref<512x64xi32, #tpu.memory_space<hbm>> -> memref<16x64xi32, #tpu.memory_space<hbm>>
      tpu.wait_dma2 semaphore(%run_scoped3A : memref<!tpu.dma_semaphore, #tpu.memory_space<semaphore_mem>>) src(%dma_wait3A_23 : memref<16x64xi32, #tpu.memory_space<hbm>>) dst(%arg7 : memref<16x64xi32, #tpu.memory_space<vmem>>)
      tpu.yield
    }) : () -> ()
    %mul3A_7 = arith.constant 16 : i32
    %mul3A_8 = arith.muli %add3A, %mul3A_7 : i32
    "tpu.region"() ({
      %run_scoped3A = tpu.sem_alloc : memref<!tpu.dma_semaphore, #tpu.memory_space<semaphore_mem>>
      %dma_start3A = arith.constant 0 : i32
      %dma_start3A_18 = tpu.memref_slice %arg4[%mul3A_8, %dma_start3A] : memref<512x64xi32, #tpu.memory_space<hbm>> -> memref<16x64xi32, #tpu.memory_space<hbm>>
      %dma_start3A_19 = arith.constant 0 : i32
      %dma_start3A_20 = tpu.memref_slice %arg4[%mul3A_8, %dma_start3A_19] : memref<512x64xi32, #tpu.memory_space<hbm>> -> memref<16x64xi32, #tpu.memory_space<hbm>>
      tpu.enqueue_dma source(%dma_start3A_20 : memref<16x64xi32, #tpu.memory_space<hbm>>) target(%arg8 : memref<16x64xi32, #tpu.memory_space<vmem>>) target_semaphore(%run_scoped3A : memref<!tpu.dma_semaphore, #tpu.memory_space<semaphore_mem>>)
      %dma_wait3A = arith.constant 0 : i32
      %dma_wait3A_21 = tpu.memref_slice %arg4[%mul3A_8, %dma_wait3A] : memref<512x64xi32, #tpu.memory_space<hbm>> -> memref<16x64xi32, #tpu.memory_space<hbm>>
      %dma_wait3A_22 = arith.constant 0 : i32
      %dma_wait3A_23 = tpu.memref_slice %arg4[%mul3A_8, %dma_wait3A_22] : memref<512x64xi32, #tpu.memory_space<hbm>> -> memref<16x64xi32, #tpu.memory_space<hbm>>
      tpu.wait_dma2 semaphore(%run_scoped3A : memref<!tpu.dma_semaphore, #tpu.memory_space<semaphore_mem>>) src(%dma_wait3A_23 : memref<16x64xi32, #tpu.memory_space<hbm>>) dst(%arg8 : memref<16x64xi32, #tpu.memory_space<vmem>>)
      tpu.yield
    }) : () -> ()
    %barrier3A = arith.constant 0 : index
    tpu.barrier barrier_id(%barrier3A)
    %scan3A = arith.constant 0 : i32
    %scan3A_9 = arith.constant 4 : i32
    %scan3A_10 = arith.addi %scan3A, %scan3A_9 : i32
    %scan3A_11 = arith.constant 1 : i32
    scf.for %scan3A_18 = %scan3A to %scan3A_10 step %scan3A_11  : i32 {
      %mul3A_19 = arith.constant 1 : i32
      %mul3A_20 = arith.muli %scan3A_18, %mul3A_19 : i32
      %add3A_21 = arith.constant 0 : i32
      %add3A_22 = arith.addi %add3A_21, %mul3A_20 : i32
      %mul3A_23 = arith.constant 4 : i32
      %mul3A_24 = arith.muli %mul3A_23, %add3A_22 : i32
      %add3A_25 = arith.constant 0 : i32
      %add3A_26 = arith.addi %mul3A_24, %add3A_25 : i32
      %dma_start3A = arith.constant 0 : i32
      %dma_start3A_27 = tpu.memref_slice %arg7[%add3A_26, %dma_start3A] : memref<16x64xi32, #tpu.memory_space<vmem>> -> memref<1x64xi32, #tpu.memory_space<vmem>>
      %dma_start3A_28 = tpu.memref_squeeze %dma_start3A_27 : memref<1x64xi32, #tpu.memory_space<vmem>> -> memref<64xi32, #tpu.memory_space<vmem>>
      %dma_start3A_29 = arith.constant 0 : i32
      %dma_start3A_30 = arith.constant 0 : i32
      %dma_start3A_31 = tpu.memref_slice %arg2[%dma_start3A_29, %dma_start3A_30] : memref<2048x128xf32, #tpu.memory_space<hbm>> -> memref<2048x128xf32, #tpu.memory_space<hbm>>
      tpu.enqueue_indirect_dma source(%dma_start3A_31 : memref<2048x128xf32, #tpu.memory_space<hbm>>) target(%arg9 : memref<64x128xf32, #tpu.memory_space<vmem>>) offsets(%dma_start3A_28 : memref<64xi32, #tpu.memory_space<vmem>>) semaphore(%arg14 : memref<!tpu.dma_semaphore, #tpu.memory_space<semaphore_mem>>)
      %add3A_32 = arith.constant 1 : i32
      %add3A_33 = arith.addi %mul3A_24, %add3A_32 : i32
      %dma_start3A_34 = arith.constant 0 : i32
      %dma_start3A_35 = tpu.memref_slice %arg7[%add3A_33, %dma_start3A_34] : memref<16x64xi32, #tpu.memory_space<vmem>> -> memref<1x64xi32, #tpu.memory_space<vmem>>
      %dma_start3A_36 = tpu.memref_squeeze %dma_start3A_35 : memref<1x64xi32, #tpu.memory_space<vmem>> -> memref<64xi32, #tpu.memory_space<vmem>>
      %dma_start3A_37 = arith.constant 0 : i32
      %dma_start3A_38 = arith.constant 0 : i32
      %dma_start3A_39 = tpu.memref_slice %arg2[%dma_start3A_37, %dma_start3A_38] : memref<2048x128xf32, #tpu.memory_space<hbm>> -> memref<2048x128xf32, #tpu.memory_space<hbm>>
      tpu.enqueue_indirect_dma source(%dma_start3A_39 : memref<2048x128xf32, #tpu.memory_space<hbm>>) target(%arg10 : memref<64x128xf32, #tpu.memory_space<vmem>>) offsets(%dma_start3A_36 : memref<64xi32, #tpu.memory_space<vmem>>) semaphore(%arg14 : memref<!tpu.dma_semaphore, #tpu.memory_space<semaphore_mem>>)
      %add3A_40 = arith.constant 2 : i32
      %add3A_41 = arith.addi %mul3A_24, %add3A_40 : i32
      %dma_start3A_42 = arith.constant 0 : i32
      %dma_start3A_43 = tpu.memref_slice %arg7[%add3A_41, %dma_start3A_42] : memref<16x64xi32, #tpu.memory_space<vmem>> -> memref<1x64xi32, #tpu.memory_space<vmem>>
      %dma_start3A_44 = tpu.memref_squeeze %dma_start3A_43 : memref<1x64xi32, #tpu.memory_space<vmem>> -> memref<64xi32, #tpu.memory_space<vmem>>
      %dma_start3A_45 = arith.constant 0 : i32
      %dma_start3A_46 = arith.constant 0 : i32
      %dma_start3A_47 = tpu.memref_slice %arg2[%dma_start3A_45, %dma_start3A_46] : memref<2048x128xf32, #tpu.memory_space<hbm>> -> memref<2048x128xf32, #tpu.memory_space<hbm>>
      tpu.enqueue_indirect_dma source(%dma_start3A_47 : memref<2048x128xf32, #tpu.memory_space<hbm>>) target(%arg11 : memref<64x128xf32, #tpu.memory_space<vmem>>) offsets(%dma_start3A_44 : memref<64xi32, #tpu.memory_space<vmem>>) semaphore(%arg14 : memref<!tpu.dma_semaphore, #tpu.memory_space<semaphore_mem>>)
      %add3A_48 = arith.constant 3 : i32
      %add3A_49 = arith.addi %mul3A_24, %add3A_48 : i32
      %dma_start3A_50 = arith.constant 0 : i32
      %dma_start3A_51 = tpu.memref_slice %arg7[%add3A_49, %dma_start3A_50] : memref<16x64xi32, #tpu.memory_space<vmem>> -> memref<1x64xi32, #tpu.memory_space<vmem>>
      %dma_start3A_52 = tpu.memref_squeeze %dma_start3A_51 : memref<1x64xi32, #tpu.memory_space<vmem>> -> memref<64xi32, #tpu.memory_space<vmem>>
      %dma_start3A_53 = arith.constant 0 : i32
      %dma_start3A_54 = arith.constant 0 : i32
      %dma_start3A_55 = tpu.memref_slice %arg2[%dma_start3A_53, %dma_start3A_54] : memref<2048x128xf32, #tpu.memory_space<hbm>> -> memref<2048x128xf32, #tpu.memory_space<hbm>>
      tpu.enqueue_indirect_dma source(%dma_start3A_55 : memref<2048x128xf32, #tpu.memory_space<hbm>>) target(%arg12 : memref<64x128xf32, #tpu.memory_space<vmem>>) offsets(%dma_start3A_52 : memref<64xi32, #tpu.memory_space<vmem>>) semaphore(%arg14 : memref<!tpu.dma_semaphore, #tpu.memory_space<semaphore_mem>>)
      %dma_wait3A = arith.constant 0 : i32
      %dma_wait3A_56 = tpu.memref_slice %arg7[%add3A_26, %dma_wait3A] : memref<16x64xi32, #tpu.memory_space<vmem>> -> memref<1x64xi32, #tpu.memory_space<vmem>>
      %dma_wait3A_57 = tpu.memref_squeeze %dma_wait3A_56 : memref<1x64xi32, #tpu.memory_space<vmem>> -> memref<64xi32, #tpu.memory_space<vmem>>
      %dma_wait3A_58 = arith.constant 0 : i32
      %dma_wait3A_59 = arith.constant 0 : i32
      %dma_wait3A_60 = tpu.memref_slice %arg2[%dma_wait3A_58, %dma_wait3A_59] : memref<2048x128xf32, #tpu.memory_space<hbm>> -> memref<2048x128xf32, #tpu.memory_space<hbm>>
      tpu.wait_indirect_dma semaphore(%arg14 : memref<!tpu.dma_semaphore, #tpu.memory_space<semaphore_mem>>) src(%dma_wait3A_60 : memref<2048x128xf32, #tpu.memory_space<hbm>>) dst(%arg9 : memref<64x128xf32, #tpu.memory_space<vmem>>)
      %add3A_61 = arith.constant 0 : i32
      %add3A_62 = arith.addi %mul3A_24, %add3A_61 : i32
      "tpu.region"() ({
        %run_scoped3A = tpu.sem_alloc : memref<!tpu.dma_semaphore, #tpu.memory_space<semaphore_mem>>
        %dma_start3A_87 = arith.constant 0 : i32
        %dma_start3A_88 = tpu.memref_slice %arg8[%add3A_62, %dma_start3A_87] : memref<16x64xi32, #tpu.memory_space<vmem>> -> memref<1x64xi32, #tpu.memory_space<vmem>>
        %dma_start3A_89 = tpu.memref_squeeze %dma_start3A_88 : memref<1x64xi32, #tpu.memory_space<vmem>> -> memref<64xi32, #tpu.memory_space<vmem>>
        %dma_start3A_90 = arith.constant 0 : i32
        %dma_start3A_91 = arith.constant 0 : i32
        %dma_start3A_92 = tpu.memref_slice %arg13[%dma_start3A_90, %dma_start3A_91] : memref<2176x128xf32, #tpu.memory_space<vmem_shared>> -> memref<2176x128xf32, #tpu.memory_space<vmem_shared>>
        tpu.enqueue_indirect_dma source(%arg9 : memref<64x128xf32, #tpu.memory_space<vmem>>) target(%dma_start3A_92 : memref<2176x128xf32, #tpu.memory_space<vmem_shared>>) offsets(%dma_start3A_89 : memref<64xi32, #tpu.memory_space<vmem>>) semaphore(%run_scoped3A : memref<!tpu.dma_semaphore, #tpu.memory_space<semaphore_mem>>) {add = true}
        %dma_wait3A_93 = arith.constant 0 : i32
        %dma_wait3A_94 = tpu.memref_slice %arg8[%add3A_62, %dma_wait3A_93] : memref<16x64xi32, #tpu.memory_space<vmem>> -> memref<1x64xi32, #tpu.memory_space<vmem>>
        %dma_wait3A_95 = tpu.memref_squeeze %dma_wait3A_94 : memref<1x64xi32, #tpu.memory_space<vmem>> -> memref<64xi32, #tpu.memory_space<vmem>>
        %dma_wait3A_96 = arith.constant 0 : i32
        %dma_wait3A_97 = arith.constant 0 : i32
        %dma_wait3A_98 = tpu.memref_slice %arg13[%dma_wait3A_96, %dma_wait3A_97] : memref<2176x128xf32, #tpu.memory_space<vmem_shared>> -> memref<2176x128xf32, #tpu.memory_space<vmem_shared>>
        tpu.wait_indirect_dma semaphore(%run_scoped3A : memref<!tpu.dma_semaphore, #tpu.memory_space<semaphore_mem>>) src(%arg9 : memref<64x128xf32, #tpu.memory_space<vmem>>) dst(%dma_wait3A_98 : memref<2176x128xf32, #tpu.memory_space<vmem_shared>>)
        tpu.yield
      }) : () -> ()
      %dma_wait3A_63 = arith.constant 0 : i32
      %dma_wait3A_64 = tpu.memref_slice %arg7[%add3A_33, %dma_wait3A_63] : memref<16x64xi32, #tpu.memory_space<vmem>> -> memref<1x64xi32, #tpu.memory_space<vmem>>
      %dma_wait3A_65 = tpu.memref_squeeze %dma_wait3A_64 : memref<1x64xi32, #tpu.memory_space<vmem>> -> memref<64xi32, #tpu.memory_space<vmem>>
      %dma_wait3A_66 = arith.constant 0 : i32
      %dma_wait3A_67 = arith.constant 0 : i32
      %dma_wait3A_68 = tpu.memref_slice %arg2[%dma_wait3A_66, %dma_wait3A_67] : memref<2048x128xf32, #tpu.memory_space<hbm>> -> memref<2048x128xf32, #tpu.memory_space<hbm>>
      tpu.wait_indirect_dma semaphore(%arg14 : memref<!tpu.dma_semaphore, #tpu.memory_space<semaphore_mem>>) src(%dma_wait3A_68 : memref<2048x128xf32, #tpu.memory_space<hbm>>) dst(%arg10 : memref<64x128xf32, #tpu.memory_space<vmem>>)
      %add3A_69 = arith.constant 1 : i32
      %add3A_70 = arith.addi %mul3A_24, %add3A_69 : i32
      "tpu.region"() ({
        %run_scoped3A = tpu.sem_alloc : memref<!tpu.dma_semaphore, #tpu.memory_space<semaphore_mem>>
        %dma_start3A_87 = arith.constant 0 : i32
        %dma_start3A_88 = tpu.memref_slice %arg8[%add3A_70, %dma_start3A_87] : memref<16x64xi32, #tpu.memory_space<vmem>> -> memref<1x64xi32, #tpu.memory_space<vmem>>
        %dma_start3A_89 = tpu.memref_squeeze %dma_start3A_88 : memref<1x64xi32, #tpu.memory_space<vmem>> -> memref<64xi32, #tpu.memory_space<vmem>>
        %dma_start3A_90 = arith.constant 0 : i32
        %dma_start3A_91 = arith.constant 0 : i32
        %dma_start3A_92 = tpu.memref_slice %arg13[%dma_start3A_90, %dma_start3A_91] : memref<2176x128xf32, #tpu.memory_space<vmem_shared>> -> memref<2176x128xf32, #tpu.memory_space<vmem_shared>>
        tpu.enqueue_indirect_dma source(%arg10 : memref<64x128xf32, #tpu.memory_space<vmem>>) target(%dma_start3A_92 : memref<2176x128xf32, #tpu.memory_space<vmem_shared>>) offsets(%dma_start3A_89 : memref<64xi32, #tpu.memory_space<vmem>>) semaphore(%run_scoped3A : memref<!tpu.dma_semaphore, #tpu.memory_space<semaphore_mem>>) {add = true}
        %dma_wait3A_93 = arith.constant 0 : i32
        %dma_wait3A_94 = tpu.memref_slice %arg8[%add3A_70, %dma_wait3A_93] : memref<16x64xi32, #tpu.memory_space<vmem>> -> memref<1x64xi32, #tpu.memory_space<vmem>>
        %dma_wait3A_95 = tpu.memref_squeeze %dma_wait3A_94 : memref<1x64xi32, #tpu.memory_space<vmem>> -> memref<64xi32, #tpu.memory_space<vmem>>
        %dma_wait3A_96 = arith.constant 0 : i32
        %dma_wait3A_97 = arith.constant 0 : i32
        %dma_wait3A_98 = tpu.memref_slice %arg13[%dma_wait3A_96, %dma_wait3A_97] : memref<2176x128xf32, #tpu.memory_space<vmem_shared>> -> memref<2176x128xf32, #tpu.memory_space<vmem_shared>>
        tpu.wait_indirect_dma semaphore(%run_scoped3A : memref<!tpu.dma_semaphore, #tpu.memory_space<semaphore_mem>>) src(%arg10 : memref<64x128xf32, #tpu.memory_space<vmem>>) dst(%dma_wait3A_98 : memref<2176x128xf32, #tpu.memory_space<vmem_shared>>)
        tpu.yield
      }) : () -> ()
      %dma_wait3A_71 = arith.constant 0 : i32
      %dma_wait3A_72 = tpu.memref_slice %arg7[%add3A_41, %dma_wait3A_71] : memref<16x64xi32, #tpu.memory_space<vmem>> -> memref<1x64xi32, #tpu.memory_space<vmem>>
      %dma_wait3A_73 = tpu.memref_squeeze %dma_wait3A_72 : memref<1x64xi32, #tpu.memory_space<vmem>> -> memref<64xi32, #tpu.memory_space<vmem>>
      %dma_wait3A_74 = arith.constant 0 : i32
      %dma_wait3A_75 = arith.constant 0 : i32
      %dma_wait3A_76 = tpu.memref_slice %arg2[%dma_wait3A_74, %dma_wait3A_75] : memref<2048x128xf32, #tpu.memory_space<hbm>> -> memref<2048x128xf32, #tpu.memory_space<hbm>>
      tpu.wait_indirect_dma semaphore(%arg14 : memref<!tpu.dma_semaphore, #tpu.memory_space<semaphore_mem>>) src(%dma_wait3A_76 : memref<2048x128xf32, #tpu.memory_space<hbm>>) dst(%arg11 : memref<64x128xf32, #tpu.memory_space<vmem>>)
      %add3A_77 = arith.constant 2 : i32
      %add3A_78 = arith.addi %mul3A_24, %add3A_77 : i32
      "tpu.region"() ({
        %run_scoped3A = tpu.sem_alloc : memref<!tpu.dma_semaphore, #tpu.memory_space<semaphore_mem>>
        %dma_start3A_87 = arith.constant 0 : i32
        %dma_start3A_88 = tpu.memref_slice %arg8[%add3A_78, %dma_start3A_87] : memref<16x64xi32, #tpu.memory_space<vmem>> -> memref<1x64xi32, #tpu.memory_space<vmem>>
        %dma_start3A_89 = tpu.memref_squeeze %dma_start3A_88 : memref<1x64xi32, #tpu.memory_space<vmem>> -> memref<64xi32, #tpu.memory_space<vmem>>
        %dma_start3A_90 = arith.constant 0 : i32
        %dma_start3A_91 = arith.constant 0 : i32
        %dma_start3A_92 = tpu.memref_slice %arg13[%dma_start3A_90, %dma_start3A_91] : memref<2176x128xf32, #tpu.memory_space<vmem_shared>> -> memref<2176x128xf32, #tpu.memory_space<vmem_shared>>
        tpu.enqueue_indirect_dma source(%arg11 : memref<64x128xf32, #tpu.memory_space<vmem>>) target(%dma_start3A_92 : memref<2176x128xf32, #tpu.memory_space<vmem_shared>>) offsets(%dma_start3A_89 : memref<64xi32, #tpu.memory_space<vmem>>) semaphore(%run_scoped3A : memref<!tpu.dma_semaphore, #tpu.memory_space<semaphore_mem>>) {add = true}
        %dma_wait3A_93 = arith.constant 0 : i32
        %dma_wait3A_94 = tpu.memref_slice %arg8[%add3A_78, %dma_wait3A_93] : memref<16x64xi32, #tpu.memory_space<vmem>> -> memref<1x64xi32, #tpu.memory_space<vmem>>
        %dma_wait3A_95 = tpu.memref_squeeze %dma_wait3A_94 : memref<1x64xi32, #tpu.memory_space<vmem>> -> memref<64xi32, #tpu.memory_space<vmem>>
        %dma_wait3A_96 = arith.constant 0 : i32
        %dma_wait3A_97 = arith.constant 0 : i32
        %dma_wait3A_98 = tpu.memref_slice %arg13[%dma_wait3A_96, %dma_wait3A_97] : memref<2176x128xf32, #tpu.memory_space<vmem_shared>> -> memref<2176x128xf32, #tpu.memory_space<vmem_shared>>
        tpu.wait_indirect_dma semaphore(%run_scoped3A : memref<!tpu.dma_semaphore, #tpu.memory_space<semaphore_mem>>) src(%arg11 : memref<64x128xf32, #tpu.memory_space<vmem>>) dst(%dma_wait3A_98 : memref<2176x128xf32, #tpu.memory_space<vmem_shared>>)
        tpu.yield
      }) : () -> ()
      %dma_wait3A_79 = arith.constant 0 : i32
      %dma_wait3A_80 = tpu.memref_slice %arg7[%add3A_49, %dma_wait3A_79] : memref<16x64xi32, #tpu.memory_space<vmem>> -> memref<1x64xi32, #tpu.memory_space<vmem>>
      %dma_wait3A_81 = tpu.memref_squeeze %dma_wait3A_80 : memref<1x64xi32, #tpu.memory_space<vmem>> -> memref<64xi32, #tpu.memory_space<vmem>>
      %dma_wait3A_82 = arith.constant 0 : i32
      %dma_wait3A_83 = arith.constant 0 : i32
      %dma_wait3A_84 = tpu.memref_slice %arg2[%dma_wait3A_82, %dma_wait3A_83] : memref<2048x128xf32, #tpu.memory_space<hbm>> -> memref<2048x128xf32, #tpu.memory_space<hbm>>
      tpu.wait_indirect_dma semaphore(%arg14 : memref<!tpu.dma_semaphore, #tpu.memory_space<semaphore_mem>>) src(%dma_wait3A_84 : memref<2048x128xf32, #tpu.memory_space<hbm>>) dst(%arg12 : memref<64x128xf32, #tpu.memory_space<vmem>>)
      %add3A_85 = arith.constant 3 : i32
      %add3A_86 = arith.addi %mul3A_24, %add3A_85 : i32
      "tpu.region"() ({
        %run_scoped3A = tpu.sem_alloc : memref<!tpu.dma_semaphore, #tpu.memory_space<semaphore_mem>>
        %dma_start3A_87 = arith.constant 0 : i32
        %dma_start3A_88 = tpu.memref_slice %arg8[%add3A_86, %dma_start3A_87] : memref<16x64xi32, #tpu.memory_space<vmem>> -> memref<1x64xi32, #tpu.memory_space<vmem>>
        %dma_start3A_89 = tpu.memref_squeeze %dma_start3A_88 : memref<1x64xi32, #tpu.memory_space<vmem>> -> memref<64xi32, #tpu.memory_space<vmem>>
        %dma_start3A_90 = arith.constant 0 : i32
        %dma_start3A_91 = arith.constant 0 : i32
        %dma_start3A_92 = tpu.memref_slice %arg13[%dma_start3A_90, %dma_start3A_91] : memref<2176x128xf32, #tpu.memory_space<vmem_shared>> -> memref<2176x128xf32, #tpu.memory_space<vmem_shared>>
        tpu.enqueue_indirect_dma source(%arg12 : memref<64x128xf32, #tpu.memory_space<vmem>>) target(%dma_start3A_92 : memref<2176x128xf32, #tpu.memory_space<vmem_shared>>) offsets(%dma_start3A_89 : memref<64xi32, #tpu.memory_space<vmem>>) semaphore(%run_scoped3A : memref<!tpu.dma_semaphore, #tpu.memory_space<semaphore_mem>>) {add = true}
        %dma_wait3A_93 = arith.constant 0 : i32
        %dma_wait3A_94 = tpu.memref_slice %arg8[%add3A_86, %dma_wait3A_93] : memref<16x64xi32, #tpu.memory_space<vmem>> -> memref<1x64xi32, #tpu.memory_space<vmem>>
        %dma_wait3A_95 = tpu.memref_squeeze %dma_wait3A_94 : memref<1x64xi32, #tpu.memory_space<vmem>> -> memref<64xi32, #tpu.memory_space<vmem>>
        %dma_wait3A_96 = arith.constant 0 : i32
        %dma_wait3A_97 = arith.constant 0 : i32
        %dma_wait3A_98 = tpu.memref_slice %arg13[%dma_wait3A_96, %dma_wait3A_97] : memref<2176x128xf32, #tpu.memory_space<vmem_shared>> -> memref<2176x128xf32, #tpu.memory_space<vmem_shared>>
        tpu.wait_indirect_dma semaphore(%run_scoped3A : memref<!tpu.dma_semaphore, #tpu.memory_space<semaphore_mem>>) src(%arg12 : memref<64x128xf32, #tpu.memory_space<vmem>>) dst(%dma_wait3A_98 : memref<2176x128xf32, #tpu.memory_space<vmem_shared>>)
        tpu.yield
      }) : () -> ()
    }
    %scan3A_12 = arith.constant 4 : i32
    %barrier3A_13 = arith.constant 0 : index
    tpu.barrier barrier_id(%barrier3A_13)
    %mul3A_14 = arith.constant 136 : i32
    %mul3A_15 = arith.muli %arg1, %mul3A_14 : i32
    %mul3A_16 = arith.constant 136 : i32
    %mul3A_17 = arith.muli %arg1, %mul3A_16 : i32
    "tpu.region"() ({
      %run_scoped3A = tpu.sem_alloc : memref<!tpu.dma_semaphore, #tpu.memory_space<semaphore_mem>>
      %dma_start3A = arith.constant 0 : i32
      %dma_start3A_18 = tpu.memref_slice %arg6[%arg0, %mul3A_17, %dma_start3A] : memref<2x2176x128xf32, #tpu.memory_space<hbm>> -> memref<1x136x128xf32, #tpu.memory_space<hbm>>
      %dma_start3A_19 = tpu.memref_squeeze %dma_start3A_18 : memref<1x136x128xf32, #tpu.memory_space<hbm>> -> memref<136x128xf32, #tpu.memory_space<hbm>>
      %dma_start3A_20 = arith.constant 0 : i32
      %dma_start3A_21 = tpu.memref_slice %arg13[%mul3A_15, %dma_start3A_20] : memref<2176x128xf32, #tpu.memory_space<vmem_shared>> -> memref<136x128xf32, #tpu.memory_space<vmem_shared>>
      tpu.enqueue_dma source(%dma_start3A_21 : memref<136x128xf32, #tpu.memory_space<vmem_shared>>) target(%dma_start3A_19 : memref<136x128xf32, #tpu.memory_space<hbm>>) target_semaphore(%run_scoped3A : memref<!tpu.dma_semaphore, #tpu.memory_space<semaphore_mem>>)
      %dma_wait3A = arith.constant 0 : i32
      %dma_wait3A_22 = tpu.memref_slice %arg6[%arg0, %mul3A_17, %dma_wait3A] : memref<2x2176x128xf32, #tpu.memory_space<hbm>> -> memref<1x136x128xf32, #tpu.memory_space<hbm>>
      %dma_wait3A_23 = tpu.memref_squeeze %dma_wait3A_22 : memref<1x136x128xf32, #tpu.memory_space<hbm>> -> memref<136x128xf32, #tpu.memory_space<hbm>>
      %dma_wait3A_24 = arith.constant 0 : i32
      %dma_wait3A_25 = tpu.memref_slice %arg13[%mul3A_15, %dma_wait3A_24] : memref<2176x128xf32, #tpu.memory_space<vmem_shared>> -> memref<136x128xf32, #tpu.memory_space<vmem_shared>>
      tpu.wait_dma2 semaphore(%run_scoped3A : memref<!tpu.dma_semaphore, #tpu.memory_space<semaphore_mem>>) src(%dma_wait3A_25 : memref<136x128xf32, #tpu.memory_space<vmem_shared>>) dst(%dma_wait3A_23 : memref<136x128xf32, #tpu.memory_space<hbm>>)
      tpu.yield
    }) : () -> ()
    return
  }
}

#map = affine_map<(d0, d1) -> (0, 0)>
#map1 = affine_map<(d0, d1) -> (0, 0, 0)>
module attributes {stable_mosaic.version = 14 : i64} {
  func.func @k(%arg0: i32, %arg1: i32, %arg2: memref<10000x128xf32, #tpu.memory_space<hbm>>, %arg3: memref<2560x64xi32, #tpu.memory_space<hbm>>, %arg4: memref<2560x64xi32, #tpu.memory_space<hbm>>, %arg5: memref<10240x128xf32, #tpu.memory_space<hbm>>, %arg6: memref<2x10240x128xf32, #tpu.memory_space<hbm>>, %arg7: memref<80x64xi32, #tpu.memory_space<vmem>>, %arg8: memref<80x64xi32, #tpu.memory_space<vmem>>, %arg9: memref<64x128xf32, #tpu.memory_space<vmem>>, %arg10: memref<64x128xf32, #tpu.memory_space<vmem>>, %arg11: memref<64x128xf32, #tpu.memory_space<vmem>>, %arg12: memref<10240x128xf32, #tpu.memory_space<vmem_shared>>, %arg13: memref<!tpu.dma_semaphore, #tpu.memory_space<semaphore_mem>>) attributes {dimension_semantics = [#tpu.dimension_semantics<core_parallel>, #tpu.dimension_semantics<subcore_parallel>], iteration_bounds = array<i64: 2, 16>, scalar_prefetch = 0 : i64, scratch_operands = 7 : i64, tpu.core_type = #tpu.core_type<sc_vector_subcore>, window_params = [{transform_indices = #map}, {transform_indices = #map}, {transform_indices = #map}, {transform_indices = #map}, {transform_indices = #map1}]} {
    %mul3A = arith.constant 16 : i32
    %mul3A_0 = arith.muli %arg0, %mul3A : i32
    %add3A = arith.addi %mul3A_0, %arg1 : i32
    %mul3A_1 = arith.constant 640 : i32
    %mul3A_2 = arith.muli %arg1, %mul3A_1 : i32
    %mul3A_3 = arith.constant 640 : i32
    %mul3A_4 = arith.muli %arg1, %mul3A_3 : i32
    "tpu.region"() ({
      %run_scoped3A_45 = tpu.sem_alloc : memref<!tpu.dma_semaphore, #tpu.memory_space<semaphore_mem>>
      %dma_start3A_46 = arith.constant 0 : i32
      %dma_start3A_47 = tpu.memref_slice %arg12[%mul3A_4, %dma_start3A_46] : memref<10240x128xf32, #tpu.memory_space<vmem_shared>> -> memref<640x128xf32, #tpu.memory_space<vmem_shared>>
      %dma_start3A_48 = arith.constant 0 : i32
      %dma_start3A_49 = tpu.memref_slice %arg5[%mul3A_2, %dma_start3A_48] : memref<10240x128xf32, #tpu.memory_space<hbm>> -> memref<640x128xf32, #tpu.memory_space<hbm>>
      tpu.enqueue_dma source(%dma_start3A_49 : memref<640x128xf32, #tpu.memory_space<hbm>>) target(%dma_start3A_47 : memref<640x128xf32, #tpu.memory_space<vmem_shared>>) target_semaphore(%run_scoped3A_45 : memref<!tpu.dma_semaphore, #tpu.memory_space<semaphore_mem>>)
      %dma_wait3A_50 = arith.constant 0 : i32
      %dma_wait3A_51 = tpu.memref_slice %arg12[%mul3A_4, %dma_wait3A_50] : memref<10240x128xf32, #tpu.memory_space<vmem_shared>> -> memref<640x128xf32, #tpu.memory_space<vmem_shared>>
      %dma_wait3A_52 = arith.constant 0 : i32
      %dma_wait3A_53 = tpu.memref_slice %arg5[%mul3A_2, %dma_wait3A_52] : memref<10240x128xf32, #tpu.memory_space<hbm>> -> memref<640x128xf32, #tpu.memory_space<hbm>>
      tpu.wait_dma2 semaphore(%run_scoped3A_45 : memref<!tpu.dma_semaphore, #tpu.memory_space<semaphore_mem>>) src(%dma_wait3A_53 : memref<640x128xf32, #tpu.memory_space<hbm>>) dst(%dma_wait3A_51 : memref<640x128xf32, #tpu.memory_space<vmem_shared>>)
      tpu.yield
    }) : () -> ()
    %mul3A_5 = arith.constant 80 : i32
    %mul3A_6 = arith.muli %add3A, %mul3A_5 : i32
    "tpu.region"() ({
      %run_scoped3A_45 = tpu.sem_alloc : memref<!tpu.dma_semaphore, #tpu.memory_space<semaphore_mem>>
      %dma_start3A_46 = arith.constant 0 : i32
      %dma_start3A_47 = tpu.memref_slice %arg3[%mul3A_6, %dma_start3A_46] : memref<2560x64xi32, #tpu.memory_space<hbm>> -> memref<80x64xi32, #tpu.memory_space<hbm>>
      %dma_start3A_48 = arith.constant 0 : i32
      %dma_start3A_49 = tpu.memref_slice %arg3[%mul3A_6, %dma_start3A_48] : memref<2560x64xi32, #tpu.memory_space<hbm>> -> memref<80x64xi32, #tpu.memory_space<hbm>>
      tpu.enqueue_dma source(%dma_start3A_49 : memref<80x64xi32, #tpu.memory_space<hbm>>) target(%arg7 : memref<80x64xi32, #tpu.memory_space<vmem>>) target_semaphore(%run_scoped3A_45 : memref<!tpu.dma_semaphore, #tpu.memory_space<semaphore_mem>>)
      %dma_wait3A_50 = arith.constant 0 : i32
      %dma_wait3A_51 = tpu.memref_slice %arg3[%mul3A_6, %dma_wait3A_50] : memref<2560x64xi32, #tpu.memory_space<hbm>> -> memref<80x64xi32, #tpu.memory_space<hbm>>
      %dma_wait3A_52 = arith.constant 0 : i32
      %dma_wait3A_53 = tpu.memref_slice %arg3[%mul3A_6, %dma_wait3A_52] : memref<2560x64xi32, #tpu.memory_space<hbm>> -> memref<80x64xi32, #tpu.memory_space<hbm>>
      tpu.wait_dma2 semaphore(%run_scoped3A_45 : memref<!tpu.dma_semaphore, #tpu.memory_space<semaphore_mem>>) src(%dma_wait3A_53 : memref<80x64xi32, #tpu.memory_space<hbm>>) dst(%arg7 : memref<80x64xi32, #tpu.memory_space<vmem>>)
      tpu.yield
    }) : () -> ()
    %mul3A_7 = arith.constant 80 : i32
    %mul3A_8 = arith.muli %add3A, %mul3A_7 : i32
    "tpu.region"() ({
      %run_scoped3A_45 = tpu.sem_alloc : memref<!tpu.dma_semaphore, #tpu.memory_space<semaphore_mem>>
      %dma_start3A_46 = arith.constant 0 : i32
      %dma_start3A_47 = tpu.memref_slice %arg4[%mul3A_8, %dma_start3A_46] : memref<2560x64xi32, #tpu.memory_space<hbm>> -> memref<80x64xi32, #tpu.memory_space<hbm>>
      %dma_start3A_48 = arith.constant 0 : i32
      %dma_start3A_49 = tpu.memref_slice %arg4[%mul3A_8, %dma_start3A_48] : memref<2560x64xi32, #tpu.memory_space<hbm>> -> memref<80x64xi32, #tpu.memory_space<hbm>>
      tpu.enqueue_dma source(%dma_start3A_49 : memref<80x64xi32, #tpu.memory_space<hbm>>) target(%arg8 : memref<80x64xi32, #tpu.memory_space<vmem>>) target_semaphore(%run_scoped3A_45 : memref<!tpu.dma_semaphore, #tpu.memory_space<semaphore_mem>>)
      %dma_wait3A_50 = arith.constant 0 : i32
      %dma_wait3A_51 = tpu.memref_slice %arg4[%mul3A_8, %dma_wait3A_50] : memref<2560x64xi32, #tpu.memory_space<hbm>> -> memref<80x64xi32, #tpu.memory_space<hbm>>
      %dma_wait3A_52 = arith.constant 0 : i32
      %dma_wait3A_53 = tpu.memref_slice %arg4[%mul3A_8, %dma_wait3A_52] : memref<2560x64xi32, #tpu.memory_space<hbm>> -> memref<80x64xi32, #tpu.memory_space<hbm>>
      tpu.wait_dma2 semaphore(%run_scoped3A_45 : memref<!tpu.dma_semaphore, #tpu.memory_space<semaphore_mem>>) src(%dma_wait3A_53 : memref<80x64xi32, #tpu.memory_space<hbm>>) dst(%arg8 : memref<80x64xi32, #tpu.memory_space<vmem>>)
      tpu.yield
    }) : () -> ()
    %barrier3A = arith.constant 0 : index
    tpu.barrier barrier_id(%barrier3A)
    %scan3A = arith.constant 0 : i32
    %scan3A_9 = arith.constant 26 : i32
    %scan3A_10 = arith.addi %scan3A, %scan3A_9 : i32
    %scan3A_11 = arith.constant 1 : i32
    scf.for %scan3A_45 = %scan3A to %scan3A_10 step %scan3A_11  : i32 {
      %mul3A_46 = arith.constant 1 : i32
      %mul3A_47 = arith.muli %scan3A_45, %mul3A_46 : i32
      %add3A_48 = arith.constant 0 : i32
      %add3A_49 = arith.addi %add3A_48, %mul3A_47 : i32
      %mul3A_50 = arith.constant 3 : i32
      %mul3A_51 = arith.muli %mul3A_50, %add3A_49 : i32
      %add3A_52 = arith.constant 0 : i32
      %add3A_53 = arith.addi %mul3A_51, %add3A_52 : i32
      %dma_start3A_54 = arith.constant 0 : i32
      %dma_start3A_55 = tpu.memref_slice %arg7[%add3A_53, %dma_start3A_54] : memref<80x64xi32, #tpu.memory_space<vmem>> -> memref<1x64xi32, #tpu.memory_space<vmem>>
      %dma_start3A_56 = tpu.memref_squeeze %dma_start3A_55 : memref<1x64xi32, #tpu.memory_space<vmem>> -> memref<64xi32, #tpu.memory_space<vmem>>
      %dma_start3A_57 = arith.constant 0 : i32
      %dma_start3A_58 = arith.constant 0 : i32
      %dma_start3A_59 = tpu.memref_slice %arg2[%dma_start3A_57, %dma_start3A_58] : memref<10000x128xf32, #tpu.memory_space<hbm>> -> memref<10000x128xf32, #tpu.memory_space<hbm>>
      tpu.enqueue_indirect_dma source(%dma_start3A_59 : memref<10000x128xf32, #tpu.memory_space<hbm>>) target(%arg9 : memref<64x128xf32, #tpu.memory_space<vmem>>) offsets(%dma_start3A_56 : memref<64xi32, #tpu.memory_space<vmem>>) semaphore(%arg13 : memref<!tpu.dma_semaphore, #tpu.memory_space<semaphore_mem>>)
      %add3A_60 = arith.constant 1 : i32
      %add3A_61 = arith.addi %mul3A_51, %add3A_60 : i32
      %dma_start3A_62 = arith.constant 0 : i32
      %dma_start3A_63 = tpu.memref_slice %arg7[%add3A_61, %dma_start3A_62] : memref<80x64xi32, #tpu.memory_space<vmem>> -> memref<1x64xi32, #tpu.memory_space<vmem>>
      %dma_start3A_64 = tpu.memref_squeeze %dma_start3A_63 : memref<1x64xi32, #tpu.memory_space<vmem>> -> memref<64xi32, #tpu.memory_space<vmem>>
      %dma_start3A_65 = arith.constant 0 : i32
      %dma_start3A_66 = arith.constant 0 : i32
      %dma_start3A_67 = tpu.memref_slice %arg2[%dma_start3A_65, %dma_start3A_66] : memref<10000x128xf32, #tpu.memory_space<hbm>> -> memref<10000x128xf32, #tpu.memory_space<hbm>>
      tpu.enqueue_indirect_dma source(%dma_start3A_67 : memref<10000x128xf32, #tpu.memory_space<hbm>>) target(%arg10 : memref<64x128xf32, #tpu.memory_space<vmem>>) offsets(%dma_start3A_64 : memref<64xi32, #tpu.memory_space<vmem>>) semaphore(%arg13 : memref<!tpu.dma_semaphore, #tpu.memory_space<semaphore_mem>>)
      %add3A_68 = arith.constant 2 : i32
      %add3A_69 = arith.addi %mul3A_51, %add3A_68 : i32
      %dma_start3A_70 = arith.constant 0 : i32
      %dma_start3A_71 = tpu.memref_slice %arg7[%add3A_69, %dma_start3A_70] : memref<80x64xi32, #tpu.memory_space<vmem>> -> memref<1x64xi32, #tpu.memory_space<vmem>>
      %dma_start3A_72 = tpu.memref_squeeze %dma_start3A_71 : memref<1x64xi32, #tpu.memory_space<vmem>> -> memref<64xi32, #tpu.memory_space<vmem>>
      %dma_start3A_73 = arith.constant 0 : i32
      %dma_start3A_74 = arith.constant 0 : i32
      %dma_start3A_75 = tpu.memref_slice %arg2[%dma_start3A_73, %dma_start3A_74] : memref<10000x128xf32, #tpu.memory_space<hbm>> -> memref<10000x128xf32, #tpu.memory_space<hbm>>
      tpu.enqueue_indirect_dma source(%dma_start3A_75 : memref<10000x128xf32, #tpu.memory_space<hbm>>) target(%arg11 : memref<64x128xf32, #tpu.memory_space<vmem>>) offsets(%dma_start3A_72 : memref<64xi32, #tpu.memory_space<vmem>>) semaphore(%arg13 : memref<!tpu.dma_semaphore, #tpu.memory_space<semaphore_mem>>)
      %dma_wait3A_76 = arith.constant 0 : i32
      %dma_wait3A_77 = tpu.memref_slice %arg7[%add3A_53, %dma_wait3A_76] : memref<80x64xi32, #tpu.memory_space<vmem>> -> memref<1x64xi32, #tpu.memory_space<vmem>>
      %dma_wait3A_78 = tpu.memref_squeeze %dma_wait3A_77 : memref<1x64xi32, #tpu.memory_space<vmem>> -> memref<64xi32, #tpu.memory_space<vmem>>
      %dma_wait3A_79 = arith.constant 0 : i32
      %dma_wait3A_80 = arith.constant 0 : i32
      %dma_wait3A_81 = tpu.memref_slice %arg2[%dma_wait3A_79, %dma_wait3A_80] : memref<10000x128xf32, #tpu.memory_space<hbm>> -> memref<10000x128xf32, #tpu.memory_space<hbm>>
      tpu.wait_indirect_dma semaphore(%arg13 : memref<!tpu.dma_semaphore, #tpu.memory_space<semaphore_mem>>) src(%dma_wait3A_81 : memref<10000x128xf32, #tpu.memory_space<hbm>>) dst(%arg9 : memref<64x128xf32, #tpu.memory_space<vmem>>)
      %add3A_82 = arith.constant 0 : i32
      %add3A_83 = arith.addi %mul3A_51, %add3A_82 : i32
      "tpu.region"() ({
        %run_scoped3A_100 = tpu.sem_alloc : memref<!tpu.dma_semaphore, #tpu.memory_space<semaphore_mem>>
        %dma_start3A_101 = arith.constant 0 : i32
        %dma_start3A_102 = tpu.memref_slice %arg8[%add3A_83, %dma_start3A_101] : memref<80x64xi32, #tpu.memory_space<vmem>> -> memref<1x64xi32, #tpu.memory_space<vmem>>
        %dma_start3A_103 = tpu.memref_squeeze %dma_start3A_102 : memref<1x64xi32, #tpu.memory_space<vmem>> -> memref<64xi32, #tpu.memory_space<vmem>>
        %dma_start3A_104 = arith.constant 0 : i32
        %dma_start3A_105 = arith.constant 0 : i32
        %dma_start3A_106 = tpu.memref_slice %arg12[%dma_start3A_104, %dma_start3A_105] : memref<10240x128xf32, #tpu.memory_space<vmem_shared>> -> memref<10240x128xf32, #tpu.memory_space<vmem_shared>>
        tpu.enqueue_indirect_dma source(%arg9 : memref<64x128xf32, #tpu.memory_space<vmem>>) target(%dma_start3A_106 : memref<10240x128xf32, #tpu.memory_space<vmem_shared>>) offsets(%dma_start3A_103 : memref<64xi32, #tpu.memory_space<vmem>>) semaphore(%run_scoped3A_100 : memref<!tpu.dma_semaphore, #tpu.memory_space<semaphore_mem>>) {add = true}
        %dma_wait3A_107 = arith.constant 0 : i32
        %dma_wait3A_108 = tpu.memref_slice %arg8[%add3A_83, %dma_wait3A_107] : memref<80x64xi32, #tpu.memory_space<vmem>> -> memref<1x64xi32, #tpu.memory_space<vmem>>
        %dma_wait3A_109 = tpu.memref_squeeze %dma_wait3A_108 : memref<1x64xi32, #tpu.memory_space<vmem>> -> memref<64xi32, #tpu.memory_space<vmem>>
        %dma_wait3A_110 = arith.constant 0 : i32
        %dma_wait3A_111 = arith.constant 0 : i32
        %dma_wait3A_112 = tpu.memref_slice %arg12[%dma_wait3A_110, %dma_wait3A_111] : memref<10240x128xf32, #tpu.memory_space<vmem_shared>> -> memref<10240x128xf32, #tpu.memory_space<vmem_shared>>
        tpu.wait_indirect_dma semaphore(%run_scoped3A_100 : memref<!tpu.dma_semaphore, #tpu.memory_space<semaphore_mem>>) src(%arg9 : memref<64x128xf32, #tpu.memory_space<vmem>>) dst(%dma_wait3A_112 : memref<10240x128xf32, #tpu.memory_space<vmem_shared>>)
        tpu.yield
      }) : () -> ()
      %dma_wait3A_84 = arith.constant 0 : i32
      %dma_wait3A_85 = tpu.memref_slice %arg7[%add3A_61, %dma_wait3A_84] : memref<80x64xi32, #tpu.memory_space<vmem>> -> memref<1x64xi32, #tpu.memory_space<vmem>>
      %dma_wait3A_86 = tpu.memref_squeeze %dma_wait3A_85 : memref<1x64xi32, #tpu.memory_space<vmem>> -> memref<64xi32, #tpu.memory_space<vmem>>
      %dma_wait3A_87 = arith.constant 0 : i32
      %dma_wait3A_88 = arith.constant 0 : i32
      %dma_wait3A_89 = tpu.memref_slice %arg2[%dma_wait3A_87, %dma_wait3A_88] : memref<10000x128xf32, #tpu.memory_space<hbm>> -> memref<10000x128xf32, #tpu.memory_space<hbm>>
      tpu.wait_indirect_dma semaphore(%arg13 : memref<!tpu.dma_semaphore, #tpu.memory_space<semaphore_mem>>) src(%dma_wait3A_89 : memref<10000x128xf32, #tpu.memory_space<hbm>>) dst(%arg10 : memref<64x128xf32, #tpu.memory_space<vmem>>)
      %add3A_90 = arith.constant 1 : i32
      %add3A_91 = arith.addi %mul3A_51, %add3A_90 : i32
      "tpu.region"() ({
        %run_scoped3A_100 = tpu.sem_alloc : memref<!tpu.dma_semaphore, #tpu.memory_space<semaphore_mem>>
        %dma_start3A_101 = arith.constant 0 : i32
        %dma_start3A_102 = tpu.memref_slice %arg8[%add3A_91, %dma_start3A_101] : memref<80x64xi32, #tpu.memory_space<vmem>> -> memref<1x64xi32, #tpu.memory_space<vmem>>
        %dma_start3A_103 = tpu.memref_squeeze %dma_start3A_102 : memref<1x64xi32, #tpu.memory_space<vmem>> -> memref<64xi32, #tpu.memory_space<vmem>>
        %dma_start3A_104 = arith.constant 0 : i32
        %dma_start3A_105 = arith.constant 0 : i32
        %dma_start3A_106 = tpu.memref_slice %arg12[%dma_start3A_104, %dma_start3A_105] : memref<10240x128xf32, #tpu.memory_space<vmem_shared>> -> memref<10240x128xf32, #tpu.memory_space<vmem_shared>>
        tpu.enqueue_indirect_dma source(%arg10 : memref<64x128xf32, #tpu.memory_space<vmem>>) target(%dma_start3A_106 : memref<10240x128xf32, #tpu.memory_space<vmem_shared>>) offsets(%dma_start3A_103 : memref<64xi32, #tpu.memory_space<vmem>>) semaphore(%run_scoped3A_100 : memref<!tpu.dma_semaphore, #tpu.memory_space<semaphore_mem>>) {add = true}
        %dma_wait3A_107 = arith.constant 0 : i32
        %dma_wait3A_108 = tpu.memref_slice %arg8[%add3A_91, %dma_wait3A_107] : memref<80x64xi32, #tpu.memory_space<vmem>> -> memref<1x64xi32, #tpu.memory_space<vmem>>
        %dma_wait3A_109 = tpu.memref_squeeze %dma_wait3A_108 : memref<1x64xi32, #tpu.memory_space<vmem>> -> memref<64xi32, #tpu.memory_space<vmem>>
        %dma_wait3A_110 = arith.constant 0 : i32
        %dma_wait3A_111 = arith.constant 0 : i32
        %dma_wait3A_112 = tpu.memref_slice %arg12[%dma_wait3A_110, %dma_wait3A_111] : memref<10240x128xf32, #tpu.memory_space<vmem_shared>> -> memref<10240x128xf32, #tpu.memory_space<vmem_shared>>
        tpu.wait_indirect_dma semaphore(%run_scoped3A_100 : memref<!tpu.dma_semaphore, #tpu.memory_space<semaphore_mem>>) src(%arg10 : memref<64x128xf32, #tpu.memory_space<vmem>>) dst(%dma_wait3A_112 : memref<10240x128xf32, #tpu.memory_space<vmem_shared>>)
        tpu.yield
      }) : () -> ()
      %dma_wait3A_92 = arith.constant 0 : i32
      %dma_wait3A_93 = tpu.memref_slice %arg7[%add3A_69, %dma_wait3A_92] : memref<80x64xi32, #tpu.memory_space<vmem>> -> memref<1x64xi32, #tpu.memory_space<vmem>>
      %dma_wait3A_94 = tpu.memref_squeeze %dma_wait3A_93 : memref<1x64xi32, #tpu.memory_space<vmem>> -> memref<64xi32, #tpu.memory_space<vmem>>
      %dma_wait3A_95 = arith.constant 0 : i32
      %dma_wait3A_96 = arith.constant 0 : i32
      %dma_wait3A_97 = tpu.memref_slice %arg2[%dma_wait3A_95, %dma_wait3A_96] : memref<10000x128xf32, #tpu.memory_space<hbm>> -> memref<10000x128xf32, #tpu.memory_space<hbm>>
      tpu.wait_indirect_dma semaphore(%arg13 : memref<!tpu.dma_semaphore, #tpu.memory_space<semaphore_mem>>) src(%dma_wait3A_97 : memref<10000x128xf32, #tpu.memory_space<hbm>>) dst(%arg11 : memref<64x128xf32, #tpu.memory_space<vmem>>)
      %add3A_98 = arith.constant 2 : i32
      %add3A_99 = arith.addi %mul3A_51, %add3A_98 : i32
      "tpu.region"() ({
        %run_scoped3A_100 = tpu.sem_alloc : memref<!tpu.dma_semaphore, #tpu.memory_space<semaphore_mem>>
        %dma_start3A_101 = arith.constant 0 : i32
        %dma_start3A_102 = tpu.memref_slice %arg8[%add3A_99, %dma_start3A_101] : memref<80x64xi32, #tpu.memory_space<vmem>> -> memref<1x64xi32, #tpu.memory_space<vmem>>
        %dma_start3A_103 = tpu.memref_squeeze %dma_start3A_102 : memref<1x64xi32, #tpu.memory_space<vmem>> -> memref<64xi32, #tpu.memory_space<vmem>>
        %dma_start3A_104 = arith.constant 0 : i32
        %dma_start3A_105 = arith.constant 0 : i32
        %dma_start3A_106 = tpu.memref_slice %arg12[%dma_start3A_104, %dma_start3A_105] : memref<10240x128xf32, #tpu.memory_space<vmem_shared>> -> memref<10240x128xf32, #tpu.memory_space<vmem_shared>>
        tpu.enqueue_indirect_dma source(%arg11 : memref<64x128xf32, #tpu.memory_space<vmem>>) target(%dma_start3A_106 : memref<10240x128xf32, #tpu.memory_space<vmem_shared>>) offsets(%dma_start3A_103 : memref<64xi32, #tpu.memory_space<vmem>>) semaphore(%run_scoped3A_100 : memref<!tpu.dma_semaphore, #tpu.memory_space<semaphore_mem>>) {add = true}
        %dma_wait3A_107 = arith.constant 0 : i32
        %dma_wait3A_108 = tpu.memref_slice %arg8[%add3A_99, %dma_wait3A_107] : memref<80x64xi32, #tpu.memory_space<vmem>> -> memref<1x64xi32, #tpu.memory_space<vmem>>
        %dma_wait3A_109 = tpu.memref_squeeze %dma_wait3A_108 : memref<1x64xi32, #tpu.memory_space<vmem>> -> memref<64xi32, #tpu.memory_space<vmem>>
        %dma_wait3A_110 = arith.constant 0 : i32
        %dma_wait3A_111 = arith.constant 0 : i32
        %dma_wait3A_112 = tpu.memref_slice %arg12[%dma_wait3A_110, %dma_wait3A_111] : memref<10240x128xf32, #tpu.memory_space<vmem_shared>> -> memref<10240x128xf32, #tpu.memory_space<vmem_shared>>
        tpu.wait_indirect_dma semaphore(%run_scoped3A_100 : memref<!tpu.dma_semaphore, #tpu.memory_space<semaphore_mem>>) src(%arg11 : memref<64x128xf32, #tpu.memory_space<vmem>>) dst(%dma_wait3A_112 : memref<10240x128xf32, #tpu.memory_space<vmem_shared>>)
        tpu.yield
      }) : () -> ()
    }
    %scan3A_12 = arith.constant 26 : i32
    %dma_start3A = arith.constant 78 : i32
    %dma_start3A_13 = arith.constant 0 : i32
    %dma_start3A_14 = tpu.memref_slice %arg7[%dma_start3A, %dma_start3A_13] : memref<80x64xi32, #tpu.memory_space<vmem>> -> memref<1x64xi32, #tpu.memory_space<vmem>>
    %dma_start3A_15 = tpu.memref_squeeze %dma_start3A_14 : memref<1x64xi32, #tpu.memory_space<vmem>> -> memref<64xi32, #tpu.memory_space<vmem>>
    %dma_start3A_16 = arith.constant 0 : i32
    %dma_start3A_17 = arith.constant 0 : i32
    %dma_start3A_18 = tpu.memref_slice %arg2[%dma_start3A_16, %dma_start3A_17] : memref<10000x128xf32, #tpu.memory_space<hbm>> -> memref<10000x128xf32, #tpu.memory_space<hbm>>
    tpu.enqueue_indirect_dma source(%dma_start3A_18 : memref<10000x128xf32, #tpu.memory_space<hbm>>) target(%arg9 : memref<64x128xf32, #tpu.memory_space<vmem>>) offsets(%dma_start3A_15 : memref<64xi32, #tpu.memory_space<vmem>>) semaphore(%arg13 : memref<!tpu.dma_semaphore, #tpu.memory_space<semaphore_mem>>)
    %dma_wait3A = arith.constant 78 : i32
    %dma_wait3A_19 = arith.constant 0 : i32
    %dma_wait3A_20 = tpu.memref_slice %arg7[%dma_wait3A, %dma_wait3A_19] : memref<80x64xi32, #tpu.memory_space<vmem>> -> memref<1x64xi32, #tpu.memory_space<vmem>>
    %dma_wait3A_21 = tpu.memref_squeeze %dma_wait3A_20 : memref<1x64xi32, #tpu.memory_space<vmem>> -> memref<64xi32, #tpu.memory_space<vmem>>
    %dma_wait3A_22 = arith.constant 0 : i32
    %dma_wait3A_23 = arith.constant 0 : i32
    %dma_wait3A_24 = tpu.memref_slice %arg2[%dma_wait3A_22, %dma_wait3A_23] : memref<10000x128xf32, #tpu.memory_space<hbm>> -> memref<10000x128xf32, #tpu.memory_space<hbm>>
    tpu.wait_indirect_dma semaphore(%arg13 : memref<!tpu.dma_semaphore, #tpu.memory_space<semaphore_mem>>) src(%dma_wait3A_24 : memref<10000x128xf32, #tpu.memory_space<hbm>>) dst(%arg9 : memref<64x128xf32, #tpu.memory_space<vmem>>)
    %run_scoped3A = arith.constant 78 : i32
    "tpu.region"() ({
      %run_scoped3A_45 = tpu.sem_alloc : memref<!tpu.dma_semaphore, #tpu.memory_space<semaphore_mem>>
      %dma_start3A_46 = arith.constant 0 : i32
      %dma_start3A_47 = tpu.memref_slice %arg8[%run_scoped3A, %dma_start3A_46] : memref<80x64xi32, #tpu.memory_space<vmem>> -> memref<1x64xi32, #tpu.memory_space<vmem>>
      %dma_start3A_48 = tpu.memref_squeeze %dma_start3A_47 : memref<1x64xi32, #tpu.memory_space<vmem>> -> memref<64xi32, #tpu.memory_space<vmem>>
      %dma_start3A_49 = arith.constant 0 : i32
      %dma_start3A_50 = arith.constant 0 : i32
      %dma_start3A_51 = tpu.memref_slice %arg12[%dma_start3A_49, %dma_start3A_50] : memref<10240x128xf32, #tpu.memory_space<vmem_shared>> -> memref<10240x128xf32, #tpu.memory_space<vmem_shared>>
      tpu.enqueue_indirect_dma source(%arg9 : memref<64x128xf32, #tpu.memory_space<vmem>>) target(%dma_start3A_51 : memref<10240x128xf32, #tpu.memory_space<vmem_shared>>) offsets(%dma_start3A_48 : memref<64xi32, #tpu.memory_space<vmem>>) semaphore(%run_scoped3A_45 : memref<!tpu.dma_semaphore, #tpu.memory_space<semaphore_mem>>) {add = true}
      %dma_wait3A_52 = arith.constant 0 : i32
      %dma_wait3A_53 = tpu.memref_slice %arg8[%run_scoped3A, %dma_wait3A_52] : memref<80x64xi32, #tpu.memory_space<vmem>> -> memref<1x64xi32, #tpu.memory_space<vmem>>
      %dma_wait3A_54 = tpu.memref_squeeze %dma_wait3A_53 : memref<1x64xi32, #tpu.memory_space<vmem>> -> memref<64xi32, #tpu.memory_space<vmem>>
      %dma_wait3A_55 = arith.constant 0 : i32
      %dma_wait3A_56 = arith.constant 0 : i32
      %dma_wait3A_57 = tpu.memref_slice %arg12[%dma_wait3A_55, %dma_wait3A_56] : memref<10240x128xf32, #tpu.memory_space<vmem_shared>> -> memref<10240x128xf32, #tpu.memory_space<vmem_shared>>
      tpu.wait_indirect_dma semaphore(%run_scoped3A_45 : memref<!tpu.dma_semaphore, #tpu.memory_space<semaphore_mem>>) src(%arg9 : memref<64x128xf32, #tpu.memory_space<vmem>>) dst(%dma_wait3A_57 : memref<10240x128xf32, #tpu.memory_space<vmem_shared>>)
      tpu.yield
    }) : () -> ()
    %dma_start3A_25 = arith.constant 79 : i32
    %dma_start3A_26 = arith.constant 0 : i32
    %dma_start3A_27 = tpu.memref_slice %arg7[%dma_start3A_25, %dma_start3A_26] : memref<80x64xi32, #tpu.memory_space<vmem>> -> memref<1x64xi32, #tpu.memory_space<vmem>>
    %dma_start3A_28 = tpu.memref_squeeze %dma_start3A_27 : memref<1x64xi32, #tpu.memory_space<vmem>> -> memref<64xi32, #tpu.memory_space<vmem>>
    %dma_start3A_29 = arith.constant 0 : i32
    %dma_start3A_30 = arith.constant 0 : i32
    %dma_start3A_31 = tpu.memref_slice %arg2[%dma_start3A_29, %dma_start3A_30] : memref<10000x128xf32, #tpu.memory_space<hbm>> -> memref<10000x128xf32, #tpu.memory_space<hbm>>
    tpu.enqueue_indirect_dma source(%dma_start3A_31 : memref<10000x128xf32, #tpu.memory_space<hbm>>) target(%arg10 : memref<64x128xf32, #tpu.memory_space<vmem>>) offsets(%dma_start3A_28 : memref<64xi32, #tpu.memory_space<vmem>>) semaphore(%arg13 : memref<!tpu.dma_semaphore, #tpu.memory_space<semaphore_mem>>)
    %dma_wait3A_32 = arith.constant 79 : i32
    %dma_wait3A_33 = arith.constant 0 : i32
    %dma_wait3A_34 = tpu.memref_slice %arg7[%dma_wait3A_32, %dma_wait3A_33] : memref<80x64xi32, #tpu.memory_space<vmem>> -> memref<1x64xi32, #tpu.memory_space<vmem>>
    %dma_wait3A_35 = tpu.memref_squeeze %dma_wait3A_34 : memref<1x64xi32, #tpu.memory_space<vmem>> -> memref<64xi32, #tpu.memory_space<vmem>>
    %dma_wait3A_36 = arith.constant 0 : i32
    %dma_wait3A_37 = arith.constant 0 : i32
    %dma_wait3A_38 = tpu.memref_slice %arg2[%dma_wait3A_36, %dma_wait3A_37] : memref<10000x128xf32, #tpu.memory_space<hbm>> -> memref<10000x128xf32, #tpu.memory_space<hbm>>
    tpu.wait_indirect_dma semaphore(%arg13 : memref<!tpu.dma_semaphore, #tpu.memory_space<semaphore_mem>>) src(%dma_wait3A_38 : memref<10000x128xf32, #tpu.memory_space<hbm>>) dst(%arg10 : memref<64x128xf32, #tpu.memory_space<vmem>>)
    %run_scoped3A_39 = arith.constant 79 : i32
    "tpu.region"() ({
      %run_scoped3A_45 = tpu.sem_alloc : memref<!tpu.dma_semaphore, #tpu.memory_space<semaphore_mem>>
      %dma_start3A_46 = arith.constant 0 : i32
      %dma_start3A_47 = tpu.memref_slice %arg8[%run_scoped3A_39, %dma_start3A_46] : memref<80x64xi32, #tpu.memory_space<vmem>> -> memref<1x64xi32, #tpu.memory_space<vmem>>
      %dma_start3A_48 = tpu.memref_squeeze %dma_start3A_47 : memref<1x64xi32, #tpu.memory_space<vmem>> -> memref<64xi32, #tpu.memory_space<vmem>>
      %dma_start3A_49 = arith.constant 0 : i32
      %dma_start3A_50 = arith.constant 0 : i32
      %dma_start3A_51 = tpu.memref_slice %arg12[%dma_start3A_49, %dma_start3A_50] : memref<10240x128xf32, #tpu.memory_space<vmem_shared>> -> memref<10240x128xf32, #tpu.memory_space<vmem_shared>>
      tpu.enqueue_indirect_dma source(%arg10 : memref<64x128xf32, #tpu.memory_space<vmem>>) target(%dma_start3A_51 : memref<10240x128xf32, #tpu.memory_space<vmem_shared>>) offsets(%dma_start3A_48 : memref<64xi32, #tpu.memory_space<vmem>>) semaphore(%run_scoped3A_45 : memref<!tpu.dma_semaphore, #tpu.memory_space<semaphore_mem>>) {add = true}
      %dma_wait3A_52 = arith.constant 0 : i32
      %dma_wait3A_53 = tpu.memref_slice %arg8[%run_scoped3A_39, %dma_wait3A_52] : memref<80x64xi32, #tpu.memory_space<vmem>> -> memref<1x64xi32, #tpu.memory_space<vmem>>
      %dma_wait3A_54 = tpu.memref_squeeze %dma_wait3A_53 : memref<1x64xi32, #tpu.memory_space<vmem>> -> memref<64xi32, #tpu.memory_space<vmem>>
      %dma_wait3A_55 = arith.constant 0 : i32
      %dma_wait3A_56 = arith.constant 0 : i32
      %dma_wait3A_57 = tpu.memref_slice %arg12[%dma_wait3A_55, %dma_wait3A_56] : memref<10240x128xf32, #tpu.memory_space<vmem_shared>> -> memref<10240x128xf32, #tpu.memory_space<vmem_shared>>
      tpu.wait_indirect_dma semaphore(%run_scoped3A_45 : memref<!tpu.dma_semaphore, #tpu.memory_space<semaphore_mem>>) src(%arg10 : memref<64x128xf32, #tpu.memory_space<vmem>>) dst(%dma_wait3A_57 : memref<10240x128xf32, #tpu.memory_space<vmem_shared>>)
      tpu.yield
    }) : () -> ()
    %barrier3A_40 = arith.constant 0 : index
    tpu.barrier barrier_id(%barrier3A_40)
    %mul3A_41 = arith.constant 640 : i32
    %mul3A_42 = arith.muli %arg1, %mul3A_41 : i32
    %mul3A_43 = arith.constant 640 : i32
    %mul3A_44 = arith.muli %arg1, %mul3A_43 : i32
    "tpu.region"() ({
      %run_scoped3A_45 = tpu.sem_alloc : memref<!tpu.dma_semaphore, #tpu.memory_space<semaphore_mem>>
      %dma_start3A_46 = arith.constant 0 : i32
      %dma_start3A_47 = tpu.memref_slice %arg6[%arg0, %mul3A_44, %dma_start3A_46] : memref<2x10240x128xf32, #tpu.memory_space<hbm>> -> memref<1x640x128xf32, #tpu.memory_space<hbm>>
      %dma_start3A_48 = tpu.memref_squeeze %dma_start3A_47 : memref<1x640x128xf32, #tpu.memory_space<hbm>> -> memref<640x128xf32, #tpu.memory_space<hbm>>
      %dma_start3A_49 = arith.constant 0 : i32
      %dma_start3A_50 = tpu.memref_slice %arg12[%mul3A_42, %dma_start3A_49] : memref<10240x128xf32, #tpu.memory_space<vmem_shared>> -> memref<640x128xf32, #tpu.memory_space<vmem_shared>>
      tpu.enqueue_dma source(%dma_start3A_50 : memref<640x128xf32, #tpu.memory_space<vmem_shared>>) target(%dma_start3A_48 : memref<640x128xf32, #tpu.memory_space<hbm>>) target_semaphore(%run_scoped3A_45 : memref<!tpu.dma_semaphore, #tpu.memory_space<semaphore_mem>>)
      %dma_wait3A_51 = arith.constant 0 : i32
      %dma_wait3A_52 = tpu.memref_slice %arg6[%arg0, %mul3A_44, %dma_wait3A_51] : memref<2x10240x128xf32, #tpu.memory_space<hbm>> -> memref<1x640x128xf32, #tpu.memory_space<hbm>>
      %dma_wait3A_53 = tpu.memref_squeeze %dma_wait3A_52 : memref<1x640x128xf32, #tpu.memory_space<hbm>> -> memref<640x128xf32, #tpu.memory_space<hbm>>
      %dma_wait3A_54 = arith.constant 0 : i32
      %dma_wait3A_55 = tpu.memref_slice %arg12[%mul3A_42, %dma_wait3A_54] : memref<10240x128xf32, #tpu.memory_space<vmem_shared>> -> memref<640x128xf32, #tpu.memory_space<vmem_shared>>
      tpu.wait_dma2 semaphore(%run_scoped3A_45 : memref<!tpu.dma_semaphore, #tpu.memory_space<semaphore_mem>>) src(%dma_wait3A_55 : memref<640x128xf32, #tpu.memory_space<vmem_shared>>) dst(%dma_wait3A_53 : memref<640x128xf32, #tpu.memory_space<hbm>>)
      tpu.yield
    }) : () -> ()
    return
  }
}

module attributes {stable_mosaic.version = 14 : i64} {
  func.func @body(%arg0: i32, %arg1: memref<1024x128xf32, #tpu.memory_space<vmem>>, %arg2: memref<128x128xf32, #tpu.memory_space<vmem>>, %arg3: memref<2x1024x128xf32, #tpu.memory_space<vmem>>, %arg4: memref<1024x128xf32, #tpu.memory_space<vmem>>, %arg5: memref<1024x128xf32, #tpu.memory_space<vmem>>, %arg6: memref<1024x8xf32, #tpu.memory_space<vmem>>) attributes {dimension_semantics = [#tpu.dimension_semantics<arbitrary>], iteration_bounds = array<i64: 10>, scalar_prefetch = 0 : i64, scratch_operands = 0 : i64, tpu.core_type = #tpu.core_type<tc>, window_params = [{transform_indices = @transform_0, window_bounds = array<i64: 1024, 128>}, {pipeline_mode = #tpu.pipeline_mode<synchronous>, transform_indices = @transform_1, window_bounds = array<i64: 128, 128>}, {transform_indices = @transform_2, window_bounds = array<i64: 2, 1024, 128>}, {transform_indices = @transform_3, window_bounds = array<i64: 1024, 128>}, {transform_indices = @transform_4, window_bounds = array<i64: 1024, 128>}, {transform_indices = @transform_5, window_bounds = array<i64: 1024, 8>}]} {
    %get3A = arith.constant 0 : index
    %get3A_0 = arith.constant 0 : index
    %get3A_1 = vector.load %arg1[%get3A, %get3A_0] : memref<1024x128xf32, #tpu.memory_space<vmem>>, vector<1024x128xf32>
    %get3A_2 = arith.constant 0 : index
    %get3A_3 = arith.constant 0 : index
    %get3A_4 = vector.load %arg2[%get3A_2, %get3A_3] : memref<128x128xf32, #tpu.memory_space<vmem>>, vector<128x128xf32>
    %dot_general3A = arith.constant dense<0.000000e+00> : vector<1024x128xf32>
    %dot_general3A_5 = tpu.matmul %get3A_1, %get3A_4, %dot_general3A {dimension_numbers = #tpu.dot_dimension_numbers<[1], [0], [0], [1], [0, 0, 1, 1], [], []>, transpose_lhs_hint = false} : vector<1024x128xf32>, vector<128x128xf32>, vector<1024x128xf32> -> vector<1024x128xf32>
    %get3A_6 = arith.constant 0 : index
    %get3A_7 = arith.constant 0 : index
    %get3A_8 = arith.constant 0 : index
    %get3A_9 = vector.load %arg3[%get3A_6, %get3A_7, %get3A_8] : memref<2x1024x128xf32, #tpu.memory_space<vmem>>, vector<1x1024x1xf32>
    %get3A_10 = vector.shape_cast %get3A_9 : vector<1x1024x1xf32> to vector<1024x1xf32>
    %get3A_11 = arith.constant 1 : index
    %get3A_12 = arith.constant 0 : index
    %get3A_13 = arith.constant 0 : index
    %get3A_14 = vector.load %arg3[%get3A_11, %get3A_12, %get3A_13] : memref<2x1024x128xf32, #tpu.memory_space<vmem>>, vector<1x1024x1xf32>
    %get3A_15 = vector.shape_cast %get3A_14 : vector<1x1024x1xf32> to vector<1024x1xf32>
    %add3A = arith.addf %get3A_10, %get3A_15 : vector<1024x1xf32>
    %add3A_16 = arith.constant 1.000000e+00 : f32
    %add3A_17 = vector.broadcast %add3A_16 : f32 to vector<1024x1xf32>
    %add3A_18 = arith.addf %add3A, %add3A_17 : vector<1024x1xf32>
    %rsqrt3A = math.rsqrt %add3A_18 : vector<1024x1xf32>
    %swap3A = arith.constant 0 : index
    %swap3A_19 = arith.constant 0 : index
    %swap3A_20 = vector.load %arg5[%swap3A, %swap3A_19] : memref<1024x128xf32, #tpu.memory_space<vmem>>, vector<1024x128xf32>
    tpu.vector_store %arg5[%swap3A, %swap3A_19], %dot_general3A_5 {strides = array<i32>} : memref<1024x128xf32, #tpu.memory_space<vmem>>, vector<1024x128xf32>,
    %mul3A = vector.broadcast %rsqrt3A : vector<1024x1xf32> to vector<1024x128xf32>
    %mul3A_21 = arith.mulf %dot_general3A_5, %mul3A : vector<1024x128xf32>
    %swap3A_22 = arith.constant 0 : index
    %swap3A_23 = arith.constant 0 : index
    %swap3A_24 = vector.load %arg4[%swap3A_22, %swap3A_23] : memref<1024x128xf32, #tpu.memory_space<vmem>>, vector<1024x128xf32>
    tpu.vector_store %arg4[%swap3A_22, %swap3A_23], %mul3A_21 {strides = array<i32>} : memref<1024x128xf32, #tpu.memory_space<vmem>>, vector<1024x128xf32>,
    %broadcast_in_dim3A = vector.shape_cast %rsqrt3A : vector<1024x1xf32> to vector<1024x1xf32>
    %broadcast_in_dim3A_25 = vector.broadcast %broadcast_in_dim3A : vector<1024x1xf32> to vector<1024x8xf32>
    %swap3A_26 = arith.constant 0 : index
    %swap3A_27 = arith.constant 0 : index
    %swap3A_28 = vector.load %arg6[%swap3A_26, %swap3A_27] : memref<1024x8xf32, #tpu.memory_space<vmem>>, vector<1024x8xf32>
    tpu.vector_store %arg6[%swap3A_26, %swap3A_27], %broadcast_in_dim3A_25 {strides = array<i32>} : memref<1024x8xf32, #tpu.memory_space<vmem>>, vector<1024x8xf32>,
    return
  }
  func.func @transform_0(%arg0: i32) -> (i32, i32) {
    %c0_i32 = arith.constant 0 : i32
    %c0_i32_0 = arith.constant 0 : i32
    return %arg0, %c0_i32 : i32, i32
  }
  func.func @transform_1(%arg0: i32) -> (i32, i32) {
    %c0_i32 = arith.constant 0 : i32
    %c0_i32_0 = arith.constant 0 : i32
    %c0_i32_1 = arith.constant 0 : i32
    return %c0_i32, %c0_i32_0 : i32, i32
  }
  func.func @transform_2(%arg0: i32) -> (i32, i32, i32) {
    %c0_i32 = arith.constant 0 : i32
    %c0_i32_0 = arith.constant 0 : i32
    %c0_i32_1 = arith.constant 0 : i32
    return %c0_i32, %arg0, %c0_i32_0 : i32, i32, i32
  }
  func.func @transform_3(%arg0: i32) -> (i32, i32) {
    %c0_i32 = arith.constant 0 : i32
    %c0_i32_0 = arith.constant 0 : i32
    return %arg0, %c0_i32 : i32, i32
  }
  func.func @transform_4(%arg0: i32) -> (i32, i32) {
    %c0_i32 = arith.constant 0 : i32
    %c0_i32_0 = arith.constant 0 : i32
    return %arg0, %c0_i32 : i32, i32
  }
  func.func @transform_5(%arg0: i32) -> (i32, i32) {
    %c0_i32 = arith.constant 0 : i32
    %c0_i32_0 = arith.constant 0 : i32
    return %arg0, %c0_i32 : i32, i32
  }
}

module attributes {stable_mosaic.version = 14 : i64} {
  func.func @body(%arg0: i32, %arg1: memref<1024x128xf32, #tpu.memory_space<vmem>>, %arg2: memref<128x128xf32, #tpu.memory_space<vmem>>, %arg3: memref<2x1024x128xf32, #tpu.memory_space<vmem>>, %arg4: memref<1024x128xf32, #tpu.memory_space<vmem>>, %arg5: memref<1024x128xf32, #tpu.memory_space<vmem>>, %arg6: memref<1024x8xf32, #tpu.memory_space<vmem>>) attributes {dimension_semantics = [#tpu.dimension_semantics<arbitrary>], iteration_bounds = array<i64: 2>, scalar_prefetch = 0 : i64, scratch_operands = 0 : i64, tpu.core_type = #tpu.core_type<tc>, window_params = [{transform_indices = @transform_0, window_bounds = array<i64: 1024, 128>}, {pipeline_mode = #tpu.pipeline_mode<synchronous>, transform_indices = @transform_1, window_bounds = array<i64: 128, 128>}, {transform_indices = @transform_2, window_bounds = array<i64: 2, 1024, 128>}, {transform_indices = @transform_3, window_bounds = array<i64: 1024, 128>}, {transform_indices = @transform_4, window_bounds = array<i64: 1024, 128>}, {transform_indices = @transform_5, window_bounds = array<i64: 1024, 8>}]} {
    %get3A = arith.constant 0 : index
    %get3A_0 = arith.constant 0 : index
    %get3A_1 = vector.load %arg1[%get3A, %get3A_0] : memref<1024x128xf32, #tpu.memory_space<vmem>>, vector<1024x128xf32>
    %get3A_2 = arith.constant 0 : index
    %get3A_3 = arith.constant 0 : index
    %get3A_4 = vector.load %arg2[%get3A_2, %get3A_3] : memref<128x128xf32, #tpu.memory_space<vmem>>, vector<128x128xf32>
    %dot_general3A = arith.constant dense<0.000000e+00> : vector<1024x128xf32>
    %dot_general3A_5 = tpu.matmul %get3A_1, %get3A_4, %dot_general3A {dimension_numbers = #tpu.dot_dimension_numbers<[1], [0], [0], [1], [0, 0, 1, 1], [], []>, transpose_lhs_hint = false} : vector<1024x128xf32>, vector<128x128xf32>, vector<1024x128xf32> -> vector<1024x128xf32>
    %get3A_6 = arith.constant 0 : index
    %get3A_7 = arith.constant 0 : index
    %get3A_8 = arith.constant 0 : index
    %get3A_9 = vector.load %arg3[%get3A_6, %get3A_7, %get3A_8] : memref<2x1024x128xf32, #tpu.memory_space<vmem>>, vector<1x1024x1xf32>
    %get3A_10 = vector.shape_cast %get3A_9 : vector<1x1024x1xf32> to vector<1024x1xf32>
    %get3A_11 = arith.constant 1 : index
    %get3A_12 = arith.constant 0 : index
    %get3A_13 = arith.constant 0 : index
    %get3A_14 = vector.load %arg3[%get3A_11, %get3A_12, %get3A_13] : memref<2x1024x128xf32, #tpu.memory_space<vmem>>, vector<1x1024x1xf32>
    %get3A_15 = vector.shape_cast %get3A_14 : vector<1x1024x1xf32> to vector<1024x1xf32>
    %add3A = arith.addf %get3A_10, %get3A_15 : vector<1024x1xf32>
    %add3A_16 = arith.constant 1.000000e+00 : f32
    %add3A_17 = vector.broadcast %add3A_16 : f32 to vector<1024x1xf32>
    %add3A_18 = arith.addf %add3A, %add3A_17 : vector<1024x1xf32>
    %rsqrt3A = math.rsqrt %add3A_18 : vector<1024x1xf32>
    %swap3A = arith.constant 0 : index
    %swap3A_19 = arith.constant 0 : index
    %swap3A_20 = vector.load %arg5[%swap3A, %swap3A_19] : memref<1024x128xf32, #tpu.memory_space<vmem>>, vector<1024x128xf32>
    tpu.vector_store %arg5[%swap3A, %swap3A_19], %dot_general3A_5 {strides = array<i32>} : memref<1024x128xf32, #tpu.memory_space<vmem>>, vector<1024x128xf32>,
    %mul3A = vector.broadcast %rsqrt3A : vector<1024x1xf32> to vector<1024x128xf32>
    %mul3A_21 = arith.mulf %dot_general3A_5, %mul3A : vector<1024x128xf32>
    %swap3A_22 = arith.constant 0 : index
    %swap3A_23 = arith.constant 0 : index
    %swap3A_24 = vector.load %arg4[%swap3A_22, %swap3A_23] : memref<1024x128xf32, #tpu.memory_space<vmem>>, vector<1024x128xf32>
    tpu.vector_store %arg4[%swap3A_22, %swap3A_23], %mul3A_21 {strides = array<i32>} : memref<1024x128xf32, #tpu.memory_space<vmem>>, vector<1024x128xf32>,
    %broadcast_in_dim3A = vector.shape_cast %rsqrt3A : vector<1024x1xf32> to vector<1024x1xf32>
    %broadcast_in_dim3A_25 = vector.broadcast %broadcast_in_dim3A : vector<1024x1xf32> to vector<1024x8xf32>
    %swap3A_26 = arith.constant 0 : index
    %swap3A_27 = arith.constant 0 : index
    %swap3A_28 = vector.load %arg6[%swap3A_26, %swap3A_27] : memref<1024x8xf32, #tpu.memory_space<vmem>>, vector<1024x8xf32>
    tpu.vector_store %arg6[%swap3A_26, %swap3A_27], %broadcast_in_dim3A_25 {strides = array<i32>} : memref<1024x8xf32, #tpu.memory_space<vmem>>, vector<1024x8xf32>,
    return
  }
  func.func @transform_0(%arg0: i32) -> (i32, i32) {
    %c0_i32 = arith.constant 0 : i32
    %c0_i32_0 = arith.constant 0 : i32
    return %arg0, %c0_i32 : i32, i32
  }
  func.func @transform_1(%arg0: i32) -> (i32, i32) {
    %c0_i32 = arith.constant 0 : i32
    %c0_i32_0 = arith.constant 0 : i32
    %c0_i32_1 = arith.constant 0 : i32
    return %c0_i32, %c0_i32_0 : i32, i32
  }
  func.func @transform_2(%arg0: i32) -> (i32, i32, i32) {
    %c0_i32 = arith.constant 0 : i32
    %c0_i32_0 = arith.constant 0 : i32
    %c0_i32_1 = arith.constant 0 : i32
    return %c0_i32, %arg0, %c0_i32_0 : i32, i32, i32
  }
  func.func @transform_3(%arg0: i32) -> (i32, i32) {
    %c0_i32 = arith.constant 0 : i32
    %c0_i32_0 = arith.constant 0 : i32
    return %arg0, %c0_i32 : i32, i32
  }
  func.func @transform_4(%arg0: i32) -> (i32, i32) {
    %c0_i32 = arith.constant 0 : i32
    %c0_i32_0 = arith.constant 0 : i32
    return %arg0, %c0_i32 : i32, i32
  }
  func.func @transform_5(%arg0: i32) -> (i32, i32) {
    %c0_i32 = arith.constant 0 : i32
    %c0_i32_0 = arith.constant 0 : i32
    return %arg0, %c0_i32 : i32, i32
  }
}

module attributes {stable_mosaic.version = 14 : i64} {
  func.func @body(%arg0: i32, %arg1: memref<2x1024x128xf32, #tpu.memory_space<vmem>>, %arg2: memref<1024x128xf32, #tpu.memory_space<vmem>>, %arg3: memref<1024x8xf32, #tpu.memory_space<vmem>>, %arg4: memref<1x128xf32, #tpu.memory_space<vmem>>, %arg5: memref<128x128xf32, #tpu.memory_space<vmem>>, %arg6: memref<1024x128xf32, #tpu.memory_space<vmem>>, %arg7: memref<1024x128xf32, #tpu.memory_space<vmem>>) attributes {dimension_semantics = [#tpu.dimension_semantics<arbitrary>], iteration_bounds = array<i64: 2>, scalar_prefetch = 0 : i64, scratch_operands = 0 : i64, tpu.core_type = #tpu.core_type<tc>, window_params = [{transform_indices = @transform_0, window_bounds = array<i64: 2, 1024, 128>}, {transform_indices = @transform_1, window_bounds = array<i64: 1024, 128>}, {transform_indices = @transform_2, window_bounds = array<i64: 1024, 8>}, {pipeline_mode = #tpu.pipeline_mode<synchronous>, transform_indices = @transform_3, window_bounds = array<i64: 1, 128>}, {pipeline_mode = #tpu.pipeline_mode<synchronous>, transform_indices = @transform_4, window_bounds = array<i64: 128, 128>}, {transform_indices = @transform_5, window_bounds = array<i64: 1024, 128>}, {transform_indices = @transform_6, window_bounds = array<i64: 1024, 128>}]} {
    %get3A = arith.constant 0 : index
    %get3A_0 = arith.constant 0 : index
    %get3A_1 = vector.load %arg3[%get3A, %get3A_0] : memref<1024x8xf32, #tpu.memory_space<vmem>>, vector<1024x1xf32>
    %get3A_2 = arith.constant 0 : index
    %get3A_3 = arith.constant 0 : index
    %get3A_4 = arith.constant 0 : index
    %get3A_5 = vector.load %arg1[%get3A_2, %get3A_3, %get3A_4] : memref<2x1024x128xf32, #tpu.memory_space<vmem>>, vector<1x1024x128xf32>
    %get3A_6 = vector.shape_cast %get3A_5 : vector<1x1024x128xf32> to vector<1024x128xf32>
    %get3A_7 = arith.constant 1 : index
    %get3A_8 = arith.constant 0 : index
    %get3A_9 = arith.constant 0 : index
    %get3A_10 = vector.load %arg1[%get3A_7, %get3A_8, %get3A_9] : memref<2x1024x128xf32, #tpu.memory_space<vmem>>, vector<1x1024x128xf32>
    %get3A_11 = vector.shape_cast %get3A_10 : vector<1x1024x128xf32> to vector<1024x128xf32>
    %add3A = arith.addf %get3A_6, %get3A_11 : vector<1024x128xf32>
    %mul3A = vector.broadcast %get3A_1 : vector<1024x1xf32> to vector<1024x128xf32>
    %mul3A_12 = arith.mulf %mul3A, %add3A : vector<1024x128xf32>
    %get3A_13 = arith.constant 0 : index
    %get3A_14 = arith.constant 0 : index
    %get3A_15 = vector.load %arg2[%get3A_13, %get3A_14] : memref<1024x128xf32, #tpu.memory_space<vmem>>, vector<1024x128xf32>
    %mul3A_16 = arith.mulf %get3A_1, %get3A_1 : vector<1024x1xf32>
    %mul3A_17 = vector.broadcast %mul3A_16 : vector<1024x1xf32> to vector<1024x128xf32>
    %mul3A_18 = arith.mulf %get3A_15, %mul3A_17 : vector<1024x128xf32>
    %add3A_19 = arith.addf %mul3A_12, %mul3A_18 : vector<1024x128xf32>
    %get3A_20 = arith.constant 0 : index
    %get3A_21 = arith.constant 0 : index
    %get3A_22 = vector.load %arg4[%get3A_20, %get3A_21] : memref<1x128xf32, #tpu.memory_space<vmem>>, vector<1x128xf32>
    %add3A_23 = vector.broadcast %get3A_22 : vector<1x128xf32> to vector<1024x128xf32>
    %add3A_24 = arith.addf %add3A_19, %add3A_23 : vector<1024x128xf32>
    %max3A = arith.constant 0.000000e+00 : f32
    %max3A_25 = vector.broadcast %max3A : f32 to vector<1024x128xf32>
    %max3A_26 = arith.maximumf %add3A_24, %max3A_25 : vector<1024x128xf32>
    %get3A_27 = arith.constant 0 : index
    %get3A_28 = arith.constant 0 : index
    %get3A_29 = vector.load %arg5[%get3A_27, %get3A_28] : memref<128x128xf32, #tpu.memory_space<vmem>>, vector<128x128xf32>
    %dot_general3A = arith.constant dense<0.000000e+00> : vector<1024x128xf32>
    %dot_general3A_30 = tpu.matmul %max3A_26, %get3A_29, %dot_general3A {dimension_numbers = #tpu.dot_dimension_numbers<[1], [0], [0], [1], [0, 0, 1, 1], [], []>, transpose_lhs_hint = false} : vector<1024x128xf32>, vector<128x128xf32>, vector<1024x128xf32> -> vector<1024x128xf32>
    %swap3A = arith.constant 0 : index
    %swap3A_31 = arith.constant 0 : index
    %swap3A_32 = vector.load %arg7[%swap3A, %swap3A_31] : memref<1024x128xf32, #tpu.memory_space<vmem>>, vector<1024x128xf32>
    tpu.vector_store %arg7[%swap3A, %swap3A_31], %dot_general3A_30 {strides = array<i32>} : memref<1024x128xf32, #tpu.memory_space<vmem>>, vector<1024x128xf32>,
    %mul3A_33 = vector.broadcast %get3A_1 : vector<1024x1xf32> to vector<1024x128xf32>
    %mul3A_34 = arith.mulf %dot_general3A_30, %mul3A_33 : vector<1024x128xf32>
    %swap3A_35 = arith.constant 0 : index
    %swap3A_36 = arith.constant 0 : index
    %swap3A_37 = vector.load %arg6[%swap3A_35, %swap3A_36] : memref<1024x128xf32, #tpu.memory_space<vmem>>, vector<1024x128xf32>
    tpu.vector_store %arg6[%swap3A_35, %swap3A_36], %mul3A_34 {strides = array<i32>} : memref<1024x128xf32, #tpu.memory_space<vmem>>, vector<1024x128xf32>,
    return
  }
  func.func @transform_0(%arg0: i32) -> (i32, i32, i32) {
    %c0_i32 = arith.constant 0 : i32
    %c0_i32_0 = arith.constant 0 : i32
    %c0_i32_1 = arith.constant 0 : i32
    return %c0_i32, %arg0, %c0_i32_0 : i32, i32, i32
  }
  func.func @transform_1(%arg0: i32) -> (i32, i32) {
    %c0_i32 = arith.constant 0 : i32
    %c0_i32_0 = arith.constant 0 : i32
    return %arg0, %c0_i32 : i32, i32
  }
  func.func @transform_2(%arg0: i32) -> (i32, i32) {
    %c0_i32 = arith.constant 0 : i32
    %c0_i32_0 = arith.constant 0 : i32
    return %arg0, %c0_i32 : i32, i32
  }
  func.func @transform_3(%arg0: i32) -> (i32, i32) {
    %c0_i32 = arith.constant 0 : i32
    %c0_i32_0 = arith.constant 0 : i32
    %c0_i32_1 = arith.constant 0 : i32
    return %c0_i32, %c0_i32_0 : i32, i32
  }
  func.func @transform_4(%arg0: i32) -> (i32, i32) {
    %c0_i32 = arith.constant 0 : i32
    %c0_i32_0 = arith.constant 0 : i32
    %c0_i32_1 = arith.constant 0 : i32
    return %c0_i32, %c0_i32_0 : i32, i32
  }
  func.func @transform_5(%arg0: i32) -> (i32, i32) {
    %c0_i32 = arith.constant 0 : i32
    %c0_i32_0 = arith.constant 0 : i32
    return %arg0, %c0_i32 : i32, i32
  }
  func.func @transform_6(%arg0: i32) -> (i32, i32) {
    %c0_i32 = arith.constant 0 : i32
    %c0_i32_0 = arith.constant 0 : i32
    return %arg0, %c0_i32 : i32, i32
  }
}

module attributes {stable_mosaic.version = 14 : i64} {
  func.func @body(%arg0: i32, %arg1: memref<2x1024x128xf32, #tpu.memory_space<vmem>>, %arg2: memref<1024x128xf32, #tpu.memory_space<vmem>>, %arg3: memref<1024x8xf32, #tpu.memory_space<vmem>>, %arg4: memref<1x128xf32, #tpu.memory_space<vmem>>, %arg5: memref<128x128xf32, #tpu.memory_space<vmem>>, %arg6: memref<1024x128xf32, #tpu.memory_space<vmem>>, %arg7: memref<1024x128xf32, #tpu.memory_space<vmem>>) attributes {dimension_semantics = [#tpu.dimension_semantics<arbitrary>], iteration_bounds = array<i64: 10>, scalar_prefetch = 0 : i64, scratch_operands = 0 : i64, tpu.core_type = #tpu.core_type<tc>, window_params = [{transform_indices = @transform_0, window_bounds = array<i64: 2, 1024, 128>}, {transform_indices = @transform_1, window_bounds = array<i64: 1024, 128>}, {transform_indices = @transform_2, window_bounds = array<i64: 1024, 8>}, {pipeline_mode = #tpu.pipeline_mode<synchronous>, transform_indices = @transform_3, window_bounds = array<i64: 1, 128>}, {pipeline_mode = #tpu.pipeline_mode<synchronous>, transform_indices = @transform_4, window_bounds = array<i64: 128, 128>}, {transform_indices = @transform_5, window_bounds = array<i64: 1024, 128>}, {transform_indices = @transform_6, window_bounds = array<i64: 1024, 128>}]} {
    %get3A = arith.constant 0 : index
    %get3A_0 = arith.constant 0 : index
    %get3A_1 = vector.load %arg3[%get3A, %get3A_0] : memref<1024x8xf32, #tpu.memory_space<vmem>>, vector<1024x1xf32>
    %get3A_2 = arith.constant 0 : index
    %get3A_3 = arith.constant 0 : index
    %get3A_4 = arith.constant 0 : index
    %get3A_5 = vector.load %arg1[%get3A_2, %get3A_3, %get3A_4] : memref<2x1024x128xf32, #tpu.memory_space<vmem>>, vector<1x1024x128xf32>
    %get3A_6 = vector.shape_cast %get3A_5 : vector<1x1024x128xf32> to vector<1024x128xf32>
    %get3A_7 = arith.constant 1 : index
    %get3A_8 = arith.constant 0 : index
    %get3A_9 = arith.constant 0 : index
    %get3A_10 = vector.load %arg1[%get3A_7, %get3A_8, %get3A_9] : memref<2x1024x128xf32, #tpu.memory_space<vmem>>, vector<1x1024x128xf32>
    %get3A_11 = vector.shape_cast %get3A_10 : vector<1x1024x128xf32> to vector<1024x128xf32>
    %add3A = arith.addf %get3A_6, %get3A_11 : vector<1024x128xf32>
    %mul3A = vector.broadcast %get3A_1 : vector<1024x1xf32> to vector<1024x128xf32>
    %mul3A_12 = arith.mulf %mul3A, %add3A : vector<1024x128xf32>
    %get3A_13 = arith.constant 0 : index
    %get3A_14 = arith.constant 0 : index
    %get3A_15 = vector.load %arg2[%get3A_13, %get3A_14] : memref<1024x128xf32, #tpu.memory_space<vmem>>, vector<1024x128xf32>
    %mul3A_16 = arith.mulf %get3A_1, %get3A_1 : vector<1024x1xf32>
    %mul3A_17 = vector.broadcast %mul3A_16 : vector<1024x1xf32> to vector<1024x128xf32>
    %mul3A_18 = arith.mulf %get3A_15, %mul3A_17 : vector<1024x128xf32>
    %add3A_19 = arith.addf %mul3A_12, %mul3A_18 : vector<1024x128xf32>
    %get3A_20 = arith.constant 0 : index
    %get3A_21 = arith.constant 0 : index
    %get3A_22 = vector.load %arg4[%get3A_20, %get3A_21] : memref<1x128xf32, #tpu.memory_space<vmem>>, vector<1x128xf32>
    %add3A_23 = vector.broadcast %get3A_22 : vector<1x128xf32> to vector<1024x128xf32>
    %add3A_24 = arith.addf %add3A_19, %add3A_23 : vector<1024x128xf32>
    %max3A = arith.constant 0.000000e+00 : f32
    %max3A_25 = vector.broadcast %max3A : f32 to vector<1024x128xf32>
    %max3A_26 = arith.maximumf %add3A_24, %max3A_25 : vector<1024x128xf32>
    %get3A_27 = arith.constant 0 : index
    %get3A_28 = arith.constant 0 : index
    %get3A_29 = vector.load %arg5[%get3A_27, %get3A_28] : memref<128x128xf32, #tpu.memory_space<vmem>>, vector<128x128xf32>
    %dot_general3A = arith.constant dense<0.000000e+00> : vector<1024x128xf32>
    %dot_general3A_30 = tpu.matmul %max3A_26, %get3A_29, %dot_general3A {dimension_numbers = #tpu.dot_dimension_numbers<[1], [0], [0], [1], [0, 0, 1, 1], [], []>, transpose_lhs_hint = false} : vector<1024x128xf32>, vector<128x128xf32>, vector<1024x128xf32> -> vector<1024x128xf32>
    %swap3A = arith.constant 0 : index
    %swap3A_31 = arith.constant 0 : index
    %swap3A_32 = vector.load %arg7[%swap3A, %swap3A_31] : memref<1024x128xf32, #tpu.memory_space<vmem>>, vector<1024x128xf32>
    tpu.vector_store %arg7[%swap3A, %swap3A_31], %dot_general3A_30 {strides = array<i32>} : memref<1024x128xf32, #tpu.memory_space<vmem>>, vector<1024x128xf32>,
    %mul3A_33 = vector.broadcast %get3A_1 : vector<1024x1xf32> to vector<1024x128xf32>
    %mul3A_34 = arith.mulf %dot_general3A_30, %mul3A_33 : vector<1024x128xf32>
    %swap3A_35 = arith.constant 0 : index
    %swap3A_36 = arith.constant 0 : index
    %swap3A_37 = vector.load %arg6[%swap3A_35, %swap3A_36] : memref<1024x128xf32, #tpu.memory_space<vmem>>, vector<1024x128xf32>
    tpu.vector_store %arg6[%swap3A_35, %swap3A_36], %mul3A_34 {strides = array<i32>} : memref<1024x128xf32, #tpu.memory_space<vmem>>, vector<1024x128xf32>,
    return
  }
  func.func @transform_0(%arg0: i32) -> (i32, i32, i32) {
    %c0_i32 = arith.constant 0 : i32
    %c0_i32_0 = arith.constant 0 : i32
    %c0_i32_1 = arith.constant 0 : i32
    return %c0_i32, %arg0, %c0_i32_0 : i32, i32, i32
  }
  func.func @transform_1(%arg0: i32) -> (i32, i32) {
    %c0_i32 = arith.constant 0 : i32
    %c0_i32_0 = arith.constant 0 : i32
    return %arg0, %c0_i32 : i32, i32
  }
  func.func @transform_2(%arg0: i32) -> (i32, i32) {
    %c0_i32 = arith.constant 0 : i32
    %c0_i32_0 = arith.constant 0 : i32
    return %arg0, %c0_i32 : i32, i32
  }
  func.func @transform_3(%arg0: i32) -> (i32, i32) {
    %c0_i32 = arith.constant 0 : i32
    %c0_i32_0 = arith.constant 0 : i32
    %c0_i32_1 = arith.constant 0 : i32
    return %c0_i32, %c0_i32_0 : i32, i32
  }
  func.func @transform_4(%arg0: i32) -> (i32, i32) {
    %c0_i32 = arith.constant 0 : i32
    %c0_i32_0 = arith.constant 0 : i32
    %c0_i32_1 = arith.constant 0 : i32
    return %c0_i32, %c0_i32_0 : i32, i32
  }
  func.func @transform_5(%arg0: i32) -> (i32, i32) {
    %c0_i32 = arith.constant 0 : i32
    %c0_i32_0 = arith.constant 0 : i32
    return %arg0, %c0_i32 : i32, i32
  }
  func.func @transform_6(%arg0: i32) -> (i32, i32) {
    %c0_i32 = arith.constant 0 : i32
    %c0_i32_0 = arith.constant 0 : i32
    return %arg0, %c0_i32 : i32, i32
  }
}

module attributes {stable_mosaic.version = 14 : i64} {
  func.func @body(%arg0: i32, %arg1: memref<2x2048x128xf32, #tpu.memory_space<vmem>>, %arg2: memref<2048x128xf32, #tpu.memory_space<vmem>>, %arg3: memref<2048x8xf32, #tpu.memory_space<vmem>>, %arg4: memref<1x128xf32, #tpu.memory_space<vmem>>, %arg5: memref<4x128x128xf32, #tpu.memory_space<vmem>>, %arg6: memref<4x1x128xf32, #tpu.memory_space<vmem>>, %arg7: memref<2048x128xbf16, #tpu.memory_space<vmem>>, %arg8: memref<4x2048x128xbf16, #tpu.memory_space<vmem>>) attributes {dimension_semantics = [#tpu.dimension_semantics<arbitrary>], iteration_bounds = array<i64: 1>, scalar_prefetch = 0 : i64, scratch_operands = 0 : i64, tpu.core_type = #tpu.core_type<tc>, window_params = [{transform_indices = @transform_0, window_bounds = array<i64: 2, 2048, 128>}, {pipeline_mode = #tpu.pipeline_mode<synchronous>, transform_indices = @transform_1, window_bounds = array<i64: 2048, 128>}, {pipeline_mode = #tpu.pipeline_mode<synchronous>, transform_indices = @transform_2, window_bounds = array<i64: 2048, 8>}, {pipeline_mode = #tpu.pipeline_mode<synchronous>, transform_indices = @transform_3, window_bounds = array<i64: 1, 128>}, {pipeline_mode = #tpu.pipeline_mode<synchronous>, transform_indices = @transform_4, window_bounds = array<i64: 4, 128, 128>}, {pipeline_mode = #tpu.pipeline_mode<synchronous>, transform_indices = @transform_5, window_bounds = array<i64: 4, 1, 128>}, {pipeline_mode = #tpu.pipeline_mode<synchronous>, transform_indices = @transform_6, window_bounds = array<i64: 2048, 128>}, {pipeline_mode = #tpu.pipeline_mode<synchronous>, transform_indices = @transform_7, window_bounds = array<i64: 4, 2048, 128>}]} {
    %get3A = arith.constant 0 : index
    %get3A_0 = arith.constant 0 : index
    %get3A_1 = vector.load %arg3[%get3A, %get3A_0] : memref<2048x8xf32, #tpu.memory_space<vmem>>, vector<2048x1xf32>
    %get3A_2 = arith.constant 0 : index
    %get3A_3 = arith.constant 0 : index
    %get3A_4 = arith.constant 0 : index
    %get3A_5 = vector.load %arg1[%get3A_2, %get3A_3, %get3A_4] : memref<2x2048x128xf32, #tpu.memory_space<vmem>>, vector<1x2048x128xf32>
    %get3A_6 = vector.shape_cast %get3A_5 : vector<1x2048x128xf32> to vector<2048x128xf32>
    %get3A_7 = arith.constant 1 : index
    %get3A_8 = arith.constant 0 : index
    %get3A_9 = arith.constant 0 : index
    %get3A_10 = vector.load %arg1[%get3A_7, %get3A_8, %get3A_9] : memref<2x2048x128xf32, #tpu.memory_space<vmem>>, vector<1x2048x128xf32>
    %get3A_11 = vector.shape_cast %get3A_10 : vector<1x2048x128xf32> to vector<2048x128xf32>
    %add3A = arith.addf %get3A_6, %get3A_11 : vector<2048x128xf32>
    %mul3A = vector.broadcast %get3A_1 : vector<2048x1xf32> to vector<2048x128xf32>
    %mul3A_12 = arith.mulf %mul3A, %add3A : vector<2048x128xf32>
    %get3A_13 = arith.constant 0 : index
    %get3A_14 = arith.constant 0 : index
    %get3A_15 = vector.load %arg2[%get3A_13, %get3A_14] : memref<2048x128xf32, #tpu.memory_space<vmem>>, vector<2048x128xf32>
    %mul3A_16 = arith.mulf %get3A_1, %get3A_1 : vector<2048x1xf32>
    %mul3A_17 = vector.broadcast %mul3A_16 : vector<2048x1xf32> to vector<2048x128xf32>
    %mul3A_18 = arith.mulf %get3A_15, %mul3A_17 : vector<2048x128xf32>
    %add3A_19 = arith.addf %mul3A_12, %mul3A_18 : vector<2048x128xf32>
    %get3A_20 = arith.constant 0 : index
    %get3A_21 = arith.constant 0 : index
    %get3A_22 = vector.load %arg4[%get3A_20, %get3A_21] : memref<1x128xf32, #tpu.memory_space<vmem>>, vector<1x128xf32>
    %add3A_23 = vector.broadcast %get3A_22 : vector<1x128xf32> to vector<2048x128xf32>
    %add3A_24 = arith.addf %add3A_19, %add3A_23 : vector<2048x128xf32>
    %max3A = arith.constant 0.000000e+00 : f32
    %max3A_25 = vector.broadcast %max3A : f32 to vector<2048x128xf32>
    %max3A_26 = arith.maximumf %add3A_24, %max3A_25 : vector<2048x128xf32>
    %convert_element_type3A = arith.truncf %max3A_26 : vector<2048x128xf32> to vector<2048x128xbf16>
    %swap3A = arith.constant 0 : index
    %swap3A_27 = arith.constant 0 : index
    %swap3A_28 = vector.load %arg7[%swap3A, %swap3A_27] : memref<2048x128xbf16, #tpu.memory_space<vmem>>, vector<2048x128xbf16>
    tpu.vector_store %arg7[%swap3A, %swap3A_27], %convert_element_type3A {strides = array<i32>} : memref<2048x128xbf16, #tpu.memory_space<vmem>>, vector<2048x128xbf16>,
    %get3A_29 = arith.constant 0 : index
    %get3A_30 = arith.constant 0 : index
    %get3A_31 = arith.constant 0 : index
    %get3A_32 = vector.load %arg5[%get3A_29, %get3A_30, %get3A_31] : memref<4x128x128xf32, #tpu.memory_space<vmem>>, vector<1x128x128xf32>
    %get3A_33 = vector.shape_cast %get3A_32 : vector<1x128x128xf32> to vector<128x128xf32>
    %dot_general3A = arith.constant dense<0.000000e+00> : vector<2048x128xf32>
    %dot_general3A_34 = tpu.matmul %max3A_26, %get3A_33, %dot_general3A {dimension_numbers = #tpu.dot_dimension_numbers<[1], [0], [0], [1], [0, 0, 1, 1], [], []>, transpose_lhs_hint = false} : vector<2048x128xf32>, vector<128x128xf32>, vector<2048x128xf32> -> vector<2048x128xf32>
    %get3A_35 = arith.constant 0 : index
    %get3A_36 = arith.constant 0 : index
    %get3A_37 = arith.constant 0 : index
    %get3A_38 = vector.load %arg6[%get3A_35, %get3A_36, %get3A_37] : memref<4x1x128xf32, #tpu.memory_space<vmem>>, vector<1x1x128xf32>
    %get3A_39 = vector.shape_cast %get3A_38 : vector<1x1x128xf32> to vector<1x128xf32>
    %add3A_40 = vector.broadcast %get3A_39 : vector<1x128xf32> to vector<2048x128xf32>
    %add3A_41 = arith.addf %dot_general3A_34, %add3A_40 : vector<2048x128xf32>
    %convert_element_type3A_42 = arith.truncf %add3A_41 : vector<2048x128xf32> to vector<2048x128xbf16>
    %swap3A_43 = arith.constant 0 : index
    %swap3A_44 = arith.constant 0 : index
    %swap3A_45 = arith.constant 0 : index
    %swap3A_46 = vector.load %arg8[%swap3A_43, %swap3A_44, %swap3A_45] : memref<4x2048x128xbf16, #tpu.memory_space<vmem>>, vector<1x2048x128xbf16>
    %swap3A_47 = vector.shape_cast %swap3A_46 : vector<1x2048x128xbf16> to vector<2048x128xbf16>
    %swap3A_48 = vector.shape_cast %convert_element_type3A_42 : vector<2048x128xbf16> to vector<1x2048x128xbf16>
    tpu.vector_store %arg8[%swap3A_43, %swap3A_44, %swap3A_45], %swap3A_48 {strides = array<i32>} : memref<4x2048x128xbf16, #tpu.memory_space<vmem>>, vector<1x2048x128xbf16>,
    %get3A_49 = arith.constant 1 : index
    %get3A_50 = arith.constant 0 : index
    %get3A_51 = arith.constant 0 : index
    %get3A_52 = vector.load %arg5[%get3A_49, %get3A_50, %get3A_51] : memref<4x128x128xf32, #tpu.memory_space<vmem>>, vector<1x128x128xf32>
    %get3A_53 = vector.shape_cast %get3A_52 : vector<1x128x128xf32> to vector<128x128xf32>
    %dot_general3A_54 = arith.constant dense<0.000000e+00> : vector<2048x128xf32>
    %dot_general3A_55 = tpu.matmul %max3A_26, %get3A_53, %dot_general3A_54 {dimension_numbers = #tpu.dot_dimension_numbers<[1], [0], [0], [1], [0, 0, 1, 1], [], []>, transpose_lhs_hint = false} : vector<2048x128xf32>, vector<128x128xf32>, vector<2048x128xf32> -> vector<2048x128xf32>
    %get3A_56 = arith.constant 1 : index
    %get3A_57 = arith.constant 0 : index
    %get3A_58 = arith.constant 0 : index
    %get3A_59 = vector.load %arg6[%get3A_56, %get3A_57, %get3A_58] : memref<4x1x128xf32, #tpu.memory_space<vmem>>, vector<1x1x128xf32>
    %get3A_60 = vector.shape_cast %get3A_59 : vector<1x1x128xf32> to vector<1x128xf32>
    %add3A_61 = vector.broadcast %get3A_60 : vector<1x128xf32> to vector<2048x128xf32>
    %add3A_62 = arith.addf %dot_general3A_55, %add3A_61 : vector<2048x128xf32>
    %convert_element_type3A_63 = arith.truncf %add3A_62 : vector<2048x128xf32> to vector<2048x128xbf16>
    %swap3A_64 = arith.constant 1 : index
    %swap3A_65 = arith.constant 0 : index
    %swap3A_66 = arith.constant 0 : index
    %swap3A_67 = vector.load %arg8[%swap3A_64, %swap3A_65, %swap3A_66] : memref<4x2048x128xbf16, #tpu.memory_space<vmem>>, vector<1x2048x128xbf16>
    %swap3A_68 = vector.shape_cast %swap3A_67 : vector<1x2048x128xbf16> to vector<2048x128xbf16>
    %swap3A_69 = vector.shape_cast %convert_element_type3A_63 : vector<2048x128xbf16> to vector<1x2048x128xbf16>
    tpu.vector_store %arg8[%swap3A_64, %swap3A_65, %swap3A_66], %swap3A_69 {strides = array<i32>} : memref<4x2048x128xbf16, #tpu.memory_space<vmem>>, vector<1x2048x128xbf16>,
    %get3A_70 = arith.constant 2 : index
    %get3A_71 = arith.constant 0 : index
    %get3A_72 = arith.constant 0 : index
    %get3A_73 = vector.load %arg5[%get3A_70, %get3A_71, %get3A_72] : memref<4x128x128xf32, #tpu.memory_space<vmem>>, vector<1x128x128xf32>
    %get3A_74 = vector.shape_cast %get3A_73 : vector<1x128x128xf32> to vector<128x128xf32>
    %dot_general3A_75 = arith.constant dense<0.000000e+00> : vector<2048x128xf32>
    %dot_general3A_76 = tpu.matmul %max3A_26, %get3A_74, %dot_general3A_75 {dimension_numbers = #tpu.dot_dimension_numbers<[1], [0], [0], [1], [0, 0, 1, 1], [], []>, transpose_lhs_hint = false} : vector<2048x128xf32>, vector<128x128xf32>, vector<2048x128xf32> -> vector<2048x128xf32>
    %get3A_77 = arith.constant 2 : index
    %get3A_78 = arith.constant 0 : index
    %get3A_79 = arith.constant 0 : index
    %get3A_80 = vector.load %arg6[%get3A_77, %get3A_78, %get3A_79] : memref<4x1x128xf32, #tpu.memory_space<vmem>>, vector<1x1x128xf32>
    %get3A_81 = vector.shape_cast %get3A_80 : vector<1x1x128xf32> to vector<1x128xf32>
    %add3A_82 = vector.broadcast %get3A_81 : vector<1x128xf32> to vector<2048x128xf32>
    %add3A_83 = arith.addf %dot_general3A_76, %add3A_82 : vector<2048x128xf32>
    %convert_element_type3A_84 = arith.truncf %add3A_83 : vector<2048x128xf32> to vector<2048x128xbf16>
    %swap3A_85 = arith.constant 2 : index
    %swap3A_86 = arith.constant 0 : index
    %swap3A_87 = arith.constant 0 : index
    %swap3A_88 = vector.load %arg8[%swap3A_85, %swap3A_86, %swap3A_87] : memref<4x2048x128xbf16, #tpu.memory_space<vmem>>, vector<1x2048x128xbf16>
    %swap3A_89 = vector.shape_cast %swap3A_88 : vector<1x2048x128xbf16> to vector<2048x128xbf16>
    %swap3A_90 = vector.shape_cast %convert_element_type3A_84 : vector<2048x128xbf16> to vector<1x2048x128xbf16>
    tpu.vector_store %arg8[%swap3A_85, %swap3A_86, %swap3A_87], %swap3A_90 {strides = array<i32>} : memref<4x2048x128xbf16, #tpu.memory_space<vmem>>, vector<1x2048x128xbf16>,
    %get3A_91 = arith.constant 3 : index
    %get3A_92 = arith.constant 0 : index
    %get3A_93 = arith.constant 0 : index
    %get3A_94 = vector.load %arg5[%get3A_91, %get3A_92, %get3A_93] : memref<4x128x128xf32, #tpu.memory_space<vmem>>, vector<1x128x128xf32>
    %get3A_95 = vector.shape_cast %get3A_94 : vector<1x128x128xf32> to vector<128x128xf32>
    %dot_general3A_96 = arith.constant dense<0.000000e+00> : vector<2048x128xf32>
    %dot_general3A_97 = tpu.matmul %max3A_26, %get3A_95, %dot_general3A_96 {dimension_numbers = #tpu.dot_dimension_numbers<[1], [0], [0], [1], [0, 0, 1, 1], [], []>, transpose_lhs_hint = false} : vector<2048x128xf32>, vector<128x128xf32>, vector<2048x128xf32> -> vector<2048x128xf32>
    %get3A_98 = arith.constant 3 : index
    %get3A_99 = arith.constant 0 : index
    %get3A_100 = arith.constant 0 : index
    %get3A_101 = vector.load %arg6[%get3A_98, %get3A_99, %get3A_100] : memref<4x1x128xf32, #tpu.memory_space<vmem>>, vector<1x1x128xf32>
    %get3A_102 = vector.shape_cast %get3A_101 : vector<1x1x128xf32> to vector<1x128xf32>
    %add3A_103 = vector.broadcast %get3A_102 : vector<1x128xf32> to vector<2048x128xf32>
    %add3A_104 = arith.addf %dot_general3A_97, %add3A_103 : vector<2048x128xf32>
    %convert_element_type3A_105 = arith.truncf %add3A_104 : vector<2048x128xf32> to vector<2048x128xbf16>
    %swap3A_106 = arith.constant 3 : index
    %swap3A_107 = arith.constant 0 : index
    %swap3A_108 = arith.constant 0 : index
    %swap3A_109 = vector.load %arg8[%swap3A_106, %swap3A_107, %swap3A_108] : memref<4x2048x128xbf16, #tpu.memory_space<vmem>>, vector<1x2048x128xbf16>
    %swap3A_110 = vector.shape_cast %swap3A_109 : vector<1x2048x128xbf16> to vector<2048x128xbf16>
    %swap3A_111 = vector.shape_cast %convert_element_type3A_105 : vector<2048x128xbf16> to vector<1x2048x128xbf16>
    tpu.vector_store %arg8[%swap3A_106, %swap3A_107, %swap3A_108], %swap3A_111 {strides = array<i32>} : memref<4x2048x128xbf16, #tpu.memory_space<vmem>>, vector<1x2048x128xbf16>,
    return
  }
  func.func @transform_0(%arg0: i32) -> (i32, i32, i32) {
    %c0_i32 = arith.constant 0 : i32
    %c0_i32_0 = arith.constant 0 : i32
    %c0_i32_1 = arith.constant 0 : i32
    %c0_i32_2 = arith.constant 0 : i32
    return %c0_i32, %c0_i32_0, %c0_i32_1 : i32, i32, i32
  }
  func.func @transform_1(%arg0: i32) -> (i32, i32) {
    %c0_i32 = arith.constant 0 : i32
    %c0_i32_0 = arith.constant 0 : i32
    %c0_i32_1 = arith.constant 0 : i32
    return %c0_i32, %c0_i32_0 : i32, i32
  }
  func.func @transform_2(%arg0: i32) -> (i32, i32) {
    %c0_i32 = arith.constant 0 : i32
    %c0_i32_0 = arith.constant 0 : i32
    %c0_i32_1 = arith.constant 0 : i32
    return %c0_i32, %c0_i32_0 : i32, i32
  }
  func.func @transform_3(%arg0: i32) -> (i32, i32) {
    %c0_i32 = arith.constant 0 : i32
    %c0_i32_0 = arith.constant 0 : i32
    %c0_i32_1 = arith.constant 0 : i32
    return %c0_i32, %c0_i32_0 : i32, i32
  }
  func.func @transform_4(%arg0: i32) -> (i32, i32, i32) {
    %c0_i32 = arith.constant 0 : i32
    %c0_i32_0 = arith.constant 0 : i32
    %c0_i32_1 = arith.constant 0 : i32
    %c0_i32_2 = arith.constant 0 : i32
    return %c0_i32, %c0_i32_0, %c0_i32_1 : i32, i32, i32
  }
  func.func @transform_5(%arg0: i32) -> (i32, i32, i32) {
    %c0_i32 = arith.constant 0 : i32
    %c0_i32_0 = arith.constant 0 : i32
    %c0_i32_1 = arith.constant 0 : i32
    %c0_i32_2 = arith.constant 0 : i32
    return %c0_i32, %c0_i32_0, %c0_i32_1 : i32, i32, i32
  }
  func.func @transform_6(%arg0: i32) -> (i32, i32) {
    %c0_i32 = arith.constant 0 : i32
    %c0_i32_0 = arith.constant 0 : i32
    %c0_i32_1 = arith.constant 0 : i32
    return %c0_i32, %c0_i32_0 : i32, i32
  }
  func.func @transform_7(%arg0: i32) -> (i32, i32, i32) {
    %c0_i32 = arith.constant 0 : i32
    %c0_i32_0 = arith.constant 0 : i32
    %c0_i32_1 = arith.constant 0 : i32
    %c0_i32_2 = arith.constant 0 : i32
    return %c0_i32, %c0_i32_0, %c0_i32_1 : i32, i32, i32
  }
}

module attributes {stable_mosaic.version = 14 : i64} {
  func.func @body(%arg0: i32, %arg1: memref<2x1024x128xf32, #tpu.memory_space<vmem>>, %arg2: memref<1024x128xf32, #tpu.memory_space<vmem>>, %arg3: memref<1024x8xf32, #tpu.memory_space<vmem>>, %arg4: memref<1x128xf32, #tpu.memory_space<vmem>>, %arg5: memref<4x128x128xf32, #tpu.memory_space<vmem>>, %arg6: memref<4x1x128xf32, #tpu.memory_space<vmem>>, %arg7: memref<4x2048x128xbf16, #tpu.memory_space<vmem>>, %arg8: memref<2048x128xbf16, #tpu.memory_space<vmem>>, %arg9: memref<640x128xf32, #tpu.memory_space<vmem>>, %arg10: memref<1x128xf32, #tpu.memory_space<vmem>>, %arg11: memref<128x128xf32, #tpu.memory_space<vmem>>, %arg12: memref<1x128xf32, #tpu.memory_space<vmem>>, %arg13: memref<128x4xf32, #tpu.memory_space<vmem>>, %arg14: memref<1x4xf32, #tpu.memory_space<vmem>>, %arg15: memref<1024x4xf32, #tpu.memory_space<vmem>>, %arg16: memref<1024x4xf32, #tpu.memory_space<vmem>>) attributes {dimension_semantics = [#tpu.dimension_semantics<arbitrary>], iteration_bounds = array<i64: 10>, scalar_prefetch = 0 : i64, scratch_operands = 0 : i64, tpu.core_type = #tpu.core_type<tc>, window_params = [{transform_indices = @transform_0, window_bounds = array<i64: 2, 1024, 128>}, {transform_indices = @transform_1, window_bounds = array<i64: 1024, 128>}, {transform_indices = @transform_2, window_bounds = array<i64: 1024, 8>}, {pipeline_mode = #tpu.pipeline_mode<synchronous>, transform_indices = @transform_3, window_bounds = array<i64: 1, 128>}, {pipeline_mode = #tpu.pipeline_mode<synchronous>, transform_indices = @transform_4, window_bounds = array<i64: 4, 128, 128>}, {pipeline_mode = #tpu.pipeline_mode<synchronous>, transform_indices = @transform_5, window_bounds = array<i64: 4, 1, 128>}, {pipeline_mode = #tpu.pipeline_mode<synchronous>, transform_indices = @transform_6, window_bounds = array<i64: 4, 2048, 128>}, {pipeline_mode = #tpu.pipeline_mode<synchronous>, transform_indices = @transform_7, window_bounds = array<i64: 2048, 128>}, {pipeline_mode = #tpu.pipeline_mode<synchronous>, transform_indices = @transform_8, window_bounds = array<i64: 640, 128>}, {pipeline_mode = #tpu.pipeline_mode<synchronous>, transform_indices = @transform_9, window_bounds = array<i64: 1, 128>}, {pipeline_mode = #tpu.pipeline_mode<synchronous>, transform_indices = @transform_10, window_bounds = array<i64: 128, 128>}, {pipeline_mode = #tpu.pipeline_mode<synchronous>, transform_indices = @transform_11, window_bounds = array<i64: 1, 128>}, {pipeline_mode = #tpu.pipeline_mode<synchronous>, transform_indices = @transform_12, window_bounds = array<i64: 128, 4>}, {pipeline_mode = #tpu.pipeline_mode<synchronous>, transform_indices = @transform_13, window_bounds = array<i64: 1, 4>}, {transform_indices = @transform_14, window_bounds = array<i64: 1024, 4>}, {transform_indices = @transform_15, window_bounds = array<i64: 1024, 4>}]} {
    %get3A = arith.constant 0 : index
    %get3A_0 = arith.constant 0 : index
    %get3A_1 = vector.load %arg3[%get3A, %get3A_0] : memref<1024x8xf32, #tpu.memory_space<vmem>>, vector<1024x1xf32>
    %get3A_2 = arith.constant 0 : index
    %get3A_3 = arith.constant 0 : index
    %get3A_4 = arith.constant 0 : index
    %get3A_5 = vector.load %arg1[%get3A_2, %get3A_3, %get3A_4] : memref<2x1024x128xf32, #tpu.memory_space<vmem>>, vector<1x1024x128xf32>
    %get3A_6 = vector.shape_cast %get3A_5 : vector<1x1024x128xf32> to vector<1024x128xf32>
    %get3A_7 = arith.constant 1 : index
    %get3A_8 = arith.constant 0 : index
    %get3A_9 = arith.constant 0 : index
    %get3A_10 = vector.load %arg1[%get3A_7, %get3A_8, %get3A_9] : memref<2x1024x128xf32, #tpu.memory_space<vmem>>, vector<1x1024x128xf32>
    %get3A_11 = vector.shape_cast %get3A_10 : vector<1x1024x128xf32> to vector<1024x128xf32>
    %add3A = arith.addf %get3A_6, %get3A_11 : vector<1024x128xf32>
    %mul3A = vector.broadcast %get3A_1 : vector<1024x1xf32> to vector<1024x128xf32>
    %mul3A_12 = arith.mulf %mul3A, %add3A : vector<1024x128xf32>
    %get3A_13 = arith.constant 0 : index
    %get3A_14 = arith.constant 0 : index
    %get3A_15 = vector.load %arg2[%get3A_13, %get3A_14] : memref<1024x128xf32, #tpu.memory_space<vmem>>, vector<1024x128xf32>
    %mul3A_16 = arith.mulf %get3A_1, %get3A_1 : vector<1024x1xf32>
    %mul3A_17 = vector.broadcast %mul3A_16 : vector<1024x1xf32> to vector<1024x128xf32>
    %mul3A_18 = arith.mulf %get3A_15, %mul3A_17 : vector<1024x128xf32>
    %add3A_19 = arith.addf %mul3A_12, %mul3A_18 : vector<1024x128xf32>
    %get3A_20 = arith.constant 0 : index
    %get3A_21 = arith.constant 0 : index
    %get3A_22 = vector.load %arg4[%get3A_20, %get3A_21] : memref<1x128xf32, #tpu.memory_space<vmem>>, vector<1x128xf32>
    %add3A_23 = vector.broadcast %get3A_22 : vector<1x128xf32> to vector<1024x128xf32>
    %add3A_24 = arith.addf %add3A_19, %add3A_23 : vector<1024x128xf32>
    %max3A = arith.constant 0.000000e+00 : f32
    %max3A_25 = vector.broadcast %max3A : f32 to vector<1024x128xf32>
    %max3A_26 = arith.maximumf %add3A_24, %max3A_25 : vector<1024x128xf32>
    %get3A_27 = arith.constant 0 : index
    %get3A_28 = arith.constant 0 : index
    %get3A_29 = vector.load %arg8[%get3A_27, %get3A_28] : memref<2048x128xbf16, #tpu.memory_space<vmem>>, vector<2048x128xbf16>
    %get3A_30 = arith.constant 0 : index
    %get3A_31 = arith.constant 0 : index
    %get3A_32 = vector.load %arg9[%get3A_30, %get3A_31] : memref<640x128xf32, #tpu.memory_space<vmem>>, vector<128x128xf32>
    %dot_general3A = arith.constant dense<0.000000e+00> : vector<1024x128xf32>
    %dot_general3A_33 = tpu.matmul %max3A_26, %get3A_32, %dot_general3A {dimension_numbers = #tpu.dot_dimension_numbers<[1], [0], [0], [1], [0, 0, 1, 1], [], []>, transpose_lhs_hint = false} : vector<1024x128xf32>, vector<128x128xf32>, vector<1024x128xf32> -> vector<1024x128xf32>
    %get3A_34 = arith.constant 0 : index
    %get3A_35 = arith.constant 0 : index
    %get3A_36 = arith.constant 0 : index
    %get3A_37 = vector.load %arg5[%get3A_34, %get3A_35, %get3A_36] : memref<4x128x128xf32, #tpu.memory_space<vmem>>, vector<1x128x128xf32>
    %get3A_38 = vector.shape_cast %get3A_37 : vector<1x128x128xf32> to vector<128x128xf32>
    %dot_general3A_39 = arith.constant dense<0.000000e+00> : vector<1024x128xf32>
    %dot_general3A_40 = tpu.matmul %max3A_26, %get3A_38, %dot_general3A_39 {dimension_numbers = #tpu.dot_dimension_numbers<[1], [0], [0], [1], [0, 0, 1, 1], [], []>, transpose_lhs_hint = false} : vector<1024x128xf32>, vector<128x128xf32>, vector<1024x128xf32> -> vector<1024x128xf32>
    %get3A_41 = arith.constant 0 : index
    %get3A_42 = arith.constant 0 : index
    %get3A_43 = arith.constant 0 : index
    %get3A_44 = vector.load %arg6[%get3A_41, %get3A_42, %get3A_43] : memref<4x1x128xf32, #tpu.memory_space<vmem>>, vector<1x1x128xf32>
    %get3A_45 = vector.shape_cast %get3A_44 : vector<1x1x128xf32> to vector<1x128xf32>
    %add3A_46 = vector.broadcast %get3A_45 : vector<1x128xf32> to vector<1024x128xf32>
    %add3A_47 = arith.addf %dot_general3A_40, %add3A_46 : vector<1024x128xf32>
    %convert_element_type3A = arith.truncf %add3A_47 : vector<1024x128xf32> to vector<1024x128xbf16>
    %get3A_48 = arith.constant 0 : index
    %get3A_49 = arith.constant 0 : index
    %get3A_50 = arith.constant 0 : index
    %get3A_51 = vector.load %arg7[%get3A_48, %get3A_49, %get3A_50] : memref<4x2048x128xbf16, #tpu.memory_space<vmem>>, vector<1x2048x128xbf16>
    %get3A_52 = vector.shape_cast %get3A_51 : vector<1x2048x128xbf16> to vector<2048x128xbf16>
    %dot_general3A_53 = arith.constant dense<0.000000e+00> : vector<1024x2048xf32>
    %dot_general3A_54 = tpu.matmul %convert_element_type3A, %get3A_52, %dot_general3A_53 {dimension_numbers = #tpu.dot_dimension_numbers<[1], [1], [0], [0], [0, 0, 1, 0], [], []>, transpose_lhs_hint = false} : vector<1024x128xbf16>, vector<2048x128xbf16>, vector<1024x2048xf32> -> vector<1024x2048xf32>
    %exp3A = math.exp %dot_general3A_54 : vector<1024x2048xf32>
    %reduce_sum3A = arith.constant dense<0.000000e+00> : vector<1024xf32>
    %reduce_sum3A_55 = vector.multi_reduction <add>, %exp3A, %reduce_sum3A [1] : vector<1024x2048xf32> to vector<1024xf32>
    %broadcast_in_dim3A = vector.shape_cast %reduce_sum3A_55 : vector<1024xf32> to vector<1024x1xf32>
    %convert_element_type3A_56 = arith.truncf %exp3A : vector<1024x2048xf32> to vector<1024x2048xbf16>
    %dot_general3A_57 = arith.constant dense<0.000000e+00> : vector<1024x128xf32>
    %dot_general3A_58 = tpu.matmul %convert_element_type3A_56, %get3A_29, %dot_general3A_57 {dimension_numbers = #tpu.dot_dimension_numbers<[1], [0], [0], [1], [0, 0, 1, 1], [], []>, transpose_lhs_hint = false} : vector<1024x2048xbf16>, vector<2048x128xbf16>, vector<1024x128xf32> -> vector<1024x128xf32>
    %div3A = vector.broadcast %broadcast_in_dim3A : vector<1024x1xf32> to vector<1024x128xf32>
    %div3A_59 = arith.divf %dot_general3A_58, %div3A : vector<1024x128xf32>
    %get3A_60 = arith.constant 128 : index
    %get3A_61 = arith.constant 0 : index
    %get3A_62 = vector.load %arg9[%get3A_60, %get3A_61] : memref<640x128xf32, #tpu.memory_space<vmem>>, vector<128x128xf32>
    %dot_general3A_63 = arith.constant dense<0.000000e+00> : vector<1024x128xf32>
    %dot_general3A_64 = tpu.matmul %div3A_59, %get3A_62, %dot_general3A_63 {dimension_numbers = #tpu.dot_dimension_numbers<[1], [0], [0], [1], [0, 0, 1, 1], [], []>, transpose_lhs_hint = false} : vector<1024x128xf32>, vector<128x128xf32>, vector<1024x128xf32> -> vector<1024x128xf32>
    %add3A_65 = arith.addf %dot_general3A_33, %dot_general3A_64 : vector<1024x128xf32>
    %get3A_66 = arith.constant 1 : index
    %get3A_67 = arith.constant 0 : index
    %get3A_68 = arith.constant 0 : index
    %get3A_69 = vector.load %arg5[%get3A_66, %get3A_67, %get3A_68] : memref<4x128x128xf32, #tpu.memory_space<vmem>>, vector<1x128x128xf32>
    %get3A_70 = vector.shape_cast %get3A_69 : vector<1x128x128xf32> to vector<128x128xf32>
    %dot_general3A_71 = arith.constant dense<0.000000e+00> : vector<1024x128xf32>
    %dot_general3A_72 = tpu.matmul %max3A_26, %get3A_70, %dot_general3A_71 {dimension_numbers = #tpu.dot_dimension_numbers<[1], [0], [0], [1], [0, 0, 1, 1], [], []>, transpose_lhs_hint = false} : vector<1024x128xf32>, vector<128x128xf32>, vector<1024x128xf32> -> vector<1024x128xf32>
    %get3A_73 = arith.constant 1 : index
    %get3A_74 = arith.constant 0 : index
    %get3A_75 = arith.constant 0 : index
    %get3A_76 = vector.load %arg6[%get3A_73, %get3A_74, %get3A_75] : memref<4x1x128xf32, #tpu.memory_space<vmem>>, vector<1x1x128xf32>
    %get3A_77 = vector.shape_cast %get3A_76 : vector<1x1x128xf32> to vector<1x128xf32>
    %add3A_78 = vector.broadcast %get3A_77 : vector<1x128xf32> to vector<1024x128xf32>
    %add3A_79 = arith.addf %dot_general3A_72, %add3A_78 : vector<1024x128xf32>
    %convert_element_type3A_80 = arith.truncf %add3A_79 : vector<1024x128xf32> to vector<1024x128xbf16>
    %get3A_81 = arith.constant 1 : index
    %get3A_82 = arith.constant 0 : index
    %get3A_83 = arith.constant 0 : index
    %get3A_84 = vector.load %arg7[%get3A_81, %get3A_82, %get3A_83] : memref<4x2048x128xbf16, #tpu.memory_space<vmem>>, vector<1x2048x128xbf16>
    %get3A_85 = vector.shape_cast %get3A_84 : vector<1x2048x128xbf16> to vector<2048x128xbf16>
    %dot_general3A_86 = arith.constant dense<0.000000e+00> : vector<1024x2048xf32>
    %dot_general3A_87 = tpu.matmul %convert_element_type3A_80, %get3A_85, %dot_general3A_86 {dimension_numbers = #tpu.dot_dimension_numbers<[1], [1], [0], [0], [0, 0, 1, 0], [], []>, transpose_lhs_hint = false} : vector<1024x128xbf16>, vector<2048x128xbf16>, vector<1024x2048xf32> -> vector<1024x2048xf32>
    %exp3A_88 = math.exp %dot_general3A_87 : vector<1024x2048xf32>
    %reduce_sum3A_89 = arith.constant dense<0.000000e+00> : vector<1024xf32>
    %reduce_sum3A_90 = vector.multi_reduction <add>, %exp3A_88, %reduce_sum3A_89 [1] : vector<1024x2048xf32> to vector<1024xf32>
    %broadcast_in_dim3A_91 = vector.shape_cast %reduce_sum3A_90 : vector<1024xf32> to vector<1024x1xf32>
    %convert_element_type3A_92 = arith.truncf %exp3A_88 : vector<1024x2048xf32> to vector<1024x2048xbf16>
    %dot_general3A_93 = arith.constant dense<0.000000e+00> : vector<1024x128xf32>
    %dot_general3A_94 = tpu.matmul %convert_element_type3A_92, %get3A_29, %dot_general3A_93 {dimension_numbers = #tpu.dot_dimension_numbers<[1], [0], [0], [1], [0, 0, 1, 1], [], []>, transpose_lhs_hint = false} : vector<1024x2048xbf16>, vector<2048x128xbf16>, vector<1024x128xf32> -> vector<1024x128xf32>
    %div3A_95 = vector.broadcast %broadcast_in_dim3A_91 : vector<1024x1xf32> to vector<1024x128xf32>
    %div3A_96 = arith.divf %dot_general3A_94, %div3A_95 : vector<1024x128xf32>
    %get3A_97 = arith.constant 256 : index
    %get3A_98 = arith.constant 0 : index
    %get3A_99 = vector.load %arg9[%get3A_97, %get3A_98] : memref<640x128xf32, #tpu.memory_space<vmem>>, vector<128x128xf32>
    %dot_general3A_100 = arith.constant dense<0.000000e+00> : vector<1024x128xf32>
    %dot_general3A_101 = tpu.matmul %div3A_96, %get3A_99, %dot_general3A_100 {dimension_numbers = #tpu.dot_dimension_numbers<[1], [0], [0], [1], [0, 0, 1, 1], [], []>, transpose_lhs_hint = false} : vector<1024x128xf32>, vector<128x128xf32>, vector<1024x128xf32> -> vector<1024x128xf32>
    %add3A_102 = arith.addf %add3A_65, %dot_general3A_101 : vector<1024x128xf32>
    %get3A_103 = arith.constant 2 : index
    %get3A_104 = arith.constant 0 : index
    %get3A_105 = arith.constant 0 : index
    %get3A_106 = vector.load %arg5[%get3A_103, %get3A_104, %get3A_105] : memref<4x128x128xf32, #tpu.memory_space<vmem>>, vector<1x128x128xf32>
    %get3A_107 = vector.shape_cast %get3A_106 : vector<1x128x128xf32> to vector<128x128xf32>
    %dot_general3A_108 = arith.constant dense<0.000000e+00> : vector<1024x128xf32>
    %dot_general3A_109 = tpu.matmul %max3A_26, %get3A_107, %dot_general3A_108 {dimension_numbers = #tpu.dot_dimension_numbers<[1], [0], [0], [1], [0, 0, 1, 1], [], []>, transpose_lhs_hint = false} : vector<1024x128xf32>, vector<128x128xf32>, vector<1024x128xf32> -> vector<1024x128xf32>
    %get3A_110 = arith.constant 2 : index
    %get3A_111 = arith.constant 0 : index
    %get3A_112 = arith.constant 0 : index
    %get3A_113 = vector.load %arg6[%get3A_110, %get3A_111, %get3A_112] : memref<4x1x128xf32, #tpu.memory_space<vmem>>, vector<1x1x128xf32>
    %get3A_114 = vector.shape_cast %get3A_113 : vector<1x1x128xf32> to vector<1x128xf32>
    %add3A_115 = vector.broadcast %get3A_114 : vector<1x128xf32> to vector<1024x128xf32>
    %add3A_116 = arith.addf %dot_general3A_109, %add3A_115 : vector<1024x128xf32>
    %convert_element_type3A_117 = arith.truncf %add3A_116 : vector<1024x128xf32> to vector<1024x128xbf16>
    %get3A_118 = arith.constant 2 : index
    %get3A_119 = arith.constant 0 : index
    %get3A_120 = arith.constant 0 : index
    %get3A_121 = vector.load %arg7[%get3A_118, %get3A_119, %get3A_120] : memref<4x2048x128xbf16, #tpu.memory_space<vmem>>, vector<1x2048x128xbf16>
    %get3A_122 = vector.shape_cast %get3A_121 : vector<1x2048x128xbf16> to vector<2048x128xbf16>
    %dot_general3A_123 = arith.constant dense<0.000000e+00> : vector<1024x2048xf32>
    %dot_general3A_124 = tpu.matmul %convert_element_type3A_117, %get3A_122, %dot_general3A_123 {dimension_numbers = #tpu.dot_dimension_numbers<[1], [1], [0], [0], [0, 0, 1, 0], [], []>, transpose_lhs_hint = false} : vector<1024x128xbf16>, vector<2048x128xbf16>, vector<1024x2048xf32> -> vector<1024x2048xf32>
    %exp3A_125 = math.exp %dot_general3A_124 : vector<1024x2048xf32>
    %reduce_sum3A_126 = arith.constant dense<0.000000e+00> : vector<1024xf32>
    %reduce_sum3A_127 = vector.multi_reduction <add>, %exp3A_125, %reduce_sum3A_126 [1] : vector<1024x2048xf32> to vector<1024xf32>
    %broadcast_in_dim3A_128 = vector.shape_cast %reduce_sum3A_127 : vector<1024xf32> to vector<1024x1xf32>
    %convert_element_type3A_129 = arith.truncf %exp3A_125 : vector<1024x2048xf32> to vector<1024x2048xbf16>
    %dot_general3A_130 = arith.constant dense<0.000000e+00> : vector<1024x128xf32>
    %dot_general3A_131 = tpu.matmul %convert_element_type3A_129, %get3A_29, %dot_general3A_130 {dimension_numbers = #tpu.dot_dimension_numbers<[1], [0], [0], [1], [0, 0, 1, 1], [], []>, transpose_lhs_hint = false} : vector<1024x2048xbf16>, vector<2048x128xbf16>, vector<1024x128xf32> -> vector<1024x128xf32>
    %div3A_132 = vector.broadcast %broadcast_in_dim3A_128 : vector<1024x1xf32> to vector<1024x128xf32>
    %div3A_133 = arith.divf %dot_general3A_131, %div3A_132 : vector<1024x128xf32>
    %get3A_134 = arith.constant 384 : index
    %get3A_135 = arith.constant 0 : index
    %get3A_136 = vector.load %arg9[%get3A_134, %get3A_135] : memref<640x128xf32, #tpu.memory_space<vmem>>, vector<128x128xf32>
    %dot_general3A_137 = arith.constant dense<0.000000e+00> : vector<1024x128xf32>
    %dot_general3A_138 = tpu.matmul %div3A_133, %get3A_136, %dot_general3A_137 {dimension_numbers = #tpu.dot_dimension_numbers<[1], [0], [0], [1], [0, 0, 1, 1], [], []>, transpose_lhs_hint = false} : vector<1024x128xf32>, vector<128x128xf32>, vector<1024x128xf32> -> vector<1024x128xf32>
    %add3A_139 = arith.addf %add3A_102, %dot_general3A_138 : vector<1024x128xf32>
    %get3A_140 = arith.constant 3 : index
    %get3A_141 = arith.constant 0 : index
    %get3A_142 = arith.constant 0 : index
    %get3A_143 = vector.load %arg5[%get3A_140, %get3A_141, %get3A_142] : memref<4x128x128xf32, #tpu.memory_space<vmem>>, vector<1x128x128xf32>
    %get3A_144 = vector.shape_cast %get3A_143 : vector<1x128x128xf32> to vector<128x128xf32>
    %dot_general3A_145 = arith.constant dense<0.000000e+00> : vector<1024x128xf32>
    %dot_general3A_146 = tpu.matmul %max3A_26, %get3A_144, %dot_general3A_145 {dimension_numbers = #tpu.dot_dimension_numbers<[1], [0], [0], [1], [0, 0, 1, 1], [], []>, transpose_lhs_hint = false} : vector<1024x128xf32>, vector<128x128xf32>, vector<1024x128xf32> -> vector<1024x128xf32>
    %get3A_147 = arith.constant 3 : index
    %get3A_148 = arith.constant 0 : index
    %get3A_149 = arith.constant 0 : index
    %get3A_150 = vector.load %arg6[%get3A_147, %get3A_148, %get3A_149] : memref<4x1x128xf32, #tpu.memory_space<vmem>>, vector<1x1x128xf32>
    %get3A_151 = vector.shape_cast %get3A_150 : vector<1x1x128xf32> to vector<1x128xf32>
    %add3A_152 = vector.broadcast %get3A_151 : vector<1x128xf32> to vector<1024x128xf32>
    %add3A_153 = arith.addf %dot_general3A_146, %add3A_152 : vector<1024x128xf32>
    %convert_element_type3A_154 = arith.truncf %add3A_153 : vector<1024x128xf32> to vector<1024x128xbf16>
    %get3A_155 = arith.constant 3 : index
    %get3A_156 = arith.constant 0 : index
    %get3A_157 = arith.constant 0 : index
    %get3A_158 = vector.load %arg7[%get3A_155, %get3A_156, %get3A_157] : memref<4x2048x128xbf16, #tpu.memory_space<vmem>>, vector<1x2048x128xbf16>
    %get3A_159 = vector.shape_cast %get3A_158 : vector<1x2048x128xbf16> to vector<2048x128xbf16>
    %dot_general3A_160 = arith.constant dense<0.000000e+00> : vector<1024x2048xf32>
    %dot_general3A_161 = tpu.matmul %convert_element_type3A_154, %get3A_159, %dot_general3A_160 {dimension_numbers = #tpu.dot_dimension_numbers<[1], [1], [0], [0], [0, 0, 1, 0], [], []>, transpose_lhs_hint = false} : vector<1024x128xbf16>, vector<2048x128xbf16>, vector<1024x2048xf32> -> vector<1024x2048xf32>
    %exp3A_162 = math.exp %dot_general3A_161 : vector<1024x2048xf32>
    %reduce_sum3A_163 = arith.constant dense<0.000000e+00> : vector<1024xf32>
    %reduce_sum3A_164 = vector.multi_reduction <add>, %exp3A_162, %reduce_sum3A_163 [1] : vector<1024x2048xf32> to vector<1024xf32>
    %broadcast_in_dim3A_165 = vector.shape_cast %reduce_sum3A_164 : vector<1024xf32> to vector<1024x1xf32>
    %convert_element_type3A_166 = arith.truncf %exp3A_162 : vector<1024x2048xf32> to vector<1024x2048xbf16>
    %dot_general3A_167 = arith.constant dense<0.000000e+00> : vector<1024x128xf32>
    %dot_general3A_168 = tpu.matmul %convert_element_type3A_166, %get3A_29, %dot_general3A_167 {dimension_numbers = #tpu.dot_dimension_numbers<[1], [0], [0], [1], [0, 0, 1, 1], [], []>, transpose_lhs_hint = false} : vector<1024x2048xbf16>, vector<2048x128xbf16>, vector<1024x128xf32> -> vector<1024x128xf32>
    %div3A_169 = vector.broadcast %broadcast_in_dim3A_165 : vector<1024x1xf32> to vector<1024x128xf32>
    %div3A_170 = arith.divf %dot_general3A_168, %div3A_169 : vector<1024x128xf32>
    %get3A_171 = arith.constant 512 : index
    %get3A_172 = arith.constant 0 : index
    %get3A_173 = vector.load %arg9[%get3A_171, %get3A_172] : memref<640x128xf32, #tpu.memory_space<vmem>>, vector<128x128xf32>
    %dot_general3A_174 = arith.constant dense<0.000000e+00> : vector<1024x128xf32>
    %dot_general3A_175 = tpu.matmul %div3A_170, %get3A_173, %dot_general3A_174 {dimension_numbers = #tpu.dot_dimension_numbers<[1], [0], [0], [1], [0, 0, 1, 1], [], []>, transpose_lhs_hint = false} : vector<1024x128xf32>, vector<128x128xf32>, vector<1024x128xf32> -> vector<1024x128xf32>
    %add3A_176 = arith.addf %add3A_139, %dot_general3A_175 : vector<1024x128xf32>
    %get3A_177 = arith.constant 0 : index
    %get3A_178 = arith.constant 0 : index
    %get3A_179 = vector.load %arg10[%get3A_177, %get3A_178] : memref<1x128xf32, #tpu.memory_space<vmem>>, vector<1x128xf32>
    %add3A_180 = vector.broadcast %get3A_179 : vector<1x128xf32> to vector<1024x128xf32>
    %add3A_181 = arith.addf %add3A_176, %add3A_180 : vector<1024x128xf32>
    %max3A_182 = arith.constant 0.000000e+00 : f32
    %max3A_183 = vector.broadcast %max3A_182 : f32 to vector<1024x128xf32>
    %max3A_184 = arith.maximumf %add3A_181, %max3A_183 : vector<1024x128xf32>
    %get3A_185 = arith.constant 0 : index
    %get3A_186 = arith.constant 0 : index
    %get3A_187 = vector.load %arg11[%get3A_185, %get3A_186] : memref<128x128xf32, #tpu.memory_space<vmem>>, vector<128x128xf32>
    %dot_general3A_188 = arith.constant dense<0.000000e+00> : vector<1024x128xf32>
    %dot_general3A_189 = tpu.matmul %max3A_184, %get3A_187, %dot_general3A_188 {dimension_numbers = #tpu.dot_dimension_numbers<[1], [0], [0], [1], [0, 0, 1, 1], [], []>, transpose_lhs_hint = false} : vector<1024x128xf32>, vector<128x128xf32>, vector<1024x128xf32> -> vector<1024x128xf32>
    %get3A_190 = arith.constant 0 : index
    %get3A_191 = arith.constant 0 : index
    %get3A_192 = vector.load %arg12[%get3A_190, %get3A_191] : memref<1x128xf32, #tpu.memory_space<vmem>>, vector<1x128xf32>
    %add3A_193 = vector.broadcast %get3A_192 : vector<1x128xf32> to vector<1024x128xf32>
    %add3A_194 = arith.addf %dot_general3A_189, %add3A_193 : vector<1024x128xf32>
    %max3A_195 = arith.constant 0.000000e+00 : f32
    %max3A_196 = vector.broadcast %max3A_195 : f32 to vector<1024x128xf32>
    %max3A_197 = arith.maximumf %add3A_194, %max3A_196 : vector<1024x128xf32>
    %get3A_198 = arith.constant 0 : index
    %get3A_199 = arith.constant 0 : index
    %get3A_200 = vector.load %arg13[%get3A_198, %get3A_199] : memref<128x4xf32, #tpu.memory_space<vmem>>, vector<128x4xf32>
    %dot_general3A_201 = arith.constant dense<0.000000e+00> : vector<1024x4xf32>
    %dot_general3A_202 = tpu.matmul %max3A_197, %get3A_200, %dot_general3A_201 {dimension_numbers = #tpu.dot_dimension_numbers<[1], [0], [0], [1], [0, 0, 1, 1], [], []>, transpose_lhs_hint = false} : vector<1024x128xf32>, vector<128x4xf32>, vector<1024x4xf32> -> vector<1024x4xf32>
    %get3A_203 = arith.constant 0 : index
    %get3A_204 = arith.constant 0 : index
    %get3A_205 = vector.load %arg14[%get3A_203, %get3A_204] : memref<1x4xf32, #tpu.memory_space<vmem>>, vector<1x4xf32>
    %add3A_206 = vector.broadcast %get3A_205 : vector<1x4xf32> to vector<1024x4xf32>
    %add3A_207 = arith.addf %dot_general3A_202, %add3A_206 : vector<1024x4xf32>
    %get3A_208 = arith.constant 0 : index
    %get3A_209 = arith.constant 0 : index
    %get3A_210 = vector.load %arg15[%get3A_208, %get3A_209] : memref<1024x4xf32, #tpu.memory_space<vmem>>, vector<1024x4xf32>
    %add3A_211 = arith.addf %add3A_207, %get3A_210 : vector<1024x4xf32>
    %swap3A = arith.constant 0 : index
    %swap3A_212 = arith.constant 0 : index
    %swap3A_213 = vector.load %arg16[%swap3A, %swap3A_212] : memref<1024x4xf32, #tpu.memory_space<vmem>>, vector<1024x4xf32>
    tpu.vector_store %arg16[%swap3A, %swap3A_212], %add3A_211 {strides = array<i32>} : memref<1024x4xf32, #tpu.memory_space<vmem>>, vector<1024x4xf32>,
    return
  }
  func.func @transform_0(%arg0: i32) -> (i32, i32, i32) {
    %c0_i32 = arith.constant 0 : i32
    %c0_i32_0 = arith.constant 0 : i32
    %c0_i32_1 = arith.constant 0 : i32
    return %c0_i32, %arg0, %c0_i32_0 : i32, i32, i32
  }
  func.func @transform_1(%arg0: i32) -> (i32, i32) {
    %c0_i32 = arith.constant 0 : i32
    %c0_i32_0 = arith.constant 0 : i32
    return %arg0, %c0_i32 : i32, i32
  }
  func.func @transform_2(%arg0: i32) -> (i32, i32) {
    %c0_i32 = arith.constant 0 : i32
    %c0_i32_0 = arith.constant 0 : i32
    return %arg0, %c0_i32 : i32, i32
  }
  func.func @transform_3(%arg0: i32) -> (i32, i32) {
    %c0_i32 = arith.constant 0 : i32
    %c0_i32_0 = arith.constant 0 : i32
    %c0_i32_1 = arith.constant 0 : i32
    return %c0_i32, %c0_i32_0 : i32, i32
  }
  func.func @transform_4(%arg0: i32) -> (i32, i32, i32) {
    %c0_i32 = arith.constant 0 : i32
    %c0_i32_0 = arith.constant 0 : i32
    %c0_i32_1 = arith.constant 0 : i32
    %c0_i32_2 = arith.constant 0 : i32
    return %c0_i32, %c0_i32_0, %c0_i32_1 : i32, i32, i32
  }
  func.func @transform_5(%arg0: i32) -> (i32, i32, i32) {
    %c0_i32 = arith.constant 0 : i32
    %c0_i32_0 = arith.constant 0 : i32
    %c0_i32_1 = arith.constant 0 : i32
    %c0_i32_2 = arith.constant 0 : i32
    return %c0_i32, %c0_i32_0, %c0_i32_1 : i32, i32, i32
  }
  func.func @transform_6(%arg0: i32) -> (i32, i32, i32) {
    %c0_i32 = arith.constant 0 : i32
    %c0_i32_0 = arith.constant 0 : i32
    %c0_i32_1 = arith.constant 0 : i32
    %c0_i32_2 = arith.constant 0 : i32
    return %c0_i32, %c0_i32_0, %c0_i32_1 : i32, i32, i32
  }
  func.func @transform_7(%arg0: i32) -> (i32, i32) {
    %c0_i32 = arith.constant 0 : i32
    %c0_i32_0 = arith.constant 0 : i32
    %c0_i32_1 = arith.constant 0 : i32
    return %c0_i32, %c0_i32_0 : i32, i32
  }
  func.func @transform_8(%arg0: i32) -> (i32, i32) {
    %c0_i32 = arith.constant 0 : i32
    %c0_i32_0 = arith.constant 0 : i32
    %c0_i32_1 = arith.constant 0 : i32
    return %c0_i32, %c0_i32_0 : i32, i32
  }
  func.func @transform_9(%arg0: i32) -> (i32, i32) {
    %c0_i32 = arith.constant 0 : i32
    %c0_i32_0 = arith.constant 0 : i32
    %c0_i32_1 = arith.constant 0 : i32
    return %c0_i32, %c0_i32_0 : i32, i32
  }
  func.func @transform_10(%arg0: i32) -> (i32, i32) {
    %c0_i32 = arith.constant 0 : i32
    %c0_i32_0 = arith.constant 0 : i32
    %c0_i32_1 = arith.constant 0 : i32
    return %c0_i32, %c0_i32_0 : i32, i32
  }
  func.func @transform_11(%arg0: i32) -> (i32, i32) {
    %c0_i32 = arith.constant 0 : i32
    %c0_i32_0 = arith.constant 0 : i32
    %c0_i32_1 = arith.constant 0 : i32
    return %c0_i32, %c0_i32_0 : i32, i32
  }
  func.func @transform_12(%arg0: i32) -> (i32, i32) {
    %c0_i32 = arith.constant 0 : i32
    %c0_i32_0 = arith.constant 0 : i32
    %c0_i32_1 = arith.constant 0 : i32
    return %c0_i32, %c0_i32_0 : i32, i32
  }
  func.func @transform_13(%arg0: i32) -> (i32, i32) {
    %c0_i32 = arith.constant 0 : i32
    %c0_i32_0 = arith.constant 0 : i32
    %c0_i32_1 = arith.constant 0 : i32
    return %c0_i32, %c0_i32_0 : i32, i32
  }
  func.func @transform_14(%arg0: i32) -> (i32, i32) {
    %c0_i32 = arith.constant 0 : i32
    %c0_i32_0 = arith.constant 0 : i32
    return %arg0, %c0_i32 : i32, i32
  }
  func.func @transform_15(%arg0: i32) -> (i32, i32) {
    %c0_i32 = arith.constant 0 : i32
    %c0_i32_0 = arith.constant 0 : i32
    return %arg0, %c0_i32 : i32, i32
  }
}

</mosaic_0001>

<sc_bundles>
// kernel: kernel.13.cloned.1.call-start
scs
__scs_entry_jumppad:
0x0: {  	(pc) =	sbr.rel $0x88, $3  }
0x1: {  	(tag) =	ssettag $0x0;
	lr =	simm.s32 $0x1  }
0x2: {  	[smem:$0x3F8C] =	sst lr;
	_ =	strace $0xD0000000  }
0x3: {  	_ = 	snop  }
0x4: {  	_ = 	snop  }
0x5: {  	_ = 	snop  }
0x6: {  	_ = 	snop  }
0x7: {  	_ = 	snop  }
__scs_overlays_trampoline_lowered:
0x8: {  	[smem:$0x3F9B] =	sst s0  }
0x9: {  	[smem:$0x3F9C] =	sst s1  }
0xa: {  	[smem:$0x3F9D] =	sst s2  }
0xb: {  	[smem:$0x3F9E] =	sst s3  }
0xc: {  	[smem:$0x3F9F] =	sst s4  }
0xd: {  	[smem:$0x3FA0] =	sst s5  }
0xe: {  	[smem:$0x3FA1] =	sst s6  }
0xf: {  	[smem:$0x3FA2] =	sst s7  }
0x10: {  	[smem:$0x3FA3] =	sst s8  }
0x11: {  	[smem:$0x3FA4] =	sst s9;
	s0 =	simm.s32 @!p0 $0x0  }
0x12: {  	s1 =	sld [smem:$0x3F8A];
	s0 =	simm.s32 @p0 $0x1  }
0x13: {  	[smem:$0x3FA5] =	sst s0;
	s0 =	simm.s32 @!p1 $0x0  }
0x14: {  	s2 =	sld [smem:$0x3F89];
	s0 =	simm.s32 @p1 $0x1  }
0x15: {  	[smem:$0x3FA6] =	sst s0;
	s0 =	simm.s32 @!p2 $0x0  }
0x16: {  	s3 =	sld [smem:$0x3FDB];
	s0 =	simm.s32 @p2 $0x1  }
0x17: {  	s4 =	simm.s32 $0x1BF5;
	[smem:$0x3FA8] =	sst s0  }
0x18: {  	s0 =	sld [smem:$0x3F8B];
	_ =	swait.ge [sflag:s4], $0x0  }
0x19: {  	s7 =	sld [smem:$0x3F8C]  }
0x1a: {  	s8 =	sadd.s32 $0xFFFFE003, lr  }
0x1b: {  	s9 =	sadd.s32 $0xFFFFFEF7, lr;
	s5 =	simm.s32 $0xFFFFFFFF;
	p2 =	slt.u32 s8, $0xFFFFF086  }
0x1c: {  	p1 =	slt.u32 s9, $0xF7A;
	s5 =	simm.s32 @!p2 $0x0  }
0x1d: {  	s5 =	simm.s32 @p1 $0x1;
	p0 =	seq.s32 s7, s2  }
0x1e: {  	s7 =	smul.u32 @!p0 $0xF7A, s2;
	p2 =	seq.s32 @!p0 s5, $0x0  }
0x1f: {  	s9 =	smul.u32 $0xF7A, s1;
	s8 =	simm.s32 @!p0 $0x1BF5;
	p2 =	por !p2, p0  }
0x20: {  	[sflag:s8] =	ssyncset.s32 @!p0 $0xFFFFF086;
	s6 =	sadd.s32 @!p0 s3, s7;
	s7 =	simm.s32 @!p0 $0x108  }
0x21: {  	s3 =	sadd.s32 s3, s9;
	s6 =	sadd.s32 @!p0 $0x88, s6;
	s7 =	simm.s32 @p2 $0x1082  }
0x22: {  	[simem:s7], [sflag:s8] =	dma.local @!p0 [hbm:s6], $0xF7A  }
0x23: {  	s9 =	sor.u32 $0xD0000000, s2;
	s6 =	simm.s32 $0x108;
	_ =	swait.ge @!p0 [sflag:s8], $0x0  }
0x24: {  	s3 =	sadd.s32 $0x88, s3;
	s6 =	simm.s32 @!p1 $0x1082;
	[sflag:s4] =	ssyncset.s32 $0xFFFFF086  }
0x25: {  	[simem:s6], [sflag:s4] =	dma.local [hbm:s3], $0xF7A  }
0x26: {  	[smem:$0x3F8C] =	sst s1;
	(tag) =	ssettag s2;
	_ =	strace s9  }
0x27: {  	s1 =	sld [smem:$0x3F9C]  }
0x28: {  	s2 =	sld [smem:$0x3F9D]  }
0x29: {  	s4 =	sld [smem:$0x3F9F]  }
0x2a: {  	p0 =	seq.s32 s5, $0x0;
	s5 =	sld [smem:$0x3FA0]  }
0x2b: {  	s6 =	sld [smem:$0x3FA1]  }
0x2c: {  	s7 =	sld [smem:$0x3FA2]  }
0x2d: {  	s3 =	simm.s32 $0x108;
	s8 =	sld [smem:$0x3FA3]  }
0x2e: {  	s3 =	simm.s32 @!p0 $0x1082;
	s9 =	sld [smem:$0x3FA4]  }
0x2f: {  	lr =	sadd.s32 s0, s3;
	s0 =	sld [smem:$0x3F9B]  }
0x30: {  	s3 =	sld [smem:$0x3F9E]  }
0x31: {  	[smem:$0x3FA7] =	sst s10  }
0x32: {  	s10 =	sld [smem:$0x3FA5];
	_ =	sdelay $0x3  }
0x33: {  	p0 =	seq.s32 s10, $0x1;
	s10 =	sld [smem:$0x3FA7];
	_ =	sdelay $0x3  }
0x34: {  	[smem:$0x3FA7] =	sst s10  }
0x35: {  	s10 =	sld [smem:$0x3FA6];
	_ =	sdelay $0x3  }
0x36: {  	p1 =	seq.s32 s10, $0x1;
	s10 =	sld [smem:$0x3FA7];
	_ =	sdelay $0x3  }
0x37: {  	[smem:$0x3FA7] =	sst s10  }
0x38: {  	s10 =	sld [smem:$0x3FA8]  }
0x39: {  	_ = 	snop;
	(pc) =	sbr.ind lr, $3  }
0x3a: {  	_ = 	snop  }
0x3b: {  	_ = 	snop  }
0x3c: {  	p2 =	seq.s32 s10, $0x1;
	s10 =	sld [smem:$0x3FA7]  }
0x3d: {  	_ =	shalt  }
0x3e: {  	_ =	shalt  }
0x3f: {  	_ =	shalt  }
0x40: {  	_ =	shalt  }
0x41: {  	_ =	shalt  }
0x42: {  	_ =	shalt  }
0x43: {  	_ =	shalt  }
0x44: {  	_ =	shalt  }
0x45: {  	_ =	shalt  }
0x46: {  	_ =	shalt  }
0x47: {  	_ =	shalt  }
0x48: {  	_ =	shalt  }
0x49: {  	_ =	shalt  }
0x4a: {  	_ =	shalt  }
0x4b: {  	_ =	shalt  }
0x4c: {  	_ =	shalt  }
0x4d: {  	_ =	shalt  }
0x4e: {  	_ =	shalt  }
0x4f: {  	_ =	shalt  }
0x50: {  	_ =	shalt  }
0x51: {  	_ =	shalt  }
0x52: {  	_ =	shalt  }
0x53: {  	_ =	shalt  }
0x54: {  	_ =	shalt  }
0x55: {  	_ =	shalt  }
0x56: {  	_ =	shalt  }
0x57: {  	_ =	shalt  }
0x58: {  	_ =	shalt  }
0x59: {  	_ =	shalt  }
0x5a: {  	_ =	shalt  }
0x5b: {  	_ =	shalt  }
0x5c: {  	_ =	shalt  }
0x5d: {  	_ =	shalt  }
0x5e: {  	_ =	shalt  }
0x5f: {  	_ =	shalt  }
0x60: {  	_ =	shalt  }
0x61: {  	_ =	shalt  }
0x62: {  	_ =	shalt  }
0x63: {  	_ =	shalt  }
0x64: {  	_ =	shalt  }
0x65: {  	_ =	shalt  }
0x66: {  	_ =	shalt  }
0x67: {  	_ =	shalt  }
0x68: {  	_ =	shalt  }
0x69: {  	_ =	shalt  }
0x6a: {  	_ =	shalt  }
0x6b: {  	_ =	shalt  }
0x6c: {  	_ =	shalt  }
0x6d: {  	_ =	shalt  }
0x6e: {  	_ =	shalt  }
0x6f: {  	_ =	shalt  }
0x70: {  	_ =	shalt  }
0x71: {  	_ =	shalt  }
0x72: {  	_ =	shalt  }
0x73: {  	_ =	shalt  }
0x74: {  	_ =	shalt  }
0x75: {  	_ =	shalt  }
0x76: {  	_ =	shalt  }
0x77: {  	_ =	shalt  }
0x78: {  	_ =	shalt  }
0x79: {  	_ =	shalt  }
0x7a: {  	_ =	shalt  }
0x7b: {  	_ =	shalt  }
0x7c: {  	_ =	shalt  }
0x7d: {  	_ =	shalt  }
0x7e: {  	_ =	shalt  }
0x7f: {  	_ =	shalt  }
0x80: {  	_ =	shalt  }
0x81: {  	_ =	shalt  }
0x82: {  	_ =	shalt  }
0x83: {  	_ =	shalt  }
0x84: {  	_ =	shalt  }
0x85: {  	_ =	shalt  }
0x86: {  	_ =	shalt  }
0x87: {  	_ =	shalt  }
.Lfunc_end0:
.L_simem_size_0:
called_computation_lowered:
.L_overlay_start_0:
0x88: {  	s2 =	sld [smem:$0x3FD9]  }
0x89: {  	s3 =	sld [smem:$0x3FFE];
	_ =	sdelay $0x1  }
0x8a: {  	s1 =	srdreg.scid  }
0x8b: {  	s0 =	sand.u32 $0x1, s1  }
0x8c: {  	s17 =	sshll.u32 s0, $0xA;
	s2 =	sadd.s32 s3, s2  }
0x8d: {  	s2 =	sadd.s32 s2, s17  }
0x8e: {  	[smem:$0x3FB3] =	sst s2  }
0x8f: {  	_ = 	snop  }
0x90: {  	s2 =	sld [smem:$0x3FD0];
	(tm) =	ssettm $0x1  }
0x91: {  	s18 =	sld [smem:$0x3FFB];
	_ =	sdelay $0x3  }
0x92: {  	_ =	strace s18  }
0x93: {  	s3 =	sld [smem:$0x3FFC];
	_ =	sdelay $0x3  }
0x94: {  	_ =	strace s3  }
0x95: {  	s3 =	sld [smem:$0x3FFD];
	_ =	sdelay $0x3  }
0x96: {  	_ =	strace s3  }
0x97: {  	_ =	strace $0x8FFFFFFF  }
0x98: {  	s19 =	sld [smem:$0x3FDB];
	_ =	sdelay $0x1  }
0x99: {  	s4 =	simm.s32 $_scs_section_size  }
0x9a: {  	s5 =	simm.s32 $_size__tile_overlayer_lowered;
	s6 =	simm.s32 $_tile_overlayer_lowered  }
0x9b: {  	s22 =	simm.s32 $0x1BFF;
	s21 =	sshll.u32 s6, $0x1;
	s3 =	sadd.s32 s4, s19  }
0x9c: {  	s7 =	simm.s32 $0x0;
	s20 =	sshll.u32 s5, $0x1;
	s5 =	sadd.s32 s21, s3  }
0x9d: {  	[timem:s7], [sflag:s22] =	dma.local [hbm:s5], s20  }
0x9e: {  	_ =	swait.ge [sflag:s22], s20  }
0x9f: {  	s4 =	ssub.s32 $0x0, s20;
	[sflag:s22] =	ssyncset.done $0x0  }
0xa0: {  	[sflag:s22] =	ssyncadd.s32 s4;
	_ =	sdelay $0x1  }
0xa1: {  	s23 =	simm.s32 $0x1B8B  }
0xa2: {  	_ =	swait.ge [sflag:s23], $0x1  }
0xa3: {  	[sflag:s23] =	ssyncset.done $0x0  }
0xa4: {  	s25 =	simm.s32 $0x1B8E;
	s24 =	sld [smem:$0x3FFE];
	[sflag:s23] =	ssyncadd.s32 $0xFFFFFFFF  }
0xa5: {  	s26 =	simm.s32 $execute0_lowered;
	[smem:$0x3FD2] =	sst s25  }
0xa6: {  	s5 =	sshll.u32 s26, $0x1;
	_ =	strace $0x80000046;
	[dreg:$0x1] =	wrdreg $0xFFFFFFFF  }
0xa7: {  	s28 =	simm.s32 $_size_execute0_lowered;
	s3 =	sadd.s32 s3, s5;
	[dreg:$0x0] =	wrdreg $0x0  }
0xa8: {  	s5 =	sshll.u32 s28, $0x1;
	[dreg:$0x2] =	wrdreg s3  }
0xa9: {  	[dreg:$0x3] =	wrdreg s5  }
0xaa: {  	[dreg:$0x4] =	wrdreg $0xC0  }
0xab: {  	_ =	task [dreg:s7], $0x5FFFF  }
0xac: {  	[dreg:$0x1] =	wrdreg $0xFFFFFFFF  }
0xad: {  	[dreg:$0x0] =	wrdreg $0x60  }
0xae: {  	[dreg:$0x2] =	wrdreg s24  }
0xaf: {  	[dreg:$0x3] =	wrdreg s2  }
0xb0: {  	[dreg:$0x4] =	wrdreg $0x50000  }
0xb1: {  	[dreg:$0x5] =	wrdreg $0x190000  }
0xb2: {  	[dreg:$0x6] =	wrdreg $0x9  }
0xb3: {  	_ =	task.clear_ibuf [dreg:s7], $0x7FFFF;
	_ =	strace $0x90000046  }
0xb4: {  	s29 =	simm.s32 $0x9;
	_ =	strace $0x80000048  }
0xb5: {  	_ =	swait.ge [sflag:s29], $0x1  }
0xb6: {  	[sflag:s29] =	ssyncadd.s32 $0xFFFFFFFF  }
0xb7: {  	_ =	strace $0x90000048  }
0xb8: {  	_ =	sfence  }
0xb9: {  	s30 =	sld [smem:$0x0];
	_ =	sdelay $0x2  }
0xba: {  	s31 =	sshll.u32 s1, $0xD;
	s1 =	sshrl.u32 s1, $0x2  }
0xbb: {  	s3 =	sand.u32 $0x4000, s31;
	s1 =	sadd.s32 s1, s30  }
0xbc: {  	s0 =	sor.u32 s3, s0;
	s1 =	sshll.u32 s1, $0x11  }
0xbd: {  	s0 =	sor.u32 s1, s0  }
0xbe: {  	s0 =	sadd.s32 $0x8F2B, s0  }
0xbf: {  	[sflag:s0] =	ssyncadd.remote.s32 $0x1  }
0xc0: {  	_ =	sfence.sel $0xFFFF  }
0xc1: {  	[dreg:$0x0] =	wrdreg $0xFFFFFFFF;
	(pc) =	sbr.abs _section_cstart, $3  }
0xc2: {  	[dreg:$0x1] =	wrdreg $0xFFFFFFFF  }
0xc3: {  	_ =	task.clear_ibuf [dreg:s7], $0x2FFFF;
	_ =	strace $0x9FFFFFFF  }
0xc4: {  	(tm) =	ssettm $0x7FFFFFFF  }
0xc5: {  	_ =	shalt  }
tec
execute0_lowered:
.L_overlay_start_1:
0x0: {  	(tag) =	ssettag $0x1  }
0x1: {  	s1 =	rddreg [dreg:$0x0]  }
0x2: {  	s0 =	srdreg.scid;
	s3 =	rddreg [dreg:$0x2]  }
0x3: {  	s13 =	stileid.u32;
	s4 =	rddreg [dreg:$0x3];
	s5 =	simm.s32 $0x0  }
0x4: {  	s15 =	simm.s32 $0x2;
	s17 =	simm.s32 $0x3000;
	s7 =	smul.u32 $0x14000, s13  }
0x5: {  	s18 =	simm.s32 $0x2800;
	s19 =	simm.s32 $0x40;
	s8 =	smul.u32 $0x4400, s13  }
0x6: {  	s29 =	simm.s32 $0x2C00;
	s30 =	simm.s32 $0x2C80;
	s22 =	smul.u32 $0x50000, s13  }
0x7: {  	s31 =	simm.s32 $0x2D00;
	s0 =	sand.u32 $0x1, s0;
	s26 =	smul.u32 $0x11000, s13  }
0x8: {  	[smem:$0x7FF] =	sst s5;
	s28 =	sshll.u32 s13, $0x6;
	s20 =	smul.u32 $0x140000, s0  }
0x9: {  	s2 =	sshll.u32 s0, $0x4;
	_ =	strace $0x80000047;
	s11 =	smul.u32 $0x44000, s0  }
0xa: {  	s0 =	ssub.s32 $0x2, s0;
	s2 =	sor.u32 s13, s2;
	s10 =	sshrl.u32 s7, $0x3  }
0xb: {  	s12 =	sshrl.u32 s8, $0x3;
	s24 =	sshrl.u32 s0, $0x1;
	s25 =	sshrl.u32 s22, $0x2  }
0xc: {  	s22 =	simm.s32 $0x2F80;
	s6 =	smul.u32 $0x500, s2;
	s2 =	sshll.u32 s2, $0x8  }
0xd: {  	s10 =	sadd.s32 s10, s1;
	s12 =	sadd.s32 s12, s1;
	s21 =	sadd.s32 s8, s11  }
0xe: {  	s0 =	ssub.s32 s0, s24;
	s14 =	sadd.s32 s25, s3;
	s8 =	sshrl.u32 s26, $0x2  }
0xf: {  	s2 =	sadd.s32 s2, s1;
	s16 =	sadd.s32 s8, s4;
	s8 =	sadd.s32 $0x38E00, s12  }
0x10: {  	s13 =	smax.u32 s0, $0x1;
	s14 =	sshrl.u32 s14, $0x3;
	s0 =	simm.s32 $0x2E00  }
0x11: {  	s9 =	sadd.s32 s6, s1;
	s6 =	sadd.s32 s7, s20;
	s7 =	sshrl.u32 s21, $0x3  }
0x12: {  	s16 =	sshrl.u32 s16, $0x3;
	s20 =	simm.s32 $0x1;
	s6 =	sshrl.u32 s6, $0x3  }
0x13: {  	s21 =	simm.s32 $0x2F00;
	s9 =	sadd.s32 $0x4E00, s9;
	s23 =	sadd.s32 s6, s1  }
0x14: {  	s1 =	sadd.s32 s7, s1;
	s6 =	sadd.s32 $0x10E00, s10;
	s7 =	sor.u32 $0x1C02, s28  }
0x15: {  	s10 =	sadd.s32 $0xEE00, s2;
	s2 =	simm.s32 $0x2D80;
	s11 =	sadd.s32 $0x52600, s23  }
0x16: {  	s12 =	sadd.s32 $0x41600, s1;
	s1 =	simm.s32 $0x2E80;
	s23 =	simm.s32 $0x0  }
.LBB2_1:
0x17: {  	[spmem:s14], [sflag:s7] =	dma.local [hbm:s6], $0x2800  }
0x18: {  	_ =	swait.ge [sflag:s15], $0x2800  }
0x19: {  	[sflag:s15] =	ssyncset.done $0x0  }
0x1a: {  	[sflag:s15] =	ssyncadd.s32 $0xFFFFD800  }
0x1b: {  	[spmem:s16], [sflag:s7] =	dma.local [hbm:s8], $0x880  }
0x1c: {  	_ =	swait.ge [sflag:s15], $0x880  }
0x1d: {  	[sflag:s15] =	ssyncset.done $0x0  }
0x1e: {  	[sflag:s15] =	ssyncadd.s32 $0xFFFFF780  }
0x1f: {  	s24 =	rddreg [dreg:$0x1]  }
0x20: {  	[tilespmem:s17], [sflag:$0x2] =	stream.linear.gather [hbm4b:s24+s5], $0x2000, $0x38;
	[tilespmem:$0x1D400] =	vst v63  }
0x21: {  	_ =	swait.ge [sflag:s15], $0x2000  }
0x22: {  	[sflag:s15] =	ssyncset.done $0x0  }
0x23: {  	[sflag:s15] =	ssyncadd.s32 $0xFFFFE000  }
0x24: {  	[tilespmem:s5], [sflag:$0x2] =	stream.linear.gather [hbm4b:s9+s5], $0x2800, $0x38;
	[tilespmem:$0x1D400] =	vst v63  }
0x25: {  	_ =	swait.ge [sflag:s15], $0x2800  }
0x26: {  	[sflag:s15] =	ssyncset.done $0x0  }
0x27: {  	[sflag:s15] =	ssyncadd.s32 $0xFFFFD800  }
0x28: {  	[tilespmem:s18], [sflag:$0x2] =	stream.linear.gather [hbm4b:s10+s5], $0x800, $0x38;
	[tilespmem:$0x1D400] =	vst v63  }
0x29: {  	_ =	swait.ge [sflag:s15], $0x800  }
0x2a: {  	[sflag:s15] =	ssyncset.done $0x0  }
0x2b: {  	[sflag:s15] =	ssyncadd.s32 $0xFFFFF800  }
0x2c: {  	s28 =	simm.s32 $0x0;
	[bflag:$0x0] =	sbarrier.arrive $0xFFFF  }
0x2d: {  	[spmem:s3] =	stream.indirect.scatter.add.f32 [tilespmem:s17], [sflag:$0x1], $0x80, s28, s19, $0xb8;
	[tilespmem:$0x1D400] =	vst v63  }
0x2e: {  	s25 =	simm.s32 $0x80  }
0x2f: {  	[spmem:s3] =	stream.indirect.scatter.add.f32 [tilespmem:s17], [sflag:$0x1], $0x80, s25, s19, $0xb8;
	[tilespmem:$0x1D400] =	vst v63  }
0x30: {  	s26 =	simm.s32 $0x100  }
0x31: {  	[spmem:s3] =	stream.indirect.scatter.add.f32 [tilespmem:s17], [sflag:$0x1], $0x80, s26, s19, $0xb8;
	[tilespmem:$0x1D400] =	vst v63  }
0x32: {  	s28 =	simm.s32 $0x180  }
0x33: {  	[spmem:s3] =	stream.indirect.scatter.add.f32 [tilespmem:s17], [sflag:$0x1], $0x80, s28, s19, $0xb8;
	[tilespmem:$0x1D400] =	vst v63  }
0x34: {  	_ =	swait.ge [sflag:s20], $0x2000  }
0x35: {  	[sflag:s20] =	ssyncset.done $0x0  }
0x36: {  	[sflag:s20] =	ssyncadd.s32 $0xFFFFE000  }
0x37: {  	_ =	swait.ge [sflag:s20], $0x2000  }
0x38: {  	[sflag:s20] =	ssyncset.done $0x0  }
0x39: {  	[sflag:s20] =	ssyncadd.s32 $0xFFFFE000  }
0x3a: {  	_ =	swait.ge [sflag:s20], $0x2000  }
0x3b: {  	[sflag:s20] =	ssyncset.done $0x0  }
0x3c: {  	[sflag:s20] =	ssyncadd.s32 $0xFFFFE000  }
0x3d: {  	_ =	swait.ge [sflag:s20], $0x2000  }
0x3e: {  	s24 =	simm.s32 $0x800;
	s25 =	simm.s32 $0x1000;
	[sflag:s20] =	ssyncset.done $0x0  }
.LBB2_2:
0x3f: {  	s26 =	sshra.s32 s24, $0x2  }
0x40: {  	[sflag:s20] =	ssyncadd.s32 $0xFFFFE000;
	s24 =	smov.u32 s25;
	s28 =	sadd.s32 $0x800, s25  }
0x41: {  	[spmem:s3] =	stream.indirect.scatter.add.f32 [tilespmem:s17], [sflag:$0x1], $0x80, s26, s19, $0xb8;
	[tilespmem:$0x1D400] =	vst v63  }
0x42: {  	p0 =	sne.s32 s25, $0x9800;
	s25 =	sadd.s32 $0x80, s26  }
0x43: {  	[spmem:s3] =	stream.indirect.scatter.add.f32 [tilespmem:s17], [sflag:$0x1], $0x80, s25, s19, $0xb8;
	[tilespmem:$0x1D400] =	vst v63  }
0x44: {  	s25 =	sadd.s32 $0x100, s26  }
0x45: {  	[spmem:s3] =	stream.indirect.scatter.add.f32 [tilespmem:s17], [sflag:$0x1], $0x80, s25, s19, $0xb8;
	[tilespmem:$0x1D400] =	vst v63  }
0x46: {  	s25 =	sadd.s32 $0x180, s26  }
0x47: {  	[spmem:s3] =	stream.indirect.scatter.add.f32 [tilespmem:s17], [sflag:$0x1], $0x80, s25, s19, $0xb8;
	[tilespmem:$0x1D400] =	vst v63  }
0x48: {  	_ =	swait.ge [sflag:s20], $0x2000  }
0x49: {  	[sflag:s20] =	ssyncset.done $0x0  }
0x4a: {  	[sflag:s20] =	ssyncadd.s32 $0xFFFFE000  }
0x4b: {  	_ =	swait.ge [sflag:s20], $0x2000  }
0x4c: {  	[sflag:s20] =	ssyncset.done $0x0  }
0x4d: {  	[sflag:s20] =	ssyncadd.s32 $0xFFFFE000  }
.Ltmp0:
0x4e: {  	_ =	swait.ge [sflag:s20], $0x2000;
	(pc) =	sbr.rel @p0 .LBB2_2-.Ltmp0, $4  }
0x4f: {  	[sflag:s20] =	ssyncset.done $0x0  }
0x50: {  	[sflag:s20] =	ssyncadd.s32 $0xFFFFE000  }
0x51: {  	_ =	swait.ge [sflag:s20], $0x2000  }
0x52: {  	s25 =	smov.u32 s28;
	[sflag:s20] =	ssyncset.done $0x0  }
0x53: {  	s24 =	sshra.s32 s24, $0x2;
	[sflag:s20] =	ssyncadd.s32 $0xFFFFE000  }
0x54: {  	[spmem:s3] =	stream.indirect.scatter.add.f32 [tilespmem:s17], [sflag:$0x1], $0x80, s24, s19, $0xb8;
	[tilespmem:$0x1D400] =	vst v63  }
0x55: {  	s25 =	sadd.s32 $0x80, s24  }
0x56: {  	[spmem:s3] =	stream.indirect.scatter.add.f32 [tilespmem:s17], [sflag:$0x1], $0x80, s25, s19, $0xb8;
	[tilespmem:$0x1D400] =	vst v63  }
0x57: {  	s26 =	sadd.s32 $0x100, s24  }
0x58: {  	[spmem:s3] =	stream.indirect.scatter.add.f32 [tilespmem:s17], [sflag:$0x1], $0x80, s26, s19, $0xb8;
	[tilespmem:$0x1D400] =	vst v63  }
0x59: {  	s24 =	sadd.s32 $0x180, s24  }
0x5a: {  	[spmem:s3] =	stream.indirect.scatter.add.f32 [tilespmem:s17], [sflag:$0x1], $0x80, s24, s19, $0xb8;
	[tilespmem:$0x1D400] =	vst v63  }
0x5b: {  	_ =	swait.ge [sflag:s20], $0x2000  }
0x5c: {  	[sflag:s20] =	ssyncset.done $0x0  }
0x5d: {  	[sflag:s20] =	ssyncadd.s32 $0xFFFFE000  }
0x5e: {  	_ =	swait.ge [sflag:s20], $0x2000  }
0x5f: {  	[sflag:s20] =	ssyncset.done $0x0  }
0x60: {  	[sflag:s20] =	ssyncadd.s32 $0xFFFFE000  }
0x61: {  	_ =	swait.ge [sflag:s20], $0x2000  }
0x62: {  	[sflag:s20] =	ssyncset.done $0x0  }
0x63: {  	[sflag:s20] =	ssyncadd.s32 $0xFFFFE000  }
0x64: {  	_ =	swait.ge [sflag:s20], $0x2000  }
0x65: {  	[sflag:s20] =	ssyncset.done $0x0  }
0x66: {  	[sflag:s20] =	ssyncadd.s32 $0xFFFFE000  }
0x67: {  	[spmem:s4] =	stream.indirect.scatter.add.f32 [tilespmem:s17], [sflag:$0x1], $0x80, s18, s19, $0xb8;
	[tilespmem:$0x1D400] =	vst v63  }
0x68: {  	s28 =	simm.s32 $0x2880  }
0x69: {  	[spmem:s4] =	stream.indirect.scatter.add.f32 [tilespmem:s17], [sflag:$0x1], $0x80, s28, s19, $0xb8;
	[tilespmem:$0x1D400] =	vst v63  }
0x6a: {  	s25 =	simm.s32 $0x2900  }
0x6b: {  	[spmem:s4] =	stream.indirect.scatter.add.f32 [tilespmem:s17], [sflag:$0x1], $0x80, s25, s19, $0xb8;
	[tilespmem:$0x1D400] =	vst v63  }
0x6c: {  	s26 =	simm.s32 $0x2980  }
0x6d: {  	[spmem:s4] =	stream.indirect.scatter.add.f32 [tilespmem:s17], [sflag:$0x1], $0x80, s26, s19, $0xb8;
	[tilespmem:$0x1D400] =	vst v63  }
0x6e: {  	_ =	swait.ge [sflag:s20], $0x2000  }
0x6f: {  	[sflag:s20] =	ssyncset.done $0x0  }
0x70: {  	[sflag:s20] =	ssyncadd.s32 $0xFFFFE000  }
0x71: {  	_ =	swait.ge [sflag:s20], $0x2000  }
0x72: {  	[sflag:s20] =	ssyncset.done $0x0  }
0x73: {  	[sflag:s20] =	ssyncadd.s32 $0xFFFFE000  }
0x74: {  	_ =	swait.ge [sflag:s20], $0x2000  }
0x75: {  	[sflag:s20] =	ssyncset.done $0x0  }
0x76: {  	[sflag:s20] =	ssyncadd.s32 $0xFFFFE000  }
0x77: {  	_ =	swait.ge [sflag:s20], $0x2000  }
0x78: {  	[sflag:s20] =	ssyncset.done $0x0  }
0x79: {  	s28 =	simm.s32 $0x2A00;
	[sflag:s20] =	ssyncadd.s32 $0xFFFFE000  }
0x7a: {  	[spmem:s4] =	stream.indirect.scatter.add.f32 [tilespmem:s17], [sflag:$0x1], $0x80, s28, s19, $0xb8;
	[tilespmem:$0x1D400] =	vst v63  }
0x7b: {  	s25 =	simm.s32 $0x2A80  }
0x7c: {  	[spmem:s4] =	stream.indirect.scatter.add.f32 [tilespmem:s17], [sflag:$0x1], $0x80, s25, s19, $0xb8;
	[tilespmem:$0x1D400] =	vst v63  }
0x7d: {  	s26 =	simm.s32 $0x2B00  }
0x7e: {  	[spmem:s4] =	stream.indirect.scatter.add.f32 [tilespmem:s17], [sflag:$0x1], $0x80, s26, s19, $0xb8;
	[tilespmem:$0x1D400] =	vst v63  }
0x7f: {  	s28 =	simm.s32 $0x2B80  }
0x80: {  	[spmem:s4] =	stream.indirect.scatter.add.f32 [tilespmem:s17], [sflag:$0x1], $0x80, s28, s19, $0xb8;
	[tilespmem:$0x1D400] =	vst v63  }
0x81: {  	_ =	swait.ge [sflag:s20], $0x2000  }
0x82: {  	[sflag:s20] =	ssyncset.done $0x0  }
0x83: {  	[sflag:s20] =	ssyncadd.s32 $0xFFFFE000  }
0x84: {  	_ =	swait.ge [sflag:s20], $0x2000  }
0x85: {  	[sflag:s20] =	ssyncset.done $0x0  }
0x86: {  	[sflag:s20] =	ssyncadd.s32 $0xFFFFE000  }
0x87: {  	_ =	swait.ge [sflag:s20], $0x2000  }
0x88: {  	[sflag:s20] =	ssyncset.done $0x0  }
0x89: {  	[sflag:s20] =	ssyncadd.s32 $0xFFFFE000  }
0x8a: {  	_ =	swait.ge [sflag:s20], $0x2000  }
0x8b: {  	[sflag:s20] =	ssyncset.done $0x0  }
0x8c: {  	[sflag:s20] =	ssyncadd.s32 $0xFFFFE000  }
0x8d: {  	[spmem:s4] =	stream.indirect.scatter.add.f32 [tilespmem:s17], [sflag:$0x1], $0x80, s29, s19, $0xb8;
	[tilespmem:$0x1D400] =	vst v63  }
0x8e: {  	_ = 	snop  }
0x8f: {  	[spmem:s4] =	stream.indirect.scatter.add.f32 [tilespmem:s17], [sflag:$0x1], $0x80, s30, s19, $0xb8;
	[tilespmem:$0x1D400] =	vst v63  }
0x90: {  	_ = 	snop  }
0x91: {  	[spmem:s4] =	stream.indirect.scatter.add.f32 [tilespmem:s17], [sflag:$0x1], $0x80, s31, s19, $0xb8;
	[tilespmem:$0x1D400] =	vst v63  }
0x92: {  	_ = 	snop  }
0x93: {  	[spmem:s4] =	stream.indirect.scatter.add.f32 [tilespmem:s17], [sflag:$0x1], $0x80, s2, s19, $0xb8;
	[tilespmem:$0x1D400] =	vst v63  }
0x94: {  	_ =	swait.ge [sflag:s20], $0x2000  }
0x95: {  	[sflag:s20] =	ssyncset.done $0x0  }
0x96: {  	[sflag:s20] =	ssyncadd.s32 $0xFFFFE000  }
0x97: {  	_ =	swait.ge [sflag:s20], $0x2000  }
0x98: {  	[sflag:s20] =	ssyncset.done $0x0  }
0x99: {  	[sflag:s20] =	ssyncadd.s32 $0xFFFFE000  }
0x9a: {  	_ =	swait.ge [sflag:s20], $0x2000  }
0x9b: {  	[sflag:s20] =	ssyncset.done $0x0  }
0x9c: {  	[sflag:s20] =	ssyncadd.s32 $0xFFFFE000  }
0x9d: {  	_ =	swait.ge [sflag:s20], $0x2000  }
0x9e: {  	[sflag:s20] =	ssyncset.done $0x0  }
0x9f: {  	[sflag:s20] =	ssyncadd.s32 $0xFFFFE000  }
0xa0: {  	[spmem:s4] =	stream.indirect.scatter.add.f32 [tilespmem:s17], [sflag:$0x1], $0x80, s0, s19, $0xb8;
	[tilespmem:$0x1D400] =	vst v63  }
0xa1: {  	_ = 	snop  }
0xa2: {  	[spmem:s4] =	stream.indirect.scatter.add.f32 [tilespmem:s17], [sflag:$0x1], $0x80, s1, s19, $0xb8;
	[tilespmem:$0x1D400] =	vst v63  }
0xa3: {  	_ = 	snop  }
0xa4: {  	[spmem:s4] =	stream.indirect.scatter.add.f32 [tilespmem:s17], [sflag:$0x1], $0x80, s21, s19, $0xb8;
	[tilespmem:$0x1D400] =	vst v63  }
0xa5: {  	_ = 	snop  }
0xa6: {  	[spmem:s4] =	stream.indirect.scatter.add.f32 [tilespmem:s17], [sflag:$0x1], $0x80, s22, s19, $0xb8;
	[tilespmem:$0x1D400] =	vst v63  }
0xa7: {  	_ =	swait.ge [sflag:s20], $0x2000  }
0xa8: {  	[sflag:s20] =	ssyncset.done $0x0  }
0xa9: {  	[sflag:s20] =	ssyncadd.s32 $0xFFFFE000  }
0xaa: {  	_ =	swait.ge [sflag:s20], $0x2000  }
0xab: {  	[sflag:s20] =	ssyncset.done $0x0  }
0xac: {  	[sflag:s20] =	ssyncadd.s32 $0xFFFFE000  }
0xad: {  	_ =	swait.ge [sflag:s20], $0x2000  }
0xae: {  	[sflag:s20] =	ssyncset.done $0x0  }
0xaf: {  	[sflag:s20] =	ssyncadd.s32 $0xFFFFE000  }
0xb0: {  	_ =	swait.ge [sflag:s20], $0x2000  }
0xb1: {  	[sflag:s20] =	ssyncset.done $0x0  }
0xb2: {  	[sflag:s20] =	ssyncadd.s32 $0xFFFFE000  }
0xb3: {  	[bflag:$0x0] =	sbarrier.arrive $0xFFFF  }
0xb4: {  	[hbm:s11], [sflag:s7] =	dma.local [spmem:s14], $0x2800  }
0xb5: {  	s23 =	sadd.s32 $0x1, s23;
	_ =	swait.ge [sflag:s15], $0x2800  }
0xb6: {  	p0 =	sne.s32 s23, s13;
	[sflag:s15] =	ssyncset.done $0x0  }
.Ltmp1:
0xb7: {  	[sflag:s15] =	ssyncadd.s32 $0xFFFFD800;
	(pc) =	sbr.rel @p0 .LBB2_1-.Ltmp1, $4  }
0xb8: {  	[hbm:s12], [sflag:s7] =	dma.local [spmem:s16], $0x880  }
0xb9: {  	_ =	swait.ge [sflag:s15], $0x880  }
0xba: {  	[sflag:s15] =	ssyncset.done $0x0  }
0xbb: {  	[sflag:s15] =	ssyncadd.s32 $0xFFFFF780  }
0xbc: {  	_ =	sfence.sel $0x180000  }
0xbd: {  	[bflag:$0x0] =	sbarrier.arrive $0xFFFF  }
0xbe: {  	_ =	strace $0x90000047  }
0xbf: {  	s0 =	stileid.u32;
	[bflag:$0x2] =	sbarrier.arrive $0xFFFF  }
0xc0: {  	p0 =	sne.s32 s0, $0x0;
	s0 =	rddreg [dreg:$0x4]  }
0xc1: {  	s0 =	sadd.s32 @!p0 $0x100000, s0  }
0xc2: {  	[sflag:s0] =	ssyncadd.tile.s32 @!p0 $0x1;
	_ =	shalt  }
.Lfunc_end2:
_tile_overlayer_lowered:
.L_overlay_start_2:
0xc3: {  	(tag) =	ssettag $0x2  }
0xc4: {  	s0 =	rddreg [dreg:$0x0];
	s2 =	stileid.u32  }
0xc5: {  	s1 =	rddreg [dreg:$0x1];
	p0 =	sne.s32 s2, $0x0  }
0xc6: {  	s3 =	rddreg [dreg:$0x2];
	[bflag:$0x3] =	sbarrier.arrive $0xFFFF;
	s2 =	simm.s32 @!p0 $0x1C02  }
0xc7: {  	[timem:s3], [sflag:s2] =	dma.local @!p0 [hbm:s0], s1  }
0xc8: {  	s0 =	simm.s32 @!p0 $0x2  }
0xc9: {  	_ =	swait.ge @!p0 [sflag:s0], s1  }
0xca: {  	s1 =	ssub.s32 @!p0 $0x0, s1;
	[sflag:s0] =	ssyncset.done @!p0 $0x0  }
0xcb: {  	[sflag:s0] =	ssyncadd.s32 @!p0 s1  }
0xcc: {  	[bflag:$0x3] =	sbarrier.arrive $0xFFFF  }
0xcd: {  	_ =	shalt  }

// kernel: kernel.16.cloned.1.call-start
scs
__scs_entry_jumppad:
0x0: {  	(pc) =	sbr.rel $0x88, $3  }
0x1: {  	(tag) =	ssettag $0x0;
	lr =	simm.s32 $0x1  }
0x2: {  	[smem:$0x3F8C] =	sst lr;
	_ =	strace $0xD0000000  }
0x3: {  	_ = 	snop  }
0x4: {  	_ = 	snop  }
0x5: {  	_ = 	snop  }
0x6: {  	_ = 	snop  }
0x7: {  	_ = 	snop  }
__scs_overlays_trampoline_lowered:
0x8: {  	[smem:$0x3F9B] =	sst s0  }
0x9: {  	[smem:$0x3F9C] =	sst s1  }
0xa: {  	[smem:$0x3F9D] =	sst s2  }
0xb: {  	[smem:$0x3F9E] =	sst s3  }
0xc: {  	[smem:$0x3F9F] =	sst s4  }
0xd: {  	[smem:$0x3FA0] =	sst s5  }
0xe: {  	[smem:$0x3FA1] =	sst s6  }
0xf: {  	[smem:$0x3FA2] =	sst s7  }
0x10: {  	[smem:$0x3FA3] =	sst s8  }
0x11: {  	[smem:$0x3FA4] =	sst s9;
	s0 =	simm.s32 @!p0 $0x0  }
0x12: {  	s1 =	sld [smem:$0x3F8A];
	s0 =	simm.s32 @p0 $0x1  }
0x13: {  	[smem:$0x3FA5] =	sst s0;
	s0 =	simm.s32 @!p1 $0x0  }
0x14: {  	s2 =	sld [smem:$0x3F89];
	s0 =	simm.s32 @p1 $0x1  }
0x15: {  	[smem:$0x3FA6] =	sst s0;
	s0 =	simm.s32 @!p2 $0x0  }
0x16: {  	s3 =	sld [smem:$0x3FDB];
	s0 =	simm.s32 @p2 $0x1  }
0x17: {  	s4 =	simm.s32 $0x1BF5;
	[smem:$0x3FA8] =	sst s0  }
0x18: {  	s0 =	sld [smem:$0x3F8B];
	_ =	swait.ge [sflag:s4], $0x0  }
0x19: {  	s7 =	sld [smem:$0x3F8C]  }
0x1a: {  	s8 =	sadd.s32 $0xFFFFE003, lr  }
0x1b: {  	s9 =	sadd.s32 $0xFFFFFEF7, lr;
	s5 =	simm.s32 $0xFFFFFFFF;
	p2 =	slt.u32 s8, $0xFFFFF086  }
0x1c: {  	p1 =	slt.u32 s9, $0xF7A;
	s5 =	simm.s32 @!p2 $0x0  }
0x1d: {  	s5 =	simm.s32 @p1 $0x1;
	p0 =	seq.s32 s7, s2  }
0x1e: {  	s7 =	smul.u32 @!p0 $0xF7A, s2;
	p2 =	seq.s32 @!p0 s5, $0x0  }
0x1f: {  	s9 =	smul.u32 $0xF7A, s1;
	s8 =	simm.s32 @!p0 $0x1BF5;
	p2 =	por !p2, p0  }
0x20: {  	[sflag:s8] =	ssyncset.s32 @!p0 $0xFFFFF086;
	s6 =	sadd.s32 @!p0 s3, s7;
	s7 =	simm.s32 @!p0 $0x108  }
0x21: {  	s3 =	sadd.s32 s3, s9;
	s6 =	sadd.s32 @!p0 $0x88, s6;
	s7 =	simm.s32 @p2 $0x1082  }
0x22: {  	[simem:s7], [sflag:s8] =	dma.local @!p0 [hbm:s6], $0xF7A  }
0x23: {  	s9 =	sor.u32 $0xD0000000, s2;
	s6 =	simm.s32 $0x108;
	_ =	swait.ge @!p0 [sflag:s8], $0x0  }
0x24: {  	s3 =	sadd.s32 $0x88, s3;
	s6 =	simm.s32 @!p1 $0x1082;
	[sflag:s4] =	ssyncset.s32 $0xFFFFF086  }
0x25: {  	[simem:s6], [sflag:s4] =	dma.local [hbm:s3], $0xF7A  }
0x26: {  	[smem:$0x3F8C] =	sst s1;
	(tag) =	ssettag s2;
	_ =	strace s9  }
0x27: {  	s1 =	sld [smem:$0x3F9C]  }
0x28: {  	s2 =	sld [smem:$0x3F9D]  }
0x29: {  	s4 =	sld [smem:$0x3F9F]  }
0x2a: {  	p0 =	seq.s32 s5, $0x0;
	s5 =	sld [smem:$0x3FA0]  }
0x2b: {  	s6 =	sld [smem:$0x3FA1]  }
0x2c: {  	s7 =	sld [smem:$0x3FA2]  }
0x2d: {  	s3 =	simm.s32 $0x108;
	s8 =	sld [smem:$0x3FA3]  }
0x2e: {  	s3 =	simm.s32 @!p0 $0x1082;
	s9 =	sld [smem:$0x3FA4]  }
0x2f: {  	lr =	sadd.s32 s0, s3;
	s0 =	sld [smem:$0x3F9B]  }
0x30: {  	s3 =	sld [smem:$0x3F9E]  }
0x31: {  	[smem:$0x3FA7] =	sst s10  }
0x32: {  	s10 =	sld [smem:$0x3FA5];
	_ =	sdelay $0x3  }
0x33: {  	p0 =	seq.s32 s10, $0x1;
	s10 =	sld [smem:$0x3FA7];
	_ =	sdelay $0x3  }
0x34: {  	[smem:$0x3FA7] =	sst s10  }
0x35: {  	s10 =	sld [smem:$0x3FA6];
	_ =	sdelay $0x3  }
0x36: {  	p1 =	seq.s32 s10, $0x1;
	s10 =	sld [smem:$0x3FA7];
	_ =	sdelay $0x3  }
0x37: {  	[smem:$0x3FA7] =	sst s10  }
0x38: {  	s10 =	sld [smem:$0x3FA8]  }
0x39: {  	_ = 	snop;
	(pc) =	sbr.ind lr, $3  }
0x3a: {  	_ = 	snop  }
0x3b: {  	_ = 	snop  }
0x3c: {  	p2 =	seq.s32 s10, $0x1;
	s10 =	sld [smem:$0x3FA7]  }
0x3d: {  	_ =	shalt  }
0x3e: {  	_ =	shalt  }
0x3f: {  	_ =	shalt  }
0x40: {  	_ =	shalt  }
0x41: {  	_ =	shalt  }
0x42: {  	_ =	shalt  }
0x43: {  	_ =	shalt  }
0x44: {  	_ =	shalt  }
0x45: {  	_ =	shalt  }
0x46: {  	_ =	shalt  }
0x47: {  	_ =	shalt  }
0x48: {  	_ =	shalt  }
0x49: {  	_ =	shalt  }
0x4a: {  	_ =	shalt  }
0x4b: {  	_ =	shalt  }
0x4c: {  	_ =	shalt  }
0x4d: {  	_ =	shalt  }
0x4e: {  	_ =	shalt  }
0x4f: {  	_ =	shalt  }
0x50: {  	_ =	shalt  }
0x51: {  	_ =	shalt  }
0x52: {  	_ =	shalt  }
0x53: {  	_ =	shalt  }
0x54: {  	_ =	shalt  }
0x55: {  	_ =	shalt  }
0x56: {  	_ =	shalt  }
0x57: {  	_ =	shalt  }
0x58: {  	_ =	shalt  }
0x59: {  	_ =	shalt  }
0x5a: {  	_ =	shalt  }
0x5b: {  	_ =	shalt  }
0x5c: {  	_ =	shalt  }
0x5d: {  	_ =	shalt  }
0x5e: {  	_ =	shalt  }
0x5f: {  	_ =	shalt  }
0x60: {  	_ =	shalt  }
0x61: {  	_ =	shalt  }
0x62: {  	_ =	shalt  }
0x63: {  	_ =	shalt  }
0x64: {  	_ =	shalt  }
0x65: {  	_ =	shalt  }
0x66: {  	_ =	shalt  }
0x67: {  	_ =	shalt  }
0x68: {  	_ =	shalt  }
0x69: {  	_ =	shalt  }
0x6a: {  	_ =	shalt  }
0x6b: {  	_ =	shalt  }
0x6c: {  	_ =	shalt  }
0x6d: {  	_ =	shalt  }
0x6e: {  	_ =	shalt  }
0x6f: {  	_ =	shalt  }
0x70: {  	_ =	shalt  }
0x71: {  	_ =	shalt  }
0x72: {  	_ =	shalt  }
0x73: {  	_ =	shalt  }
0x74: {  	_ =	shalt  }
0x75: {  	_ =	shalt  }
0x76: {  	_ =	shalt  }
0x77: {  	_ =	shalt  }
0x78: {  	_ =	shalt  }
0x79: {  	_ =	shalt  }
0x7a: {  	_ =	shalt  }
0x7b: {  	_ =	shalt  }
0x7c: {  	_ =	shalt  }
0x7d: {  	_ =	shalt  }
0x7e: {  	_ =	shalt  }
0x7f: {  	_ =	shalt  }
0x80: {  	_ =	shalt  }
0x81: {  	_ =	shalt  }
0x82: {  	_ =	shalt  }
0x83: {  	_ =	shalt  }
0x84: {  	_ =	shalt  }
0x85: {  	_ =	shalt  }
0x86: {  	_ =	shalt  }
0x87: {  	_ =	shalt  }
.Lfunc_end0:
.L_simem_size_0:
called_computation.1_lowered:
.L_overlay_start_0:
0x88: {  	s2 =	sld [smem:$0x3FD9]  }
0x89: {  	s3 =	sld [smem:$0x3FFE];
	_ =	sdelay $0x1  }
0x8a: {  	s1 =	srdreg.scid  }
0x8b: {  	s0 =	sand.u32 $0x1, s1  }
0x8c: {  	s16 =	sshll.u32 s0, $0xA;
	s2 =	sadd.s32 s3, s2  }
0x8d: {  	s2 =	sadd.s32 s2, s16  }
0x8e: {  	[smem:$0x3FB3] =	sst s2  }
0x8f: {  	_ = 	snop  }
0x90: {  	(tm) =	ssettm $0x1  }
0x91: {  	s17 =	sld [smem:$0x3FFB];
	_ =	sdelay $0x3  }
0x92: {  	_ =	strace s17  }
0x93: {  	s2 =	sld [smem:$0x3FFC];
	_ =	sdelay $0x3  }
0x94: {  	_ =	strace s2  }
0x95: {  	s2 =	sld [smem:$0x3FFD];
	_ =	sdelay $0x3  }
0x96: {  	_ =	strace s2  }
0x97: {  	_ =	strace $0x8FFFFFFF  }
0x98: {  	s18 =	sld [smem:$0x3FDB];
	_ =	sdelay $0x1  }
0x99: {  	s19 =	simm.s32 $_scs_section_size  }
0x9a: {  	s4 =	simm.s32 $_size__tile_overlayer_lowered;
	s5 =	simm.s32 $_tile_overlayer_lowered  }
0x9b: {  	s22 =	simm.s32 $0x1BFF;
	s21 =	sshll.u32 s5, $0x1;
	s2 =	sadd.s32 s19, s18  }
0x9c: {  	s6 =	simm.s32 $0x0;
	s20 =	sshll.u32 s4, $0x1;
	s4 =	sadd.s32 s21, s2  }
0x9d: {  	[timem:s6], [sflag:s22] =	dma.local [hbm:s4], s20  }
0x9e: {  	_ =	swait.ge [sflag:s22], s20  }
0x9f: {  	s3 =	ssub.s32 $0x0, s20;
	[sflag:s22] =	ssyncset.done $0x0  }
0xa0: {  	[sflag:s22] =	ssyncadd.s32 s3;
	_ =	sdelay $0x1  }
0xa1: {  	s23 =	simm.s32 $0x1B8B  }
0xa2: {  	_ =	swait.ge [sflag:s23], $0x1  }
0xa3: {  	[sflag:s23] =	ssyncset.done $0x0  }
0xa4: {  	s25 =	simm.s32 $0x1B8E;
	s24 =	sld [smem:$0x3FFE];
	[sflag:s23] =	ssyncadd.s32 $0xFFFFFFFF  }
0xa5: {  	s26 =	simm.s32 $execute0_lowered;
	[smem:$0x3FD2] =	sst s25  }
0xa6: {  	s4 =	sshll.u32 s26, $0x1;
	_ =	strace $0x80000049;
	[dreg:$0x1] =	wrdreg $0xFFFFFFFF  }
0xa7: {  	s28 =	simm.s32 $_size_execute0_lowered;
	s2 =	sadd.s32 s2, s4;
	[dreg:$0x0] =	wrdreg $0x0  }
0xa8: {  	s4 =	sshll.u32 s28, $0x1;
	[dreg:$0x2] =	wrdreg s2  }
0xa9: {  	[dreg:$0x3] =	wrdreg s4  }
0xaa: {  	[dreg:$0x4] =	wrdreg $0xC0  }
0xab: {  	_ =	task [dreg:s6], $0x5FFFF  }
0xac: {  	[dreg:$0x1] =	wrdreg $0xFFFFFFFF  }
0xad: {  	[dreg:$0x0] =	wrdreg $0x60  }
0xae: {  	[dreg:$0x2] =	wrdreg s24  }
0xaf: {  	[dreg:$0x3] =	wrdreg $0x90000  }
0xb0: {  	[dreg:$0x4] =	wrdreg $0xA  }
0xb1: {  	_ =	task.clear_ibuf [dreg:s6], $0x5FFFF;
	_ =	strace $0x90000049  }
0xb2: {  	s29 =	simm.s32 $0xA;
	_ =	strace $0x8000004B  }
0xb3: {  	_ =	swait.ge [sflag:s29], $0x1  }
0xb4: {  	[sflag:s29] =	ssyncadd.s32 $0xFFFFFFFF  }
0xb5: {  	_ =	strace $0x9000004B  }
0xb6: {  	_ =	sfence  }
0xb7: {  	s30 =	sld [smem:$0x0];
	_ =	sdelay $0x2  }
0xb8: {  	s31 =	sshll.u32 s1, $0xD;
	s1 =	sshrl.u32 s1, $0x2  }
0xb9: {  	s3 =	sand.u32 $0x4000, s31;
	s1 =	sadd.s32 s1, s30  }
0xba: {  	s0 =	sor.u32 s3, s0;
	s1 =	sshll.u32 s1, $0x11  }
0xbb: {  	s0 =	sor.u32 s1, s0  }
0xbc: {  	s0 =	sadd.s32 $0x8F2B, s0  }
0xbd: {  	[sflag:s0] =	ssyncadd.remote.s32 $0x1  }
0xbe: {  	_ =	sfence.sel $0xFFFF  }
0xbf: {  	[dreg:$0x0] =	wrdreg $0xFFFFFFFF;
	(pc) =	sbr.abs _section_cstart, $3  }
0xc0: {  	[dreg:$0x1] =	wrdreg $0xFFFFFFFF  }
0xc1: {  	_ =	task.clear_ibuf [dreg:s6], $0x2FFFF;
	_ =	strace $0x9FFFFFFF  }
0xc2: {  	(tm) =	ssettm $0x7FFFFFFF  }
0xc3: {  	_ =	shalt  }
tec
execute0_lowered:
.L_overlay_start_1:
0x0: {  	(tag) =	ssettag $0x1  }
0x1: {  	s0 =	rddreg [dreg:$0x0]  }
0x2: {  	s2 =	rddreg [dreg:$0x1]  }
0x3: {  	s13 =	rddreg [dreg:$0x2];
	s30 =	simm.s32 $0x0;
	s1 =	srdreg.scid  }
0x4: {  	s8 =	stileid.u32;
	s10 =	simm.s32 $0x80;
	s12 =	simm.s32 $0x100  }
0x5: {  	s15 =	simm.s32 $0x180;
	s16 =	simm.s32 $0x880;
	s17 =	simm.s32 $0x900  }
0x6: {  	s18 =	simm.s32 $0x980;
	s19 =	simm.s32 $0x200;
	s31 =	simm.s32 $0x800  }
0x7: {  	s28 =	simm.s32 $0x480;
	s29 =	simm.s32 $0x500;
	[smem:$0x7FF] =	sst s30  }
0x8: {  	p0 =	por $0x0, $0x0;
	_ =	strace $0x8000004A;
	[dreg:$0x7] =	wrdreg s10  }
0x9: {  	s1 =	sand.u32 $0x1, s1;
	s3 =	smul.u32 $0x4400, s8;
	[dreg:$0x8] =	wrdreg s12  }
0xa: {  	s4 =	sadd.s32 $0x41600, s0;
	s7 =	sshll.u32 s8, $0x8;
	[dreg:$0x9] =	wrdreg s15  }
0xb: {  	s26 =	smul.u32 $0x11000, s8;
	s14 =	sshll.u32 s8, $0x6;
	[dreg:$0xa] =	wrdreg s16  }
0xc: {  	s8 =	simm.s32 $0x7000;
	s5 =	smul.u32 $0x44000, s1;
	[dreg:$0xb] =	wrdreg s17  }
0xd: {  	s6 =	sshll.u32 s1, $0xC;
	s1 =	ssub.s32 $0x2, s1;
	[dreg:$0xc] =	wrdreg s18  }
0xe: {  	[dreg:$0xd] =	wrdreg s19;
	s12 =	simm.s32 $0x1000;
	s10 =	simm.s32 $0x1  }
0xf: {  	s17 =	simm.s32 $0x580;
	s18 =	simm.s32 $0x680;
	s19 =	simm.s32 $0xE00  }
0x10: {  	s16 =	simm.s32 $0xE80;
	s15 =	simm.s32 $0xF00;
	s6 =	sor.u32 s7, s6  }
0x11: {  	s20 =	sshrl.u32 s3, $0x3;
	s24 =	sshrl.u32 s1, $0x1;
	s9 =	sshrl.u32 s26, $0x2  }
0x12: {  	s7 =	simm.s32 $0x40;
	s26 =	simm.s32 $0xB80;
	s3 =	sadd.s32 s3, s5  }
0x13: {  	s21 =	sadd.s32 s6, s0;
	s22 =	sadd.s32 s20, s0;
	s1 =	ssub.s32 s1, s24  }
0x14: {  	s11 =	sadd.s32 s9, s2;
	s6 =	simm.s32 $0x2;
	s20 =	simm.s32 $0x280  }
0x15: {  	s9 =	simm.s32 $0x5000;
	s24 =	simm.s32 $0xA80;
	[dreg:$0x14] =	wrdreg s26  }
0x16: {  	s26 =	simm.s32 $0x400;
	s3 =	sshrl.u32 s3, $0x3;
	s23 =	sadd.s32 $0x38E00, s22  }
0x17: {  	s25 =	sadd.s32 $0xA2600, s21;
	s5 =	sadd.s32 $0xEE00, s21;
	[dreg:$0xe] =	wrdreg s20  }
0x18: {  	s1 =	smax.u32 s1, $0x1;
	s21 =	simm.s32 $0x300;
	[dreg:$0x12] =	wrdreg s24  }
0x19: {  	s22 =	simm.s32 $0x380;
	s24 =	simm.s32 $0xC80;
	[dreg:$0x3] =	wrdreg s23  }
0x1a: {  	s20 =	simm.s32 $0xD80;
	s0 =	sadd.s32 s3, s0;
	[dreg:$0x4] =	wrdreg s25  }
0x1b: {  	[dreg:$0x5] =	wrdreg s5;
	s3 =	sor.u32 $0x1C02, s14;
	s5 =	sshrl.u32 s11, $0x3  }
0x1c: {  	[dreg:$0xf] =	wrdreg s21;
	s11 =	simm.s32 $0x3000;
	p1 =	sne.s32 s1, $0x1  }
.Ltmp0:
0x1d: {  	[dreg:$0x10] =	wrdreg s22;
	s23 =	simm.s32 $0xA00;
	(pc) =	sbr.rel @!p1 .LBB2_1-.Ltmp0, $4  }
0x1e: {  	s25 =	simm.s32 $0xB00;
	s21 =	simm.s32 $0x700;
	[dreg:$0x11] =	wrdreg s23  }
0x1f: {  	s22 =	simm.s32 $0x780;
	s0 =	sadd.s32 $0xA4600, s0;
	[dreg:$0x13] =	wrdreg s25  }
0x20: {  	s14 =	simm.s32 $0xF80;
	s25 =	simm.s32 $0xC00;
	[dreg:$0x6] =	wrdreg s0  }
0x21: {  	s23 =	simm.s32 $0xD00;
	s0 =	sadd.s32 $0xFFFFFFFF, s1;
	s1 =	rddreg [dreg:$0x3]  }
0x22: {  	[spmem:s5], [sflag:s3] =	dma.local [hbm:s1], $0x880  }
0x23: {  	_ =	swait.ge [sflag:s6], $0x880  }
0x24: {  	[sflag:s6] =	ssyncset.done $0x0  }
0x25: {  	s13 =	rddreg [dreg:$0x4];
	[sflag:s6] =	ssyncadd.s32 $0xFFFFF780  }
0x26: {  	[tilespmem:s30], [sflag:$0x2] =	stream.linear.gather [hbm4b:s13+s30], $0x800, $0x38;
	[tilespmem:$0xD400] =	vst v63  }
0x27: {  	_ =	swait.ge [sflag:s6], $0x800  }
0x28: {  	[sflag:s6] =	ssyncset.done $0x0  }
0x29: {  	s13 =	rddreg [dreg:$0x5];
	[sflag:s6] =	ssyncadd.s32 $0xFFFFF800  }
0x2a: {  	[tilespmem:s31], [sflag:$0x2] =	stream.linear.gather [hbm4b:s13+s30], $0x800, $0x38;
	[tilespmem:$0xD400] =	vst v63  }
0x2b: {  	_ =	swait.ge [sflag:s6], $0x800  }
0x2c: {  	[sflag:s6] =	ssyncset.done $0x0  }
0x2d: {  	[sflag:s6] =	ssyncadd.s32 $0xFFFFF800  }
0x2e: {  	[bflag:$0x0] =	sbarrier.arrive $0xFFFF  }
0x2f: {  	[tilespmem:s12], [sflag:$0x1] =	stream.indirect.gather [hbm4b:s4+s7], $0x80, s30, s7, $0xb8;
	[tilespmem:$0xD400] =	vst v63  }
0x30: {  	s1 =	rddreg [dreg:$0x7]  }
0x31: {  	[tilespmem:s11], [sflag:$0x1] =	stream.indirect.gather [hbm4b:s4+s7], $0x80, s1, s7, $0xb8;
	[tilespmem:$0xD400] =	vst v63  }
0x32: {  	s13 =	smov.u32 s0;
	s0 =	rddreg [dreg:$0x8]  }
0x33: {  	[tilespmem:s9], [sflag:$0x1] =	stream.indirect.gather [hbm4b:s4+s7], $0x80, s0, s7, $0xb8;
	[tilespmem:$0xD400] =	vst v63  }
0x34: {  	s1 =	rddreg [dreg:$0x9]  }
0x35: {  	[tilespmem:s8], [sflag:$0x1] =	stream.indirect.gather [hbm4b:s4+s7], $0x80, s1, s7, $0xb8;
	[tilespmem:$0xD400] =	vst v63  }
0x36: {  	_ =	swait.ge [sflag:s10], $0x2000  }
0x37: {  	[sflag:s10] =	ssyncset.done $0x0  }
0x38: {  	[sflag:s10] =	ssyncadd.s32 $0xFFFFE000  }
0x39: {  	[spmem:s2] =	stream.indirect.scatter.add.f32 [tilespmem:s12], [sflag:$0x2], $0x80, s31, s7, $0xb8;
	[tilespmem:$0xD400] =	vst v63  }
0x3a: {  	_ =	swait.ge [sflag:s6], $0x2000  }
0x3b: {  	[sflag:s6] =	ssyncset.done $0x0  }
0x3c: {  	[sflag:s6] =	ssyncadd.s32 $0xFFFFE000  }
0x3d: {  	_ =	swait.ge [sflag:s10], $0x2000  }
0x3e: {  	[sflag:s10] =	ssyncset.done $0x0  }
0x3f: {  	s1 =	rddreg [dreg:$0xa];
	[sflag:s10] =	ssyncadd.s32 $0xFFFFE000  }
0x40: {  	[spmem:s2] =	stream.indirect.scatter.add.f32 [tilespmem:s11], [sflag:$0x2], $0x80, s1, s7, $0xb8;
	[tilespmem:$0xD400] =	vst v63  }
0x41: {  	_ =	swait.ge [sflag:s6], $0x2000  }
0x42: {  	[sflag:s6] =	ssyncset.done $0x0  }
0x43: {  	[sflag:s6] =	ssyncadd.s32 $0xFFFFE000  }
0x44: {  	_ =	swait.ge [sflag:s10], $0x2000  }
0x45: {  	[sflag:s10] =	ssyncset.done $0x0  }
0x46: {  	s1 =	rddreg [dreg:$0xb];
	[sflag:s10] =	ssyncadd.s32 $0xFFFFE000  }
0x47: {  	[spmem:s2] =	stream.indirect.scatter.add.f32 [tilespmem:s9], [sflag:$0x2], $0x80, s1, s7, $0xb8;
	[tilespmem:$0xD400] =	vst v63  }
0x48: {  	_ =	swait.ge [sflag:s6], $0x2000  }
0x49: {  	[sflag:s6] =	ssyncset.done $0x0  }
0x4a: {  	[sflag:s6] =	ssyncadd.s32 $0xFFFFE000  }
0x4b: {  	_ =	swait.ge [sflag:s10], $0x2000  }
0x4c: {  	[sflag:s10] =	ssyncset.done $0x0  }
0x4d: {  	s1 =	rddreg [dreg:$0xc];
	[sflag:s10] =	ssyncadd.s32 $0xFFFFE000  }
0x4e: {  	[spmem:s2] =	stream.indirect.scatter.add.f32 [tilespmem:s8], [sflag:$0x2], $0x80, s1, s7, $0xb8;
	[tilespmem:$0xD400] =	vst v63  }
0x4f: {  	_ =	swait.ge [sflag:s6], $0x2000  }
0x50: {  	[sflag:s6] =	ssyncset.done $0x0  }
0x51: {  	s0 =	rddreg [dreg:$0xd];
	[sflag:s6] =	ssyncadd.s32 $0xFFFFE000  }
0x52: {  	[tilespmem:s12], [sflag:$0x1] =	stream.indirect.gather [hbm4b:s4+s7], $0x80, s0, s7, $0xb8;
	[tilespmem:$0xD400] =	vst v63  }
0x53: {  	s1 =	rddreg [dreg:$0xe]  }
0x54: {  	[tilespmem:s11], [sflag:$0x1] =	stream.indirect.gather [hbm4b:s4+s7], $0x80, s1, s7, $0xb8;
	[tilespmem:$0xD400] =	vst v63  }
0x55: {  	s0 =	rddreg [dreg:$0xf]  }
0x56: {  	[tilespmem:s9], [sflag:$0x1] =	stream.indirect.gather [hbm4b:s4+s7], $0x80, s0, s7, $0xb8;
	[tilespmem:$0xD400] =	vst v63  }
0x57: {  	s1 =	rddreg [dreg:$0x10]  }
0x58: {  	[tilespmem:s8], [sflag:$0x1] =	stream.indirect.gather [hbm4b:s4+s7], $0x80, s1, s7, $0xb8;
	[tilespmem:$0xD400] =	vst v63  }
0x59: {  	_ =	swait.ge [sflag:s10], $0x2000  }
0x5a: {  	[sflag:s10] =	ssyncset.done $0x0  }
0x5b: {  	s1 =	rddreg [dreg:$0x11];
	[sflag:s10] =	ssyncadd.s32 $0xFFFFE000  }
0x5c: {  	[spmem:s2] =	stream.indirect.scatter.add.f32 [tilespmem:s12], [sflag:$0x2], $0x80, s1, s7, $0xb8;
	[tilespmem:$0xD400] =	vst v63  }
0x5d: {  	_ =	swait.ge [sflag:s6], $0x2000  }
0x5e: {  	[sflag:s6] =	ssyncset.done $0x0  }
0x5f: {  	[sflag:s6] =	ssyncadd.s32 $0xFFFFE000  }
0x60: {  	_ =	swait.ge [sflag:s10], $0x2000  }
0x61: {  	[sflag:s10] =	ssyncset.done $0x0  }
0x62: {  	s1 =	rddreg [dreg:$0x12];
	[sflag:s10] =	ssyncadd.s32 $0xFFFFE000  }
0x63: {  	[spmem:s2] =	stream.indirect.scatter.add.f32 [tilespmem:s11], [sflag:$0x2], $0x80, s1, s7, $0xb8;
	[tilespmem:$0xD400] =	vst v63  }
0x64: {  	_ =	swait.ge [sflag:s6], $0x2000  }
0x65: {  	[sflag:s6] =	ssyncset.done $0x0  }
0x66: {  	[sflag:s6] =	ssyncadd.s32 $0xFFFFE000  }
0x67: {  	_ =	swait.ge [sflag:s10], $0x2000  }
0x68: {  	[sflag:s10] =	ssyncset.done $0x0  }
0x69: {  	s1 =	rddreg [dreg:$0x13];
	[sflag:s10] =	ssyncadd.s32 $0xFFFFE000  }
0x6a: {  	[spmem:s2] =	stream.indirect.scatter.add.f32 [tilespmem:s9], [sflag:$0x2], $0x80, s1, s7, $0xb8;
	[tilespmem:$0xD400] =	vst v63  }
0x6b: {  	_ =	swait.ge [sflag:s6], $0x2000  }
0x6c: {  	[sflag:s6] =	ssyncset.done $0x0  }
0x6d: {  	[sflag:s6] =	ssyncadd.s32 $0xFFFFE000  }
0x6e: {  	_ =	swait.ge [sflag:s10], $0x2000  }
0x6f: {  	[sflag:s10] =	ssyncset.done $0x0  }
0x70: {  	s1 =	rddreg [dreg:$0x14];
	[sflag:s10] =	ssyncadd.s32 $0xFFFFE000  }
0x71: {  	[spmem:s2] =	stream.indirect.scatter.add.f32 [tilespmem:s8], [sflag:$0x2], $0x80, s1, s7, $0xb8;
	[tilespmem:$0xD400] =	vst v63  }
0x72: {  	_ =	swait.ge [sflag:s6], $0x2000  }
0x73: {  	[sflag:s6] =	ssyncset.done $0x0  }
0x74: {  	[sflag:s6] =	ssyncadd.s32 $0xFFFFE000  }
0x75: {  	[tilespmem:s12], [sflag:$0x1] =	stream.indirect.gather [hbm4b:s4+s7], $0x80, s26, s7, $0xb8;
	[tilespmem:$0xD400] =	vst v63  }
0x76: {  	_ = 	snop  }
0x77: {  	[tilespmem:s11], [sflag:$0x1] =	stream.indirect.gather [hbm4b:s4+s7], $0x80, s28, s7, $0xb8;
	[tilespmem:$0xD400] =	vst v63  }
0x78: {  	_ = 	snop  }
0x79: {  	[tilespmem:s9], [sflag:$0x1] =	stream.indirect.gather [hbm4b:s4+s7], $0x80, s29, s7, $0xb8;
	[tilespmem:$0xD400] =	vst v63  }
0x7a: {  	_ = 	snop  }
0x7b: {  	[tilespmem:s8], [sflag:$0x1] =	stream.indirect.gather [hbm4b:s4+s7], $0x80, s17, s7, $0xb8;
	[tilespmem:$0xD400] =	vst v63  }
0x7c: {  	_ =	swait.ge [sflag:s10], $0x2000  }
0x7d: {  	[sflag:s10] =	ssyncset.done $0x0  }
0x7e: {  	[sflag:s10] =	ssyncadd.s32 $0xFFFFE000  }
0x7f: {  	[spmem:s2] =	stream.indirect.scatter.add.f32 [tilespmem:s12], [sflag:$0x2], $0x80, s25, s7, $0xb8;
	[tilespmem:$0xD400] =	vst v63  }
0x80: {  	_ =	swait.ge [sflag:s6], $0x2000  }
0x81: {  	[sflag:s6] =	ssyncset.done $0x0  }
0x82: {  	[sflag:s6] =	ssyncadd.s32 $0xFFFFE000  }
0x83: {  	_ =	swait.ge [sflag:s10], $0x2000  }
0x84: {  	[sflag:s10] =	ssyncset.done $0x0  }
0x85: {  	[sflag:s10] =	ssyncadd.s32 $0xFFFFE000  }
0x86: {  	[spmem:s2] =	stream.indirect.scatter.add.f32 [tilespmem:s11], [sflag:$0x2], $0x80, s24, s7, $0xb8;
	[tilespmem:$0xD400] =	vst v63  }
0x87: {  	_ =	swait.ge [sflag:s6], $0x2000  }
0x88: {  	[sflag:s6] =	ssyncset.done $0x0  }
0x89: {  	[sflag:s6] =	ssyncadd.s32 $0xFFFFE000  }
0x8a: {  	_ =	swait.ge [sflag:s10], $0x2000  }
0x8b: {  	[sflag:s10] =	ssyncset.done $0x0  }
0x8c: {  	[sflag:s10] =	ssyncadd.s32 $0xFFFFE000  }
0x8d: {  	[spmem:s2] =	stream.indirect.scatter.add.f32 [tilespmem:s9], [sflag:$0x2], $0x80, s23, s7, $0xb8;
	[tilespmem:$0xD400] =	vst v63  }
0x8e: {  	_ =	swait.ge [sflag:s6], $0x2000  }
0x8f: {  	[sflag:s6] =	ssyncset.done $0x0  }
0x90: {  	[sflag:s6] =	ssyncadd.s32 $0xFFFFE000  }
0x91: {  	_ =	swait.ge [sflag:s10], $0x2000  }
0x92: {  	[sflag:s10] =	ssyncset.done $0x0  }
0x93: {  	[sflag:s10] =	ssyncadd.s32 $0xFFFFE000  }
0x94: {  	[spmem:s2] =	stream.indirect.scatter.add.f32 [tilespmem:s8], [sflag:$0x2], $0x80, s20, s7, $0xb8;
	[tilespmem:$0xD400] =	vst v63  }
0x95: {  	_ =	swait.ge [sflag:s6], $0x2000  }
0x96: {  	[sflag:s6] =	ssyncset.done $0x0  }
0x97: {  	s1 =	simm.s32 $0x600;
	[sflag:s6] =	ssyncadd.s32 $0xFFFFE000  }
0x98: {  	[tilespmem:s12], [sflag:$0x1] =	stream.indirect.gather [hbm4b:s4+s7], $0x80, s1, s7, $0xb8;
	[tilespmem:$0xD400] =	vst v63  }
0x99: {  	_ = 	snop  }
0x9a: {  	[tilespmem:s11], [sflag:$0x1] =	stream.indirect.gather [hbm4b:s4+s7], $0x80, s18, s7, $0xb8;
	[tilespmem:$0xD400] =	vst v63  }
0x9b: {  	_ = 	snop  }
0x9c: {  	[tilespmem:s9], [sflag:$0x1] =	stream.indirect.gather [hbm4b:s4+s7], $0x80, s21, s7, $0xb8;
	[tilespmem:$0xD400] =	vst v63  }
0x9d: {  	_ = 	snop  }
0x9e: {  	[tilespmem:s8], [sflag:$0x1] =	stream.indirect.gather [hbm4b:s4+s7], $0x80, s22, s7, $0xb8;
	[tilespmem:$0xD400] =	vst v63  }
0x9f: {  	_ =	swait.ge [sflag:s10], $0x2000  }
0xa0: {  	[sflag:s10] =	ssyncset.done $0x0  }
0xa1: {  	[sflag:s10] =	ssyncadd.s32 $0xFFFFE000  }
0xa2: {  	[spmem:s2] =	stream.indirect.scatter.add.f32 [tilespmem:s12], [sflag:$0x2], $0x80, s19, s7, $0xb8;
	[tilespmem:$0xD400] =	vst v63  }
0xa3: {  	_ =	swait.ge [sflag:s6], $0x2000  }
0xa4: {  	[sflag:s6] =	ssyncset.done $0x0  }
0xa5: {  	[sflag:s6] =	ssyncadd.s32 $0xFFFFE000  }
0xa6: {  	_ =	swait.ge [sflag:s10], $0x2000  }
0xa7: {  	[sflag:s10] =	ssyncset.done $0x0  }
0xa8: {  	[sflag:s10] =	ssyncadd.s32 $0xFFFFE000  }
0xa9: {  	[spmem:s2] =	stream.indirect.scatter.add.f32 [tilespmem:s11], [sflag:$0x2], $0x80, s16, s7, $0xb8;
	[tilespmem:$0xD400] =	vst v63  }
0xaa: {  	_ =	swait.ge [sflag:s6], $0x2000  }
0xab: {  	[sflag:s6] =	ssyncset.done $0x0  }
0xac: {  	[sflag:s6] =	ssyncadd.s32 $0xFFFFE000  }
0xad: {  	_ =	swait.ge [sflag:s10], $0x2000  }
0xae: {  	[sflag:s10] =	ssyncset.done $0x0  }
0xaf: {  	[sflag:s10] =	ssyncadd.s32 $0xFFFFE000  }
0xb0: {  	[spmem:s2] =	stream.indirect.scatter.add.f32 [tilespmem:s9], [sflag:$0x2], $0x80, s15, s7, $0xb8;
	[tilespmem:$0xD400] =	vst v63  }
0xb1: {  	_ =	swait.ge [sflag:s6], $0x2000  }
0xb2: {  	[sflag:s6] =	ssyncset.done $0x0  }
0xb3: {  	[sflag:s6] =	ssyncadd.s32 $0xFFFFE000  }
0xb4: {  	_ =	swait.ge [sflag:s10], $0x2000  }
0xb5: {  	[sflag:s10] =	ssyncset.done $0x0  }
0xb6: {  	[sflag:s10] =	ssyncadd.s32 $0xFFFFE000  }
0xb7: {  	[spmem:s2] =	stream.indirect.scatter.add.f32 [tilespmem:s8], [sflag:$0x2], $0x80, s14, s7, $0xb8;
	[tilespmem:$0xD400] =	vst v63  }
0xb8: {  	_ =	swait.ge [sflag:s6], $0x2000  }
0xb9: {  	[sflag:s6] =	ssyncset.done $0x0  }
0xba: {  	p1 =	sne.s32 s13, $0x1;
	[sflag:s6] =	ssyncadd.s32 $0xFFFFE000  }
.Ltmp1:
0xbb: {  	[bflag:$0x0] =	sbarrier.arrive $0xFFFF;
	(pc) =	sbr.rel @!p1 .LBB2_3-.Ltmp1, $4  }
0xbc: {  	s1 =	rddreg [dreg:$0x6]  }
0xbd: {  	[hbm:s1], [sflag:s3] =	dma.local [spmem:s5], $0x880  }
0xbe: {  	p0 =	por $0x1, $0x1;
	_ =	swait.ge [sflag:s6], $0x880  }
0xbf: {  	s0 =	sadd.s32 $0xFFFFFFFF, s13;
	s1 =	rddreg [dreg:$0x3];
	[sflag:s6] =	ssyncset.done $0x0  }
.LBB2_4:
0xc0: {  	[sflag:s6] =	ssyncadd.s32 $0xFFFFF780  }
0xc1: {  	[spmem:s5], [sflag:s3] =	dma.local [hbm:s1], $0x880  }
0xc2: {  	_ =	swait.ge [sflag:s6], $0x880  }
0xc3: {  	[sflag:s6] =	ssyncset.done $0x0  }
0xc4: {  	s13 =	rddreg [dreg:$0x4];
	[sflag:s6] =	ssyncadd.s32 $0xFFFFF780  }
0xc5: {  	[tilespmem:s30], [sflag:$0x2] =	stream.linear.gather [hbm4b:s13+s30], $0x800, $0x38;
	[tilespmem:$0xD400] =	vst v63  }
0xc6: {  	_ =	swait.ge [sflag:s6], $0x800  }
0xc7: {  	[sflag:s6] =	ssyncset.done $0x0  }
0xc8: {  	s13 =	rddreg [dreg:$0x5];
	[sflag:s6] =	ssyncadd.s32 $0xFFFFF800  }
0xc9: {  	[tilespmem:s31], [sflag:$0x2] =	stream.linear.gather [hbm4b:s13+s30], $0x800, $0x38;
	[tilespmem:$0xD400] =	vst v63  }
0xca: {  	_ =	swait.ge [sflag:s6], $0x800  }
0xcb: {  	[sflag:s6] =	ssyncset.done $0x0  }
0xcc: {  	[sflag:s6] =	ssyncadd.s32 $0xFFFFF800  }
0xcd: {  	[bflag:$0x0] =	sbarrier.arrive $0xFFFF  }
0xce: {  	[tilespmem:s12], [sflag:$0x1] =	stream.indirect.gather [hbm4b:s4+s7], $0x80, s30, s7, $0xb8;
	[tilespmem:$0xD400] =	vst v63  }
0xcf: {  	s1 =	rddreg [dreg:$0x7]  }
0xd0: {  	[tilespmem:s11], [sflag:$0x1] =	stream.indirect.gather [hbm4b:s4+s7], $0x80, s1, s7, $0xb8;
	[tilespmem:$0xD400] =	vst v63  }
0xd1: {  	s13 =	rddreg [dreg:$0x8]  }
0xd2: {  	[tilespmem:s9], [sflag:$0x1] =	stream.indirect.gather [hbm4b:s4+s7], $0x80, s13, s7, $0xb8;
	[tilespmem:$0xD400] =	vst v63  }
0xd3: {  	s1 =	rddreg [dreg:$0x9]  }
0xd4: {  	[tilespmem:s8], [sflag:$0x1] =	stream.indirect.gather [hbm4b:s4+s7], $0x80, s1, s7, $0xb8;
	[tilespmem:$0xD400] =	vst v63  }
0xd5: {  	_ =	swait.ge [sflag:s10], $0x2000  }
0xd6: {  	[sflag:s10] =	ssyncset.done $0x0  }
0xd7: {  	[sflag:s10] =	ssyncadd.s32 $0xFFFFE000  }
0xd8: {  	[spmem:s2] =	stream.indirect.scatter.add.f32 [tilespmem:s12], [sflag:$0x2], $0x80, s31, s7, $0xb8;
	[tilespmem:$0xD400] =	vst v63  }
0xd9: {  	_ =	swait.ge [sflag:s6], $0x2000  }
0xda: {  	[sflag:s6] =	ssyncset.done $0x0  }
0xdb: {  	[sflag:s6] =	ssyncadd.s32 $0xFFFFE000  }
0xdc: {  	_ =	swait.ge [sflag:s10], $0x2000  }
0xdd: {  	[sflag:s10] =	ssyncset.done $0x0  }
0xde: {  	s13 =	rddreg [dreg:$0xa];
	[sflag:s10] =	ssyncadd.s32 $0xFFFFE000  }
0xdf: {  	[spmem:s2] =	stream.indirect.scatter.add.f32 [tilespmem:s11], [sflag:$0x2], $0x80, s13, s7, $0xb8;
	[tilespmem:$0xD400] =	vst v63  }
0xe0: {  	_ =	swait.ge [sflag:s6], $0x2000  }
0xe1: {  	[sflag:s6] =	ssyncset.done $0x0  }
0xe2: {  	[sflag:s6] =	ssyncadd.s32 $0xFFFFE000  }
0xe3: {  	_ =	swait.ge [sflag:s10], $0x2000  }
0xe4: {  	[sflag:s10] =	ssyncset.done $0x0  }
0xe5: {  	s13 =	rddreg [dreg:$0xb];
	[sflag:s10] =	ssyncadd.s32 $0xFFFFE000  }
0xe6: {  	[spmem:s2] =	stream.indirect.scatter.add.f32 [tilespmem:s9], [sflag:$0x2], $0x80, s13, s7, $0xb8;
	[tilespmem:$0xD400] =	vst v63  }
0xe7: {  	_ =	swait.ge [sflag:s6], $0x2000  }
0xe8: {  	[sflag:s6] =	ssyncset.done $0x0  }
0xe9: {  	[sflag:s6] =	ssyncadd.s32 $0xFFFFE000  }
0xea: {  	_ =	swait.ge [sflag:s10], $0x2000  }
0xeb: {  	[sflag:s10] =	ssyncset.done $0x0  }
0xec: {  	s13 =	rddreg [dreg:$0xc];
	[sflag:s10] =	ssyncadd.s32 $0xFFFFE000  }
0xed: {  	[spmem:s2] =	stream.indirect.scatter.add.f32 [tilespmem:s8], [sflag:$0x2], $0x80, s13, s7, $0xb8;
	[tilespmem:$0xD400] =	vst v63  }
0xee: {  	_ =	swait.ge [sflag:s6], $0x2000  }
0xef: {  	[sflag:s6] =	ssyncset.done $0x0  }
0xf0: {  	s1 =	rddreg [dreg:$0xd];
	[sflag:s6] =	ssyncadd.s32 $0xFFFFE000  }
0xf1: {  	[tilespmem:s12], [sflag:$0x1] =	stream.indirect.gather [hbm4b:s4+s7], $0x80, s1, s7, $0xb8;
	[tilespmem:$0xD400] =	vst v63  }
0xf2: {  	s13 =	rddreg [dreg:$0xe]  }
0xf3: {  	[tilespmem:s11], [sflag:$0x1] =	stream.indirect.gather [hbm4b:s4+s7], $0x80, s13, s7, $0xb8;
	[tilespmem:$0xD400] =	vst v63  }
0xf4: {  	s1 =	rddreg [dreg:$0xf]  }
0xf5: {  	[tilespmem:s9], [sflag:$0x1] =	stream.indirect.gather [hbm4b:s4+s7], $0x80, s1, s7, $0xb8;
	[tilespmem:$0xD400] =	vst v63  }
0xf6: {  	s13 =	rddreg [dreg:$0x10]  }
0xf7: {  	[tilespmem:s8], [sflag:$0x1] =	stream.indirect.gather [hbm4b:s4+s7], $0x80, s13, s7, $0xb8;
	[tilespmem:$0xD400] =	vst v63  }
0xf8: {  	_ =	swait.ge [sflag:s10], $0x2000  }
0xf9: {  	[sflag:s10] =	ssyncset.done $0x0  }
0xfa: {  	s13 =	rddreg [dreg:$0x11];
	[sflag:s10] =	ssyncadd.s32 $0xFFFFE000  }
0xfb: {  	[spmem:s2] =	stream.indirect.scatter.add.f32 [tilespmem:s12], [sflag:$0x2], $0x80, s13, s7, $0xb8;
	[tilespmem:$0xD400] =	vst v63  }
0xfc: {  	_ =	swait.ge [sflag:s6], $0x2000  }
0xfd: {  	[sflag:s6] =	ssyncset.done $0x0  }
0xfe: {  	[sflag:s6] =	ssyncadd.s32 $0xFFFFE000  }
0xff: {  	_ =	swait.ge [sflag:s10], $0x2000  }
0x100: {  	[sflag:s10] =	ssyncset.done $0x0  }
0x101: {  	s13 =	rddreg [dreg:$0x12];
	[sflag:s10] =	ssyncadd.s32 $0xFFFFE000  }
0x102: {  	[spmem:s2] =	stream.indirect.scatter.add.f32 [tilespmem:s11], [sflag:$0x2], $0x80, s13, s7, $0xb8;
	[tilespmem:$0xD400] =	vst v63  }
0x103: {  	_ =	swait.ge [sflag:s6], $0x2000  }
0x104: {  	[sflag:s6] =	ssyncset.done $0x0  }
0x105: {  	[sflag:s6] =	ssyncadd.s32 $0xFFFFE000  }
0x106: {  	_ =	swait.ge [sflag:s10], $0x2000  }
0x107: {  	[sflag:s10] =	ssyncset.done $0x0  }
0x108: {  	s13 =	rddreg [dreg:$0x13];
	[sflag:s10] =	ssyncadd.s32 $0xFFFFE000  }
0x109: {  	[spmem:s2] =	stream.indirect.scatter.add.f32 [tilespmem:s9], [sflag:$0x2], $0x80, s13, s7, $0xb8;
	[tilespmem:$0xD400] =	vst v63  }
0x10a: {  	_ =	swait.ge [sflag:s6], $0x2000  }
0x10b: {  	[sflag:s6] =	ssyncset.done $0x0  }
0x10c: {  	[sflag:s6] =	ssyncadd.s32 $0xFFFFE000  }
0x10d: {  	_ =	swait.ge [sflag:s10], $0x2000  }
0x10e: {  	[sflag:s10] =	ssyncset.done $0x0  }
0x10f: {  	s13 =	rddreg [dreg:$0x14];
	[sflag:s10] =	ssyncadd.s32 $0xFFFFE000  }
0x110: {  	[spmem:s2] =	stream.indirect.scatter.add.f32 [tilespmem:s8], [sflag:$0x2], $0x80, s13, s7, $0xb8;
	[tilespmem:$0xD400] =	vst v63  }
0x111: {  	_ =	swait.ge [sflag:s6], $0x2000  }
0x112: {  	[sflag:s6] =	ssyncset.done $0x0  }
0x113: {  	[sflag:s6] =	ssyncadd.s32 $0xFFFFE000  }
0x114: {  	[tilespmem:s12], [sflag:$0x1] =	stream.indirect.gather [hbm4b:s4+s7], $0x80, s26, s7, $0xb8;
	[tilespmem:$0xD400] =	vst v63  }
0x115: {  	_ = 	snop  }
0x116: {  	[tilespmem:s11], [sflag:$0x1] =	stream.indirect.gather [hbm4b:s4+s7], $0x80, s28, s7, $0xb8;
	[tilespmem:$0xD400] =	vst v63  }
0x117: {  	_ = 	snop  }
0x118: {  	[tilespmem:s9], [sflag:$0x1] =	stream.indirect.gather [hbm4b:s4+s7], $0x80, s29, s7, $0xb8;
	[tilespmem:$0xD400] =	vst v63  }
0x119: {  	_ = 	snop  }
0x11a: {  	[tilespmem:s8], [sflag:$0x1] =	stream.indirect.gather [hbm4b:s4+s7], $0x80, s17, s7, $0xb8;
	[tilespmem:$0xD400] =	vst v63  }
0x11b: {  	_ =	swait.ge [sflag:s10], $0x2000  }
0x11c: {  	[sflag:s10] =	ssyncset.done $0x0  }
0x11d: {  	[sflag:s10] =	ssyncadd.s32 $0xFFFFE000  }
0x11e: {  	[spmem:s2] =	stream.indirect.scatter.add.f32 [tilespmem:s12], [sflag:$0x2], $0x80, s25, s7, $0xb8;
	[tilespmem:$0xD400] =	vst v63  }
0x11f: {  	_ =	swait.ge [sflag:s6], $0x2000  }
0x120: {  	[sflag:s6] =	ssyncset.done $0x0  }
0x121: {  	[sflag:s6] =	ssyncadd.s32 $0xFFFFE000  }
0x122: {  	_ =	swait.ge [sflag:s10], $0x2000  }
0x123: {  	[sflag:s10] =	ssyncset.done $0x0  }
0x124: {  	[sflag:s10] =	ssyncadd.s32 $0xFFFFE000  }
0x125: {  	[spmem:s2] =	stream.indirect.scatter.add.f32 [tilespmem:s11], [sflag:$0x2], $0x80, s24, s7, $0xb8;
	[tilespmem:$0xD400] =	vst v63  }
0x126: {  	_ =	swait.ge [sflag:s6], $0x2000  }
0x127: {  	[sflag:s6] =	ssyncset.done $0x0  }
0x128: {  	[sflag:s6] =	ssyncadd.s32 $0xFFFFE000  }
0x129: {  	_ =	swait.ge [sflag:s10], $0x2000  }
0x12a: {  	[sflag:s10] =	ssyncset.done $0x0  }
0x12b: {  	[sflag:s10] =	ssyncadd.s32 $0xFFFFE000  }
0x12c: {  	[spmem:s2] =	stream.indirect.scatter.add.f32 [tilespmem:s9], [sflag:$0x2], $0x80, s23, s7, $0xb8;
	[tilespmem:$0xD400] =	vst v63  }
0x12d: {  	_ =	swait.ge [sflag:s6], $0x2000  }
0x12e: {  	[sflag:s6] =	ssyncset.done $0x0  }
0x12f: {  	[sflag:s6] =	ssyncadd.s32 $0xFFFFE000  }
0x130: {  	_ =	swait.ge [sflag:s10], $0x2000  }
0x131: {  	[sflag:s10] =	ssyncset.done $0x0  }
0x132: {  	[sflag:s10] =	ssyncadd.s32 $0xFFFFE000  }
0x133: {  	[spmem:s2] =	stream.indirect.scatter.add.f32 [tilespmem:s8], [sflag:$0x2], $0x80, s20, s7, $0xb8;
	[tilespmem:$0xD400] =	vst v63  }
0x134: {  	_ =	swait.ge [sflag:s6], $0x2000  }
0x135: {  	[sflag:s6] =	ssyncset.done $0x0  }
0x136: {  	s13 =	simm.s32 $0x600;
	[sflag:s6] =	ssyncadd.s32 $0xFFFFE000  }
0x137: {  	[tilespmem:s12], [sflag:$0x1] =	stream.indirect.gather [hbm4b:s4+s7], $0x80, s13, s7, $0xb8;
	[tilespmem:$0xD400] =	vst v63  }
0x138: {  	_ = 	snop  }
0x139: {  	[tilespmem:s11], [sflag:$0x1] =	stream.indirect.gather [hbm4b:s4+s7], $0x80, s18, s7, $0xb8;
	[tilespmem:$0xD400] =	vst v63  }
0x13a: {  	_ = 	snop  }
0x13b: {  	[tilespmem:s9], [sflag:$0x1] =	stream.indirect.gather [hbm4b:s4+s7], $0x80, s21, s7, $0xb8;
	[tilespmem:$0xD400] =	vst v63  }
0x13c: {  	_ = 	snop  }
0x13d: {  	[tilespmem:s8], [sflag:$0x1] =	stream.indirect.gather [hbm4b:s4+s7], $0x80, s22, s7, $0xb8;
	[tilespmem:$0xD400] =	vst v63  }
0x13e: {  	_ =	swait.ge [sflag:s10], $0x2000  }
0x13f: {  	[sflag:s10] =	ssyncset.done $0x0  }
0x140: {  	[sflag:s10] =	ssyncadd.s32 $0xFFFFE000  }
0x141: {  	[spmem:s2] =	stream.indirect.scatter.add.f32 [tilespmem:s12], [sflag:$0x2], $0x80, s19, s7, $0xb8;
	[tilespmem:$0xD400] =	vst v63  }
0x142: {  	_ =	swait.ge [sflag:s6], $0x2000  }
0x143: {  	[sflag:s6] =	ssyncset.done $0x0  }
0x144: {  	[sflag:s6] =	ssyncadd.s32 $0xFFFFE000  }
0x145: {  	_ =	swait.ge [sflag:s10], $0x2000  }
0x146: {  	[sflag:s10] =	ssyncset.done $0x0  }
0x147: {  	[sflag:s10] =	ssyncadd.s32 $0xFFFFE000  }
0x148: {  	[spmem:s2] =	stream.indirect.scatter.add.f32 [tilespmem:s11], [sflag:$0x2], $0x80, s16, s7, $0xb8;
	[tilespmem:$0xD400] =	vst v63  }
0x149: {  	_ =	swait.ge [sflag:s6], $0x2000  }
0x14a: {  	[sflag:s6] =	ssyncset.done $0x0  }
0x14b: {  	[sflag:s6] =	ssyncadd.s32 $0xFFFFE000  }
0x14c: {  	_ =	swait.ge [sflag:s10], $0x2000  }
0x14d: {  	[sflag:s10] =	ssyncset.done $0x0  }
0x14e: {  	[sflag:s10] =	ssyncadd.s32 $0xFFFFE000  }
0x14f: {  	[spmem:s2] =	stream.indirect.scatter.add.f32 [tilespmem:s9], [sflag:$0x2], $0x80, s15, s7, $0xb8;
	[tilespmem:$0xD400] =	vst v63  }
0x150: {  	_ =	swait.ge [sflag:s6], $0x2000  }
0x151: {  	[sflag:s6] =	ssyncset.done $0x0  }
0x152: {  	[sflag:s6] =	ssyncadd.s32 $0xFFFFE000  }
0x153: {  	_ =	swait.ge [sflag:s10], $0x2000  }
0x154: {  	[sflag:s10] =	ssyncset.done $0x0  }
0x155: {  	[sflag:s10] =	ssyncadd.s32 $0xFFFFE000  }
0x156: {  	[spmem:s2] =	stream.indirect.scatter.add.f32 [tilespmem:s8], [sflag:$0x2], $0x80, s14, s7, $0xb8;
	[tilespmem:$0xD400] =	vst v63  }
0x157: {  	_ =	swait.ge [sflag:s6], $0x2000  }
0x158: {  	[sflag:s6] =	ssyncset.done $0x0  }
0x159: {  	p1 =	sne.s32 s0, $0x1;
	[sflag:s6] =	ssyncadd.s32 $0xFFFFE000  }
.Ltmp2:
0x15a: {  	[bflag:$0x0] =	sbarrier.arrive $0xFFFF;
	(pc) =	sbr.rel @p1 .LBB2_4-.Ltmp2, $4  }
0x15b: {  	s13 =	rddreg [dreg:$0x6]  }
0x15c: {  	[hbm:s13], [sflag:s3] =	dma.local [spmem:s5], $0x880  }
0x15d: {  	_ =	swait.ge [sflag:s6], $0x880  }
0x15e: {  	s0 =	sadd.s32 $0xFFFFFFFF, s0;
	s1 =	rddreg [dreg:$0x3];
	[sflag:s6] =	ssyncset.done $0x0  }
0x15f: {  	s14 =	simm.s32 $0x580  }
0x160: {  	s29 =	simm.s32 $0x500;
	s28 =	simm.s32 $0x480;
	s26 =	simm.s32 $0x400  }
0x161: {  	s25 =	simm.s32 $0xC00;
	s24 =	simm.s32 $0xC80;
	s23 =	simm.s32 $0xD00  }
0x162: {  	s22 =	simm.s32 $0x780;
	s21 =	simm.s32 $0x700;
	s20 =	simm.s32 $0xD80  }
0x163: {  	s19 =	simm.s32 $0xE00;
	s18 =	simm.s32 $0x680;
	s17 =	simm.s32 $0x600  }
0x164: {  	s16 =	simm.s32 $0xE80;
	s15 =	simm.s32 $0xF00;
	s13 =	rddreg [dreg:$0x2]  }
.LBB2_6:
0x165: {  	[sflag:s6] =	ssyncadd.s32 @p0 $0xFFFFF780  }
0x166: {  	[spmem:s5], [sflag:s3] =	dma.local [hbm:s1], $0x880  }
0x167: {  	_ =	swait.ge [sflag:s6], $0x880  }
0x168: {  	[sflag:s6] =	ssyncset.done $0x0  }
0x169: {  	s0 =	rddreg [dreg:$0x4];
	[sflag:s6] =	ssyncadd.s32 $0xFFFFF780  }
0x16a: {  	[tilespmem:s30], [sflag:$0x2] =	stream.linear.gather [hbm4b:s0+s30], $0x800, $0x38;
	[tilespmem:$0xD400] =	vst v63  }
0x16b: {  	_ =	swait.ge [sflag:s6], $0x800  }
0x16c: {  	[sflag:s6] =	ssyncset.done $0x0  }
0x16d: {  	s1 =	rddreg [dreg:$0x5];
	[sflag:s6] =	ssyncadd.s32 $0xFFFFF800  }
0x16e: {  	[tilespmem:s31], [sflag:$0x2] =	stream.linear.gather [hbm4b:s1+s30], $0x800, $0x38;
	[tilespmem:$0xD400] =	vst v63  }
0x16f: {  	_ =	swait.ge [sflag:s6], $0x800  }
0x170: {  	[sflag:s6] =	ssyncset.done $0x0  }
0x171: {  	[sflag:s6] =	ssyncadd.s32 $0xFFFFF800  }
0x172: {  	[bflag:$0x0] =	sbarrier.arrive $0xFFFF  }
0x173: {  	[tilespmem:s12], [sflag:$0x1] =	stream.indirect.gather [hbm4b:s4+s7], $0x80, s30, s7, $0xb8;
	[tilespmem:$0xD400] =	vst v63  }
0x174: {  	s0 =	rddreg [dreg:$0x7]  }
0x175: {  	[tilespmem:s11], [sflag:$0x1] =	stream.indirect.gather [hbm4b:s4+s7], $0x80, s0, s7, $0xb8;
	[tilespmem:$0xD400] =	vst v63  }
0x176: {  	s1 =	rddreg [dreg:$0x8]  }
0x177: {  	[tilespmem:s9], [sflag:$0x1] =	stream.indirect.gather [hbm4b:s4+s7], $0x80, s1, s7, $0xb8;
	[tilespmem:$0xD400] =	vst v63  }
0x178: {  	s30 =	rddreg [dreg:$0x9]  }
0x179: {  	[tilespmem:s8], [sflag:$0x1] =	stream.indirect.gather [hbm4b:s4+s7], $0x80, s30, s7, $0xb8;
	[tilespmem:$0xD400] =	vst v63  }
0x17a: {  	_ =	swait.ge [sflag:s10], $0x2000  }
0x17b: {  	[sflag:s10] =	ssyncset.done $0x0  }
0x17c: {  	[sflag:s10] =	ssyncadd.s32 $0xFFFFE000  }
0x17d: {  	[spmem:s2] =	stream.indirect.scatter.add.f32 [tilespmem:s12], [sflag:$0x2], $0x80, s31, s7, $0xb8;
	[tilespmem:$0xD400] =	vst v63  }
0x17e: {  	_ =	swait.ge [sflag:s6], $0x2000  }
0x17f: {  	[sflag:s6] =	ssyncset.done $0x0  }
0x180: {  	[sflag:s6] =	ssyncadd.s32 $0xFFFFE000  }
0x181: {  	_ =	swait.ge [sflag:s10], $0x2000  }
0x182: {  	[sflag:s10] =	ssyncset.done $0x0  }
0x183: {  	s30 =	rddreg [dreg:$0xa];
	[sflag:s10] =	ssyncadd.s32 $0xFFFFE000  }
0x184: {  	[spmem:s2] =	stream.indirect.scatter.add.f32 [tilespmem:s11], [sflag:$0x2], $0x80, s30, s7, $0xb8;
	[tilespmem:$0xD400] =	vst v63  }
0x185: {  	_ =	swait.ge [sflag:s6], $0x2000  }
0x186: {  	[sflag:s6] =	ssyncset.done $0x0  }
0x187: {  	[sflag:s6] =	ssyncadd.s32 $0xFFFFE000  }
0x188: {  	_ =	swait.ge [sflag:s10], $0x2000  }
0x189: {  	[sflag:s10] =	ssyncset.done $0x0  }
0x18a: {  	s31 =	rddreg [dreg:$0xb];
	[sflag:s10] =	ssyncadd.s32 $0xFFFFE000  }
0x18b: {  	[spmem:s2] =	stream.indirect.scatter.add.f32 [tilespmem:s9], [sflag:$0x2], $0x80, s31, s7, $0xb8;
	[tilespmem:$0xD400] =	vst v63  }
0x18c: {  	_ =	swait.ge [sflag:s6], $0x2000  }
0x18d: {  	[sflag:s6] =	ssyncset.done $0x0  }
0x18e: {  	[sflag:s6] =	ssyncadd.s32 $0xFFFFE000  }
0x18f: {  	_ =	swait.ge [sflag:s10], $0x2000  }
0x190: {  	[sflag:s10] =	ssyncset.done $0x0  }
0x191: {  	s1 =	rddreg [dreg:$0xc];
	[sflag:s10] =	ssyncadd.s32 $0xFFFFE000  }
0x192: {  	[spmem:s2] =	stream.indirect.scatter.add.f32 [tilespmem:s8], [sflag:$0x2], $0x80, s1, s7, $0xb8;
	[tilespmem:$0xD400] =	vst v63  }
0x193: {  	_ =	swait.ge [sflag:s6], $0x2000  }
0x194: {  	[sflag:s6] =	ssyncset.done $0x0  }
0x195: {  	s30 =	rddreg [dreg:$0xd];
	[sflag:s6] =	ssyncadd.s32 $0xFFFFE000  }
0x196: {  	[tilespmem:s12], [sflag:$0x1] =	stream.indirect.gather [hbm4b:s4+s7], $0x80, s30, s7, $0xb8;
	[tilespmem:$0xD400] =	vst v63  }
0x197: {  	s31 =	rddreg [dreg:$0xe]  }
0x198: {  	[tilespmem:s11], [sflag:$0x1] =	stream.indirect.gather [hbm4b:s4+s7], $0x80, s31, s7, $0xb8;
	[tilespmem:$0xD400] =	vst v63  }
0x199: {  	s30 =	rddreg [dreg:$0xf]  }
0x19a: {  	[tilespmem:s9], [sflag:$0x1] =	stream.indirect.gather [hbm4b:s4+s7], $0x80, s30, s7, $0xb8;
	[tilespmem:$0xD400] =	vst v63  }
0x19b: {  	s31 =	rddreg [dreg:$0x10]  }
0x19c: {  	[tilespmem:s8], [sflag:$0x1] =	stream.indirect.gather [hbm4b:s4+s7], $0x80, s31, s7, $0xb8;
	[tilespmem:$0xD400] =	vst v63  }
0x19d: {  	_ =	swait.ge [sflag:s10], $0x2000  }
0x19e: {  	[sflag:s10] =	ssyncset.done $0x0  }
0x19f: {  	s1 =	rddreg [dreg:$0x11];
	[sflag:s10] =	ssyncadd.s32 $0xFFFFE000  }
0x1a0: {  	[spmem:s2] =	stream.indirect.scatter.add.f32 [tilespmem:s12], [sflag:$0x2], $0x80, s1, s7, $0xb8;
	[tilespmem:$0xD400] =	vst v63  }
0x1a1: {  	_ =	swait.ge [sflag:s6], $0x2000  }
0x1a2: {  	[sflag:s6] =	ssyncset.done $0x0  }
0x1a3: {  	[sflag:s6] =	ssyncadd.s32 $0xFFFFE000  }
0x1a4: {  	_ =	swait.ge [sflag:s10], $0x2000  }
0x1a5: {  	[sflag:s10] =	ssyncset.done $0x0  }
0x1a6: {  	s30 =	rddreg [dreg:$0x12];
	[sflag:s10] =	ssyncadd.s32 $0xFFFFE000  }
0x1a7: {  	[spmem:s2] =	stream.indirect.scatter.add.f32 [tilespmem:s11], [sflag:$0x2], $0x80, s30, s7, $0xb8;
	[tilespmem:$0xD400] =	vst v63  }
0x1a8: {  	_ =	swait.ge [sflag:s6], $0x2000  }
0x1a9: {  	[sflag:s6] =	ssyncset.done $0x0  }
0x1aa: {  	[sflag:s6] =	ssyncadd.s32 $0xFFFFE000  }
0x1ab: {  	_ =	swait.ge [sflag:s10], $0x2000  }
0x1ac: {  	[sflag:s10] =	ssyncset.done $0x0  }
0x1ad: {  	s31 =	rddreg [dreg:$0x13];
	[sflag:s10] =	ssyncadd.s32 $0xFFFFE000  }
0x1ae: {  	[spmem:s2] =	stream.indirect.scatter.add.f32 [tilespmem:s9], [sflag:$0x2], $0x80, s31, s7, $0xb8;
	[tilespmem:$0xD400] =	vst v63  }
0x1af: {  	_ =	swait.ge [sflag:s6], $0x2000  }
0x1b0: {  	[sflag:s6] =	ssyncset.done $0x0  }
0x1b1: {  	[sflag:s6] =	ssyncadd.s32 $0xFFFFE000  }
0x1b2: {  	_ =	swait.ge [sflag:s10], $0x2000  }
0x1b3: {  	[sflag:s10] =	ssyncset.done $0x0  }
0x1b4: {  	s1 =	rddreg [dreg:$0x14];
	[sflag:s10] =	ssyncadd.s32 $0xFFFFE000  }
0x1b5: {  	[spmem:s2] =	stream.indirect.scatter.add.f32 [tilespmem:s8], [sflag:$0x2], $0x80, s1, s7, $0xb8;
	[tilespmem:$0xD400] =	vst v63  }
0x1b6: {  	_ =	swait.ge [sflag:s6], $0x2000  }
0x1b7: {  	[sflag:s6] =	ssyncset.done $0x0  }
0x1b8: {  	[sflag:s6] =	ssyncadd.s32 $0xFFFFE000  }
0x1b9: {  	[tilespmem:s12], [sflag:$0x1] =	stream.indirect.gather [hbm4b:s4+s7], $0x80, s26, s7, $0xb8;
	[tilespmem:$0xD400] =	vst v63  }
0x1ba: {  	_ = 	snop  }
0x1bb: {  	[tilespmem:s11], [sflag:$0x1] =	stream.indirect.gather [hbm4b:s4+s7], $0x80, s28, s7, $0xb8;
	[tilespmem:$0xD400] =	vst v63  }
0x1bc: {  	_ = 	snop  }
0x1bd: {  	[tilespmem:s9], [sflag:$0x1] =	stream.indirect.gather [hbm4b:s4+s7], $0x80, s29, s7, $0xb8;
	[tilespmem:$0xD400] =	vst v63  }
0x1be: {  	_ = 	snop  }
0x1bf: {  	[tilespmem:s8], [sflag:$0x1] =	stream.indirect.gather [hbm4b:s4+s7], $0x80, s14, s7, $0xb8;
	[tilespmem:$0xD400] =	vst v63  }
0x1c0: {  	_ =	swait.ge [sflag:s10], $0x2000  }
0x1c1: {  	[sflag:s10] =	ssyncset.done $0x0  }
0x1c2: {  	[sflag:s10] =	ssyncadd.s32 $0xFFFFE000  }
0x1c3: {  	[spmem:s2] =	stream.indirect.scatter.add.f32 [tilespmem:s12], [sflag:$0x2], $0x80, s25, s7, $0xb8;
	[tilespmem:$0xD400] =	vst v63  }
0x1c4: {  	_ =	swait.ge [sflag:s6], $0x2000  }
0x1c5: {  	[sflag:s6] =	ssyncset.done $0x0  }
0x1c6: {  	[sflag:s6] =	ssyncadd.s32 $0xFFFFE000  }
0x1c7: {  	_ =	swait.ge [sflag:s10], $0x2000  }
0x1c8: {  	[sflag:s10] =	ssyncset.done $0x0  }
0x1c9: {  	[sflag:s10] =	ssyncadd.s32 $0xFFFFE000  }
0x1ca: {  	[spmem:s2] =	stream.indirect.scatter.add.f32 [tilespmem:s11], [sflag:$0x2], $0x80, s24, s7, $0xb8;
	[tilespmem:$0xD400] =	vst v63  }
0x1cb: {  	_ =	swait.ge [sflag:s6], $0x2000  }
0x1cc: {  	[sflag:s6] =	ssyncset.done $0x0  }
0x1cd: {  	[sflag:s6] =	ssyncadd.s32 $0xFFFFE000  }
0x1ce: {  	_ =	swait.ge [sflag:s10], $0x2000  }
0x1cf: {  	[sflag:s10] =	ssyncset.done $0x0  }
0x1d0: {  	[sflag:s10] =	ssyncadd.s32 $0xFFFFE000  }
0x1d1: {  	[spmem:s2] =	stream.indirect.scatter.add.f32 [tilespmem:s9], [sflag:$0x2], $0x80, s23, s7, $0xb8;
	[tilespmem:$0xD400] =	vst v63  }
0x1d2: {  	_ =	swait.ge [sflag:s6], $0x2000  }
0x1d3: {  	[sflag:s6] =	ssyncset.done $0x0  }
0x1d4: {  	[sflag:s6] =	ssyncadd.s32 $0xFFFFE000  }
0x1d5: {  	_ =	swait.ge [sflag:s10], $0x2000  }
0x1d6: {  	[sflag:s10] =	ssyncset.done $0x0  }
0x1d7: {  	[sflag:s10] =	ssyncadd.s32 $0xFFFFE000  }
0x1d8: {  	[spmem:s2] =	stream.indirect.scatter.add.f32 [tilespmem:s8], [sflag:$0x2], $0x80, s20, s7, $0xb8;
	[tilespmem:$0xD400] =	vst v63  }
0x1d9: {  	_ =	swait.ge [sflag:s6], $0x2000  }
0x1da: {  	[sflag:s6] =	ssyncset.done $0x0  }
0x1db: {  	[sflag:s6] =	ssyncadd.s32 $0xFFFFE000  }
0x1dc: {  	[tilespmem:s12], [sflag:$0x1] =	stream.indirect.gather [hbm4b:s4+s7], $0x80, s17, s7, $0xb8;
	[tilespmem:$0xD400] =	vst v63  }
0x1dd: {  	_ = 	snop  }
0x1de: {  	[tilespmem:s11], [sflag:$0x1] =	stream.indirect.gather [hbm4b:s4+s7], $0x80, s18, s7, $0xb8;
	[tilespmem:$0xD400] =	vst v63  }
0x1df: {  	_ = 	snop  }
0x1e0: {  	[tilespmem:s9], [sflag:$0x1] =	stream.indirect.gather [hbm4b:s4+s7], $0x80, s21, s7, $0xb8;
	[tilespmem:$0xD400] =	vst v63  }
0x1e1: {  	_ = 	snop  }
0x1e2: {  	[tilespmem:s8], [sflag:$0x1] =	stream.indirect.gather [hbm4b:s4+s7], $0x80, s22, s7, $0xb8;
	[tilespmem:$0xD400] =	vst v63  }
0x1e3: {  	_ =	swait.ge [sflag:s10], $0x2000  }
0x1e4: {  	[sflag:s10] =	ssyncset.done $0x0  }
0x1e5: {  	[sflag:s10] =	ssyncadd.s32 $0xFFFFE000  }
0x1e6: {  	[spmem:s2] =	stream.indirect.scatter.add.f32 [tilespmem:s12], [sflag:$0x2], $0x80, s19, s7, $0xb8;
	[tilespmem:$0xD400] =	vst v63  }
0x1e7: {  	_ =	swait.ge [sflag:s6], $0x2000  }
0x1e8: {  	[sflag:s6] =	ssyncset.done $0x0  }
0x1e9: {  	[sflag:s6] =	ssyncadd.s32 $0xFFFFE000  }
0x1ea: {  	_ =	swait.ge [sflag:s10], $0x2000  }
0x1eb: {  	[sflag:s10] =	ssyncset.done $0x0  }
0x1ec: {  	[sflag:s10] =	ssyncadd.s32 $0xFFFFE000  }
0x1ed: {  	[spmem:s2] =	stream.indirect.scatter.add.f32 [tilespmem:s11], [sflag:$0x2], $0x80, s16, s7, $0xb8;
	[tilespmem:$0xD400] =	vst v63  }
0x1ee: {  	_ =	swait.ge [sflag:s6], $0x2000  }
0x1ef: {  	[sflag:s6] =	ssyncset.done $0x0  }
0x1f0: {  	[sflag:s6] =	ssyncadd.s32 $0xFFFFE000  }
0x1f1: {  	_ =	swait.ge [sflag:s10], $0x2000  }
0x1f2: {  	[sflag:s10] =	ssyncset.done $0x0  }
0x1f3: {  	[sflag:s10] =	ssyncadd.s32 $0xFFFFE000  }
0x1f4: {  	[spmem:s2] =	stream.indirect.scatter.add.f32 [tilespmem:s9], [sflag:$0x2], $0x80, s15, s7, $0xb8;
	[tilespmem:$0xD400] =	vst v63  }
0x1f5: {  	_ =	swait.ge [sflag:s6], $0x2000  }
0x1f6: {  	[sflag:s6] =	ssyncset.done $0x0  }
0x1f7: {  	[sflag:s6] =	ssyncadd.s32 $0xFFFFE000  }
0x1f8: {  	_ =	swait.ge [sflag:s10], $0x2000  }
0x1f9: {  	[sflag:s10] =	ssyncset.done $0x0  }
0x1fa: {  	s29 =	simm.s32 $0xF80;
	[sflag:s10] =	ssyncadd.s32 $0xFFFFE000  }
0x1fb: {  	[spmem:s2] =	stream.indirect.scatter.add.f32 [tilespmem:s8], [sflag:$0x2], $0x80, s29, s7, $0xb8;
	[tilespmem:$0xD400] =	vst v63  }
0x1fc: {  	_ =	swait.ge [sflag:s6], $0x2000  }
0x1fd: {  	[sflag:s6] =	ssyncset.done $0x0  }
0x1fe: {  	[sflag:s6] =	ssyncadd.s32 $0xFFFFE000  }
0x1ff: {  	[bflag:$0x0] =	sbarrier.arrive $0xFFFF  }
0x200: {  	s30 =	rddreg [dreg:$0x6]  }
0x201: {  	[hbm:s30], [sflag:s3] =	dma.local [spmem:s5], $0x880  }
0x202: {  	_ =	swait.ge [sflag:s6], $0x880  }
0x203: {  	[sflag:s6] =	ssyncset.done $0x0  }
0x204: {  	[sflag:s6] =	ssyncadd.s32 $0xFFFFF780  }
0x205: {  	_ =	sfence.sel $0x180000  }
0x206: {  	s31 =	stileid.u32;
	[bflag:$0x0] =	sbarrier.arrive $0xFFFF  }
0x207: {  	p0 =	sne.s32 s31, $0x0;
	_ =	strace $0x9000004A  }
0x208: {  	s0 =	sadd.s32 @!p0 $0x100000, s13;
	[bflag:$0x2] =	sbarrier.arrive $0xFFFF  }
0x209: {  	[sflag:s0] =	ssyncadd.tile.s32 @!p0 $0x1;
	_ =	shalt  }
.LBB2_1:
0x20a: {  	s14 =	simm.s32 $0x580  }
.Ltmp3:
0x20b: {  	s29 =	simm.s32 $0x500;
	s28 =	simm.s32 $0x480;
	(pc) =	sbr.rel .LBB2_6-.Ltmp3, $4  }
0x20c: {  	s26 =	simm.s32 $0x400;
	s25 =	simm.s32 $0xC00;
	s24 =	simm.s32 $0xC80  }
0x20d: {  	s23 =	simm.s32 $0xD00;
	s22 =	simm.s32 $0x780;
	s21 =	simm.s32 $0x700  }
0x20e: {  	s20 =	simm.s32 $0xD80;
	s19 =	simm.s32 $0xE00;
	s18 =	simm.s32 $0x680  }
0x20f: {  	s17 =	simm.s32 $0x600;
	s16 =	simm.s32 $0xE80;
	s15 =	simm.s32 $0xF00  }
.LBB2_3:
0x210: {  	s14 =	simm.s32 $0x580;
	s29 =	simm.s32 $0x500  }
.Ltmp4:
0x211: {  	s28 =	simm.s32 $0x480;
	s26 =	simm.s32 $0x400;
	(pc) =	sbr.rel .LBB2_6-.Ltmp4, $4  }
0x212: {  	s25 =	simm.s32 $0xC00;
	s24 =	simm.s32 $0xC80;
	s23 =	simm.s32 $0xD00  }
0x213: {  	s22 =	simm.s32 $0x780;
	s21 =	simm.s32 $0x700;
	s20 =	simm.s32 $0xD80  }
0x214: {  	s19 =	simm.s32 $0xE00;
	s18 =	simm.s32 $0x680;
	s17 =	simm.s32 $0x600  }
0x215: {  	s16 =	simm.s32 $0xE80;
	s15 =	simm.s32 $0xF00;
	s13 =	rddreg [dreg:$0x2]  }
.Lfunc_end2:
_tile_overlayer_lowered:
.L_overlay_start_2:
0x216: {  	(tag) =	ssettag $0x2  }
0x217: {  	s0 =	rddreg [dreg:$0x0];
	s2 =	stileid.u32  }
0x218: {  	s1 =	rddreg [dreg:$0x1];
	p0 =	sne.s32 s2, $0x0  }
0x219: {  	s3 =	rddreg [dreg:$0x2];
	[bflag:$0x3] =	sbarrier.arrive $0xFFFF;
	s2 =	simm.s32 @!p0 $0x1C02  }
0x21a: {  	[timem:s3], [sflag:s2] =	dma.local @!p0 [hbm:s0], s1  }
0x21b: {  	s0 =	simm.s32 @!p0 $0x2  }
0x21c: {  	_ =	swait.ge @!p0 [sflag:s0], s1  }
0x21d: {  	s1 =	ssub.s32 @!p0 $0x0, s1;
	[sflag:s0] =	ssyncset.done @!p0 $0x0  }
0x21e: {  	[sflag:s0] =	ssyncadd.s32 @!p0 s1  }
0x21f: {  	[bflag:$0x3] =	sbarrier.arrive $0xFFFF  }
0x220: {  	_ =	shalt  }

// kernel: kernel.19.cloned.1.call-start
scs
__scs_entry_jumppad:
0x0: {  	(pc) =	sbr.rel $0x88, $3  }
0x1: {  	(tag) =	ssettag $0x0;
	lr =	simm.s32 $0x1  }
0x2: {  	[smem:$0x3F8C] =	sst lr;
	_ =	strace $0xD0000000  }
0x3: {  	_ = 	snop  }
0x4: {  	_ = 	snop  }
0x5: {  	_ = 	snop  }
0x6: {  	_ = 	snop  }
0x7: {  	_ = 	snop  }
__scs_overlays_trampoline_lowered:
0x8: {  	[smem:$0x3F9B] =	sst s0  }
0x9: {  	[smem:$0x3F9C] =	sst s1  }
0xa: {  	[smem:$0x3F9D] =	sst s2  }
0xb: {  	[smem:$0x3F9E] =	sst s3  }
0xc: {  	[smem:$0x3F9F] =	sst s4  }
0xd: {  	[smem:$0x3FA0] =	sst s5  }
0xe: {  	[smem:$0x3FA1] =	sst s6  }
0xf: {  	[smem:$0x3FA2] =	sst s7  }
0x10: {  	[smem:$0x3FA3] =	sst s8  }
0x11: {  	[smem:$0x3FA4] =	sst s9;
	s0 =	simm.s32 @!p0 $0x0  }
0x12: {  	s1 =	sld [smem:$0x3F8A];
	s0 =	simm.s32 @p0 $0x1  }
0x13: {  	[smem:$0x3FA5] =	sst s0;
	s0 =	simm.s32 @!p1 $0x0  }
0x14: {  	s2 =	sld [smem:$0x3F89];
	s0 =	simm.s32 @p1 $0x1  }
0x15: {  	[smem:$0x3FA6] =	sst s0;
	s0 =	simm.s32 @!p2 $0x0  }
0x16: {  	s3 =	sld [smem:$0x3FDB];
	s0 =	simm.s32 @p2 $0x1  }
0x17: {  	s4 =	simm.s32 $0x1BF5;
	[smem:$0x3FA8] =	sst s0  }
0x18: {  	s0 =	sld [smem:$0x3F8B];
	_ =	swait.ge [sflag:s4], $0x0  }
0x19: {  	s7 =	sld [smem:$0x3F8C]  }
0x1a: {  	s8 =	sadd.s32 $0xFFFFE003, lr  }
0x1b: {  	s9 =	sadd.s32 $0xFFFFFEF7, lr;
	s5 =	simm.s32 $0xFFFFFFFF;
	p2 =	slt.u32 s8, $0xFFFFF086  }
0x1c: {  	p1 =	slt.u32 s9, $0xF7A;
	s5 =	simm.s32 @!p2 $0x0  }
0x1d: {  	s5 =	simm.s32 @p1 $0x1;
	p0 =	seq.s32 s7, s2  }
0x1e: {  	s7 =	smul.u32 @!p0 $0xF7A, s2;
	p2 =	seq.s32 @!p0 s5, $0x0  }
0x1f: {  	s9 =	smul.u32 $0xF7A, s1;
	s8 =	simm.s32 @!p0 $0x1BF5;
	p2 =	por !p2, p0  }
0x20: {  	[sflag:s8] =	ssyncset.s32 @!p0 $0xFFFFF086;
	s6 =	sadd.s32 @!p0 s3, s7;
	s7 =	simm.s32 @!p0 $0x108  }
0x21: {  	s3 =	sadd.s32 s3, s9;
	s6 =	sadd.s32 @!p0 $0x88, s6;
	s7 =	simm.s32 @p2 $0x1082  }
0x22: {  	[simem:s7], [sflag:s8] =	dma.local @!p0 [hbm:s6], $0xF7A  }
0x23: {  	s9 =	sor.u32 $0xD0000000, s2;
	s6 =	simm.s32 $0x108;
	_ =	swait.ge @!p0 [sflag:s8], $0x0  }
0x24: {  	s3 =	sadd.s32 $0x88, s3;
	s6 =	simm.s32 @!p1 $0x1082;
	[sflag:s4] =	ssyncset.s32 $0xFFFFF086  }
0x25: {  	[simem:s6], [sflag:s4] =	dma.local [hbm:s3], $0xF7A  }
0x26: {  	[smem:$0x3F8C] =	sst s1;
	(tag) =	ssettag s2;
	_ =	strace s9  }
0x27: {  	s1 =	sld [smem:$0x3F9C]  }
0x28: {  	s2 =	sld [smem:$0x3F9D]  }
0x29: {  	s4 =	sld [smem:$0x3F9F]  }
0x2a: {  	p0 =	seq.s32 s5, $0x0;
	s5 =	sld [smem:$0x3FA0]  }
0x2b: {  	s6 =	sld [smem:$0x3FA1]  }
0x2c: {  	s7 =	sld [smem:$0x3FA2]  }
0x2d: {  	s3 =	simm.s32 $0x108;
	s8 =	sld [smem:$0x3FA3]  }
0x2e: {  	s3 =	simm.s32 @!p0 $0x1082;
	s9 =	sld [smem:$0x3FA4]  }
0x2f: {  	lr =	sadd.s32 s0, s3;
	s0 =	sld [smem:$0x3F9B]  }
0x30: {  	s3 =	sld [smem:$0x3F9E]  }
0x31: {  	[smem:$0x3FA7] =	sst s10  }
0x32: {  	s10 =	sld [smem:$0x3FA5];
	_ =	sdelay $0x3  }
0x33: {  	p0 =	seq.s32 s10, $0x1;
	s10 =	sld [smem:$0x3FA7];
	_ =	sdelay $0x3  }
0x34: {  	[smem:$0x3FA7] =	sst s10  }
0x35: {  	s10 =	sld [smem:$0x3FA6];
	_ =	sdelay $0x3  }
0x36: {  	p1 =	seq.s32 s10, $0x1;
	s10 =	sld [smem:$0x3FA7];
	_ =	sdelay $0x3  }
0x37: {  	[smem:$0x3FA7] =	sst s10  }
0x38: {  	s10 =	sld [smem:$0x3FA8]  }
0x39: {  	_ = 	snop;
	(pc) =	sbr.ind lr, $3  }
0x3a: {  	_ = 	snop  }
0x3b: {  	_ = 	snop  }
0x3c: {  	p2 =	seq.s32 s10, $0x1;
	s10 =	sld [smem:$0x3FA7]  }
0x3d: {  	_ =	shalt  }
0x3e: {  	_ =	shalt  }
0x3f: {  	_ =	shalt  }
0x40: {  	_ =	shalt  }
0x41: {  	_ =	shalt  }
0x42: {  	_ =	shalt  }
0x43: {  	_ =	shalt  }
0x44: {  	_ =	shalt  }
0x45: {  	_ =	shalt  }
0x46: {  	_ =	shalt  }
0x47: {  	_ =	shalt  }
0x48: {  	_ =	shalt  }
0x49: {  	_ =	shalt  }
0x4a: {  	_ =	shalt  }
0x4b: {  	_ =	shalt  }
0x4c: {  	_ =	shalt  }
0x4d: {  	_ =	shalt  }
0x4e: {  	_ =	shalt  }
0x4f: {  	_ =	shalt  }
0x50: {  	_ =	shalt  }
0x51: {  	_ =	shalt  }
0x52: {  	_ =	shalt  }
0x53: {  	_ =	shalt  }
0x54: {  	_ =	shalt  }
0x55: {  	_ =	shalt  }
0x56: {  	_ =	shalt  }
0x57: {  	_ =	shalt  }
0x58: {  	_ =	shalt  }
0x59: {  	_ =	shalt  }
0x5a: {  	_ =	shalt  }
0x5b: {  	_ =	shalt  }
0x5c: {  	_ =	shalt  }
0x5d: {  	_ =	shalt  }
0x5e: {  	_ =	shalt  }
0x5f: {  	_ =	shalt  }
0x60: {  	_ =	shalt  }
0x61: {  	_ =	shalt  }
0x62: {  	_ =	shalt  }
0x63: {  	_ =	shalt  }
0x64: {  	_ =	shalt  }
0x65: {  	_ =	shalt  }
0x66: {  	_ =	shalt  }
0x67: {  	_ =	shalt  }
0x68: {  	_ =	shalt  }
0x69: {  	_ =	shalt  }
0x6a: {  	_ =	shalt  }
0x6b: {  	_ =	shalt  }
0x6c: {  	_ =	shalt  }
0x6d: {  	_ =	shalt  }
0x6e: {  	_ =	shalt  }
0x6f: {  	_ =	shalt  }
0x70: {  	_ =	shalt  }
0x71: {  	_ =	shalt  }
0x72: {  	_ =	shalt  }
0x73: {  	_ =	shalt  }
0x74: {  	_ =	shalt  }
0x75: {  	_ =	shalt  }
0x76: {  	_ =	shalt  }
0x77: {  	_ =	shalt  }
0x78: {  	_ =	shalt  }
0x79: {  	_ =	shalt  }
0x7a: {  	_ =	shalt  }
0x7b: {  	_ =	shalt  }
0x7c: {  	_ =	shalt  }
0x7d: {  	_ =	shalt  }
0x7e: {  	_ =	shalt  }
0x7f: {  	_ =	shalt  }
0x80: {  	_ =	shalt  }
0x81: {  	_ =	shalt  }
0x82: {  	_ =	shalt  }
0x83: {  	_ =	shalt  }
0x84: {  	_ =	shalt  }
0x85: {  	_ =	shalt  }
0x86: {  	_ =	shalt  }
0x87: {  	_ =	shalt  }
.Lfunc_end0:
.L_simem_size_0:
called_computation.2_lowered:
.L_overlay_start_0:
0x88: {  	s2 =	sld [smem:$0x3FD9]  }
0x89: {  	s3 =	sld [smem:$0x3FFE];
	_ =	sdelay $0x1  }
0x8a: {  	s1 =	srdreg.scid  }
0x8b: {  	s0 =	sand.u32 $0x1, s1  }
0x8c: {  	s17 =	sshll.u32 s0, $0xA;
	s2 =	sadd.s32 s3, s2  }
0x8d: {  	s2 =	sadd.s32 s2, s17  }
0x8e: {  	[smem:$0x3FB3] =	sst s2  }
0x8f: {  	_ = 	snop  }
0x90: {  	(tm) =	ssettm $0x1  }
0x91: {  	s18 =	sld [smem:$0x3FFB];
	_ =	sdelay $0x3  }
0x92: {  	_ =	strace s18  }
0x93: {  	s2 =	sld [smem:$0x3FFC];
	_ =	sdelay $0x3  }
0x94: {  	_ =	strace s2  }
0x95: {  	s2 =	sld [smem:$0x3FFD];
	_ =	sdelay $0x3  }
0x96: {  	_ =	strace s2  }
0x97: {  	_ =	strace $0x8FFFFFFF  }
0x98: {  	s19 =	sld [smem:$0x3FDB];
	_ =	sdelay $0x1  }
0x99: {  	s20 =	simm.s32 $_scs_section_size  }
0x9a: {  	s4 =	simm.s32 $_size__tile_overlayer_lowered;
	s5 =	simm.s32 $_tile_overlayer_lowered  }
0x9b: {  	s6 =	simm.s32 $0x1BFF;
	s21 =	sshll.u32 s5, $0x1;
	s3 =	sadd.s32 s20, s19  }
0x9c: {  	s22 =	simm.s32 $0x0;
	s4 =	sshll.u32 s4, $0x1;
	s5 =	sadd.s32 s21, s3  }
0x9d: {  	[timem:s22], [sflag:s6] =	dma.local [hbm:s5], s4  }
0x9e: {  	_ =	swait.ge [sflag:s6], s4  }
0x9f: {  	s4 =	ssub.s32 $0x0, s4;
	[sflag:s6] =	ssyncset.done $0x0  }
0xa0: {  	[sflag:s6] =	ssyncadd.s32 s4;
	_ =	sdelay $0x1  }
0xa1: {  	s23 =	simm.s32 $0x1B8B  }
0xa2: {  	_ =	swait.ge [sflag:s23], $0x1  }
0xa3: {  	[sflag:s23] =	ssyncset.done $0x0  }
0xa4: {  	[sflag:s23] =	ssyncadd.s32 $0xFFFFFFFF  }
0xa5: {  	s4 =	sld [smem:$0x0]  }
0xa6: {  	s5 =	sand.u32 $0xFFFFFFFE, s1  }
0xa7: {  	p0 =	sne.s32 s1, s5  }
0xa8: {  	s5 =	sshll.u32 @p0 s5, $0xE  }
0xa9: {  	s5 =	sadd.s32 @p0 $0x11B8D, s5;
	s6 =	sshll.u32 @p0 s4, $0x11  }
0xaa: {  	s5 =	sor.u32 @p0 s6, s5  }
0xab: {  	[sflag:s5] =	ssyncadd.remote.s32 @p0 $0x1;
	_ =	sdelay $0x1  }
0xac: {  	s5 =	simm.s32 @p0 $0x1B8D  }
0xad: {  	_ =	swait.eq @p0 [sflag:s5], $0x1  }
0xae: {  	[sflag:s5] =	ssyncadd.s32 @p0 $0xFFFFFFFF  }
0xaf: {  	s6 =	sshll.u32 @!p0 s1, $0xE  }
0xb0: {  	s6 =	sor.u32 @!p0 $0x4000, s6;
	s5 =	simm.s32 @!p0 $0x1B8D  }
0xb1: {  	s4 =	sshll.u32 @!p0 s4, $0x11;
	s6 =	sadd.s32 @!p0 $0x11B8D, s6;
	_ =	swait.eq @!p0 [sflag:s5], $0x1  }
0xb2: {  	s4 =	sor.u32 @!p0 s4, s6;
	[sflag:s5] =	ssyncadd.s32 @!p0 $0xFFFFFFFF  }
0xb3: {  	s25 =	simm.s32 $0x1B8E;
	s24 =	sld [smem:$0x3FFE];
	[sflag:s4] =	ssyncadd.remote.s32 @!p0 $0x1  }
0xb4: {  	s26 =	simm.s32 $execute0_lowered;
	[smem:$0x3FD2] =	sst s25  }
0xb5: {  	s5 =	sshll.u32 s26, $0x1;
	_ =	strace $0x8000004C;
	[dreg:$0x1] =	wrdreg $0xFFFFFFFF  }
0xb6: {  	s28 =	simm.s32 $_size_execute0_lowered;
	s3 =	sadd.s32 s3, s5;
	[dreg:$0x0] =	wrdreg $0x0  }
0xb7: {  	s5 =	sshll.u32 s28, $0x1;
	[dreg:$0x2] =	wrdreg s3  }
0xb8: {  	[dreg:$0x3] =	wrdreg s5  }
0xb9: {  	[dreg:$0x4] =	wrdreg $0xC0  }
0xba: {  	_ =	task [dreg:s22], $0x5FFFF  }
0xbb: {  	[dreg:$0x1] =	wrdreg $0xFFFFFFFF  }
0xbc: {  	[dreg:$0x0] =	wrdreg $0x60  }
0xbd: {  	[dreg:$0x2] =	wrdreg s24  }
0xbe: {  	[dreg:$0x3] =	wrdreg $0xB0000  }
0xbf: {  	[dreg:$0x4] =	wrdreg $0x9  }
0xc0: {  	_ =	task.clear_ibuf [dreg:s22], $0x5FFFF;
	_ =	strace $0x9000004C  }
0xc1: {  	s29 =	simm.s32 $0x9;
	_ =	strace $0x8000004E  }
0xc2: {  	_ =	swait.ge [sflag:s29], $0x1  }
0xc3: {  	[sflag:s29] =	ssyncadd.s32 $0xFFFFFFFF  }
0xc4: {  	_ =	strace $0x9000004E  }
0xc5: {  	_ =	sfence  }
0xc6: {  	s30 =	sld [smem:$0x0];
	_ =	sdelay $0x2  }
0xc7: {  	s31 =	sshll.u32 s1, $0xD;
	s1 =	sshrl.u32 s1, $0x2  }
0xc8: {  	s4 =	sand.u32 $0x4000, s31;
	s1 =	sadd.s32 s1, s30  }
0xc9: {  	s0 =	sor.u32 s4, s0;
	s1 =	sshll.u32 s1, $0x11  }
0xca: {  	s0 =	sor.u32 s1, s0  }
0xcb: {  	s0 =	sadd.s32 $0x8F2B, s0  }
0xcc: {  	[sflag:s0] =	ssyncadd.remote.s32 $0x1  }
0xcd: {  	_ =	sfence.sel $0xFFFF  }
0xce: {  	[dreg:$0x0] =	wrdreg $0xFFFFFFFF;
	(pc) =	sbr.abs _section_cstart, $3  }
0xcf: {  	[dreg:$0x1] =	wrdreg $0xFFFFFFFF  }
0xd0: {  	_ =	task.clear_ibuf [dreg:s22], $0x2FFFF;
	_ =	strace $0x9FFFFFFF  }
0xd1: {  	(tm) =	ssettm $0x7FFFFFFF  }
tec
execute0_lowered:
.L_overlay_start_1:
0x0: {  	(tag) =	ssettag $0x1  }
0x1: {  	s0 =	srdreg.scid;
	s6 =	rddreg [dreg:$0x0]  }
0x2: {  	s2 =	rddreg [dreg:$0x1];
	s3 =	simm.s32 $0x0;
	s14 =	simm.s32 $0x40  }
0x3: {  	s15 =	simm.s32 $0x5000;
	s16 =	simm.s32 $0x7000;
	s17 =	simm.s32 $0x9000  }
0x4: {  	s18 =	simm.s32 $0x1;
	s19 =	simm.s32 $0x2700;
	s20 =	simm.s32 $0x4F00  }
0x5: {  	s21 =	simm.s32 $0x2780;
	s5 =	sand.u32 $0x1, s0;
	s0 =	stileid.u32  }
0x6: {  	s22 =	simm.s32 $0x4F80;
	s23 =	simm.s32 $0x0;
	s8 =	smul.u32 $0x14000, s0  }
0x7: {  	[smem:$0x7FF] =	sst s3;
	s1 =	sshll.u32 s5, $0x4;
	s9 =	smul.u32 $0x140000, s5  }
0x8: {  	s5 =	ssub.s32 $0x2, s5;
	s29 =	smul.u32 $0x50000, s0;
	s31 =	sshll.u32 s0, $0x6  }
0x9: {  	s4 =	sor.u32 s0, s1;
	s1 =	rddreg [dreg:$0x2];
	_ =	strace $0x8000004D  }
0xa: {  	s11 =	sshrl.u32 s5, $0x1;
	s7 =	smul.u32 $0x500, s4;
	s4 =	sadd.s32 $0x49600, s6  }
0xb: {  	s28 =	sshrl.u32 s8, $0x3;
	s8 =	sadd.s32 s8, s9;
	s30 =	sshrl.u32 s29, $0x2  }
0xc: {  	s11 =	ssub.s32 s5, s11;
	s8 =	sshrl.u32 s8, $0x3;
	s13 =	sadd.s32 s30, s2  }
0xd: {  	s10 =	sadd.s32 s7, s6;
	s7 =	sadd.s32 s28, s6;
	s12 =	sadd.s32 s8, s6  }
0xe: {  	s6 =	sor.u32 $0x1C02, s31;
	s5 =	sadd.s32 $0x10E00, s7;
	s7 =	sadd.s32 $0xB5600, s10  }
0xf: {  	s8 =	sadd.s32 $0x4E00, s10;
	s9 =	sadd.s32 $0xBF600, s12;
	s10 =	smax.u32 s11, $0x1  }
0x10: {  	s11 =	sshrl.u32 s13, $0x3;
	s12 =	simm.s32 $0x2;
	s13 =	simm.s32 $0x2800  }
.LBB2_1:
0x11: {  	[spmem:s11], [sflag:s6] =	dma.local [hbm:s5], $0x2800  }
0x12: {  	_ =	swait.ge [sflag:s12], $0x2800  }
0x13: {  	[sflag:s12] =	ssyncset.done $0x0  }
0x14: {  	[sflag:s12] =	ssyncadd.s32 $0xFFFFD800  }
0x15: {  	[tilespmem:s3], [sflag:$0x2] =	stream.linear.gather [hbm4b:s7+s3], $0x2800, $0x38;
	[tilespmem:$0x1F000] =	vst v63  }
0x16: {  	_ =	swait.ge [sflag:s12], $0x2800  }
0x17: {  	[sflag:s12] =	ssyncset.done $0x0  }
0x18: {  	[sflag:s12] =	ssyncadd.s32 $0xFFFFD800  }
0x19: {  	[tilespmem:s13], [sflag:$0x2] =	stream.linear.gather [hbm4b:s8+s3], $0x2800, $0x38;
	[tilespmem:$0x1F000] =	vst v63  }
0x1a: {  	_ =	swait.ge [sflag:s12], $0x2800  }
0x1b: {  	[sflag:s12] =	ssyncset.done $0x0  }
0x1c: {  	[sflag:s12] =	ssyncadd.s32 $0xFFFFD800  }
0x1d: {  	s24 =	simm.s32 $0x0;
	[bflag:$0x0] =	sbarrier.arrive $0xFFFF  }
0x1e: {  	[tilespmem:s15], [sflag:$0x1] =	stream.indirect.gather [hbm4b:s4+s14], $0x80, s24, s14, $0xb8;
	[tilespmem:$0x1F000] =	vst v63  }
0x1f: {  	s26 =	simm.s32 $0x80  }
0x20: {  	[tilespmem:s16], [sflag:$0x1] =	stream.indirect.gather [hbm4b:s4+s14], $0x80, s26, s14, $0xb8;
	[tilespmem:$0x1F000] =	vst v63  }
0x21: {  	s28 =	simm.s32 $0x100  }
0x22: {  	[tilespmem:s17], [sflag:$0x1] =	stream.indirect.gather [hbm4b:s4+s14], $0x80, s28, s14, $0xb8;
	[tilespmem:$0x1F000] =	vst v63  }
0x23: {  	_ =	swait.ge [sflag:s18], $0x2000  }
0x24: {  	[sflag:s18] =	ssyncset.done $0x0  }
0x25: {  	s29 =	simm.s32 $0x2800;
	[sflag:s18] =	ssyncadd.s32 $0xFFFFE000  }
0x26: {  	[spmem:s2] =	stream.indirect.scatter.add.f32 [tilespmem:s15], [sflag:$0x2], $0x80, s29, s14, $0xb8;
	[tilespmem:$0x1F000] =	vst v63  }
0x27: {  	_ =	swait.ge [sflag:s12], $0x2000  }
0x28: {  	[sflag:s12] =	ssyncset.done $0x0  }
0x29: {  	[sflag:s12] =	ssyncadd.s32 $0xFFFFE000  }
0x2a: {  	_ =	swait.ge [sflag:s18], $0x2000  }
0x2b: {  	[sflag:s18] =	ssyncset.done $0x0  }
0x2c: {  	s30 =	simm.s32 $0x2880;
	[sflag:s18] =	ssyncadd.s32 $0xFFFFE000  }
0x2d: {  	[spmem:s2] =	stream.indirect.scatter.add.f32 [tilespmem:s16], [sflag:$0x2], $0x80, s30, s14, $0xb8;
	[tilespmem:$0x1F000] =	vst v63  }
0x2e: {  	_ =	swait.ge [sflag:s12], $0x2000  }
0x2f: {  	[sflag:s12] =	ssyncset.done $0x0  }
0x30: {  	[sflag:s12] =	ssyncadd.s32 $0xFFFFE000  }
0x31: {  	_ =	swait.ge [sflag:s18], $0x2000  }
0x32: {  	[sflag:s18] =	ssyncset.done $0x0  }
0x33: {  	s31 =	simm.s32 $0x2900;
	[sflag:s18] =	ssyncadd.s32 $0xFFFFE000  }
0x34: {  	[spmem:s2] =	stream.indirect.scatter.add.f32 [tilespmem:s17], [sflag:$0x2], $0x80, s31, s14, $0xb8;
	[tilespmem:$0x1F000] =	vst v63  }
0x35: {  	_ =	swait.ge [sflag:s12], $0x2000  }
0x36: {  	s25 =	simm.s32 $0xC00;
	s24 =	simm.s32 $0x600;
	[sflag:s12] =	ssyncset.done $0x0  }
.LBB2_2:
0x37: {  	s26 =	sshra.s32 s24, $0x2  }
0x38: {  	[sflag:s12] =	ssyncadd.s32 $0xFFFFE000;
	s24 =	smov.u32 s25;
	s28 =	sadd.s32 $0x600, s25  }
0x39: {  	[tilespmem:s15], [sflag:$0x1] =	stream.indirect.gather [hbm4b:s4+s14], $0x80, s26, s14, $0xb8;
	[tilespmem:$0x1F000] =	vst v63  }
0x3a: {  	p0 =	sne.s32 s25, $0x9600;
	s25 =	sadd.s32 $0x80, s26  }
0x3b: {  	[tilespmem:s16], [sflag:$0x1] =	stream.indirect.gather [hbm4b:s4+s14], $0x80, s25, s14, $0xb8;
	[tilespmem:$0x1F000] =	vst v63  }
0x3c: {  	s25 =	sadd.s32 $0x100, s26  }
0x3d: {  	[tilespmem:s17], [sflag:$0x1] =	stream.indirect.gather [hbm4b:s4+s14], $0x80, s25, s14, $0xb8;
	[tilespmem:$0x1F000] =	vst v63  }
0x3e: {  	_ =	swait.ge [sflag:s18], $0x2000  }
0x3f: {  	[sflag:s18] =	ssyncset.done $0x0  }
0x40: {  	s25 =	sadd.s32 $0x2800, s26;
	[sflag:s18] =	ssyncadd.s32 $0xFFFFE000  }
0x41: {  	[spmem:s2] =	stream.indirect.scatter.add.f32 [tilespmem:s15], [sflag:$0x2], $0x80, s25, s14, $0xb8;
	[tilespmem:$0x1F000] =	vst v63  }
0x42: {  	_ =	swait.ge [sflag:s12], $0x2000  }
0x43: {  	[sflag:s12] =	ssyncset.done $0x0  }
0x44: {  	[sflag:s12] =	ssyncadd.s32 $0xFFFFE000  }
0x45: {  	_ =	swait.ge [sflag:s18], $0x2000  }
0x46: {  	[sflag:s18] =	ssyncset.done $0x0  }
0x47: {  	s25 =	sadd.s32 $0x2880, s26;
	[sflag:s18] =	ssyncadd.s32 $0xFFFFE000  }
0x48: {  	[spmem:s2] =	stream.indirect.scatter.add.f32 [tilespmem:s16], [sflag:$0x2], $0x80, s25, s14, $0xb8;
	[tilespmem:$0x1F000] =	vst v63  }
0x49: {  	_ =	swait.ge [sflag:s12], $0x2000  }
0x4a: {  	[sflag:s12] =	ssyncset.done $0x0  }
0x4b: {  	[sflag:s12] =	ssyncadd.s32 $0xFFFFE000  }
0x4c: {  	_ =	swait.ge [sflag:s18], $0x2000  }
.Ltmp0:
0x4d: {  	[sflag:s18] =	ssyncset.done $0x0;
	(pc) =	sbr.rel @p0 .LBB2_2-.Ltmp0, $4  }
0x4e: {  	s25 =	sadd.s32 $0x2900, s26;
	[sflag:s18] =	ssyncadd.s32 $0xFFFFE000  }
0x4f: {  	[spmem:s2] =	stream.indirect.scatter.add.f32 [tilespmem:s17], [sflag:$0x2], $0x80, s25, s14, $0xb8;
	[tilespmem:$0x1F000] =	vst v63  }
0x50: {  	_ =	swait.ge [sflag:s12], $0x2000  }
0x51: {  	s25 =	smov.u32 s28;
	[sflag:s12] =	ssyncset.done $0x0  }
0x52: {  	s24 =	sshra.s32 s24, $0x2;
	[sflag:s12] =	ssyncadd.s32 $0xFFFFE000  }
0x53: {  	[tilespmem:s15], [sflag:$0x1] =	stream.indirect.gather [hbm4b:s4+s14], $0x80, s24, s14, $0xb8;
	[tilespmem:$0x1F000] =	vst v63  }
0x54: {  	s25 =	sadd.s32 $0x80, s24  }
0x55: {  	[tilespmem:s16], [sflag:$0x1] =	stream.indirect.gather [hbm4b:s4+s14], $0x80, s25, s14, $0xb8;
	[tilespmem:$0x1F000] =	vst v63  }
0x56: {  	s29 =	sadd.s32 $0x100, s24  }
0x57: {  	[tilespmem:s17], [sflag:$0x1] =	stream.indirect.gather [hbm4b:s4+s14], $0x80, s29, s14, $0xb8;
	[tilespmem:$0x1F000] =	vst v63  }
0x58: {  	_ =	swait.ge [sflag:s18], $0x2000  }
0x59: {  	[sflag:s18] =	ssyncset.done $0x0  }
0x5a: {  	s30 =	sadd.s32 $0x2800, s24;
	[sflag:s18] =	ssyncadd.s32 $0xFFFFE000  }
0x5b: {  	[spmem:s2] =	stream.indirect.scatter.add.f32 [tilespmem:s15], [sflag:$0x2], $0x80, s30, s14, $0xb8;
	[tilespmem:$0x1F000] =	vst v63  }
0x5c: {  	_ =	swait.ge [sflag:s12], $0x2000  }
0x5d: {  	[sflag:s12] =	ssyncset.done $0x0  }
0x5e: {  	[sflag:s12] =	ssyncadd.s32 $0xFFFFE000  }
0x5f: {  	_ =	swait.ge [sflag:s18], $0x2000  }
0x60: {  	[sflag:s18] =	ssyncset.done $0x0  }
0x61: {  	s31 =	sadd.s32 $0x2880, s24;
	[sflag:s18] =	ssyncadd.s32 $0xFFFFE000  }
0x62: {  	[spmem:s2] =	stream.indirect.scatter.add.f32 [tilespmem:s16], [sflag:$0x2], $0x80, s31, s14, $0xb8;
	[tilespmem:$0x1F000] =	vst v63  }
0x63: {  	_ =	swait.ge [sflag:s12], $0x2000  }
0x64: {  	[sflag:s12] =	ssyncset.done $0x0  }
0x65: {  	[sflag:s12] =	ssyncadd.s32 $0xFFFFE000  }
0x66: {  	_ =	swait.ge [sflag:s18], $0x2000  }
0x67: {  	[sflag:s18] =	ssyncset.done $0x0  }
0x68: {  	s24 =	sadd.s32 $0x2900, s24;
	[sflag:s18] =	ssyncadd.s32 $0xFFFFE000  }
0x69: {  	[spmem:s2] =	stream.indirect.scatter.add.f32 [tilespmem:s17], [sflag:$0x2], $0x80, s24, s14, $0xb8;
	[tilespmem:$0x1F000] =	vst v63  }
0x6a: {  	_ =	swait.ge [sflag:s12], $0x2000  }
0x6b: {  	[sflag:s12] =	ssyncset.done $0x0  }
0x6c: {  	[sflag:s12] =	ssyncadd.s32 $0xFFFFE000  }
0x6d: {  	[tilespmem:s15], [sflag:$0x1] =	stream.indirect.gather [hbm4b:s4+s14], $0x80, s19, s14, $0xb8;
	[tilespmem:$0x1F000] =	vst v63  }
0x6e: {  	_ =	swait.ge [sflag:s18], $0x2000  }
0x6f: {  	[sflag:s18] =	ssyncset.done $0x0  }
0x70: {  	[sflag:s18] =	ssyncadd.s32 $0xFFFFE000  }
0x71: {  	[spmem:s2] =	stream.indirect.scatter.add.f32 [tilespmem:s15], [sflag:$0x2], $0x80, s20, s14, $0xb8;
	[tilespmem:$0x1F000] =	vst v63  }
0x72: {  	_ =	swait.ge [sflag:s12], $0x2000  }
0x73: {  	[sflag:s12] =	ssyncset.done $0x0  }
0x74: {  	[sflag:s12] =	ssyncadd.s32 $0xFFFFE000  }
0x75: {  	[tilespmem:s16], [sflag:$0x1] =	stream.indirect.gather [hbm4b:s4+s14], $0x80, s21, s14, $0xb8;
	[tilespmem:$0x1F000] =	vst v63  }
0x76: {  	_ =	swait.ge [sflag:s18], $0x2000  }
0x77: {  	[sflag:s18] =	ssyncset.done $0x0  }
0x78: {  	[sflag:s18] =	ssyncadd.s32 $0xFFFFE000  }
0x79: {  	[spmem:s2] =	stream.indirect.scatter.add.f32 [tilespmem:s16], [sflag:$0x2], $0x80, s22, s14, $0xb8;
	[tilespmem:$0x1F000] =	vst v63  }
0x7a: {  	_ =	swait.ge [sflag:s12], $0x2000  }
0x7b: {  	s23 =	sadd.s32 $0x1, s23;
	[sflag:s12] =	ssyncset.done $0x0  }
0x7c: {  	p0 =	sne.s32 s23, s10;
	[sflag:s12] =	ssyncadd.s32 $0xFFFFE000  }
.Ltmp1:
0x7d: {  	[bflag:$0x0] =	sbarrier.arrive $0xFFFF;
	(pc) =	sbr.rel @p0 .LBB2_1-.Ltmp1, $4  }
0x7e: {  	[hbm:s9], [sflag:s6] =	dma.local [spmem:s11], $0x2800  }
0x7f: {  	_ =	swait.ge [sflag:s12], $0x2800  }
0x80: {  	[sflag:s12] =	ssyncset.done $0x0  }
0x81: {  	[sflag:s12] =	ssyncadd.s32 $0xFFFFD800  }
0x82: {  	_ =	sfence.sel $0x180000  }
0x83: {  	[bflag:$0x0] =	sbarrier.arrive $0xFFFF  }
0x84: {  	p0 =	sne.s32 s0, $0x0;
	_ =	strace $0x9000004D  }
0x85: {  	s0 =	sadd.s32 @!p0 $0x100000, s1;
	[bflag:$0x2] =	sbarrier.arrive $0xFFFF  }
0x86: {  	[sflag:s0] =	ssyncadd.tile.s32 @!p0 $0x1;
	_ =	shalt  }
.Lfunc_end2:
_tile_overlayer_lowered:
.L_overlay_start_2:
0x87: {  	(tag) =	ssettag $0x2  }
0x88: {  	s0 =	rddreg [dreg:$0x0];
	s2 =	stileid.u32  }
0x89: {  	s1 =	rddreg [dreg:$0x1];
	p0 =	sne.s32 s2, $0x0  }
0x8a: {  	s3 =	rddreg [dreg:$0x2];
	[bflag:$0x3] =	sbarrier.arrive $0xFFFF;
	s2 =	simm.s32 @!p0 $0x1C02  }
0x8b: {  	[timem:s3], [sflag:s2] =	dma.local @!p0 [hbm:s0], s1  }
0x8c: {  	s0 =	simm.s32 @!p0 $0x2  }
0x8d: {  	_ =	swait.ge @!p0 [sflag:s0], s1  }
0x8e: {  	s1 =	ssub.s32 @!p0 $0x0, s1;
	[sflag:s0] =	ssyncset.done @!p0 $0x0  }
0x8f: {  	[sflag:s0] =	ssyncadd.s32 @!p0 s1  }
0x90: {  	[bflag:$0x3] =	sbarrier.arrive $0xFFFF  }
0x91: {  	_ =	shalt  }

// kernel: kernel.22.cloned.1.call-start
scs
__scs_entry_jumppad:
0x0: {  	(pc) =	sbr.rel $0x88, $3  }
0x1: {  	(tag) =	ssettag $0x0;
	lr =	simm.s32 $0x1  }
0x2: {  	[smem:$0x3F8C] =	sst lr;
	_ =	strace $0xD0000000  }
0x3: {  	_ = 	snop  }
0x4: {  	_ = 	snop  }
0x5: {  	_ = 	snop  }
0x6: {  	_ = 	snop  }
0x7: {  	_ = 	snop  }
__scs_overlays_trampoline_lowered:
0x8: {  	[smem:$0x3F9B] =	sst s0  }
0x9: {  	[smem:$0x3F9C] =	sst s1  }
0xa: {  	[smem:$0x3F9D] =	sst s2  }
0xb: {  	[smem:$0x3F9E] =	sst s3  }
0xc: {  	[smem:$0x3F9F] =	sst s4  }
0xd: {  	[smem:$0x3FA0] =	sst s5  }
0xe: {  	[smem:$0x3FA1] =	sst s6  }
0xf: {  	[smem:$0x3FA2] =	sst s7  }
0x10: {  	[smem:$0x3FA3] =	sst s8  }
0x11: {  	[smem:$0x3FA4] =	sst s9;
	s0 =	simm.s32 @!p0 $0x0  }
0x12: {  	s1 =	sld [smem:$0x3F8A];
	s0 =	simm.s32 @p0 $0x1  }
0x13: {  	[smem:$0x3FA5] =	sst s0;
	s0 =	simm.s32 @!p1 $0x0  }
0x14: {  	s2 =	sld [smem:$0x3F89];
	s0 =	simm.s32 @p1 $0x1  }
0x15: {  	[smem:$0x3FA6] =	sst s0;
	s0 =	simm.s32 @!p2 $0x0  }
0x16: {  	s3 =	sld [smem:$0x3FDB];
	s0 =	simm.s32 @p2 $0x1  }
0x17: {  	s4 =	simm.s32 $0x1BF5;
	[smem:$0x3FA8] =	sst s0  }
0x18: {  	s0 =	sld [smem:$0x3F8B];
	_ =	swait.ge [sflag:s4], $0x0  }
0x19: {  	s7 =	sld [smem:$0x3F8C]  }
0x1a: {  	s8 =	sadd.s32 $0xFFFFE003, lr  }
0x1b: {  	s9 =	sadd.s32 $0xFFFFFEF7, lr;
	s5 =	simm.s32 $0xFFFFFFFF;
	p2 =	slt.u32 s8, $0xFFFFF086  }
0x1c: {  	p1 =	slt.u32 s9, $0xF7A;
	s5 =	simm.s32 @!p2 $0x0  }
0x1d: {  	s5 =	simm.s32 @p1 $0x1;
	p0 =	seq.s32 s7, s2  }
0x1e: {  	s7 =	smul.u32 @!p0 $0xF7A, s2;
	p2 =	seq.s32 @!p0 s5, $0x0  }
0x1f: {  	s9 =	smul.u32 $0xF7A, s1;
	s8 =	simm.s32 @!p0 $0x1BF5;
	p2 =	por !p2, p0  }
0x20: {  	[sflag:s8] =	ssyncset.s32 @!p0 $0xFFFFF086;
	s6 =	sadd.s32 @!p0 s3, s7;
	s7 =	simm.s32 @!p0 $0x108  }
0x21: {  	s3 =	sadd.s32 s3, s9;
	s6 =	sadd.s32 @!p0 $0x88, s6;
	s7 =	simm.s32 @p2 $0x1082  }
0x22: {  	[simem:s7], [sflag:s8] =	dma.local @!p0 [hbm:s6], $0xF7A  }
0x23: {  	s9 =	sor.u32 $0xD0000000, s2;
	s6 =	simm.s32 $0x108;
	_ =	swait.ge @!p0 [sflag:s8], $0x0  }
0x24: {  	s3 =	sadd.s32 $0x88, s3;
	s6 =	simm.s32 @!p1 $0x1082;
	[sflag:s4] =	ssyncset.s32 $0xFFFFF086  }
0x25: {  	[simem:s6], [sflag:s4] =	dma.local [hbm:s3], $0xF7A  }
0x26: {  	[smem:$0x3F8C] =	sst s1;
	(tag) =	ssettag s2;
	_ =	strace s9  }
0x27: {  	s1 =	sld [smem:$0x3F9C]  }
0x28: {  	s2 =	sld [smem:$0x3F9D]  }
0x29: {  	s4 =	sld [smem:$0x3F9F]  }
0x2a: {  	p0 =	seq.s32 s5, $0x0;
	s5 =	sld [smem:$0x3FA0]  }
0x2b: {  	s6 =	sld [smem:$0x3FA1]  }
0x2c: {  	s7 =	sld [smem:$0x3FA2]  }
0x2d: {  	s3 =	simm.s32 $0x108;
	s8 =	sld [smem:$0x3FA3]  }
0x2e: {  	s3 =	simm.s32 @!p0 $0x1082;
	s9 =	sld [smem:$0x3FA4]  }
0x2f: {  	lr =	sadd.s32 s0, s3;
	s0 =	sld [smem:$0x3F9B]  }
0x30: {  	s3 =	sld [smem:$0x3F9E]  }
0x31: {  	[smem:$0x3FA7] =	sst s10  }
0x32: {  	s10 =	sld [smem:$0x3FA5];
	_ =	sdelay $0x3  }
0x33: {  	p0 =	seq.s32 s10, $0x1;
	s10 =	sld [smem:$0x3FA7];
	_ =	sdelay $0x3  }
0x34: {  	[smem:$0x3FA7] =	sst s10  }
0x35: {  	s10 =	sld [smem:$0x3FA6];
	_ =	sdelay $0x3  }
0x36: {  	p1 =	seq.s32 s10, $0x1;
	s10 =	sld [smem:$0x3FA7];
	_ =	sdelay $0x3  }
0x37: {  	[smem:$0x3FA7] =	sst s10  }
0x38: {  	s10 =	sld [smem:$0x3FA8]  }
0x39: {  	_ = 	snop;
	(pc) =	sbr.ind lr, $3  }
0x3a: {  	_ = 	snop  }
0x3b: {  	_ = 	snop  }
0x3c: {  	p2 =	seq.s32 s10, $0x1;
	s10 =	sld [smem:$0x3FA7]  }
0x3d: {  	_ =	shalt  }
0x3e: {  	_ =	shalt  }
0x3f: {  	_ =	shalt  }
0x40: {  	_ =	shalt  }
0x41: {  	_ =	shalt  }
0x42: {  	_ =	shalt  }
0x43: {  	_ =	shalt  }
0x44: {  	_ =	shalt  }
0x45: {  	_ =	shalt  }
0x46: {  	_ =	shalt  }
0x47: {  	_ =	shalt  }
0x48: {  	_ =	shalt  }
0x49: {  	_ =	shalt  }
0x4a: {  	_ =	shalt  }
0x4b: {  	_ =	shalt  }
0x4c: {  	_ =	shalt  }
0x4d: {  	_ =	shalt  }
0x4e: {  	_ =	shalt  }
0x4f: {  	_ =	shalt  }
0x50: {  	_ =	shalt  }
0x51: {  	_ =	shalt  }
0x52: {  	_ =	shalt  }
0x53: {  	_ =	shalt  }
0x54: {  	_ =	shalt  }
0x55: {  	_ =	shalt  }
0x56: {  	_ =	shalt  }
0x57: {  	_ =	shalt  }
0x58: {  	_ =	shalt  }
0x59: {  	_ =	shalt  }
0x5a: {  	_ =	shalt  }
0x5b: {  	_ =	shalt  }
0x5c: {  	_ =	shalt  }
0x5d: {  	_ =	shalt  }
0x5e: {  	_ =	shalt  }
0x5f: {  	_ =	shalt  }
0x60: {  	_ =	shalt  }
0x61: {  	_ =	shalt  }
0x62: {  	_ =	shalt  }
0x63: {  	_ =	shalt  }
0x64: {  	_ =	shalt  }
0x65: {  	_ =	shalt  }
0x66: {  	_ =	shalt  }
0x67: {  	_ =	shalt  }
0x68: {  	_ =	shalt  }
0x69: {  	_ =	shalt  }
0x6a: {  	_ =	shalt  }
0x6b: {  	_ =	shalt  }
0x6c: {  	_ =	shalt  }
0x6d: {  	_ =	shalt  }
0x6e: {  	_ =	shalt  }
0x6f: {  	_ =	shalt  }
0x70: {  	_ =	shalt  }
0x71: {  	_ =	shalt  }
0x72: {  	_ =	shalt  }
0x73: {  	_ =	shalt  }
0x74: {  	_ =	shalt  }
0x75: {  	_ =	shalt  }
0x76: {  	_ =	shalt  }
0x77: {  	_ =	shalt  }
0x78: {  	_ =	shalt  }
0x79: {  	_ =	shalt  }
0x7a: {  	_ =	shalt  }
0x7b: {  	_ =	shalt  }
0x7c: {  	_ =	shalt  }
0x7d: {  	_ =	shalt  }
0x7e: {  	_ =	shalt  }
0x7f: {  	_ =	shalt  }
0x80: {  	_ =	shalt  }
0x81: {  	_ =	shalt  }
0x82: {  	_ =	shalt  }
0x83: {  	_ =	shalt  }
0x84: {  	_ =	shalt  }
0x85: {  	_ =	shalt  }
0x86: {  	_ =	shalt  }
0x87: {  	_ =	shalt  }
.Lfunc_end0:
.L_simem_size_0:
called_computation.3_lowered:
.L_overlay_start_0:
0x88: {  	s2 =	sld [smem:$0x3FD9]  }
0x89: {  	s3 =	sld [smem:$0x3FFE];
	_ =	sdelay $0x1  }
0x8a: {  	s1 =	srdreg.scid  }
0x8b: {  	s0 =	sand.u32 $0x1, s1  }
0x8c: {  	s17 =	sshll.u32 s0, $0xA;
	s2 =	sadd.s32 s3, s2  }
0x8d: {  	s2 =	sadd.s32 s2, s17  }
0x8e: {  	[smem:$0x3FB3] =	sst s2  }
0x8f: {  	_ = 	snop  }
0x90: {  	(tm) =	ssettm $0x1  }
0x91: {  	s18 =	sld [smem:$0x3FFB];
	_ =	sdelay $0x3  }
0x92: {  	_ =	strace s18  }
0x93: {  	s2 =	sld [smem:$0x3FFC];
	_ =	sdelay $0x3  }
0x94: {  	_ =	strace s2  }
0x95: {  	s2 =	sld [smem:$0x3FFD];
	_ =	sdelay $0x3  }
0x96: {  	_ =	strace s2  }
0x97: {  	_ =	strace $0x8FFFFFFF  }
0x98: {  	s19 =	sld [smem:$0x3FDB];
	_ =	sdelay $0x1  }
0x99: {  	s20 =	simm.s32 $_scs_section_size  }
0x9a: {  	s4 =	simm.s32 $_size__tile_overlayer_lowered;
	s5 =	simm.s32 $_tile_overlayer_lowered  }
0x9b: {  	s6 =	simm.s32 $0x1BFF;
	s21 =	sshll.u32 s5, $0x1;
	s3 =	sadd.s32 s20, s19  }
0x9c: {  	s22 =	simm.s32 $0x0;
	s4 =	sshll.u32 s4, $0x1;
	s5 =	sadd.s32 s21, s3  }
0x9d: {  	[timem:s22], [sflag:s6] =	dma.local [hbm:s5], s4  }
0x9e: {  	_ =	swait.ge [sflag:s6], s4  }
0x9f: {  	s4 =	ssub.s32 $0x0, s4;
	[sflag:s6] =	ssyncset.done $0x0  }
0xa0: {  	[sflag:s6] =	ssyncadd.s32 s4;
	_ =	sdelay $0x1  }
0xa1: {  	s23 =	simm.s32 $0x1B8B  }
0xa2: {  	_ =	swait.ge [sflag:s23], $0x1  }
0xa3: {  	[sflag:s23] =	ssyncset.done $0x0  }
0xa4: {  	[sflag:s23] =	ssyncadd.s32 $0xFFFFFFFF  }
0xa5: {  	s4 =	sld [smem:$0x0]  }
0xa6: {  	s5 =	sand.u32 $0xFFFFFFFE, s1  }
0xa7: {  	p0 =	sne.s32 s1, s5  }
0xa8: {  	s5 =	sshll.u32 @p0 s5, $0xE  }
0xa9: {  	s5 =	sadd.s32 @p0 $0x11B8D, s5;
	s6 =	sshll.u32 @p0 s4, $0x11  }
0xaa: {  	s5 =	sor.u32 @p0 s6, s5  }
0xab: {  	[sflag:s5] =	ssyncadd.remote.s32 @p0 $0x1;
	_ =	sdelay $0x1  }
0xac: {  	s5 =	simm.s32 @p0 $0x1B8D  }
0xad: {  	_ =	swait.eq @p0 [sflag:s5], $0x1  }
0xae: {  	[sflag:s5] =	ssyncadd.s32 @p0 $0xFFFFFFFF  }
0xaf: {  	s6 =	sshll.u32 @!p0 s1, $0xE  }
0xb0: {  	s6 =	sor.u32 @!p0 $0x4000, s6;
	s5 =	simm.s32 @!p0 $0x1B8D  }
0xb1: {  	s4 =	sshll.u32 @!p0 s4, $0x11;
	s6 =	sadd.s32 @!p0 $0x11B8D, s6;
	_ =	swait.eq @!p0 [sflag:s5], $0x1  }
0xb2: {  	s4 =	sor.u32 @!p0 s4, s6;
	[sflag:s5] =	ssyncadd.s32 @!p0 $0xFFFFFFFF  }
0xb3: {  	s25 =	simm.s32 $0x1B8E;
	s24 =	sld [smem:$0x3FFE];
	[sflag:s4] =	ssyncadd.remote.s32 @!p0 $0x1  }
0xb4: {  	s26 =	simm.s32 $execute0_lowered;
	[smem:$0x3FD2] =	sst s25  }
0xb5: {  	s5 =	sshll.u32 s26, $0x1;
	_ =	strace $0x8000004F;
	[dreg:$0x1] =	wrdreg $0xFFFFFFFF  }
0xb6: {  	s28 =	simm.s32 $_size_execute0_lowered;
	s3 =	sadd.s32 s3, s5;
	[dreg:$0x0] =	wrdreg $0x0  }
0xb7: {  	s5 =	sshll.u32 s28, $0x1;
	[dreg:$0x2] =	wrdreg s3  }
0xb8: {  	[dreg:$0x3] =	wrdreg s5  }
0xb9: {  	[dreg:$0x4] =	wrdreg $0xC0  }
0xba: {  	_ =	task [dreg:s22], $0x5FFFF  }
0xbb: {  	[dreg:$0x1] =	wrdreg $0xFFFFFFFF  }
0xbc: {  	[dreg:$0x0] =	wrdreg $0x60  }
0xbd: {  	[dreg:$0x2] =	wrdreg s24  }
0xbe: {  	[dreg:$0x3] =	wrdreg $0x90000  }
0xbf: {  	[dreg:$0x4] =	wrdreg $0xA  }
0xc0: {  	_ =	task.clear_ibuf [dreg:s22], $0x5FFFF;
	_ =	strace $0x9000004F  }
0xc1: {  	s29 =	simm.s32 $0xA;
	_ =	strace $0x80000051  }
0xc2: {  	_ =	swait.ge [sflag:s29], $0x1  }
0xc3: {  	[sflag:s29] =	ssyncadd.s32 $0xFFFFFFFF  }
0xc4: {  	_ =	strace $0x90000051  }
0xc5: {  	_ =	sfence  }
0xc6: {  	s30 =	sld [smem:$0x0];
	_ =	sdelay $0x2  }
0xc7: {  	s31 =	sshll.u32 s1, $0xD;
	s1 =	sshrl.u32 s1, $0x2  }
0xc8: {  	s4 =	sand.u32 $0x4000, s31;
	s1 =	sadd.s32 s1, s30  }
0xc9: {  	s0 =	sor.u32 s4, s0;
	s1 =	sshll.u32 s1, $0x11  }
0xca: {  	s0 =	sor.u32 s1, s0  }
0xcb: {  	s0 =	sadd.s32 $0x8F2B, s0  }
0xcc: {  	[sflag:s0] =	ssyncadd.remote.s32 $0x1  }
0xcd: {  	_ =	sfence.sel $0xFFFF  }
0xce: {  	[dreg:$0x0] =	wrdreg $0xFFFFFFFF;
	(pc) =	sbr.abs _section_cstart, $3  }
0xcf: {  	[dreg:$0x1] =	wrdreg $0xFFFFFFFF  }
0xd0: {  	_ =	task.clear_ibuf [dreg:s22], $0x2FFFF;
	_ =	strace $0x9FFFFFFF  }
0xd1: {  	(tm) =	ssettm $0x7FFFFFFF  }
tec
execute0_lowered:
.L_overlay_start_1:
0x0: {  	(tag) =	ssettag $0x1  }
0x1: {  	s0 =	rddreg [dreg:$0x0]  }
0x2: {  	s2 =	rddreg [dreg:$0x1]  }
0x3: {  	s13 =	rddreg [dreg:$0x2];
	s30 =	simm.s32 $0x0;
	s1 =	srdreg.scid  }
0x4: {  	s8 =	stileid.u32;
	s10 =	simm.s32 $0x80;
	s12 =	simm.s32 $0x100  }
0x5: {  	s15 =	simm.s32 $0x180;
	s16 =	simm.s32 $0x880;
	s17 =	simm.s32 $0x900  }
0x6: {  	s18 =	simm.s32 $0x980;
	s19 =	simm.s32 $0x200;
	s31 =	simm.s32 $0x800  }
0x7: {  	s28 =	simm.s32 $0x480;
	s29 =	simm.s32 $0x500;
	[smem:$0x7FF] =	sst s30  }
0x8: {  	p0 =	por $0x0, $0x0;
	_ =	strace $0x80000050;
	[dreg:$0x7] =	wrdreg s10  }
0x9: {  	s1 =	sand.u32 $0x1, s1;
	s3 =	smul.u32 $0x4400, s8;
	[dreg:$0x8] =	wrdreg s12  }
0xa: {  	s4 =	sadd.s32 $0x41600, s0;
	s7 =	sshll.u32 s8, $0x8;
	[dreg:$0x9] =	wrdreg s15  }
0xb: {  	s26 =	smul.u32 $0x11000, s8;
	s14 =	sshll.u32 s8, $0x6;
	[dreg:$0xa] =	wrdreg s16  }
0xc: {  	s8 =	simm.s32 $0x7000;
	s5 =	smul.u32 $0x44000, s1;
	[dreg:$0xb] =	wrdreg s17  }
0xd: {  	s6 =	sshll.u32 s1, $0xC;
	s1 =	ssub.s32 $0x2, s1;
	[dreg:$0xc] =	wrdreg s18  }
0xe: {  	[dreg:$0xd] =	wrdreg s19;
	s12 =	simm.s32 $0x1000;
	s10 =	simm.s32 $0x1  }
0xf: {  	s17 =	simm.s32 $0x580;
	s18 =	simm.s32 $0x680;
	s19 =	simm.s32 $0xE00  }
0x10: {  	s16 =	simm.s32 $0xE80;
	s15 =	simm.s32 $0xF00;
	s6 =	sor.u32 s7, s6  }
0x11: {  	s20 =	sshrl.u32 s3, $0x3;
	s24 =	sshrl.u32 s1, $0x1;
	s9 =	sshrl.u32 s26, $0x2  }
0x12: {  	s7 =	simm.s32 $0x40;
	s26 =	simm.s32 $0xB80;
	s3 =	sadd.s32 s3, s5  }
0x13: {  	s21 =	sadd.s32 s6, s0;
	s22 =	sadd.s32 s20, s0;
	s1 =	ssub.s32 s1, s24  }
0x14: {  	s11 =	sadd.s32 s9, s2;
	s6 =	simm.s32 $0x2;
	s20 =	simm.s32 $0x280  }
0x15: {  	s9 =	simm.s32 $0x5000;
	s24 =	simm.s32 $0xA80;
	[dreg:$0x14] =	wrdreg s26  }
0x16: {  	s26 =	simm.s32 $0x400;
	s3 =	sshrl.u32 s3, $0x3;
	s23 =	sadd.s32 $0x38E00, s22  }
0x17: {  	s25 =	sadd.s32 $0xA2600, s21;
	s5 =	sadd.s32 $0xEE00, s21;
	[dreg:$0xe] =	wrdreg s20  }
0x18: {  	s1 =	smax.u32 s1, $0x1;
	s21 =	simm.s32 $0x300;
	[dreg:$0x12] =	wrdreg s24  }
0x19: {  	s22 =	simm.s32 $0x380;
	s24 =	simm.s32 $0xC80;
	[dreg:$0x3] =	wrdreg s23  }
0x1a: {  	s20 =	simm.s32 $0xD80;
	s0 =	sadd.s32 s3, s0;
	[dreg:$0x4] =	wrdreg s25  }
0x1b: {  	[dreg:$0x5] =	wrdreg s5;
	s3 =	sor.u32 $0x1C02, s14;
	s5 =	sshrl.u32 s11, $0x3  }
0x1c: {  	[dreg:$0xf] =	wrdreg s21;
	s11 =	simm.s32 $0x3000;
	p1 =	sne.s32 s1, $0x1  }
.Ltmp0:
0x1d: {  	[dreg:$0x10] =	wrdreg s22;
	s23 =	simm.s32 $0xA00;
	(pc) =	sbr.rel @!p1 .LBB2_1-.Ltmp0, $4  }
0x1e: {  	s25 =	simm.s32 $0xB00;
	s21 =	simm.s32 $0x700;
	[dreg:$0x11] =	wrdreg s23  }
0x1f: {  	s22 =	simm.s32 $0x780;
	s0 =	sadd.s32 $0xA4600, s0;
	[dreg:$0x13] =	wrdreg s25  }
0x20: {  	s14 =	simm.s32 $0xF80;
	s25 =	simm.s32 $0xC00;
	[dreg:$0x6] =	wrdreg s0  }
0x21: {  	s23 =	simm.s32 $0xD00;
	s0 =	sadd.s32 $0xFFFFFFFF, s1;
	s1 =	rddreg [dreg:$0x3]  }
0x22: {  	[spmem:s5], [sflag:s3] =	dma.local [hbm:s1], $0x880  }
0x23: {  	_ =	swait.ge [sflag:s6], $0x880  }
0x24: {  	[sflag:s6] =	ssyncset.done $0x0  }
0x25: {  	s13 =	rddreg [dreg:$0x4];
	[sflag:s6] =	ssyncadd.s32 $0xFFFFF780  }
0x26: {  	[tilespmem:s30], [sflag:$0x2] =	stream.linear.gather [hbm4b:s13+s30], $0x800, $0x38;
	[tilespmem:$0xD400] =	vst v63  }
0x27: {  	_ =	swait.ge [sflag:s6], $0x800  }
0x28: {  	[sflag:s6] =	ssyncset.done $0x0  }
0x29: {  	s13 =	rddreg [dreg:$0x5];
	[sflag:s6] =	ssyncadd.s32 $0xFFFFF800  }
0x2a: {  	[tilespmem:s31], [sflag:$0x2] =	stream.linear.gather [hbm4b:s13+s30], $0x800, $0x38;
	[tilespmem:$0xD400] =	vst v63  }
0x2b: {  	_ =	swait.ge [sflag:s6], $0x800  }
0x2c: {  	[sflag:s6] =	ssyncset.done $0x0  }
0x2d: {  	[sflag:s6] =	ssyncadd.s32 $0xFFFFF800  }
0x2e: {  	[bflag:$0x0] =	sbarrier.arrive $0xFFFF  }
0x2f: {  	[tilespmem:s12], [sflag:$0x1] =	stream.indirect.gather [hbm4b:s4+s7], $0x80, s30, s7, $0xb8;
	[tilespmem:$0xD400] =	vst v63  }
0x30: {  	s1 =	rddreg [dreg:$0x7]  }
0x31: {  	[tilespmem:s11], [sflag:$0x1] =	stream.indirect.gather [hbm4b:s4+s7], $0x80, s1, s7, $0xb8;
	[tilespmem:$0xD400] =	vst v63  }
0x32: {  	s13 =	smov.u32 s0;
	s0 =	rddreg [dreg:$0x8]  }
0x33: {  	[tilespmem:s9], [sflag:$0x1] =	stream.indirect.gather [hbm4b:s4+s7], $0x80, s0, s7, $0xb8;
	[tilespmem:$0xD400] =	vst v63  }
0x34: {  	s1 =	rddreg [dreg:$0x9]  }
0x35: {  	[tilespmem:s8], [sflag:$0x1] =	stream.indirect.gather [hbm4b:s4+s7], $0x80, s1, s7, $0xb8;
	[tilespmem:$0xD400] =	vst v63  }
0x36: {  	_ =	swait.ge [sflag:s10], $0x2000  }
0x37: {  	[sflag:s10] =	ssyncset.done $0x0  }
0x38: {  	[sflag:s10] =	ssyncadd.s32 $0xFFFFE000  }
0x39: {  	[spmem:s2] =	stream.indirect.scatter.add.f32 [tilespmem:s12], [sflag:$0x2], $0x80, s31, s7, $0xb8;
	[tilespmem:$0xD400] =	vst v63  }
0x3a: {  	_ =	swait.ge [sflag:s6], $0x2000  }
0x3b: {  	[sflag:s6] =	ssyncset.done $0x0  }
0x3c: {  	[sflag:s6] =	ssyncadd.s32 $0xFFFFE000  }
0x3d: {  	_ =	swait.ge [sflag:s10], $0x2000  }
0x3e: {  	[sflag:s10] =	ssyncset.done $0x0  }
0x3f: {  	s1 =	rddreg [dreg:$0xa];
	[sflag:s10] =	ssyncadd.s32 $0xFFFFE000  }
0x40: {  	[spmem:s2] =	stream.indirect.scatter.add.f32 [tilespmem:s11], [sflag:$0x2], $0x80, s1, s7, $0xb8;
	[tilespmem:$0xD400] =	vst v63  }
0x41: {  	_ =	swait.ge [sflag:s6], $0x2000  }
0x42: {  	[sflag:s6] =	ssyncset.done $0x0  }
0x43: {  	[sflag:s6] =	ssyncadd.s32 $0xFFFFE000  }
0x44: {  	_ =	swait.ge [sflag:s10], $0x2000  }
0x45: {  	[sflag:s10] =	ssyncset.done $0x0  }
0x46: {  	s1 =	rddreg [dreg:$0xb];
	[sflag:s10] =	ssyncadd.s32 $0xFFFFE000  }
0x47: {  	[spmem:s2] =	stream.indirect.scatter.add.f32 [tilespmem:s9], [sflag:$0x2], $0x80, s1, s7, $0xb8;
	[tilespmem:$0xD400] =	vst v63  }
0x48: {  	_ =	swait.ge [sflag:s6], $0x2000  }
0x49: {  	[sflag:s6] =	ssyncset.done $0x0  }
0x4a: {  	[sflag:s6] =	ssyncadd.s32 $0xFFFFE000  }
0x4b: {  	_ =	swait.ge [sflag:s10], $0x2000  }
0x4c: {  	[sflag:s10] =	ssyncset.done $0x0  }
0x4d: {  	s1 =	rddreg [dreg:$0xc];
	[sflag:s10] =	ssyncadd.s32 $0xFFFFE000  }
0x4e: {  	[spmem:s2] =	stream.indirect.scatter.add.f32 [tilespmem:s8], [sflag:$0x2], $0x80, s1, s7, $0xb8;
	[tilespmem:$0xD400] =	vst v63  }
0x4f: {  	_ =	swait.ge [sflag:s6], $0x2000  }
0x50: {  	[sflag:s6] =	ssyncset.done $0x0  }
0x51: {  	s0 =	rddreg [dreg:$0xd];
	[sflag:s6] =	ssyncadd.s32 $0xFFFFE000  }
0x52: {  	[tilespmem:s12], [sflag:$0x1] =	stream.indirect.gather [hbm4b:s4+s7], $0x80, s0, s7, $0xb8;
	[tilespmem:$0xD400] =	vst v63  }
0x53: {  	s1 =	rddreg [dreg:$0xe]  }
0x54: {  	[tilespmem:s11], [sflag:$0x1] =	stream.indirect.gather [hbm4b:s4+s7], $0x80, s1, s7, $0xb8;
	[tilespmem:$0xD400] =	vst v63  }
0x55: {  	s0 =	rddreg [dreg:$0xf]  }
0x56: {  	[tilespmem:s9], [sflag:$0x1] =	stream.indirect.gather [hbm4b:s4+s7], $0x80, s0, s7, $0xb8;
	[tilespmem:$0xD400] =	vst v63  }
0x57: {  	s1 =	rddreg [dreg:$0x10]  }
0x58: {  	[tilespmem:s8], [sflag:$0x1] =	stream.indirect.gather [hbm4b:s4+s7], $0x80, s1, s7, $0xb8;
	[tilespmem:$0xD400] =	vst v63  }
0x59: {  	_ =	swait.ge [sflag:s10], $0x2000  }
0x5a: {  	[sflag:s10] =	ssyncset.done $0x0  }
0x5b: {  	s1 =	rddreg [dreg:$0x11];
	[sflag:s10] =	ssyncadd.s32 $0xFFFFE000  }
0x5c: {  	[spmem:s2] =	stream.indirect.scatter.add.f32 [tilespmem:s12], [sflag:$0x2], $0x80, s1, s7, $0xb8;
	[tilespmem:$0xD400] =	vst v63  }
0x5d: {  	_ =	swait.ge [sflag:s6], $0x2000  }
0x5e: {  	[sflag:s6] =	ssyncset.done $0x0  }
0x5f: {  	[sflag:s6] =	ssyncadd.s32 $0xFFFFE000  }
0x60: {  	_ =	swait.ge [sflag:s10], $0x2000  }
0x61: {  	[sflag:s10] =	ssyncset.done $0x0  }
0x62: {  	s1 =	rddreg [dreg:$0x12];
	[sflag:s10] =	ssyncadd.s32 $0xFFFFE000  }
0x63: {  	[spmem:s2] =	stream.indirect.scatter.add.f32 [tilespmem:s11], [sflag:$0x2], $0x80, s1, s7, $0xb8;
	[tilespmem:$0xD400] =	vst v63  }
0x64: {  	_ =	swait.ge [sflag:s6], $0x2000  }
0x65: {  	[sflag:s6] =	ssyncset.done $0x0  }
0x66: {  	[sflag:s6] =	ssyncadd.s32 $0xFFFFE000  }
0x67: {  	_ =	swait.ge [sflag:s10], $0x2000  }
0x68: {  	[sflag:s10] =	ssyncset.done $0x0  }
0x69: {  	s1 =	rddreg [dreg:$0x13];
	[sflag:s10] =	ssyncadd.s32 $0xFFFFE000  }
0x6a: {  	[spmem:s2] =	stream.indirect.scatter.add.f32 [tilespmem:s9], [sflag:$0x2], $0x80, s1, s7, $0xb8;
	[tilespmem:$0xD400] =	vst v63  }
0x6b: {  	_ =	swait.ge [sflag:s6], $0x2000  }
0x6c: {  	[sflag:s6] =	ssyncset.done $0x0  }
0x6d: {  	[sflag:s6] =	ssyncadd.s32 $0xFFFFE000  }
0x6e: {  	_ =	swait.ge [sflag:s10], $0x2000  }
0x6f: {  	[sflag:s10] =	ssyncset.done $0x0  }
0x70: {  	s1 =	rddreg [dreg:$0x14];
	[sflag:s10] =	ssyncadd.s32 $0xFFFFE000  }
0x71: {  	[spmem:s2] =	stream.indirect.scatter.add.f32 [tilespmem:s8], [sflag:$0x2], $0x80, s1, s7, $0xb8;
	[tilespmem:$0xD400] =	vst v63  }
0x72: {  	_ =	swait.ge [sflag:s6], $0x2000  }
0x73: {  	[sflag:s6] =	ssyncset.done $0x0  }
0x74: {  	[sflag:s6] =	ssyncadd.s32 $0xFFFFE000  }
0x75: {  	[tilespmem:s12], [sflag:$0x1] =	stream.indirect.gather [hbm4b:s4+s7], $0x80, s26, s7, $0xb8;
	[tilespmem:$0xD400] =	vst v63  }
0x76: {  	_ = 	snop  }
0x77: {  	[tilespmem:s11], [sflag:$0x1] =	stream.indirect.gather [hbm4b:s4+s7], $0x80, s28, s7, $0xb8;
	[tilespmem:$0xD400] =	vst v63  }
0x78: {  	_ = 	snop  }
0x79: {  	[tilespmem:s9], [sflag:$0x1] =	stream.indirect.gather [hbm4b:s4+s7], $0x80, s29, s7, $0xb8;
	[tilespmem:$0xD400] =	vst v63  }
0x7a: {  	_ = 	snop  }
0x7b: {  	[tilespmem:s8], [sflag:$0x1] =	stream.indirect.gather [hbm4b:s4+s7], $0x80, s17, s7, $0xb8;
	[tilespmem:$0xD400] =	vst v63  }
0x7c: {  	_ =	swait.ge [sflag:s10], $0x2000  }
0x7d: {  	[sflag:s10] =	ssyncset.done $0x0  }
0x7e: {  	[sflag:s10] =	ssyncadd.s32 $0xFFFFE000  }
0x7f: {  	[spmem:s2] =	stream.indirect.scatter.add.f32 [tilespmem:s12], [sflag:$0x2], $0x80, s25, s7, $0xb8;
	[tilespmem:$0xD400] =	vst v63  }
0x80: {  	_ =	swait.ge [sflag:s6], $0x2000  }
0x81: {  	[sflag:s6] =	ssyncset.done $0x0  }
0x82: {  	[sflag:s6] =	ssyncadd.s32 $0xFFFFE000  }
0x83: {  	_ =	swait.ge [sflag:s10], $0x2000  }
0x84: {  	[sflag:s10] =	ssyncset.done $0x0  }
0x85: {  	[sflag:s10] =	ssyncadd.s32 $0xFFFFE000  }
0x86: {  	[spmem:s2] =	stream.indirect.scatter.add.f32 [tilespmem:s11], [sflag:$0x2], $0x80, s24, s7, $0xb8;
	[tilespmem:$0xD400] =	vst v63  }
0x87: {  	_ =	swait.ge [sflag:s6], $0x2000  }
0x88: {  	[sflag:s6] =	ssyncset.done $0x0  }
0x89: {  	[sflag:s6] =	ssyncadd.s32 $0xFFFFE000  }
0x8a: {  	_ =	swait.ge [sflag:s10], $0x2000  }
0x8b: {  	[sflag:s10] =	ssyncset.done $0x0  }
0x8c: {  	[sflag:s10] =	ssyncadd.s32 $0xFFFFE000  }
0x8d: {  	[spmem:s2] =	stream.indirect.scatter.add.f32 [tilespmem:s9], [sflag:$0x2], $0x80, s23, s7, $0xb8;
	[tilespmem:$0xD400] =	vst v63  }
0x8e: {  	_ =	swait.ge [sflag:s6], $0x2000  }
0x8f: {  	[sflag:s6] =	ssyncset.done $0x0  }
0x90: {  	[sflag:s6] =	ssyncadd.s32 $0xFFFFE000  }
0x91: {  	_ =	swait.ge [sflag:s10], $0x2000  }
0x92: {  	[sflag:s10] =	ssyncset.done $0x0  }
0x93: {  	[sflag:s10] =	ssyncadd.s32 $0xFFFFE000  }
0x94: {  	[spmem:s2] =	stream.indirect.scatter.add.f32 [tilespmem:s8], [sflag:$0x2], $0x80, s20, s7, $0xb8;
	[tilespmem:$0xD400] =	vst v63  }
0x95: {  	_ =	swait.ge [sflag:s6], $0x2000  }
0x96: {  	[sflag:s6] =	ssyncset.done $0x0  }
0x97: {  	s1 =	simm.s32 $0x600;
	[sflag:s6] =	ssyncadd.s32 $0xFFFFE000  }
0x98: {  	[tilespmem:s12], [sflag:$0x1] =	stream.indirect.gather [hbm4b:s4+s7], $0x80, s1, s7, $0xb8;
	[tilespmem:$0xD400] =	vst v63  }
0x99: {  	_ = 	snop  }
0x9a: {  	[tilespmem:s11], [sflag:$0x1] =	stream.indirect.gather [hbm4b:s4+s7], $0x80, s18, s7, $0xb8;
	[tilespmem:$0xD400] =	vst v63  }
0x9b: {  	_ = 	snop  }
0x9c: {  	[tilespmem:s9], [sflag:$0x1] =	stream.indirect.gather [hbm4b:s4+s7], $0x80, s21, s7, $0xb8;
	[tilespmem:$0xD400] =	vst v63  }
0x9d: {  	_ = 	snop  }
0x9e: {  	[tilespmem:s8], [sflag:$0x1] =	stream.indirect.gather [hbm4b:s4+s7], $0x80, s22, s7, $0xb8;
	[tilespmem:$0xD400] =	vst v63  }
0x9f: {  	_ =	swait.ge [sflag:s10], $0x2000  }
0xa0: {  	[sflag:s10] =	ssyncset.done $0x0  }
0xa1: {  	[sflag:s10] =	ssyncadd.s32 $0xFFFFE000  }
0xa2: {  	[spmem:s2] =	stream.indirect.scatter.add.f32 [tilespmem:s12], [sflag:$0x2], $0x80, s19, s7, $0xb8;
	[tilespmem:$0xD400] =	vst v63  }
0xa3: {  	_ =	swait.ge [sflag:s6], $0x2000  }
0xa4: {  	[sflag:s6] =	ssyncset.done $0x0  }
0xa5: {  	[sflag:s6] =	ssyncadd.s32 $0xFFFFE000  }
0xa6: {  	_ =	swait.ge [sflag:s10], $0x2000  }
0xa7: {  	[sflag:s10] =	ssyncset.done $0x0  }
0xa8: {  	[sflag:s10] =	ssyncadd.s32 $0xFFFFE000  }
0xa9: {  	[spmem:s2] =	stream.indirect.scatter.add.f32 [tilespmem:s11], [sflag:$0x2], $0x80, s16, s7, $0xb8;
	[tilespmem:$0xD400] =	vst v63  }
0xaa: {  	_ =	swait.ge [sflag:s6], $0x2000  }
0xab: {  	[sflag:s6] =	ssyncset.done $0x0  }
0xac: {  	[sflag:s6] =	ssyncadd.s32 $0xFFFFE000  }
0xad: {  	_ =	swait.ge [sflag:s10], $0x2000  }
0xae: {  	[sflag:s10] =	ssyncset.done $0x0  }
0xaf: {  	[sflag:s10] =	ssyncadd.s32 $0xFFFFE000  }
0xb0: {  	[spmem:s2] =	stream.indirect.scatter.add.f32 [tilespmem:s9], [sflag:$0x2], $0x80, s15, s7, $0xb8;
	[tilespmem:$0xD400] =	vst v63  }
0xb1: {  	_ =	swait.ge [sflag:s6], $0x2000  }
0xb2: {  	[sflag:s6] =	ssyncset.done $0x0  }
0xb3: {  	[sflag:s6] =	ssyncadd.s32 $0xFFFFE000  }
0xb4: {  	_ =	swait.ge [sflag:s10], $0x2000  }
0xb5: {  	[sflag:s10] =	ssyncset.done $0x0  }
0xb6: {  	[sflag:s10] =	ssyncadd.s32 $0xFFFFE000  }
0xb7: {  	[spmem:s2] =	stream.indirect.scatter.add.f32 [tilespmem:s8], [sflag:$0x2], $0x80, s14, s7, $0xb8;
	[tilespmem:$0xD400] =	vst v63  }
0xb8: {  	_ =	swait.ge [sflag:s6], $0x2000  }
0xb9: {  	[sflag:s6] =	ssyncset.done $0x0  }
0xba: {  	p1 =	sne.s32 s13, $0x1;
	[sflag:s6] =	ssyncadd.s32 $0xFFFFE000  }
.Ltmp1:
0xbb: {  	[bflag:$0x0] =	sbarrier.arrive $0xFFFF;
	(pc) =	sbr.rel @!p1 .LBB2_3-.Ltmp1, $4  }
0xbc: {  	s1 =	rddreg [dreg:$0x6]  }
0xbd: {  	[hbm:s1], [sflag:s3] =	dma.local [spmem:s5], $0x880  }
0xbe: {  	p0 =	por $0x1, $0x1;
	_ =	swait.ge [sflag:s6], $0x880  }
0xbf: {  	s0 =	sadd.s32 $0xFFFFFFFF, s13;
	s1 =	rddreg [dreg:$0x3];
	[sflag:s6] =	ssyncset.done $0x0  }
.LBB2_4:
0xc0: {  	[sflag:s6] =	ssyncadd.s32 $0xFFFFF780  }
0xc1: {  	[spmem:s5], [sflag:s3] =	dma.local [hbm:s1], $0x880  }
0xc2: {  	_ =	swait.ge [sflag:s6], $0x880  }
0xc3: {  	[sflag:s6] =	ssyncset.done $0x0  }
0xc4: {  	s13 =	rddreg [dreg:$0x4];
	[sflag:s6] =	ssyncadd.s32 $0xFFFFF780  }
0xc5: {  	[tilespmem:s30], [sflag:$0x2] =	stream.linear.gather [hbm4b:s13+s30], $0x800, $0x38;
	[tilespmem:$0xD400] =	vst v63  }
0xc6: {  	_ =	swait.ge [sflag:s6], $0x800  }
0xc7: {  	[sflag:s6] =	ssyncset.done $0x0  }
0xc8: {  	s13 =	rddreg [dreg:$0x5];
	[sflag:s6] =	ssyncadd.s32 $0xFFFFF800  }
0xc9: {  	[tilespmem:s31], [sflag:$0x2] =	stream.linear.gather [hbm4b:s13+s30], $0x800, $0x38;
	[tilespmem:$0xD400] =	vst v63  }
0xca: {  	_ =	swait.ge [sflag:s6], $0x800  }
0xcb: {  	[sflag:s6] =	ssyncset.done $0x0  }
0xcc: {  	[sflag:s6] =	ssyncadd.s32 $0xFFFFF800  }
0xcd: {  	[bflag:$0x0] =	sbarrier.arrive $0xFFFF  }
0xce: {  	[tilespmem:s12], [sflag:$0x1] =	stream.indirect.gather [hbm4b:s4+s7], $0x80, s30, s7, $0xb8;
	[tilespmem:$0xD400] =	vst v63  }
0xcf: {  	s1 =	rddreg [dreg:$0x7]  }
0xd0: {  	[tilespmem:s11], [sflag:$0x1] =	stream.indirect.gather [hbm4b:s4+s7], $0x80, s1, s7, $0xb8;
	[tilespmem:$0xD400] =	vst v63  }
0xd1: {  	s13 =	rddreg [dreg:$0x8]  }
0xd2: {  	[tilespmem:s9], [sflag:$0x1] =	stream.indirect.gather [hbm4b:s4+s7], $0x80, s13, s7, $0xb8;
	[tilespmem:$0xD400] =	vst v63  }
0xd3: {  	s1 =	rddreg [dreg:$0x9]  }
0xd4: {  	[tilespmem:s8], [sflag:$0x1] =	stream.indirect.gather [hbm4b:s4+s7], $0x80, s1, s7, $0xb8;
	[tilespmem:$0xD400] =	vst v63  }
0xd5: {  	_ =	swait.ge [sflag:s10], $0x2000  }
0xd6: {  	[sflag:s10] =	ssyncset.done $0x0  }
0xd7: {  	[sflag:s10] =	ssyncadd.s32 $0xFFFFE000  }
0xd8: {  	[spmem:s2] =	stream.indirect.scatter.add.f32 [tilespmem:s12], [sflag:$0x2], $0x80, s31, s7, $0xb8;
	[tilespmem:$0xD400] =	vst v63  }
0xd9: {  	_ =	swait.ge [sflag:s6], $0x2000  }
0xda: {  	[sflag:s6] =	ssyncset.done $0x0  }
0xdb: {  	[sflag:s6] =	ssyncadd.s32 $0xFFFFE000  }
0xdc: {  	_ =	swait.ge [sflag:s10], $0x2000  }
0xdd: {  	[sflag:s10] =	ssyncset.done $0x0  }
0xde: {  	s13 =	rddreg [dreg:$0xa];
	[sflag:s10] =	ssyncadd.s32 $0xFFFFE000  }
0xdf: {  	[spmem:s2] =	stream.indirect.scatter.add.f32 [tilespmem:s11], [sflag:$0x2], $0x80, s13, s7, $0xb8;
	[tilespmem:$0xD400] =	vst v63  }
0xe0: {  	_ =	swait.ge [sflag:s6], $0x2000  }
0xe1: {  	[sflag:s6] =	ssyncset.done $0x0  }
0xe2: {  	[sflag:s6] =	ssyncadd.s32 $0xFFFFE000  }
0xe3: {  	_ =	swait.ge [sflag:s10], $0x2000  }
0xe4: {  	[sflag:s10] =	ssyncset.done $0x0  }
0xe5: {  	s13 =	rddreg [dreg:$0xb];
	[sflag:s10] =	ssyncadd.s32 $0xFFFFE000  }
0xe6: {  	[spmem:s2] =	stream.indirect.scatter.add.f32 [tilespmem:s9], [sflag:$0x2], $0x80, s13, s7, $0xb8;
	[tilespmem:$0xD400] =	vst v63  }
0xe7: {  	_ =	swait.ge [sflag:s6], $0x2000  }
0xe8: {  	[sflag:s6] =	ssyncset.done $0x0  }
0xe9: {  	[sflag:s6] =	ssyncadd.s32 $0xFFFFE000  }
0xea: {  	_ =	swait.ge [sflag:s10], $0x2000  }
0xeb: {  	[sflag:s10] =	ssyncset.done $0x0  }
0xec: {  	s13 =	rddreg [dreg:$0xc];
	[sflag:s10] =	ssyncadd.s32 $0xFFFFE000  }
0xed: {  	[spmem:s2] =	stream.indirect.scatter.add.f32 [tilespmem:s8], [sflag:$0x2], $0x80, s13, s7, $0xb8;
	[tilespmem:$0xD400] =	vst v63  }
0xee: {  	_ =	swait.ge [sflag:s6], $0x2000  }
0xef: {  	[sflag:s6] =	ssyncset.done $0x0  }
0xf0: {  	s1 =	rddreg [dreg:$0xd];
	[sflag:s6] =	ssyncadd.s32 $0xFFFFE000  }
0xf1: {  	[tilespmem:s12], [sflag:$0x1] =	stream.indirect.gather [hbm4b:s4+s7], $0x80, s1, s7, $0xb8;
	[tilespmem:$0xD400] =	vst v63  }
0xf2: {  	s13 =	rddreg [dreg:$0xe]  }
0xf3: {  	[tilespmem:s11], [sflag:$0x1] =	stream.indirect.gather [hbm4b:s4+s7], $0x80, s13, s7, $0xb8;
	[tilespmem:$0xD400] =	vst v63  }
0xf4: {  	s1 =	rddreg [dreg:$0xf]  }
0xf5: {  	[tilespmem:s9], [sflag:$0x1] =	stream.indirect.gather [hbm4b:s4+s7], $0x80, s1, s7, $0xb8;
	[tilespmem:$0xD400] =	vst v63  }
0xf6: {  	s13 =	rddreg [dreg:$0x10]  }
0xf7: {  	[tilespmem:s8], [sflag:$0x1] =	stream.indirect.gather [hbm4b:s4+s7], $0x80, s13, s7, $0xb8;
	[tilespmem:$0xD400] =	vst v63  }
0xf8: {  	_ =	swait.ge [sflag:s10], $0x2000  }
0xf9: {  	[sflag:s10] =	ssyncset.done $0x0  }
0xfa: {  	s13 =	rddreg [dreg:$0x11];
	[sflag:s10] =	ssyncadd.s32 $0xFFFFE000  }
0xfb: {  	[spmem:s2] =	stream.indirect.scatter.add.f32 [tilespmem:s12], [sflag:$0x2], $0x80, s13, s7, $0xb8;
	[tilespmem:$0xD400] =	vst v63  }
0xfc: {  	_ =	swait.ge [sflag:s6], $0x2000  }
0xfd: {  	[sflag:s6] =	ssyncset.done $0x0  }
0xfe: {  	[sflag:s6] =	ssyncadd.s32 $0xFFFFE000  }
0xff: {  	_ =	swait.ge [sflag:s10], $0x2000  }
0x100: {  	[sflag:s10] =	ssyncset.done $0x0  }
0x101: {  	s13 =	rddreg [dreg:$0x12];
	[sflag:s10] =	ssyncadd.s32 $0xFFFFE000  }
0x102: {  	[spmem:s2] =	stream.indirect.scatter.add.f32 [tilespmem:s11], [sflag:$0x2], $0x80, s13, s7, $0xb8;
	[tilespmem:$0xD400] =	vst v63  }
0x103: {  	_ =	swait.ge [sflag:s6], $0x2000  }
0x104: {  	[sflag:s6] =	ssyncset.done $0x0  }
0x105: {  	[sflag:s6] =	ssyncadd.s32 $0xFFFFE000  }
0x106: {  	_ =	swait.ge [sflag:s10], $0x2000  }
0x107: {  	[sflag:s10] =	ssyncset.done $0x0  }
0x108: {  	s13 =	rddreg [dreg:$0x13];
	[sflag:s10] =	ssyncadd.s32 $0xFFFFE000  }
0x109: {  	[spmem:s2] =	stream.indirect.scatter.add.f32 [tilespmem:s9], [sflag:$0x2], $0x80, s13, s7, $0xb8;
	[tilespmem:$0xD400] =	vst v63  }
0x10a: {  	_ =	swait.ge [sflag:s6], $0x2000  }
0x10b: {  	[sflag:s6] =	ssyncset.done $0x0  }
0x10c: {  	[sflag:s6] =	ssyncadd.s32 $0xFFFFE000  }
0x10d: {  	_ =	swait.ge [sflag:s10], $0x2000  }
0x10e: {  	[sflag:s10] =	ssyncset.done $0x0  }
0x10f: {  	s13 =	rddreg [dreg:$0x14];
	[sflag:s10] =	ssyncadd.s32 $0xFFFFE000  }
0x110: {  	[spmem:s2] =	stream.indirect.scatter.add.f32 [tilespmem:s8], [sflag:$0x2], $0x80, s13, s7, $0xb8;
	[tilespmem:$0xD400] =	vst v63  }
0x111: {  	_ =	swait.ge [sflag:s6], $0x2000  }
0x112: {  	[sflag:s6] =	ssyncset.done $0x0  }
0x113: {  	[sflag:s6] =	ssyncadd.s32 $0xFFFFE000  }
0x114: {  	[tilespmem:s12], [sflag:$0x1] =	stream.indirect.gather [hbm4b:s4+s7], $0x80, s26, s7, $0xb8;
	[tilespmem:$0xD400] =	vst v63  }
0x115: {  	_ = 	snop  }
0x116: {  	[tilespmem:s11], [sflag:$0x1] =	stream.indirect.gather [hbm4b:s4+s7], $0x80, s28, s7, $0xb8;
	[tilespmem:$0xD400] =	vst v63  }
0x117: {  	_ = 	snop  }
0x118: {  	[tilespmem:s9], [sflag:$0x1] =	stream.indirect.gather [hbm4b:s4+s7], $0x80, s29, s7, $0xb8;
	[tilespmem:$0xD400] =	vst v63  }
0x119: {  	_ = 	snop  }
0x11a: {  	[tilespmem:s8], [sflag:$0x1] =	stream.indirect.gather [hbm4b:s4+s7], $0x80, s17, s7, $0xb8;
	[tilespmem:$0xD400] =	vst v63  }
0x11b: {  	_ =	swait.ge [sflag:s10], $0x2000  }
0x11c: {  	[sflag:s10] =	ssyncset.done $0x0  }
0x11d: {  	[sflag:s10] =	ssyncadd.s32 $0xFFFFE000  }
0x11e: {  	[spmem:s2] =	stream.indirect.scatter.add.f32 [tilespmem:s12], [sflag:$0x2], $0x80, s25, s7, $0xb8;
	[tilespmem:$0xD400] =	vst v63  }
0x11f: {  	_ =	swait.ge [sflag:s6], $0x2000  }
0x120: {  	[sflag:s6] =	ssyncset.done $0x0  }
0x121: {  	[sflag:s6] =	ssyncadd.s32 $0xFFFFE000  }
0x122: {  	_ =	swait.ge [sflag:s10], $0x2000  }
0x123: {  	[sflag:s10] =	ssyncset.done $0x0  }
0x124: {  	[sflag:s10] =	ssyncadd.s32 $0xFFFFE000  }
0x125: {  	[spmem:s2] =	stream.indirect.scatter.add.f32 [tilespmem:s11], [sflag:$0x2], $0x80, s24, s7, $0xb8;
	[tilespmem:$0xD400] =	vst v63  }
0x126: {  	_ =	swait.ge [sflag:s6], $0x2000  }
0x127: {  	[sflag:s6] =	ssyncset.done $0x0  }
0x128: {  	[sflag:s6] =	ssyncadd.s32 $0xFFFFE000  }
0x129: {  	_ =	swait.ge [sflag:s10], $0x2000  }
0x12a: {  	[sflag:s10] =	ssyncset.done $0x0  }
0x12b: {  	[sflag:s10] =	ssyncadd.s32 $0xFFFFE000  }
0x12c: {  	[spmem:s2] =	stream.indirect.scatter.add.f32 [tilespmem:s9], [sflag:$0x2], $0x80, s23, s7, $0xb8;
	[tilespmem:$0xD400] =	vst v63  }
0x12d: {  	_ =	swait.ge [sflag:s6], $0x2000  }
0x12e: {  	[sflag:s6] =	ssyncset.done $0x0  }
0x12f: {  	[sflag:s6] =	ssyncadd.s32 $0xFFFFE000  }
0x130: {  	_ =	swait.ge [sflag:s10], $0x2000  }
0x131: {  	[sflag:s10] =	ssyncset.done $0x0  }
0x132: {  	[sflag:s10] =	ssyncadd.s32 $0xFFFFE000  }
0x133: {  	[spmem:s2] =	stream.indirect.scatter.add.f32 [tilespmem:s8], [sflag:$0x2], $0x80, s20, s7, $0xb8;
	[tilespmem:$0xD400] =	vst v63  }
0x134: {  	_ =	swait.ge [sflag:s6], $0x2000  }
0x135: {  	[sflag:s6] =	ssyncset.done $0x0  }
0x136: {  	s13 =	simm.s32 $0x600;
	[sflag:s6] =	ssyncadd.s32 $0xFFFFE000  }
0x137: {  	[tilespmem:s12], [sflag:$0x1] =	stream.indirect.gather [hbm4b:s4+s7], $0x80, s13, s7, $0xb8;
	[tilespmem:$0xD400] =	vst v63  }
0x138: {  	_ = 	snop  }
0x139: {  	[tilespmem:s11], [sflag:$0x1] =	stream.indirect.gather [hbm4b:s4+s7], $0x80, s18, s7, $0xb8;
	[tilespmem:$0xD400] =	vst v63  }
0x13a: {  	_ = 	snop  }
0x13b: {  	[tilespmem:s9], [sflag:$0x1] =	stream.indirect.gather [hbm4b:s4+s7], $0x80, s21, s7, $0xb8;
	[tilespmem:$0xD400] =	vst v63  }
0x13c: {  	_ = 	snop  }
0x13d: {  	[tilespmem:s8], [sflag:$0x1] =	stream.indirect.gather [hbm4b:s4+s7], $0x80, s22, s7, $0xb8;
	[tilespmem:$0xD400] =	vst v63  }
0x13e: {  	_ =	swait.ge [sflag:s10], $0x2000  }
0x13f: {  	[sflag:s10] =	ssyncset.done $0x0  }
0x140: {  	[sflag:s10] =	ssyncadd.s32 $0xFFFFE000  }
0x141: {  	[spmem:s2] =	stream.indirect.scatter.add.f32 [tilespmem:s12], [sflag:$0x2], $0x80, s19, s7, $0xb8;
	[tilespmem:$0xD400] =	vst v63  }
0x142: {  	_ =	swait.ge [sflag:s6], $0x2000  }
0x143: {  	[sflag:s6] =	ssyncset.done $0x0  }
0x144: {  	[sflag:s6] =	ssyncadd.s32 $0xFFFFE000  }
0x145: {  	_ =	swait.ge [sflag:s10], $0x2000  }
0x146: {  	[sflag:s10] =	ssyncset.done $0x0  }
0x147: {  	[sflag:s10] =	ssyncadd.s32 $0xFFFFE000  }
0x148: {  	[spmem:s2] =	stream.indirect.scatter.add.f32 [tilespmem:s11], [sflag:$0x2], $0x80, s16, s7, $0xb8;
	[tilespmem:$0xD400] =	vst v63  }
0x149: {  	_ =	swait.ge [sflag:s6], $0x2000  }
0x14a: {  	[sflag:s6] =	ssyncset.done $0x0  }
0x14b: {  	[sflag:s6] =	ssyncadd.s32 $0xFFFFE000  }
0x14c: {  	_ =	swait.ge [sflag:s10], $0x2000  }
0x14d: {  	[sflag:s10] =	ssyncset.done $0x0  }
0x14e: {  	[sflag:s10] =	ssyncadd.s32 $0xFFFFE000  }
0x14f: {  	[spmem:s2] =	stream.indirect.scatter.add.f32 [tilespmem:s9], [sflag:$0x2], $0x80, s15, s7, $0xb8;
	[tilespmem:$0xD400] =	vst v63  }
0x150: {  	_ =	swait.ge [sflag:s6], $0x2000  }
0x151: {  	[sflag:s6] =	ssyncset.done $0x0  }
0x152: {  	[sflag:s6] =	ssyncadd.s32 $0xFFFFE000  }
0x153: {  	_ =	swait.ge [sflag:s10], $0x2000  }
0x154: {  	[sflag:s10] =	ssyncset.done $0x0  }
0x155: {  	[sflag:s10] =	ssyncadd.s32 $0xFFFFE000  }
0x156: {  	[spmem:s2] =	stream.indirect.scatter.add.f32 [tilespmem:s8], [sflag:$0x2], $0x80, s14, s7, $0xb8;
	[tilespmem:$0xD400] =	vst v63  }
0x157: {  	_ =	swait.ge [sflag:s6], $0x2000  }
0x158: {  	[sflag:s6] =	ssyncset.done $0x0  }
0x159: {  	p1 =	sne.s32 s0, $0x1;
	[sflag:s6] =	ssyncadd.s32 $0xFFFFE000  }
.Ltmp2:
0x15a: {  	[bflag:$0x0] =	sbarrier.arrive $0xFFFF;
	(pc) =	sbr.rel @p1 .LBB2_4-.Ltmp2, $4  }
0x15b: {  	s13 =	rddreg [dreg:$0x6]  }
0x15c: {  	[hbm:s13], [sflag:s3] =	dma.local [spmem:s5], $0x880  }
0x15d: {  	_ =	swait.ge [sflag:s6], $0x880  }
0x15e: {  	s0 =	sadd.s32 $0xFFFFFFFF, s0;
	s1 =	rddreg [dreg:$0x3];
	[sflag:s6] =	ssyncset.done $0x0  }
0x15f: {  	s14 =	simm.s32 $0x580  }
0x160: {  	s29 =	simm.s32 $0x500;
	s28 =	simm.s32 $0x480;
	s26 =	simm.s32 $0x400  }
0x161: {  	s25 =	simm.s32 $0xC00;
	s24 =	simm.s32 $0xC80;
	s23 =	simm.s32 $0xD00  }
0x162: {  	s22 =	simm.s32 $0x780;
	s21 =	simm.s32 $0x700;
	s20 =	simm.s32 $0xD80  }
0x163: {  	s19 =	simm.s32 $0xE00;
	s18 =	simm.s32 $0x680;
	s17 =	simm.s32 $0x600  }
0x164: {  	s16 =	simm.s32 $0xE80;
	s15 =	simm.s32 $0xF00;
	s13 =	rddreg [dreg:$0x2]  }
.LBB2_6:
0x165: {  	[sflag:s6] =	ssyncadd.s32 @p0 $0xFFFFF780  }
0x166: {  	[spmem:s5], [sflag:s3] =	dma.local [hbm:s1], $0x880  }
0x167: {  	_ =	swait.ge [sflag:s6], $0x880  }
0x168: {  	[sflag:s6] =	ssyncset.done $0x0  }
0x169: {  	s0 =	rddreg [dreg:$0x4];
	[sflag:s6] =	ssyncadd.s32 $0xFFFFF780  }
0x16a: {  	[tilespmem:s30], [sflag:$0x2] =	stream.linear.gather [hbm4b:s0+s30], $0x800, $0x38;
	[tilespmem:$0xD400] =	vst v63  }
0x16b: {  	_ =	swait.ge [sflag:s6], $0x800  }
0x16c: {  	[sflag:s6] =	ssyncset.done $0x0  }
0x16d: {  	s1 =	rddreg [dreg:$0x5];
	[sflag:s6] =	ssyncadd.s32 $0xFFFFF800  }
0x16e: {  	[tilespmem:s31], [sflag:$0x2] =	stream.linear.gather [hbm4b:s1+s30], $0x800, $0x38;
	[tilespmem:$0xD400] =	vst v63  }
0x16f: {  	_ =	swait.ge [sflag:s6], $0x800  }
0x170: {  	[sflag:s6] =	ssyncset.done $0x0  }
0x171: {  	[sflag:s6] =	ssyncadd.s32 $0xFFFFF800  }
0x172: {  	[bflag:$0x0] =	sbarrier.arrive $0xFFFF  }
0x173: {  	[tilespmem:s12], [sflag:$0x1] =	stream.indirect.gather [hbm4b:s4+s7], $0x80, s30, s7, $0xb8;
	[tilespmem:$0xD400] =	vst v63  }
0x174: {  	s0 =	rddreg [dreg:$0x7]  }
0x175: {  	[tilespmem:s11], [sflag:$0x1] =	stream.indirect.gather [hbm4b:s4+s7], $0x80, s0, s7, $0xb8;
	[tilespmem:$0xD400] =	vst v63  }
0x176: {  	s1 =	rddreg [dreg:$0x8]  }
0x177: {  	[tilespmem:s9], [sflag:$0x1] =	stream.indirect.gather [hbm4b:s4+s7], $0x80, s1, s7, $0xb8;
	[tilespmem:$0xD400] =	vst v63  }
0x178: {  	s30 =	rddreg [dreg:$0x9]  }
0x179: {  	[tilespmem:s8], [sflag:$0x1] =	stream.indirect.gather [hbm4b:s4+s7], $0x80, s30, s7, $0xb8;
	[tilespmem:$0xD400] =	vst v63  }
0x17a: {  	_ =	swait.ge [sflag:s10], $0x2000  }
0x17b: {  	[sflag:s10] =	ssyncset.done $0x0  }
0x17c: {  	[sflag:s10] =	ssyncadd.s32 $0xFFFFE000  }
0x17d: {  	[spmem:s2] =	stream.indirect.scatter.add.f32 [tilespmem:s12], [sflag:$0x2], $0x80, s31, s7, $0xb8;
	[tilespmem:$0xD400] =	vst v63  }
0x17e: {  	_ =	swait.ge [sflag:s6], $0x2000  }
0x17f: {  	[sflag:s6] =	ssyncset.done $0x0  }
0x180: {  	[sflag:s6] =	ssyncadd.s32 $0xFFFFE000  }
0x181: {  	_ =	swait.ge [sflag:s10], $0x2000  }
0x182: {  	[sflag:s10] =	ssyncset.done $0x0  }
0x183: {  	s30 =	rddreg [dreg:$0xa];
	[sflag:s10] =	ssyncadd.s32 $0xFFFFE000  }
0x184: {  	[spmem:s2] =	stream.indirect.scatter.add.f32 [tilespmem:s11], [sflag:$0x2], $0x80, s30, s7, $0xb8;
	[tilespmem:$0xD400] =	vst v63  }
0x185: {  	_ =	swait.ge [sflag:s6], $0x2000  }
0x186: {  	[sflag:s6] =	ssyncset.done $0x0  }
0x187: {  	[sflag:s6] =	ssyncadd.s32 $0xFFFFE000  }
0x188: {  	_ =	swait.ge [sflag:s10], $0x2000  }
0x189: {  	[sflag:s10] =	ssyncset.done $0x0  }
0x18a: {  	s31 =	rddreg [dreg:$0xb];
	[sflag:s10] =	ssyncadd.s32 $0xFFFFE000  }
0x18b: {  	[spmem:s2] =	stream.indirect.scatter.add.f32 [tilespmem:s9], [sflag:$0x2], $0x80, s31, s7, $0xb8;
	[tilespmem:$0xD400] =	vst v63  }
0x18c: {  	_ =	swait.ge [sflag:s6], $0x2000  }
0x18d: {  	[sflag:s6] =	ssyncset.done $0x0  }
0x18e: {  	[sflag:s6] =	ssyncadd.s32 $0xFFFFE000  }
0x18f: {  	_ =	swait.ge [sflag:s10], $0x2000  }
0x190: {  	[sflag:s10] =	ssyncset.done $0x0  }
0x191: {  	s1 =	rddreg [dreg:$0xc];
	[sflag:s10] =	ssyncadd.s32 $0xFFFFE000  }
0x192: {  	[spmem:s2] =	stream.indirect.scatter.add.f32 [tilespmem:s8], [sflag:$0x2], $0x80, s1, s7, $0xb8;
	[tilespmem:$0xD400] =	vst v63  }
0x193: {  	_ =	swait.ge [sflag:s6], $0x2000  }
0x194: {  	[sflag:s6] =	ssyncset.done $0x0  }
0x195: {  	s30 =	rddreg [dreg:$0xd];
	[sflag:s6] =	ssyncadd.s32 $0xFFFFE000  }
0x196: {  	[tilespmem:s12], [sflag:$0x1] =	stream.indirect.gather [hbm4b:s4+s7], $0x80, s30, s7, $0xb8;
	[tilespmem:$0xD400] =	vst v63  }
0x197: {  	s31 =	rddreg [dreg:$0xe]  }
0x198: {  	[tilespmem:s11], [sflag:$0x1] =	stream.indirect.gather [hbm4b:s4+s7], $0x80, s31, s7, $0xb8;
	[tilespmem:$0xD400] =	vst v63  }
0x199: {  	s30 =	rddreg [dreg:$0xf]  }
0x19a: {  	[tilespmem:s9], [sflag:$0x1] =	stream.indirect.gather [hbm4b:s4+s7], $0x80, s30, s7, $0xb8;
	[tilespmem:$0xD400] =	vst v63  }
0x19b: {  	s31 =	rddreg [dreg:$0x10]  }
0x19c: {  	[tilespmem:s8], [sflag:$0x1] =	stream.indirect.gather [hbm4b:s4+s7], $0x80, s31, s7, $0xb8;
	[tilespmem:$0xD400] =	vst v63  }
0x19d: {  	_ =	swait.ge [sflag:s10], $0x2000  }
0x19e: {  	[sflag:s10] =	ssyncset.done $0x0  }
0x19f: {  	s1 =	rddreg [dreg:$0x11];
	[sflag:s10] =	ssyncadd.s32 $0xFFFFE000  }
0x1a0: {  	[spmem:s2] =	stream.indirect.scatter.add.f32 [tilespmem:s12], [sflag:$0x2], $0x80, s1, s7, $0xb8;
	[tilespmem:$0xD400] =	vst v63  }
0x1a1: {  	_ =	swait.ge [sflag:s6], $0x2000  }
0x1a2: {  	[sflag:s6] =	ssyncset.done $0x0  }
0x1a3: {  	[sflag:s6] =	ssyncadd.s32 $0xFFFFE000  }
0x1a4: {  	_ =	swait.ge [sflag:s10], $0x2000  }
0x1a5: {  	[sflag:s10] =	ssyncset.done $0x0  }
0x1a6: {  	s30 =	rddreg [dreg:$0x12];
	[sflag:s10] =	ssyncadd.s32 $0xFFFFE000  }
0x1a7: {  	[spmem:s2] =	stream.indirect.scatter.add.f32 [tilespmem:s11], [sflag:$0x2], $0x80, s30, s7, $0xb8;
	[tilespmem:$0xD400] =	vst v63  }
0x1a8: {  	_ =	swait.ge [sflag:s6], $0x2000  }
0x1a9: {  	[sflag:s6] =	ssyncset.done $0x0  }
0x1aa: {  	[sflag:s6] =	ssyncadd.s32 $0xFFFFE000  }
0x1ab: {  	_ =	swait.ge [sflag:s10], $0x2000  }
0x1ac: {  	[sflag:s10] =	ssyncset.done $0x0  }
0x1ad: {  	s31 =	rddreg [dreg:$0x13];
	[sflag:s10] =	ssyncadd.s32 $0xFFFFE000  }
0x1ae: {  	[spmem:s2] =	stream.indirect.scatter.add.f32 [tilespmem:s9], [sflag:$0x2], $0x80, s31, s7, $0xb8;
	[tilespmem:$0xD400] =	vst v63  }
0x1af: {  	_ =	swait.ge [sflag:s6], $0x2000  }
0x1b0: {  	[sflag:s6] =	ssyncset.done $0x0  }
0x1b1: {  	[sflag:s6] =	ssyncadd.s32 $0xFFFFE000  }
0x1b2: {  	_ =	swait.ge [sflag:s10], $0x2000  }
0x1b3: {  	[sflag:s10] =	ssyncset.done $0x0  }
0x1b4: {  	s1 =	rddreg [dreg:$0x14];
	[sflag:s10] =	ssyncadd.s32 $0xFFFFE000  }
0x1b5: {  	[spmem:s2] =	stream.indirect.scatter.add.f32 [tilespmem:s8], [sflag:$0x2], $0x80, s1, s7, $0xb8;
	[tilespmem:$0xD400] =	vst v63  }
0x1b6: {  	_ =	swait.ge [sflag:s6], $0x2000  }
0x1b7: {  	[sflag:s6] =	ssyncset.done $0x0  }
0x1b8: {  	[sflag:s6] =	ssyncadd.s32 $0xFFFFE000  }
0x1b9: {  	[tilespmem:s12], [sflag:$0x1] =	stream.indirect.gather [hbm4b:s4+s7], $0x80, s26, s7, $0xb8;
	[tilespmem:$0xD400] =	vst v63  }
0x1ba: {  	_ = 	snop  }
0x1bb: {  	[tilespmem:s11], [sflag:$0x1] =	stream.indirect.gather [hbm4b:s4+s7], $0x80, s28, s7, $0xb8;
	[tilespmem:$0xD400] =	vst v63  }
0x1bc: {  	_ = 	snop  }
0x1bd: {  	[tilespmem:s9], [sflag:$0x1] =	stream.indirect.gather [hbm4b:s4+s7], $0x80, s29, s7, $0xb8;
	[tilespmem:$0xD400] =	vst v63  }
0x1be: {  	_ = 	snop  }
0x1bf: {  	[tilespmem:s8], [sflag:$0x1] =	stream.indirect.gather [hbm4b:s4+s7], $0x80, s14, s7, $0xb8;
	[tilespmem:$0xD400] =	vst v63  }
0x1c0: {  	_ =	swait.ge [sflag:s10], $0x2000  }
0x1c1: {  	[sflag:s10] =	ssyncset.done $0x0  }
0x1c2: {  	[sflag:s10] =	ssyncadd.s32 $0xFFFFE000  }
0x1c3: {  	[spmem:s2] =	stream.indirect.scatter.add.f32 [tilespmem:s12], [sflag:$0x2], $0x80, s25, s7, $0xb8;
	[tilespmem:$0xD400] =	vst v63  }
0x1c4: {  	_ =	swait.ge [sflag:s6], $0x2000  }
0x1c5: {  	[sflag:s6] =	ssyncset.done $0x0  }
0x1c6: {  	[sflag:s6] =	ssyncadd.s32 $0xFFFFE000  }
0x1c7: {  	_ =	swait.ge [sflag:s10], $0x2000  }
0x1c8: {  	[sflag:s10] =	ssyncset.done $0x0  }
0x1c9: {  	[sflag:s10] =	ssyncadd.s32 $0xFFFFE000  }
0x1ca: {  	[spmem:s2] =	stream.indirect.scatter.add.f32 [tilespmem:s11], [sflag:$0x2], $0x80, s24, s7, $0xb8;
	[tilespmem:$0xD400] =	vst v63  }
0x1cb: {  	_ =	swait.ge [sflag:s6], $0x2000  }
0x1cc: {  	[sflag:s6] =	ssyncset.done $0x0  }
0x1cd: {  	[sflag:s6] =	ssyncadd.s32 $0xFFFFE000  }
0x1ce: {  	_ =	swait.ge [sflag:s10], $0x2000  }
0x1cf: {  	[sflag:s10] =	ssyncset.done $0x0  }
0x1d0: {  	[sflag:s10] =	ssyncadd.s32 $0xFFFFE000  }
0x1d1: {  	[spmem:s2] =	stream.indirect.scatter.add.f32 [tilespmem:s9], [sflag:$0x2], $0x80, s23, s7, $0xb8;
	[tilespmem:$0xD400] =	vst v63  }
0x1d2: {  	_ =	swait.ge [sflag:s6], $0x2000  }
0x1d3: {  	[sflag:s6] =	ssyncset.done $0x0  }
0x1d4: {  	[sflag:s6] =	ssyncadd.s32 $0xFFFFE000  }
0x1d5: {  	_ =	swait.ge [sflag:s10], $0x2000  }
0x1d6: {  	[sflag:s10] =	ssyncset.done $0x0  }
0x1d7: {  	[sflag:s10] =	ssyncadd.s32 $0xFFFFE000  }
0x1d8: {  	[spmem:s2] =	stream.indirect.scatter.add.f32 [tilespmem:s8], [sflag:$0x2], $0x80, s20, s7, $0xb8;
	[tilespmem:$0xD400] =	vst v63  }
0x1d9: {  	_ =	swait.ge [sflag:s6], $0x2000  }
0x1da: {  	[sflag:s6] =	ssyncset.done $0x0  }
0x1db: {  	[sflag:s6] =	ssyncadd.s32 $0xFFFFE000  }
0x1dc: {  	[tilespmem:s12], [sflag:$0x1] =	stream.indirect.gather [hbm4b:s4+s7], $0x80, s17, s7, $0xb8;
	[tilespmem:$0xD400] =	vst v63  }
0x1dd: {  	_ = 	snop  }
0x1de: {  	[tilespmem:s11], [sflag:$0x1] =	stream.indirect.gather [hbm4b:s4+s7], $0x80, s18, s7, $0xb8;
	[tilespmem:$0xD400] =	vst v63  }
0x1df: {  	_ = 	snop  }
0x1e0: {  	[tilespmem:s9], [sflag:$0x1] =	stream.indirect.gather [hbm4b:s4+s7], $0x80, s21, s7, $0xb8;
	[tilespmem:$0xD400] =	vst v63  }
0x1e1: {  	_ = 	snop  }
0x1e2: {  	[tilespmem:s8], [sflag:$0x1] =	stream.indirect.gather [hbm4b:s4+s7], $0x80, s22, s7, $0xb8;
	[tilespmem:$0xD400] =	vst v63  }
0x1e3: {  	_ =	swait.ge [sflag:s10], $0x2000  }
0x1e4: {  	[sflag:s10] =	ssyncset.done $0x0  }
0x1e5: {  	[sflag:s10] =	ssyncadd.s32 $0xFFFFE000  }
0x1e6: {  	[spmem:s2] =	stream.indirect.scatter.add.f32 [tilespmem:s12], [sflag:$0x2], $0x80, s19, s7, $0xb8;
	[tilespmem:$0xD400] =	vst v63  }
0x1e7: {  	_ =	swait.ge [sflag:s6], $0x2000  }
0x1e8: {  	[sflag:s6] =	ssyncset.done $0x0  }
0x1e9: {  	[sflag:s6] =	ssyncadd.s32 $0xFFFFE000  }
0x1ea: {  	_ =	swait.ge [sflag:s10], $0x2000  }
0x1eb: {  	[sflag:s10] =	ssyncset.done $0x0  }
0x1ec: {  	[sflag:s10] =	ssyncadd.s32 $0xFFFFE000  }
0x1ed: {  	[spmem:s2] =	stream.indirect.scatter.add.f32 [tilespmem:s11], [sflag:$0x2], $0x80, s16, s7, $0xb8;
	[tilespmem:$0xD400] =	vst v63  }
0x1ee: {  	_ =	swait.ge [sflag:s6], $0x2000  }
0x1ef: {  	[sflag:s6] =	ssyncset.done $0x0  }
0x1f0: {  	[sflag:s6] =	ssyncadd.s32 $0xFFFFE000  }
0x1f1: {  	_ =	swait.ge [sflag:s10], $0x2000  }
0x1f2: {  	[sflag:s10] =	ssyncset.done $0x0  }
0x1f3: {  	[sflag:s10] =	ssyncadd.s32 $0xFFFFE000  }
0x1f4: {  	[spmem:s2] =	stream.indirect.scatter.add.f32 [tilespmem:s9], [sflag:$0x2], $0x80, s15, s7, $0xb8;
	[tilespmem:$0xD400] =	vst v63  }
0x1f5: {  	_ =	swait.ge [sflag:s6], $0x2000  }
0x1f6: {  	[sflag:s6] =	ssyncset.done $0x0  }
0x1f7: {  	[sflag:s6] =	ssyncadd.s32 $0xFFFFE000  }
0x1f8: {  	_ =	swait.ge [sflag:s10], $0x2000  }
0x1f9: {  	[sflag:s10] =	ssyncset.done $0x0  }
0x1fa: {  	s29 =	simm.s32 $0xF80;
	[sflag:s10] =	ssyncadd.s32 $0xFFFFE000  }
0x1fb: {  	[spmem:s2] =	stream.indirect.scatter.add.f32 [tilespmem:s8], [sflag:$0x2], $0x80, s29, s7, $0xb8;
	[tilespmem:$0xD400] =	vst v63  }
0x1fc: {  	_ =	swait.ge [sflag:s6], $0x2000  }
0x1fd: {  	[sflag:s6] =	ssyncset.done $0x0  }
0x1fe: {  	[sflag:s6] =	ssyncadd.s32 $0xFFFFE000  }
0x1ff: {  	[bflag:$0x0] =	sbarrier.arrive $0xFFFF  }
0x200: {  	s30 =	rddreg [dreg:$0x6]  }
0x201: {  	[hbm:s30], [sflag:s3] =	dma.local [spmem:s5], $0x880  }
0x202: {  	_ =	swait.ge [sflag:s6], $0x880  }
0x203: {  	[sflag:s6] =	ssyncset.done $0x0  }
0x204: {  	[sflag:s6] =	ssyncadd.s32 $0xFFFFF780  }
0x205: {  	_ =	sfence.sel $0x180000  }
0x206: {  	s31 =	stileid.u32;
	[bflag:$0x0] =	sbarrier.arrive $0xFFFF  }
0x207: {  	p0 =	sne.s32 s31, $0x0;
	_ =	strace $0x90000050  }
0x208: {  	s0 =	sadd.s32 @!p0 $0x100000, s13;
	[bflag:$0x2] =	sbarrier.arrive $0xFFFF  }
0x209: {  	[sflag:s0] =	ssyncadd.tile.s32 @!p0 $0x1;
	_ =	shalt  }
.LBB2_1:
0x20a: {  	s14 =	simm.s32 $0x580  }
.Ltmp3:
0x20b: {  	s29 =	simm.s32 $0x500;
	s28 =	simm.s32 $0x480;
	(pc) =	sbr.rel .LBB2_6-.Ltmp3, $4  }
0x20c: {  	s26 =	simm.s32 $0x400;
	s25 =	simm.s32 $0xC00;
	s24 =	simm.s32 $0xC80  }
0x20d: {  	s23 =	simm.s32 $0xD00;
	s22 =	simm.s32 $0x780;
	s21 =	simm.s32 $0x700  }
0x20e: {  	s20 =	simm.s32 $0xD80;
	s19 =	simm.s32 $0xE00;
	s18 =	simm.s32 $0x680  }
0x20f: {  	s17 =	simm.s32 $0x600;
	s16 =	simm.s32 $0xE80;
	s15 =	simm.s32 $0xF00  }
.LBB2_3:
0x210: {  	s14 =	simm.s32 $0x580;
	s29 =	simm.s32 $0x500  }
.Ltmp4:
0x211: {  	s28 =	simm.s32 $0x480;
	s26 =	simm.s32 $0x400;
	(pc) =	sbr.rel .LBB2_6-.Ltmp4, $4  }
0x212: {  	s25 =	simm.s32 $0xC00;
	s24 =	simm.s32 $0xC80;
	s23 =	simm.s32 $0xD00  }
0x213: {  	s22 =	simm.s32 $0x780;
	s21 =	simm.s32 $0x700;
	s20 =	simm.s32 $0xD80  }
0x214: {  	s19 =	simm.s32 $0xE00;
	s18 =	simm.s32 $0x680;
	s17 =	simm.s32 $0x600  }
0x215: {  	s16 =	simm.s32 $0xE80;
	s15 =	simm.s32 $0xF00;
	s13 =	rddreg [dreg:$0x2]  }
.Lfunc_end2:
_tile_overlayer_lowered:
.L_overlay_start_2:
0x216: {  	(tag) =	ssettag $0x2  }
0x217: {  	s0 =	rddreg [dreg:$0x0];
	s2 =	stileid.u32  }
0x218: {  	s1 =	rddreg [dreg:$0x1];
	p0 =	sne.s32 s2, $0x0  }
0x219: {  	s3 =	rddreg [dreg:$0x2];
	[bflag:$0x3] =	sbarrier.arrive $0xFFFF;
	s2 =	simm.s32 @!p0 $0x1C02  }
0x21a: {  	[timem:s3], [sflag:s2] =	dma.local @!p0 [hbm:s0], s1  }
0x21b: {  	s0 =	simm.s32 @!p0 $0x2  }
0x21c: {  	_ =	swait.ge @!p0 [sflag:s0], s1  }
0x21d: {  	s1 =	ssub.s32 @!p0 $0x0, s1;
	[sflag:s0] =	ssyncset.done @!p0 $0x0  }
0x21e: {  	[sflag:s0] =	ssyncadd.s32 @!p0 s1  }
0x21f: {  	[bflag:$0x3] =	sbarrier.arrive $0xFFFF  }
0x220: {  	_ =	shalt  }

// kernel: kernel.25.cloned.1.call-start
scs
__scs_entry_jumppad:
0x0: {  	(pc) =	sbr.rel $0x88, $3  }
0x1: {  	(tag) =	ssettag $0x0;
	lr =	simm.s32 $0x1  }
0x2: {  	[smem:$0x3F8C] =	sst lr;
	_ =	strace $0xD0000000  }
0x3: {  	_ = 	snop  }
0x4: {  	_ = 	snop  }
0x5: {  	_ = 	snop  }
0x6: {  	_ = 	snop  }
0x7: {  	_ = 	snop  }
__scs_overlays_trampoline_lowered:
0x8: {  	[smem:$0x3F9B] =	sst s0  }
0x9: {  	[smem:$0x3F9C] =	sst s1  }
0xa: {  	[smem:$0x3F9D] =	sst s2  }
0xb: {  	[smem:$0x3F9E] =	sst s3  }
0xc: {  	[smem:$0x3F9F] =	sst s4  }
0xd: {  	[smem:$0x3FA0] =	sst s5  }
0xe: {  	[smem:$0x3FA1] =	sst s6  }
0xf: {  	[smem:$0x3FA2] =	sst s7  }
0x10: {  	[smem:$0x3FA3] =	sst s8  }
0x11: {  	[smem:$0x3FA4] =	sst s9;
	s0 =	simm.s32 @!p0 $0x0  }
0x12: {  	s1 =	sld [smem:$0x3F8A];
	s0 =	simm.s32 @p0 $0x1  }
0x13: {  	[smem:$0x3FA5] =	sst s0;
	s0 =	simm.s32 @!p1 $0x0  }
0x14: {  	s2 =	sld [smem:$0x3F89];
	s0 =	simm.s32 @p1 $0x1  }
0x15: {  	[smem:$0x3FA6] =	sst s0;
	s0 =	simm.s32 @!p2 $0x0  }
0x16: {  	s3 =	sld [smem:$0x3FDB];
	s0 =	simm.s32 @p2 $0x1  }
0x17: {  	s4 =	simm.s32 $0x1BF5;
	[smem:$0x3FA8] =	sst s0  }
0x18: {  	s0 =	sld [smem:$0x3F8B];
	_ =	swait.ge [sflag:s4], $0x0  }
0x19: {  	s7 =	sld [smem:$0x3F8C]  }
0x1a: {  	s8 =	sadd.s32 $0xFFFFE003, lr  }
0x1b: {  	s9 =	sadd.s32 $0xFFFFFEF7, lr;
	s5 =	simm.s32 $0xFFFFFFFF;
	p2 =	slt.u32 s8, $0xFFFFF086  }
0x1c: {  	p1 =	slt.u32 s9, $0xF7A;
	s5 =	simm.s32 @!p2 $0x0  }
0x1d: {  	s5 =	simm.s32 @p1 $0x1;
	p0 =	seq.s32 s7, s2  }
0x1e: {  	s7 =	smul.u32 @!p0 $0xF7A, s2;
	p2 =	seq.s32 @!p0 s5, $0x0  }
0x1f: {  	s9 =	smul.u32 $0xF7A, s1;
	s8 =	simm.s32 @!p0 $0x1BF5;
	p2 =	por !p2, p0  }
0x20: {  	[sflag:s8] =	ssyncset.s32 @!p0 $0xFFFFF086;
	s6 =	sadd.s32 @!p0 s3, s7;
	s7 =	simm.s32 @!p0 $0x108  }
0x21: {  	s3 =	sadd.s32 s3, s9;
	s6 =	sadd.s32 @!p0 $0x88, s6;
	s7 =	simm.s32 @p2 $0x1082  }
0x22: {  	[simem:s7], [sflag:s8] =	dma.local @!p0 [hbm:s6], $0xF7A  }
0x23: {  	s9 =	sor.u32 $0xD0000000, s2;
	s6 =	simm.s32 $0x108;
	_ =	swait.ge @!p0 [sflag:s8], $0x0  }
0x24: {  	s3 =	sadd.s32 $0x88, s3;
	s6 =	simm.s32 @!p1 $0x1082;
	[sflag:s4] =	ssyncset.s32 $0xFFFFF086  }
0x25: {  	[simem:s6], [sflag:s4] =	dma.local [hbm:s3], $0xF7A  }
0x26: {  	[smem:$0x3F8C] =	sst s1;
	(tag) =	ssettag s2;
	_ =	strace s9  }
0x27: {  	s1 =	sld [smem:$0x3F9C]  }
0x28: {  	s2 =	sld [smem:$0x3F9D]  }
0x29: {  	s4 =	sld [smem:$0x3F9F]  }
0x2a: {  	p0 =	seq.s32 s5, $0x0;
	s5 =	sld [smem:$0x3FA0]  }
0x2b: {  	s6 =	sld [smem:$0x3FA1]  }
0x2c: {  	s7 =	sld [smem:$0x3FA2]  }
0x2d: {  	s3 =	simm.s32 $0x108;
	s8 =	sld [smem:$0x3FA3]  }
0x2e: {  	s3 =	simm.s32 @!p0 $0x1082;
	s9 =	sld [smem:$0x3FA4]  }
0x2f: {  	lr =	sadd.s32 s0, s3;
	s0 =	sld [smem:$0x3F9B]  }
0x30: {  	s3 =	sld [smem:$0x3F9E]  }
0x31: {  	[smem:$0x3FA7] =	sst s10  }
0x32: {  	s10 =	sld [smem:$0x3FA5];
	_ =	sdelay $0x3  }
0x33: {  	p0 =	seq.s32 s10, $0x1;
	s10 =	sld [smem:$0x3FA7];
	_ =	sdelay $0x3  }
0x34: {  	[smem:$0x3FA7] =	sst s10  }
0x35: {  	s10 =	sld [smem:$0x3FA6];
	_ =	sdelay $0x3  }
0x36: {  	p1 =	seq.s32 s10, $0x1;
	s10 =	sld [smem:$0x3FA7];
	_ =	sdelay $0x3  }
0x37: {  	[smem:$0x3FA7] =	sst s10  }
0x38: {  	s10 =	sld [smem:$0x3FA8]  }
0x39: {  	_ = 	snop;
	(pc) =	sbr.ind lr, $3  }
0x3a: {  	_ = 	snop  }
0x3b: {  	_ = 	snop  }
0x3c: {  	p2 =	seq.s32 s10, $0x1;
	s10 =	sld [smem:$0x3FA7]  }
0x3d: {  	_ =	shalt  }
0x3e: {  	_ =	shalt  }
0x3f: {  	_ =	shalt  }
0x40: {  	_ =	shalt  }
0x41: {  	_ =	shalt  }
0x42: {  	_ =	shalt  }
0x43: {  	_ =	shalt  }
0x44: {  	_ =	shalt  }
0x45: {  	_ =	shalt  }
0x46: {  	_ =	shalt  }
0x47: {  	_ =	shalt  }
0x48: {  	_ =	shalt  }
0x49: {  	_ =	shalt  }
0x4a: {  	_ =	shalt  }
0x4b: {  	_ =	shalt  }
0x4c: {  	_ =	shalt  }
0x4d: {  	_ =	shalt  }
0x4e: {  	_ =	shalt  }
0x4f: {  	_ =	shalt  }
0x50: {  	_ =	shalt  }
0x51: {  	_ =	shalt  }
0x52: {  	_ =	shalt  }
0x53: {  	_ =	shalt  }
0x54: {  	_ =	shalt  }
0x55: {  	_ =	shalt  }
0x56: {  	_ =	shalt  }
0x57: {  	_ =	shalt  }
0x58: {  	_ =	shalt  }
0x59: {  	_ =	shalt  }
0x5a: {  	_ =	shalt  }
0x5b: {  	_ =	shalt  }
0x5c: {  	_ =	shalt  }
0x5d: {  	_ =	shalt  }
0x5e: {  	_ =	shalt  }
0x5f: {  	_ =	shalt  }
0x60: {  	_ =	shalt  }
0x61: {  	_ =	shalt  }
0x62: {  	_ =	shalt  }
0x63: {  	_ =	shalt  }
0x64: {  	_ =	shalt  }
0x65: {  	_ =	shalt  }
0x66: {  	_ =	shalt  }
0x67: {  	_ =	shalt  }
0x68: {  	_ =	shalt  }
0x69: {  	_ =	shalt  }
0x6a: {  	_ =	shalt  }
0x6b: {  	_ =	shalt  }
0x6c: {  	_ =	shalt  }
0x6d: {  	_ =	shalt  }
0x6e: {  	_ =	shalt  }
0x6f: {  	_ =	shalt  }
0x70: {  	_ =	shalt  }
0x71: {  	_ =	shalt  }
0x72: {  	_ =	shalt  }
0x73: {  	_ =	shalt  }
0x74: {  	_ =	shalt  }
0x75: {  	_ =	shalt  }
0x76: {  	_ =	shalt  }
0x77: {  	_ =	shalt  }
0x78: {  	_ =	shalt  }
0x79: {  	_ =	shalt  }
0x7a: {  	_ =	shalt  }
0x7b: {  	_ =	shalt  }
0x7c: {  	_ =	shalt  }
0x7d: {  	_ =	shalt  }
0x7e: {  	_ =	shalt  }
0x7f: {  	_ =	shalt  }
0x80: {  	_ =	shalt  }
0x81: {  	_ =	shalt  }
0x82: {  	_ =	shalt  }
0x83: {  	_ =	shalt  }
0x84: {  	_ =	shalt  }
0x85: {  	_ =	shalt  }
0x86: {  	_ =	shalt  }
0x87: {  	_ =	shalt  }
.Lfunc_end0:
.L_simem_size_0:
called_computation.4_lowered:
.L_overlay_start_0:
0x88: {  	s2 =	sld [smem:$0x3FD9]  }
0x89: {  	s3 =	sld [smem:$0x3FFE];
	_ =	sdelay $0x1  }
0x8a: {  	s1 =	srdreg.scid  }
0x8b: {  	s0 =	sand.u32 $0x1, s1  }
0x8c: {  	s17 =	sshll.u32 s0, $0xA;
	s2 =	sadd.s32 s3, s2  }
0x8d: {  	s2 =	sadd.s32 s2, s17  }
0x8e: {  	[smem:$0x3FB3] =	sst s2  }
0x8f: {  	_ = 	snop  }
0x90: {  	(tm) =	ssettm $0x1  }
0x91: {  	s18 =	sld [smem:$0x3FFB];
	_ =	sdelay $0x3  }
0x92: {  	_ =	strace s18  }
0x93: {  	s2 =	sld [smem:$0x3FFC];
	_ =	sdelay $0x3  }
0x94: {  	_ =	strace s2  }
0x95: {  	s2 =	sld [smem:$0x3FFD];
	_ =	sdelay $0x3  }
0x96: {  	_ =	strace s2  }
0x97: {  	_ =	strace $0x8FFFFFFF  }
0x98: {  	s19 =	sld [smem:$0x3FDB];
	_ =	sdelay $0x1  }
0x99: {  	s20 =	simm.s32 $_scs_section_size  }
0x9a: {  	s4 =	simm.s32 $_size__tile_overlayer_lowered;
	s5 =	simm.s32 $_tile_overlayer_lowered  }
0x9b: {  	s6 =	simm.s32 $0x1BFF;
	s21 =	sshll.u32 s5, $0x1;
	s3 =	sadd.s32 s20, s19  }
0x9c: {  	s22 =	simm.s32 $0x0;
	s4 =	sshll.u32 s4, $0x1;
	s5 =	sadd.s32 s21, s3  }
0x9d: {  	[timem:s22], [sflag:s6] =	dma.local [hbm:s5], s4  }
0x9e: {  	_ =	swait.ge [sflag:s6], s4  }
0x9f: {  	s4 =	ssub.s32 $0x0, s4;
	[sflag:s6] =	ssyncset.done $0x0  }
0xa0: {  	[sflag:s6] =	ssyncadd.s32 s4;
	_ =	sdelay $0x1  }
0xa1: {  	s23 =	simm.s32 $0x1B8B  }
0xa2: {  	_ =	swait.ge [sflag:s23], $0x1  }
0xa3: {  	[sflag:s23] =	ssyncset.done $0x0  }
0xa4: {  	[sflag:s23] =	ssyncadd.s32 $0xFFFFFFFF  }
0xa5: {  	s4 =	sld [smem:$0x0]  }
0xa6: {  	s5 =	sand.u32 $0xFFFFFFFE, s1  }
0xa7: {  	p0 =	sne.s32 s1, s5  }
0xa8: {  	s5 =	sshll.u32 @p0 s5, $0xE  }
0xa9: {  	s5 =	sadd.s32 @p0 $0x11B8D, s5;
	s6 =	sshll.u32 @p0 s4, $0x11  }
0xaa: {  	s5 =	sor.u32 @p0 s6, s5  }
0xab: {  	[sflag:s5] =	ssyncadd.remote.s32 @p0 $0x1;
	_ =	sdelay $0x1  }
0xac: {  	s5 =	simm.s32 @p0 $0x1B8D  }
0xad: {  	_ =	swait.eq @p0 [sflag:s5], $0x1  }
0xae: {  	[sflag:s5] =	ssyncadd.s32 @p0 $0xFFFFFFFF  }
0xaf: {  	s6 =	sshll.u32 @!p0 s1, $0xE  }
0xb0: {  	s6 =	sor.u32 @!p0 $0x4000, s6;
	s5 =	simm.s32 @!p0 $0x1B8D  }
0xb1: {  	s4 =	sshll.u32 @!p0 s4, $0x11;
	s6 =	sadd.s32 @!p0 $0x11B8D, s6;
	_ =	swait.eq @!p0 [sflag:s5], $0x1  }
0xb2: {  	s4 =	sor.u32 @!p0 s4, s6;
	[sflag:s5] =	ssyncadd.s32 @!p0 $0xFFFFFFFF  }
0xb3: {  	s25 =	simm.s32 $0x1B8E;
	s24 =	sld [smem:$0x3FFE];
	[sflag:s4] =	ssyncadd.remote.s32 @!p0 $0x1  }
0xb4: {  	s26 =	simm.s32 $execute0_lowered;
	[smem:$0x3FD2] =	sst s25  }
0xb5: {  	s5 =	sshll.u32 s26, $0x1;
	_ =	strace $0x80000052;
	[dreg:$0x1] =	wrdreg $0xFFFFFFFF  }
0xb6: {  	s28 =	simm.s32 $_size_execute0_lowered;
	s3 =	sadd.s32 s3, s5;
	[dreg:$0x0] =	wrdreg $0x0  }
0xb7: {  	s5 =	sshll.u32 s28, $0x1;
	[dreg:$0x2] =	wrdreg s3  }
0xb8: {  	[dreg:$0x3] =	wrdreg s5  }
0xb9: {  	[dreg:$0x4] =	wrdreg $0xC0  }
0xba: {  	_ =	task [dreg:s22], $0x5FFFF  }
0xbb: {  	[dreg:$0x1] =	wrdreg $0xFFFFFFFF  }
0xbc: {  	[dreg:$0x0] =	wrdreg $0x60  }
0xbd: {  	[dreg:$0x2] =	wrdreg s24  }
0xbe: {  	[dreg:$0x3] =	wrdreg $0xB0000  }
0xbf: {  	[dreg:$0x4] =	wrdreg $0x9  }
0xc0: {  	_ =	task.clear_ibuf [dreg:s22], $0x5FFFF;
	_ =	strace $0x90000052  }
0xc1: {  	s29 =	simm.s32 $0x9;
	_ =	strace $0x80000054  }
0xc2: {  	_ =	swait.ge [sflag:s29], $0x1  }
0xc3: {  	[sflag:s29] =	ssyncadd.s32 $0xFFFFFFFF  }
0xc4: {  	_ =	strace $0x90000054  }
0xc5: {  	_ =	sfence  }
0xc6: {  	s30 =	sld [smem:$0x0];
	_ =	sdelay $0x2  }
0xc7: {  	s31 =	sshll.u32 s1, $0xD;
	s1 =	sshrl.u32 s1, $0x2  }
0xc8: {  	s4 =	sand.u32 $0x4000, s31;
	s1 =	sadd.s32 s1, s30  }
0xc9: {  	s0 =	sor.u32 s4, s0;
	s1 =	sshll.u32 s1, $0x11  }
0xca: {  	s0 =	sor.u32 s1, s0  }
0xcb: {  	s0 =	sadd.s32 $0x8F2B, s0  }
0xcc: {  	[sflag:s0] =	ssyncadd.remote.s32 $0x1  }
0xcd: {  	_ =	sfence.sel $0xFFFF  }
0xce: {  	[dreg:$0x0] =	wrdreg $0xFFFFFFFF;
	(pc) =	sbr.abs _section_cstart, $3  }
0xcf: {  	[dreg:$0x1] =	wrdreg $0xFFFFFFFF  }
0xd0: {  	_ =	task.clear_ibuf [dreg:s22], $0x2FFFF;
	_ =	strace $0x9FFFFFFF  }
0xd1: {  	(tm) =	ssettm $0x7FFFFFFF  }
tec
execute0_lowered:
.L_overlay_start_1:
0x0: {  	(tag) =	ssettag $0x1  }
0x1: {  	s0 =	srdreg.scid;
	s6 =	rddreg [dreg:$0x0]  }
0x2: {  	s2 =	rddreg [dreg:$0x1];
	s3 =	simm.s32 $0x0;
	s14 =	simm.s32 $0x40  }
0x3: {  	s15 =	simm.s32 $0x5000;
	s16 =	simm.s32 $0x7000;
	s17 =	simm.s32 $0x9000  }
0x4: {  	s18 =	simm.s32 $0x1;
	s19 =	simm.s32 $0x2700;
	s20 =	simm.s32 $0x4F00  }
0x5: {  	s21 =	simm.s32 $0x2780;
	s5 =	sand.u32 $0x1, s0;
	s0 =	stileid.u32  }
0x6: {  	s22 =	simm.s32 $0x4F80;
	s23 =	simm.s32 $0x0;
	s8 =	smul.u32 $0x14000, s0  }
0x7: {  	[smem:$0x7FF] =	sst s3;
	s1 =	sshll.u32 s5, $0x4;
	s9 =	smul.u32 $0x140000, s5  }
0x8: {  	s5 =	ssub.s32 $0x2, s5;
	s29 =	smul.u32 $0x50000, s0;
	s31 =	sshll.u32 s0, $0x6  }
0x9: {  	s4 =	sor.u32 s0, s1;
	s1 =	rddreg [dreg:$0x2];
	_ =	strace $0x80000053  }
0xa: {  	s11 =	sshrl.u32 s5, $0x1;
	s7 =	smul.u32 $0x500, s4;
	s4 =	sadd.s32 $0x49600, s6  }
0xb: {  	s28 =	sshrl.u32 s8, $0x3;
	s8 =	sadd.s32 s8, s9;
	s30 =	sshrl.u32 s29, $0x2  }
0xc: {  	s11 =	ssub.s32 s5, s11;
	s8 =	sshrl.u32 s8, $0x3;
	s13 =	sadd.s32 s30, s2  }
0xd: {  	s10 =	sadd.s32 s7, s6;
	s7 =	sadd.s32 s28, s6;
	s12 =	sadd.s32 s8, s6  }
0xe: {  	s6 =	sor.u32 $0x1C02, s31;
	s5 =	sadd.s32 $0x10E00, s7;
	s7 =	sadd.s32 $0xB5600, s10  }
0xf: {  	s8 =	sadd.s32 $0x4E00, s10;
	s9 =	sadd.s32 $0xBF600, s12;
	s10 =	smax.u32 s11, $0x1  }
0x10: {  	s11 =	sshrl.u32 s13, $0x3;
	s12 =	simm.s32 $0x2;
	s13 =	simm.s32 $0x2800  }
.LBB2_1:
0x11: {  	[spmem:s11], [sflag:s6] =	dma.local [hbm:s5], $0x2800  }
0x12: {  	_ =	swait.ge [sflag:s12], $0x2800  }
0x13: {  	[sflag:s12] =	ssyncset.done $0x0  }
0x14: {  	[sflag:s12] =	ssyncadd.s32 $0xFFFFD800  }
0x15: {  	[tilespmem:s3], [sflag:$0x2] =	stream.linear.gather [hbm4b:s7+s3], $0x2800, $0x38;
	[tilespmem:$0x1F000] =	vst v63  }
0x16: {  	_ =	swait.ge [sflag:s12], $0x2800  }
0x17: {  	[sflag:s12] =	ssyncset.done $0x0  }
0x18: {  	[sflag:s12] =	ssyncadd.s32 $0xFFFFD800  }
0x19: {  	[tilespmem:s13], [sflag:$0x2] =	stream.linear.gather [hbm4b:s8+s3], $0x2800, $0x38;
	[tilespmem:$0x1F000] =	vst v63  }
0x1a: {  	_ =	swait.ge [sflag:s12], $0x2800  }
0x1b: {  	[sflag:s12] =	ssyncset.done $0x0  }
0x1c: {  	[sflag:s12] =	ssyncadd.s32 $0xFFFFD800  }
0x1d: {  	s24 =	simm.s32 $0x0;
	[bflag:$0x0] =	sbarrier.arrive $0xFFFF  }
0x1e: {  	[tilespmem:s15], [sflag:$0x1] =	stream.indirect.gather [hbm4b:s4+s14], $0x80, s24, s14, $0xb8;
	[tilespmem:$0x1F000] =	vst v63  }
0x1f: {  	s26 =	simm.s32 $0x80  }
0x20: {  	[tilespmem:s16], [sflag:$0x1] =	stream.indirect.gather [hbm4b:s4+s14], $0x80, s26, s14, $0xb8;
	[tilespmem:$0x1F000] =	vst v63  }
0x21: {  	s28 =	simm.s32 $0x100  }
0x22: {  	[tilespmem:s17], [sflag:$0x1] =	stream.indirect.gather [hbm4b:s4+s14], $0x80, s28, s14, $0xb8;
	[tilespmem:$0x1F000] =	vst v63  }
0x23: {  	_ =	swait.ge [sflag:s18], $0x2000  }
0x24: {  	[sflag:s18] =	ssyncset.done $0x0  }
0x25: {  	s29 =	simm.s32 $0x2800;
	[sflag:s18] =	ssyncadd.s32 $0xFFFFE000  }
0x26: {  	[spmem:s2] =	stream.indirect.scatter.add.f32 [tilespmem:s15], [sflag:$0x2], $0x80, s29, s14, $0xb8;
	[tilespmem:$0x1F000] =	vst v63  }
0x27: {  	_ =	swait.ge [sflag:s12], $0x2000  }
0x28: {  	[sflag:s12] =	ssyncset.done $0x0  }
0x29: {  	[sflag:s12] =	ssyncadd.s32 $0xFFFFE000  }
0x2a: {  	_ =	swait.ge [sflag:s18], $0x2000  }
0x2b: {  	[sflag:s18] =	ssyncset.done $0x0  }
0x2c: {  	s30 =	simm.s32 $0x2880;
	[sflag:s18] =	ssyncadd.s32 $0xFFFFE000  }
0x2d: {  	[spmem:s2] =	stream.indirect.scatter.add.f32 [tilespmem:s16], [sflag:$0x2], $0x80, s30, s14, $0xb8;
	[tilespmem:$0x1F000] =	vst v63  }
0x2e: {  	_ =	swait.ge [sflag:s12], $0x2000  }
0x2f: {  	[sflag:s12] =	ssyncset.done $0x0  }
0x30: {  	[sflag:s12] =	ssyncadd.s32 $0xFFFFE000  }
0x31: {  	_ =	swait.ge [sflag:s18], $0x2000  }
0x32: {  	[sflag:s18] =	ssyncset.done $0x0  }
0x33: {  	s31 =	simm.s32 $0x2900;
	[sflag:s18] =	ssyncadd.s32 $0xFFFFE000  }
0x34: {  	[spmem:s2] =	stream.indirect.scatter.add.f32 [tilespmem:s17], [sflag:$0x2], $0x80, s31, s14, $0xb8;
	[tilespmem:$0x1F000] =	vst v63  }
0x35: {  	_ =	swait.ge [sflag:s12], $0x2000  }
0x36: {  	s25 =	simm.s32 $0xC00;
	s24 =	simm.s32 $0x600;
	[sflag:s12] =	ssyncset.done $0x0  }
.LBB2_2:
0x37: {  	s26 =	sshra.s32 s24, $0x2  }
0x38: {  	[sflag:s12] =	ssyncadd.s32 $0xFFFFE000;
	s24 =	smov.u32 s25;
	s28 =	sadd.s32 $0x600, s25  }
0x39: {  	[tilespmem:s15], [sflag:$0x1] =	stream.indirect.gather [hbm4b:s4+s14], $0x80, s26, s14, $0xb8;
	[tilespmem:$0x1F000] =	vst v63  }
0x3a: {  	p0 =	sne.s32 s25, $0x9600;
	s25 =	sadd.s32 $0x80, s26  }
0x3b: {  	[tilespmem:s16], [sflag:$0x1] =	stream.indirect.gather [hbm4b:s4+s14], $0x80, s25, s14, $0xb8;
	[tilespmem:$0x1F000] =	vst v63  }
0x3c: {  	s25 =	sadd.s32 $0x100, s26  }
0x3d: {  	[tilespmem:s17], [sflag:$0x1] =	stream.indirect.gather [hbm4b:s4+s14], $0x80, s25, s14, $0xb8;
	[tilespmem:$0x1F000] =	vst v63  }
0x3e: {  	_ =	swait.ge [sflag:s18], $0x2000  }
0x3f: {  	[sflag:s18] =	ssyncset.done $0x0  }
0x40: {  	s25 =	sadd.s32 $0x2800, s26;
	[sflag:s18] =	ssyncadd.s32 $0xFFFFE000  }
0x41: {  	[spmem:s2] =	stream.indirect.scatter.add.f32 [tilespmem:s15], [sflag:$0x2], $0x80, s25, s14, $0xb8;
	[tilespmem:$0x1F000] =	vst v63  }
0x42: {  	_ =	swait.ge [sflag:s12], $0x2000  }
0x43: {  	[sflag:s12] =	ssyncset.done $0x0  }
0x44: {  	[sflag:s12] =	ssyncadd.s32 $0xFFFFE000  }
0x45: {  	_ =	swait.ge [sflag:s18], $0x2000  }
0x46: {  	[sflag:s18] =	ssyncset.done $0x0  }
0x47: {  	s25 =	sadd.s32 $0x2880, s26;
	[sflag:s18] =	ssyncadd.s32 $0xFFFFE000  }
0x48: {  	[spmem:s2] =	stream.indirect.scatter.add.f32 [tilespmem:s16], [sflag:$0x2], $0x80, s25, s14, $0xb8;
	[tilespmem:$0x1F000] =	vst v63  }
0x49: {  	_ =	swait.ge [sflag:s12], $0x2000  }
0x4a: {  	[sflag:s12] =	ssyncset.done $0x0  }
0x4b: {  	[sflag:s12] =	ssyncadd.s32 $0xFFFFE000  }
0x4c: {  	_ =	swait.ge [sflag:s18], $0x2000  }
.Ltmp0:
0x4d: {  	[sflag:s18] =	ssyncset.done $0x0;
	(pc) =	sbr.rel @p0 .LBB2_2-.Ltmp0, $4  }
0x4e: {  	s25 =	sadd.s32 $0x2900, s26;
	[sflag:s18] =	ssyncadd.s32 $0xFFFFE000  }
0x4f: {  	[spmem:s2] =	stream.indirect.scatter.add.f32 [tilespmem:s17], [sflag:$0x2], $0x80, s25, s14, $0xb8;
	[tilespmem:$0x1F000] =	vst v63  }
0x50: {  	_ =	swait.ge [sflag:s12], $0x2000  }
0x51: {  	s25 =	smov.u32 s28;
	[sflag:s12] =	ssyncset.done $0x0  }
0x52: {  	s24 =	sshra.s32 s24, $0x2;
	[sflag:s12] =	ssyncadd.s32 $0xFFFFE000  }
0x53: {  	[tilespmem:s15], [sflag:$0x1] =	stream.indirect.gather [hbm4b:s4+s14], $0x80, s24, s14, $0xb8;
	[tilespmem:$0x1F000] =	vst v63  }
0x54: {  	s25 =	sadd.s32 $0x80, s24  }
0x55: {  	[tilespmem:s16], [sflag:$0x1] =	stream.indirect.gather [hbm4b:s4+s14], $0x80, s25, s14, $0xb8;
	[tilespmem:$0x1F000] =	vst v63  }
0x56: {  	s29 =	sadd.s32 $0x100, s24  }
0x57: {  	[tilespmem:s17], [sflag:$0x1] =	stream.indirect.gather [hbm4b:s4+s14], $0x80, s29, s14, $0xb8;
	[tilespmem:$0x1F000] =	vst v63  }
0x58: {  	_ =	swait.ge [sflag:s18], $0x2000  }
0x59: {  	[sflag:s18] =	ssyncset.done $0x0  }
0x5a: {  	s30 =	sadd.s32 $0x2800, s24;
	[sflag:s18] =	ssyncadd.s32 $0xFFFFE000  }
0x5b: {  	[spmem:s2] =	stream.indirect.scatter.add.f32 [tilespmem:s15], [sflag:$0x2], $0x80, s30, s14, $0xb8;
	[tilespmem:$0x1F000] =	vst v63  }
0x5c: {  	_ =	swait.ge [sflag:s12], $0x2000  }
0x5d: {  	[sflag:s12] =	ssyncset.done $0x0  }
0x5e: {  	[sflag:s12] =	ssyncadd.s32 $0xFFFFE000  }
0x5f: {  	_ =	swait.ge [sflag:s18], $0x2000  }
0x60: {  	[sflag:s18] =	ssyncset.done $0x0  }
0x61: {  	s31 =	sadd.s32 $0x2880, s24;
	[sflag:s18] =	ssyncadd.s32 $0xFFFFE000  }
0x62: {  	[spmem:s2] =	stream.indirect.scatter.add.f32 [tilespmem:s16], [sflag:$0x2], $0x80, s31, s14, $0xb8;
	[tilespmem:$0x1F000] =	vst v63  }
0x63: {  	_ =	swait.ge [sflag:s12], $0x2000  }
0x64: {  	[sflag:s12] =	ssyncset.done $0x0  }
0x65: {  	[sflag:s12] =	ssyncadd.s32 $0xFFFFE000  }
0x66: {  	_ =	swait.ge [sflag:s18], $0x2000  }
0x67: {  	[sflag:s18] =	ssyncset.done $0x0  }
0x68: {  	s24 =	sadd.s32 $0x2900, s24;
	[sflag:s18] =	ssyncadd.s32 $0xFFFFE000  }
0x69: {  	[spmem:s2] =	stream.indirect.scatter.add.f32 [tilespmem:s17], [sflag:$0x2], $0x80, s24, s14, $0xb8;
	[tilespmem:$0x1F000] =	vst v63  }
0x6a: {  	_ =	swait.ge [sflag:s12], $0x2000  }
0x6b: {  	[sflag:s12] =	ssyncset.done $0x0  }
0x6c: {  	[sflag:s12] =	ssyncadd.s32 $0xFFFFE000  }
0x6d: {  	[tilespmem:s15], [sflag:$0x1] =	stream.indirect.gather [hbm4b:s4+s14], $0x80, s19, s14, $0xb8;
	[tilespmem:$0x1F000] =	vst v63  }
0x6e: {  	_ =	swait.ge [sflag:s18], $0x2000  }
0x6f: {  	[sflag:s18] =	ssyncset.done $0x0  }
0x70: {  	[sflag:s18] =	ssyncadd.s32 $0xFFFFE000  }
0x71: {  	[spmem:s2] =	stream.indirect.scatter.add.f32 [tilespmem:s15], [sflag:$0x2], $0x80, s20, s14, $0xb8;
	[tilespmem:$0x1F000] =	vst v63  }
0x72: {  	_ =	swait.ge [sflag:s12], $0x2000  }
0x73: {  	[sflag:s12] =	ssyncset.done $0x0  }
0x74: {  	[sflag:s12] =	ssyncadd.s32 $0xFFFFE000  }
0x75: {  	[tilespmem:s16], [sflag:$0x1] =	stream.indirect.gather [hbm4b:s4+s14], $0x80, s21, s14, $0xb8;
	[tilespmem:$0x1F000] =	vst v63  }
0x76: {  	_ =	swait.ge [sflag:s18], $0x2000  }
0x77: {  	[sflag:s18] =	ssyncset.done $0x0  }
0x78: {  	[sflag:s18] =	ssyncadd.s32 $0xFFFFE000  }
0x79: {  	[spmem:s2] =	stream.indirect.scatter.add.f32 [tilespmem:s16], [sflag:$0x2], $0x80, s22, s14, $0xb8;
	[tilespmem:$0x1F000] =	vst v63  }
0x7a: {  	_ =	swait.ge [sflag:s12], $0x2000  }
0x7b: {  	s23 =	sadd.s32 $0x1, s23;
	[sflag:s12] =	ssyncset.done $0x0  }
0x7c: {  	p0 =	sne.s32 s23, s10;
	[sflag:s12] =	ssyncadd.s32 $0xFFFFE000  }
.Ltmp1:
0x7d: {  	[bflag:$0x0] =	sbarrier.arrive $0xFFFF;
	(pc) =	sbr.rel @p0 .LBB2_1-.Ltmp1, $4  }
0x7e: {  	[hbm:s9], [sflag:s6] =	dma.local [spmem:s11], $0x2800  }
0x7f: {  	_ =	swait.ge [sflag:s12], $0x2800  }
0x80: {  	[sflag:s12] =	ssyncset.done $0x0  }
0x81: {  	[sflag:s12] =	ssyncadd.s32 $0xFFFFD800  }
0x82: {  	_ =	sfence.sel $0x180000  }
0x83: {  	[bflag:$0x0] =	sbarrier.arrive $0xFFFF  }
0x84: {  	p0 =	sne.s32 s0, $0x0;
	_ =	strace $0x90000053  }
0x85: {  	s0 =	sadd.s32 @!p0 $0x100000, s1;
	[bflag:$0x2] =	sbarrier.arrive $0xFFFF  }
0x86: {  	[sflag:s0] =	ssyncadd.tile.s32 @!p0 $0x1;
	_ =	shalt  }
.Lfunc_end2:
_tile_overlayer_lowered:
.L_overlay_start_2:
0x87: {  	(tag) =	ssettag $0x2  }
0x88: {  	s0 =	rddreg [dreg:$0x0];
	s2 =	stileid.u32  }
0x89: {  	s1 =	rddreg [dreg:$0x1];
	p0 =	sne.s32 s2, $0x0  }
0x8a: {  	s3 =	rddreg [dreg:$0x2];
	[bflag:$0x3] =	sbarrier.arrive $0xFFFF;
	s2 =	simm.s32 @!p0 $0x1C02  }
0x8b: {  	[timem:s3], [sflag:s2] =	dma.local @!p0 [hbm:s0], s1  }
0x8c: {  	s0 =	simm.s32 @!p0 $0x2  }
0x8d: {  	_ =	swait.ge @!p0 [sflag:s0], s1  }
0x8e: {  	s1 =	ssub.s32 @!p0 $0x0, s1;
	[sflag:s0] =	ssyncset.done @!p0 $0x0  }
0x8f: {  	[sflag:s0] =	ssyncadd.s32 @!p0 s1  }
0x90: {  	[bflag:$0x3] =	sbarrier.arrive $0xFFFF  }
0x91: {  	_ =	shalt  }

</sc_bundles>
